<compile_context>
chip_gen: v7x
topology: tpu7x:2x2x1
jax: 0.10.2.dev20260603
libtpu: 0.0.44.dev20260713+nightly
codegen_flags: <defaults>
</compile_context>

<pallas_src>
import functools

import jax
import jax.numpy as jnp
from jax import lax
from jax.experimental import pallas as pl
from jax.experimental.pallas import tpu as pltpu
from jax.experimental.pallas import tpu_sc as plsc

K = 8
BQ = 128
CH = 128
NW = 32
SVCAP = 16384 + 32


def _quat_rotmat(q):
    q = q / (jnp.linalg.norm(q, axis=-1, keepdims=True) + 1e-12)
    w, x, y, z = q[..., 0], q[..., 1], q[..., 2], q[..., 3]
    R = jnp.stack([
        1 - 2 * (y * y + z * z), 2 * (x * y - w * z), 2 * (x * z + w * y),
        2 * (x * y + w * z), 1 - 2 * (x * x + z * z), 2 * (y * z - w * x),
        2 * (x * z - w * y), 2 * (y * z + w * x), 1 - 2 * (x * x + y * y)
    ], axis=-1).reshape(q.shape[:-1] + (3, 3))
    return R


def _dist_body(qfeat_ref, q_ref, sflat_ref, b_ref, c_ref, dist_ref, mc_ref):
    n = sflat_ref.shape[0]
    term1 = lax.dot_general(qfeat_ref[...].astype(jnp.bfloat16),
                            sflat_ref[...],
                            (((1,), (1,)), ((), ())),
                            preferred_element_type=jnp.float32)
    term2 = -2.0 * lax.dot_general(q_ref[...].astype(jnp.bfloat16),
                                   b_ref[...].astype(jnp.bfloat16),
                                   (((1,), (1,)), ((), ())),
                                   preferred_element_type=jnp.float32)
    dist = (term1 + term2) + c_ref[...]
    dist_ref[...] = dist
    mc_ref[...] = jnp.min(dist.reshape(BQ, n // CH, CH), axis=2)


def _sc_topk_body(dist_hbm, mc_hbm, vals_hbm, idx_hbm,
                  mc_v, mcwork, cand_rows, cand_chunks, rows_v,
                  sv_v, si_v, vstage, istage, sem, sem2):
    q_total = mc_hbm.shape[0]
    nch = mc_hbm.shape[1]
    qpw = q_total // NW
    nvc = nch // 16
    wid = lax.axis_index("s") * 2 + lax.axis_index("c")
    qbase = wid * qpw
    inf = jnp.float32(jnp.inf)
    iota = lax.iota(jnp.int32, 16)

    pltpu.async_copy(mc_hbm.at[pl.ds(qbase, qpw)], mc_v, sem).wait()
    for v in range((nch + 16) // 16):
        cand_rows[pl.ds(v * 16, 16)] = jnp.zeros((16,), jnp.int32)
        cand_chunks[pl.ds(v * 16, 16)] = jnp.zeros((16,), jnp.int32)

    def per_query(ql, _):
        qid = qbase + ql
        mrow = [mc_v[ql, pl.ds(v * 16, 16)] for v in range(nvc)]
        vm = mrow[0]
        for v in range(1, nvc):
            vm = jnp.minimum(vm, mrow[v])
        t = jnp.sort(vm)[K - 1]

        nc = jnp.int32(0)
        for v in range(nvc):
            mask = mrow[v] <= t
            chunks = v * 16 + iota
            plsc.store_compressed(cand_chunks.at[pl.ds(nc, 16)], chunks, mask=mask)
            plsc.store_compressed(cand_rows.at[pl.ds(nc, 16)],
                                  qid * nch + chunks, mask=mask)
            nc = nc + plsc.all_reduce_population_count(mask)[0]

        nb = (nc + 15) // 16

        def batch_body(bi, scnt):
            ids = cand_rows[pl.ds(bi * 16, 16)]
            pltpu.async_copy(dist_hbm.at[ids], rows_v, sem2).wait()
            nrows = jnp.minimum(jnp.int32(16), nc - bi * 16)

            def row_body(j, scnt):
                chunkid = cand_chunks[pl.ds(bi * 16 + j, 16)][0]
                base = chunkid * CH
                for l in range(CH // 16):
                    dv = rows_v[j, pl.ds(l * 16, 16)]
                    mask = dv <= t
                    plsc.store_compressed(sv_v.at[pl.ds(scnt, 16)], dv,
                                          mask=mask)
                    plsc.store_compressed(si_v.at[pl.ds(scnt, 16)],
                                          base + l * 16 + iota, mask=mask)
                    scnt = scnt + plsc.all_reduce_population_count(mask)[0]
                return scnt

            return lax.fori_loop(0, nrows, row_body, scnt)

        scnt = lax.fori_loop(0, nb, batch_body, jnp.int32(0))

        nv = (scnt + 15) // 16
        sv_v[pl.ds(scnt, 16)] = jnp.full((16,), jnp.inf, jnp.float32)

        def extract(k, st):
            v_out, i_out = st

            def min_body(v, mvec):
                return jnp.minimum(mvec, sv_v[pl.ds(v * 16, 16)])

            mvec = lax.fori_loop(0, nv, min_body,
                                 jnp.full((16,), jnp.inf, jnp.float32))
            m = jnp.min(mvec)

            def f_body(v, pos):
                eq = sv_v[pl.ds(v * 16, 16)] == m
                cnt = plsc.all_reduce_population_count(eq)[0]
                lane = plsc.all_reduce_ffs(eq)[0]
                return jnp.where(jnp.logical_and(pos < 0, cnt > 0),
                                 v * 16 + lane, pos)

            pos = lax.fori_loop(0, nv, f_body, jnp.int32(-1))
            gidx = si_v[pl.ds(pos, 16)][0]
            old = sv_v[pl.ds(pos, 16)]
            sv_v[pl.ds(pos, 16)] = jnp.where(iota == 0, inf, old)
            v_out = jnp.where(iota == k, m, v_out)
            i_out = jnp.where(iota == k, gidx, i_out)
            return v_out, i_out

        v_out, i_out = lax.fori_loop(
            0, K, extract,
            (jnp.full((16,), jnp.inf, jnp.float32),
             jnp.zeros((16,), jnp.int32)))
        vstage[ql, pl.ds(0, 16)] = v_out
        istage[ql, pl.ds(0, 16)] = i_out
        return 0

    lax.fori_loop(0, qpw, per_query, 0)

    pltpu.async_copy(vstage, vals_hbm.at[pl.ds(qbase, qpw)], sem).wait()
    pltpu.async_copy(istage, idx_hbm.at[pl.ds(qbase, qpw)], sem).wait()


def kernel(queries, positions, scales, quaternions):
    Q = queries.shape[0]
    N = positions.shape[0]
    Rm = _quat_rotmat(quaternions)
    s2inv = 1.0 / (scales * scales + 1e-8)
    A = Rm * s2inv[:, None, :]
    Abf = A.astype(jnp.bfloat16)
    Rbf = Rm.astype(jnp.bfloat16)
    Sinv = jnp.einsum('nij,nkj->nik', Rbf, Abf,
                      preferred_element_type=jnp.float32)
    Sflat_bf = Sinv.astype(jnp.bfloat16).reshape(N, 9)
    bt = [Sinv[:, :, j] * positions[:, None, j] for j in range(3)]
    b = (bt[0] + bt[1]) + bt[2]
    ct = [positions[:, j] * b[:, j] for j in range(3)]
    c = (ct[0] + ct[2]) + ct[1]
    Qfeat = (queries[:, :, None] * queries[:, None, :]).reshape(Q, 9)

    nch = N // CH
    HALVES = 2
    Qh = Q // HALVES
    qpw = Qh // NW

    tc = pl.pallas_call(
        _dist_body,
        grid=(Qh // BQ,),
        in_specs=[
            pl.BlockSpec((BQ, 9), lambda i: (i, 0)),
            pl.BlockSpec((BQ, 3), lambda i: (i, 0)),
            pl.BlockSpec((N, 9), lambda i: (0, 0)),
            pl.BlockSpec((N, 3), lambda i: (0, 0)),
            pl.BlockSpec((1, N), lambda i: (0, 0)),
        ],
        out_specs=[
            pl.BlockSpec((BQ, N), lambda i: (i, 0)),
            pl.BlockSpec((BQ, nch), lambda i: (i, 0)),
        ],
        out_shape=[
            jax.ShapeDtypeStruct((Qh, N), jnp.float32),
            jax.ShapeDtypeStruct((Qh, nch), jnp.float32),
        ],
    )

    sc = functools.partial(
        pl.kernel,
        mesh=plsc.VectorSubcoreMesh(core_axis_name="c", subcore_axis_name="s"),
        compiler_params=pltpu.CompilerParams(needs_layout_passes=False),
        out_type=[jax.ShapeDtypeStruct((Qh, 16), jnp.float32),
                  jax.ShapeDtypeStruct((Qh, 16), jnp.int32)],
        scratch_types=[
            pltpu.VMEM((qpw, nch), jnp.float32),
            pltpu.VMEM((nch,), jnp.float32),
            pltpu.VMEM((nch + 16,), jnp.int32),
            pltpu.VMEM((nch + 16,), jnp.int32),
            pltpu.VMEM((16, CH), jnp.float32),
            pltpu.VMEM((SVCAP,), jnp.float32),
            pltpu.VMEM((SVCAP,), jnp.int32),
            pltpu.VMEM((qpw, 16), jnp.float32),
            pltpu.VMEM((qpw, 16), jnp.int32),
            pltpu.SemaphoreType.DMA,
            pltpu.SemaphoreType.DMA,
        ],
    )(_sc_topk_body)

    halves = [tc(Qfeat[h * Qh:(h + 1) * Qh], queries[h * Qh:(h + 1) * Qh],
                 Sflat_bf, b, c[None, :]) for h in range(HALVES)]
    outs = [sc(d.reshape(Qh * nch, CH), m) for d, m in halves]
    vals = jnp.concatenate([o[0][:, :K] for o in outs], axis=0)
    idx = jnp.concatenate([o[1][:, :K] for o in outs], axis=0)
    return vals, idx

# --- scband reference (transcript-rebuilt; emitter-appended) ---
"""Pipeline reference for scband-gaussian-point-matcher-22763326669100 (READ-ONLY COPY).

The authoritative reference and input builder live on the scoring server;
editing this copy changes nothing except your own understanding.
"""

import jax, jax.numpy as jnp
import numpy as np


def _quat_to_rotmat(q):
    q = q / (jnp.linalg.norm(q, axis=-1, keepdims=True) + 1e-12)
    w, x, y, z = q[..., 0], q[..., 1], q[..., 2], q[..., 3]
    R = jnp.stack([
        1 - 2 * (y * y + z * z), 2 * (x * y - w * z), 2 * (x * z + w * y),
        2 * (x * y + w * z), 1 - 2 * (x * x + z * z), 2 * (y * z - w * x),
        2 * (x * z - w * y), 2 * (y * z + w * x), 1 - 2 * (x * x + y * y)
    ], axis=-1).reshape(q.shape[:-1] + (3, 3))
    return R


def setup_inputs(seed: int = 0) -> dict:
    key = jax.random.key(seed)
    k1, k2, k3, k4 = jax.random.split(key, 4)
    queries = jax.random.normal(k1, (4096, 3), dtype=jnp.float32) * 2.0
    positions = jax.random.normal(k2, (16384, 3), dtype=jnp.float32) * 2.0
    scales = jax.random.uniform(k3, (16384, 3), dtype=jnp.float32, minval=0.05, maxval=0.3)
    quaternions = jax.random.normal(k4, (16384, 4), dtype=jnp.float32)
    return {"queries": queries, "positions": positions, "scales": scales, "quaternions": quaternions}


def reference(queries, positions, scales, quaternions):
    # Brute-force equivalent of GaussianPointMatcher.query_topk_sphere:
    # Mahalanobis distance from each query point to each gaussian
    # (Sigma = R diag(s^2) R^T  =>  Sigma^{-1} = R diag(1/s^2) R^T),
    # then pick the topk_K=8 closest gaussians per query.
    K = 8
    R = _quat_to_rotmat(quaternions)               # [N,3,3]
    s2inv = 1.0 / (scales * scales + 1e-8)         # [N,3]
    Sinv = jnp.einsum('nij,nj,nkj->nik', R, s2inv, R)  # [N,3,3]
    N = positions.shape[0]
    Q = queries.shape[0]
    Sflat = Sinv.reshape(N, 9)                     # [N,9]
    Qfeat = jnp.einsum('qi,qj->qij', queries, queries).reshape(Q, 9)  # [Q,9]
    # dist(q,n) = q^T Sinv_n q - 2 q^T (Sinv_n mu_n) + mu_n^T Sinv_n mu_n
    term1 = Qfeat @ Sflat.T                        # [Q,N]
    b = jnp.einsum('nij,nj->ni', Sinv, positions)  # [N,3]
    term2 = -2.0 * (queries @ b.T)                 # [Q,N]
    c = jnp.einsum('ni,ni->n', positions, b)       # [N]
    dist = term1 + term2 + c[None, :]              # [Q,N]
    neg_vals, idx = jax.lax.top_k(-dist, K)        # smallest K distances
    return -neg_vals, idx

if __name__ == "__main__":
    import jax
    _d = setup_inputs()
    print(jax.jit(kernel)(*tuple(_d.values())))

</pallas_src>

<mosaic_0001>
#map = affine_map<(d0, d1) -> (0, 0)>
module attributes {stable_mosaic.version = 14 : i64} {
  func.func @_sc_topk_body(%arg0: i32, %arg1: i32, %arg2: memref<262144x128xf32, #tpu.memory_space<hbm>>, %arg3: memref<2048x128xf32, #tpu.memory_space<hbm>>, %arg4: memref<2048x16xf32, #tpu.memory_space<hbm>>, %arg5: memref<2048x16xi32, #tpu.memory_space<hbm>>, %arg6: memref<64x128xf32, #tpu.memory_space<vmem>>, %arg7: memref<128xf32, #tpu.memory_space<vmem>>, %arg8: memref<144xi32, #tpu.memory_space<vmem>>, %arg9: memref<144xi32, #tpu.memory_space<vmem>>, %arg10: memref<16x128xf32, #tpu.memory_space<vmem>>, %arg11: memref<16416xf32, #tpu.memory_space<vmem>>, %arg12: memref<16416xi32, #tpu.memory_space<vmem>>, %arg13: memref<64x16xf32, #tpu.memory_space<vmem>>, %arg14: memref<64x16xi32, #tpu.memory_space<vmem>>, %arg15: memref<!tpu.dma_semaphore, #tpu.memory_space<semaphore_mem>>, %arg16: memref<!tpu.dma_semaphore, #tpu.memory_space<semaphore_mem>>) attributes {dimension_semantics = [#tpu.dimension_semantics<core_parallel>, #tpu.dimension_semantics<subcore_parallel>], iteration_bounds = array<i64: 2, 16>, scalar_prefetch = 0 : i64, scratch_operands = 11 : i64, tpu.core_type = #tpu.core_type<sc_vector_subcore>, window_params = [{transform_indices = #map}, {transform_indices = #map}, {transform_indices = #map}, {transform_indices = #map}]} {
    %mul3A = arith.constant 2 : i32
    %mul3A_0 = arith.muli %arg1, %mul3A : i32
    %add3A = arith.addi %mul3A_0, %arg0 : i32
    %mul3A_1 = arith.constant 64 : i32
    %mul3A_2 = arith.muli %add3A, %mul3A_1 : i32
    %iota3A = tpu.iota {dimensions = array<i32: 0>} : vector<16xi32>
    %dma_start3A = arith.constant 0 : i32
    %dma_start3A_3 = tpu.memref_slice %arg3[%mul3A_2, %dma_start3A] : memref<2048x128xf32, #tpu.memory_space<hbm>> -> memref<64x128xf32, #tpu.memory_space<hbm>>
    %dma_start3A_4 = arith.constant 0 : i32
    %dma_start3A_5 = tpu.memref_slice %arg3[%mul3A_2, %dma_start3A_4] : memref<2048x128xf32, #tpu.memory_space<hbm>> -> memref<64x128xf32, #tpu.memory_space<hbm>>
    tpu.enqueue_dma source(%dma_start3A_5 : memref<64x128xf32, #tpu.memory_space<hbm>>) target(%arg6 : memref<64x128xf32, #tpu.memory_space<vmem>>) target_semaphore(%arg15 : memref<!tpu.dma_semaphore, #tpu.memory_space<semaphore_mem>>)
    %dma_wait3A = arith.constant 0 : i32
    %dma_wait3A_6 = tpu.memref_slice %arg3[%mul3A_2, %dma_wait3A] : memref<2048x128xf32, #tpu.memory_space<hbm>> -> memref<64x128xf32, #tpu.memory_space<hbm>>
    %dma_wait3A_7 = arith.constant 0 : i32
    %dma_wait3A_8 = tpu.memref_slice %arg3[%mul3A_2, %dma_wait3A_7] : memref<2048x128xf32, #tpu.memory_space<hbm>> -> memref<64x128xf32, #tpu.memory_space<hbm>>
    tpu.wait_dma2 semaphore(%arg15 : memref<!tpu.dma_semaphore, #tpu.memory_space<semaphore_mem>>) src(%dma_wait3A_8 : memref<64x128xf32, #tpu.memory_space<hbm>>) dst(%arg6 : memref<64x128xf32, #tpu.memory_space<vmem>>)
    %broadcast_in_dim3A = arith.constant 0 : i32
    %broadcast_in_dim3A_9 = vector.broadcast %broadcast_in_dim3A : i32 to vector<16xi32>
    %swap3A = arith.constant 0 : index
    %swap3A_10 = tpu.vector_load %arg8[%swap3A] {strides = array<i32>} : memref<144xi32, #tpu.memory_space<vmem>>, vector<16xi32>,
    tpu.vector_store %arg8[%swap3A], %broadcast_in_dim3A_9 {strides = array<i32>} : memref<144xi32, #tpu.memory_space<vmem>>, vector<16xi32>,
    %broadcast_in_dim3A_11 = arith.constant 0 : i32
    %broadcast_in_dim3A_12 = vector.broadcast %broadcast_in_dim3A_11 : i32 to vector<16xi32>
    %swap3A_13 = arith.constant 0 : index
    %swap3A_14 = tpu.vector_load %arg9[%swap3A_13] {strides = array<i32>} : memref<144xi32, #tpu.memory_space<vmem>>, vector<16xi32>,
    tpu.vector_store %arg9[%swap3A_13], %broadcast_in_dim3A_12 {strides = array<i32>} : memref<144xi32, #tpu.memory_space<vmem>>, vector<16xi32>,
    %broadcast_in_dim3A_15 = arith.constant 0 : i32
    %broadcast_in_dim3A_16 = vector.broadcast %broadcast_in_dim3A_15 : i32 to vector<16xi32>
    %swap3A_17 = arith.constant 16 : index
    %swap3A_18 = tpu.vector_load %arg8[%swap3A_17] {strides = array<i32>} : memref<144xi32, #tpu.memory_space<vmem>>, vector<16xi32>,
    tpu.vector_store %arg8[%swap3A_17], %broadcast_in_dim3A_16 {strides = array<i32>} : memref<144xi32, #tpu.memory_space<vmem>>, vector<16xi32>,
    %broadcast_in_dim3A_19 = arith.constant 0 : i32
    %broadcast_in_dim3A_20 = vector.broadcast %broadcast_in_dim3A_19 : i32 to vector<16xi32>
    %swap3A_21 = arith.constant 16 : index
    %swap3A_22 = tpu.vector_load %arg9[%swap3A_21] {strides = array<i32>} : memref<144xi32, #tpu.memory_space<vmem>>, vector<16xi32>,
    tpu.vector_store %arg9[%swap3A_21], %broadcast_in_dim3A_20 {strides = array<i32>} : memref<144xi32, #tpu.memory_space<vmem>>, vector<16xi32>,
    %broadcast_in_dim3A_23 = arith.constant 0 : i32
    %broadcast_in_dim3A_24 = vector.broadcast %broadcast_in_dim3A_23 : i32 to vector<16xi32>
    %swap3A_25 = arith.constant 32 : index
    %swap3A_26 = tpu.vector_load %arg8[%swap3A_25] {strides = array<i32>} : memref<144xi32, #tpu.memory_space<vmem>>, vector<16xi32>,
    tpu.vector_store %arg8[%swap3A_25], %broadcast_in_dim3A_24 {strides = array<i32>} : memref<144xi32, #tpu.memory_space<vmem>>, vector<16xi32>,
    %broadcast_in_dim3A_27 = arith.constant 0 : i32
    %broadcast_in_dim3A_28 = vector.broadcast %broadcast_in_dim3A_27 : i32 to vector<16xi32>
    %swap3A_29 = arith.constant 32 : index
    %swap3A_30 = tpu.vector_load %arg9[%swap3A_29] {strides = array<i32>} : memref<144xi32, #tpu.memory_space<vmem>>, vector<16xi32>,
    tpu.vector_store %arg9[%swap3A_29], %broadcast_in_dim3A_28 {strides = array<i32>} : memref<144xi32, #tpu.memory_space<vmem>>, vector<16xi32>,
    %broadcast_in_dim3A_31 = arith.constant 0 : i32
    %broadcast_in_dim3A_32 = vector.broadcast %broadcast_in_dim3A_31 : i32 to vector<16xi32>
    %swap3A_33 = arith.constant 48 : index
    %swap3A_34 = tpu.vector_load %arg8[%swap3A_33] {strides = array<i32>} : memref<144xi32, #tpu.memory_space<vmem>>, vector<16xi32>,
    tpu.vector_store %arg8[%swap3A_33], %broadcast_in_dim3A_32 {strides = array<i32>} : memref<144xi32, #tpu.memory_space<vmem>>, vector<16xi32>,
    %broadcast_in_dim3A_35 = arith.constant 0 : i32
    %broadcast_in_dim3A_36 = vector.broadcast %broadcast_in_dim3A_35 : i32 to vector<16xi32>
    %swap3A_37 = arith.constant 48 : index
    %swap3A_38 = tpu.vector_load %arg9[%swap3A_37] {strides = array<i32>} : memref<144xi32, #tpu.memory_space<vmem>>, vector<16xi32>,
    tpu.vector_store %arg9[%swap3A_37], %broadcast_in_dim3A_36 {strides = array<i32>} : memref<144xi32, #tpu.memory_space<vmem>>, vector<16xi32>,
    %broadcast_in_dim3A_39 = arith.constant 0 : i32
    %broadcast_in_dim3A_40 = vector.broadcast %broadcast_in_dim3A_39 : i32 to vector<16xi32>
    %swap3A_41 = arith.constant 64 : index
    %swap3A_42 = tpu.vector_load %arg8[%swap3A_41] {strides = array<i32>} : memref<144xi32, #tpu.memory_space<vmem>>, vector<16xi32>,
    tpu.vector_store %arg8[%swap3A_41], %broadcast_in_dim3A_40 {strides = array<i32>} : memref<144xi32, #tpu.memory_space<vmem>>, vector<16xi32>,
    %broadcast_in_dim3A_43 = arith.constant 0 : i32
    %broadcast_in_dim3A_44 = vector.broadcast %broadcast_in_dim3A_43 : i32 to vector<16xi32>
    %swap3A_45 = arith.constant 64 : index
    %swap3A_46 = tpu.vector_load %arg9[%swap3A_45] {strides = array<i32>} : memref<144xi32, #tpu.memory_space<vmem>>, vector<16xi32>,
    tpu.vector_store %arg9[%swap3A_45], %broadcast_in_dim3A_44 {strides = array<i32>} : memref<144xi32, #tpu.memory_space<vmem>>, vector<16xi32>,
    %broadcast_in_dim3A_47 = arith.constant 0 : i32
    %broadcast_in_dim3A_48 = vector.broadcast %broadcast_in_dim3A_47 : i32 to vector<16xi32>
    %swap3A_49 = arith.constant 80 : index
    %swap3A_50 = tpu.vector_load %arg8[%swap3A_49] {strides = array<i32>} : memref<144xi32, #tpu.memory_space<vmem>>, vector<16xi32>,
    tpu.vector_store %arg8[%swap3A_49], %broadcast_in_dim3A_48 {strides = array<i32>} : memref<144xi32, #tpu.memory_space<vmem>>, vector<16xi32>,
    %broadcast_in_dim3A_51 = arith.constant 0 : i32
    %broadcast_in_dim3A_52 = vector.broadcast %broadcast_in_dim3A_51 : i32 to vector<16xi32>
    %swap3A_53 = arith.constant 80 : index
    %swap3A_54 = tpu.vector_load %arg9[%swap3A_53] {strides = array<i32>} : memref<144xi32, #tpu.memory_space<vmem>>, vector<16xi32>,
    tpu.vector_store %arg9[%swap3A_53], %broadcast_in_dim3A_52 {strides = array<i32>} : memref<144xi32, #tpu.memory_space<vmem>>, vector<16xi32>,
    %broadcast_in_dim3A_55 = arith.constant 0 : i32
    %broadcast_in_dim3A_56 = vector.broadcast %broadcast_in_dim3A_55 : i32 to vector<16xi32>
    %swap3A_57 = arith.constant 96 : index
    %swap3A_58 = tpu.vector_load %arg8[%swap3A_57] {strides = array<i32>} : memref<144xi32, #tpu.memory_space<vmem>>, vector<16xi32>,
    tpu.vector_store %arg8[%swap3A_57], %broadcast_in_dim3A_56 {strides = array<i32>} : memref<144xi32, #tpu.memory_space<vmem>>, vector<16xi32>,
    %broadcast_in_dim3A_59 = arith.constant 0 : i32
    %broadcast_in_dim3A_60 = vector.broadcast %broadcast_in_dim3A_59 : i32 to vector<16xi32>
    %swap3A_61 = arith.constant 96 : index
    %swap3A_62 = tpu.vector_load %arg9[%swap3A_61] {strides = array<i32>} : memref<144xi32, #tpu.memory_space<vmem>>, vector<16xi32>,
    tpu.vector_store %arg9[%swap3A_61], %broadcast_in_dim3A_60 {strides = array<i32>} : memref<144xi32, #tpu.memory_space<vmem>>, vector<16xi32>,
    %broadcast_in_dim3A_63 = arith.constant 0 : i32
    %broadcast_in_dim3A_64 = vector.broadcast %broadcast_in_dim3A_63 : i32 to vector<16xi32>
    %swap3A_65 = arith.constant 112 : index
    %swap3A_66 = tpu.vector_load %arg8[%swap3A_65] {strides = array<i32>} : memref<144xi32, #tpu.memory_space<vmem>>, vector<16xi32>,
    tpu.vector_store %arg8[%swap3A_65], %broadcast_in_dim3A_64 {strides = array<i32>} : memref<144xi32, #tpu.memory_space<vmem>>, vector<16xi32>,
    %broadcast_in_dim3A_67 = arith.constant 0 : i32
    %broadcast_in_dim3A_68 = vector.broadcast %broadcast_in_dim3A_67 : i32 to vector<16xi32>
    %swap3A_69 = arith.constant 112 : index
    %swap3A_70 = tpu.vector_load %arg9[%swap3A_69] {strides = array<i32>} : memref<144xi32, #tpu.memory_space<vmem>>, vector<16xi32>,
    tpu.vector_store %arg9[%swap3A_69], %broadcast_in_dim3A_68 {strides = array<i32>} : memref<144xi32, #tpu.memory_space<vmem>>, vector<16xi32>,
    %broadcast_in_dim3A_71 = arith.constant 0 : i32
    %broadcast_in_dim3A_72 = vector.broadcast %broadcast_in_dim3A_71 : i32 to vector<16xi32>
    %swap3A_73 = arith.constant 128 : index
    %swap3A_74 = tpu.vector_load %arg8[%swap3A_73] {strides = array<i32>} : memref<144xi32, #tpu.memory_space<vmem>>, vector<16xi32>,
    tpu.vector_store %arg8[%swap3A_73], %broadcast_in_dim3A_72 {strides = array<i32>} : memref<144xi32, #tpu.memory_space<vmem>>, vector<16xi32>,
    %broadcast_in_dim3A_75 = arith.constant 0 : i32
    %broadcast_in_dim3A_76 = vector.broadcast %broadcast_in_dim3A_75 : i32 to vector<16xi32>
    %swap3A_77 = arith.constant 128 : index
    %swap3A_78 = tpu.vector_load %arg9[%swap3A_77] {strides = array<i32>} : memref<144xi32, #tpu.memory_space<vmem>>, vector<16xi32>,
    tpu.vector_store %arg9[%swap3A_77], %broadcast_in_dim3A_76 {strides = array<i32>} : memref<144xi32, #tpu.memory_space<vmem>>, vector<16xi32>,
    %scan3A = arith.constant 0x7F800000 : f32
    %scan3A_79 = arith.constant 0 : i32
    %scan3A_80 = arith.constant 0 : i32
    %scan3A_81 = arith.constant 64 : i32
    %scan3A_82 = arith.addi %scan3A_80, %scan3A_81 : i32
    %scan3A_83 = arith.constant 1 : i32
    %scan3A_84 = scf.for %scan3A_102 = %scan3A_80 to %scan3A_82 step %scan3A_83 iter_args(%scan3A_103 = %scan3A_79) -> (i32)  : i32 {
      %add3A_104 = arith.addi %mul3A_2, %scan3A_102 : i32
      %get3A = arith.index_cast %scan3A_102 : i32 to index
      %get3A_105 = arith.constant 0 : index
      %get3A_106 = tpu.vector_load %arg6[%get3A, %get3A_105] {strides = array<i32>} : memref<64x128xf32, #tpu.memory_space<vmem>>, vector<16xf32>,
      %get3A_107 = arith.index_cast %scan3A_102 : i32 to index
      %get3A_108 = arith.constant 16 : index
      %get3A_109 = tpu.vector_load %arg6[%get3A_107, %get3A_108] {strides = array<i32>} : memref<64x128xf32, #tpu.memory_space<vmem>>, vector<16xf32>,
      %get3A_110 = arith.index_cast %scan3A_102 : i32 to index
      %get3A_111 = arith.constant 32 : index
      %get3A_112 = tpu.vector_load %arg6[%get3A_110, %get3A_111] {strides = array<i32>} : memref<64x128xf32, #tpu.memory_space<vmem>>, vector<16xf32>,
      %get3A_113 = arith.index_cast %scan3A_102 : i32 to index
      %get3A_114 = arith.constant 48 : index
      %get3A_115 = tpu.vector_load %arg6[%get3A_113, %get3A_114] {strides = array<i32>} : memref<64x128xf32, #tpu.memory_space<vmem>>, vector<16xf32>,
      %get3A_116 = arith.index_cast %scan3A_102 : i32 to index
      %get3A_117 = arith.constant 64 : index
      %get3A_118 = tpu.vector_load %arg6[%get3A_116, %get3A_117] {strides = array<i32>} : memref<64x128xf32, #tpu.memory_space<vmem>>, vector<16xf32>,
      %get3A_119 = arith.index_cast %scan3A_102 : i32 to index
      %get3A_120 = arith.constant 80 : index
      %get3A_121 = tpu.vector_load %arg6[%get3A_119, %get3A_120] {strides = array<i32>} : memref<64x128xf32, #tpu.memory_space<vmem>>, vector<16xf32>,
      %get3A_122 = arith.index_cast %scan3A_102 : i32 to index
      %get3A_123 = arith.constant 96 : index
      %get3A_124 = tpu.vector_load %arg6[%get3A_122, %get3A_123] {strides = array<i32>} : memref<64x128xf32, #tpu.memory_space<vmem>>, vector<16xf32>,
      %get3A_125 = arith.index_cast %scan3A_102 : i32 to index
      %get3A_126 = arith.constant 112 : index
      %get3A_127 = tpu.vector_load %arg6[%get3A_125, %get3A_126] {strides = array<i32>} : memref<64x128xf32, #tpu.memory_space<vmem>>, vector<16xf32>,
      %min3A = arith.minimumf %get3A_106, %get3A_109 : vector<16xf32>
      %min3A_128 = arith.minimumf %min3A, %get3A_112 : vector<16xf32>
      %min3A_129 = arith.minimumf %min3A_128, %get3A_115 : vector<16xf32>
      %min3A_130 = arith.minimumf %min3A_129, %get3A_118 : vector<16xf32>
      %min3A_131 = arith.minimumf %min3A_130, %get3A_121 : vector<16xf32>
      %min3A_132 = arith.minimumf %min3A_131, %get3A_124 : vector<16xf32>
      %min3A_133 = arith.minimumf %min3A_132, %get3A_127 : vector<16xf32>
      %sort3A = arith.constant dense<true> : vector<16xi1>
      %sort3A_134, %sort3A_135, %sort3A_136 = tpu.sort %min3A_133, %min3A_133 masked %sort3A : (vector<16xf32>, vector<16xf32>, vector<16xi1>) -> (vector<16xi1>, vector<16xf32>, vector<16xf32>)
      %slice3A = vector.extract_strided_slice %sort3A_135 {offsets = [7], sizes = [1], strides = [1]} : vector<16xf32> to vector<1xf32>
      %squeeze3A = vector.extract %slice3A[0] : f32 from vector<1xf32>
      %le3A = vector.broadcast %squeeze3A : f32 to vector<16xf32>
      %le3A_137 = arith.cmpf ole, %get3A_106, %le3A : vector<16xf32>
      %add3A_138 = arith.constant 0 : i32
      %add3A_139 = vector.broadcast %add3A_138 : i32 to vector<16xi32>
      %add3A_140 = arith.addi %add3A_139, %iota3A : vector<16xi32>
      %swap3A_141 = arith.constant 0 : i32
      %swap3A_142 = arith.index_cast %swap3A_141 : i32 to index
      %swap3A_143 = tpu.vector_load %arg9[%swap3A_142] masked %le3A_137 {strides = array<i32>} : memref<144xi32, #tpu.memory_space<vmem>>, vector<16xi32>, vector<16xi1>
      tpu.vector_store %arg9[%swap3A_142], %add3A_140 masked %le3A_137 {strides = array<i32>} : memref<144xi32, #tpu.memory_space<vmem>>, vector<16xi32>, vector<16xi1>
      %mul3A_144 = arith.constant 128 : i32
      %mul3A_145 = arith.muli %add3A_104, %mul3A_144 : i32
      %add3A_146 = vector.broadcast %mul3A_145 : i32 to vector<16xi32>
      %add3A_147 = arith.addi %add3A_146, %add3A_140 : vector<16xi32>
      %swap3A_148 = arith.constant 0 : i32
      %swap3A_149 = arith.index_cast %swap3A_148 : i32 to index
      %swap3A_150 = tpu.vector_load %arg8[%swap3A_149] masked %le3A_137 {strides = array<i32>} : memref<144xi32, #tpu.memory_space<vmem>>, vector<16xi32>, vector<16xi1>
      tpu.vector_store %arg8[%swap3A_149], %add3A_147 masked %le3A_137 {strides = array<i32>} : memref<144xi32, #tpu.memory_space<vmem>>, vector<16xi32>, vector<16xi1>
      %all_reduce_population_count3A = tpu.all_reduce %le3A_137 {dim = 0 : i64, kind = #tpu.reduction_kind<sum>} : vector<16xi1> -> vector<16xi32>
      %slice3A_151 = vector.extract_strided_slice %all_reduce_population_count3A {offsets = [0], sizes = [1], strides = [1]} : vector<16xi32> to vector<1xi32>
      %squeeze3A_152 = vector.extract %slice3A_151[0] : i32 from vector<1xi32>
      %add3A_153 = arith.constant 0 : i32
      %add3A_154 = arith.addi %add3A_153, %squeeze3A_152 : i32
      %le3A_155 = vector.broadcast %squeeze3A : f32 to vector<16xf32>
      %le3A_156 = arith.cmpf ole, %get3A_109, %le3A_155 : vector<16xf32>
      %add3A_157 = arith.constant 16 : i32
      %add3A_158 = vector.broadcast %add3A_157 : i32 to vector<16xi32>
      %add3A_159 = arith.addi %add3A_158, %iota3A : vector<16xi32>
      %swap3A_160 = arith.index_cast %add3A_154 : i32 to index
      %swap3A_161 = tpu.vector_load %arg9[%swap3A_160] masked %le3A_156 {strides = array<i32>} : memref<144xi32, #tpu.memory_space<vmem>>, vector<16xi32>, vector<16xi1>
      tpu.vector_store %arg9[%swap3A_160], %add3A_159 masked %le3A_156 {strides = array<i32>} : memref<144xi32, #tpu.memory_space<vmem>>, vector<16xi32>, vector<16xi1>
      %mul3A_162 = arith.constant 128 : i32
      %mul3A_163 = arith.muli %add3A_104, %mul3A_162 : i32
      %add3A_164 = vector.broadcast %mul3A_163 : i32 to vector<16xi32>
      %add3A_165 = arith.addi %add3A_164, %add3A_159 : vector<16xi32>
      %swap3A_166 = arith.index_cast %add3A_154 : i32 to index
      %swap3A_167 = tpu.vector_load %arg8[%swap3A_166] masked %le3A_156 {strides = array<i32>} : memref<144xi32, #tpu.memory_space<vmem>>, vector<16xi32>, vector<16xi1>
      tpu.vector_store %arg8[%swap3A_166], %add3A_165 masked %le3A_156 {strides = array<i32>} : memref<144xi32, #tpu.memory_space<vmem>>, vector<16xi32>, vector<16xi1>
      %all_reduce_population_count3A_168 = tpu.all_reduce %le3A_156 {dim = 0 : i64, kind = #tpu.reduction_kind<sum>} : vector<16xi1> -> vector<16xi32>
      %slice3A_169 = vector.extract_strided_slice %all_reduce_population_count3A_168 {offsets = [0], sizes = [1], strides = [1]} : vector<16xi32> to vector<1xi32>
      %squeeze3A_170 = vector.extract %slice3A_169[0] : i32 from vector<1xi32>
      %add3A_171 = arith.addi %add3A_154, %squeeze3A_170 : i32
      %le3A_172 = vector.broadcast %squeeze3A : f32 to vector<16xf32>
      %le3A_173 = arith.cmpf ole, %get3A_112, %le3A_172 : vector<16xf32>
      %add3A_174 = arith.constant 32 : i32
      %add3A_175 = vector.broadcast %add3A_174 : i32 to vector<16xi32>
      %add3A_176 = arith.addi %add3A_175, %iota3A : vector<16xi32>
      %swap3A_177 = arith.index_cast %add3A_171 : i32 to index
      %swap3A_178 = tpu.vector_load %arg9[%swap3A_177] masked %le3A_173 {strides = array<i32>} : memref<144xi32, #tpu.memory_space<vmem>>, vector<16xi32>, vector<16xi1>
      tpu.vector_store %arg9[%swap3A_177], %add3A_176 masked %le3A_173 {strides = array<i32>} : memref<144xi32, #tpu.memory_space<vmem>>, vector<16xi32>, vector<16xi1>
      %mul3A_179 = arith.constant 128 : i32
      %mul3A_180 = arith.muli %add3A_104, %mul3A_179 : i32
      %add3A_181 = vector.broadcast %mul3A_180 : i32 to vector<16xi32>
      %add3A_182 = arith.addi %add3A_181, %add3A_176 : vector<16xi32>
      %swap3A_183 = arith.index_cast %add3A_171 : i32 to index
      %swap3A_184 = tpu.vector_load %arg8[%swap3A_183] masked %le3A_173 {strides = array<i32>} : memref<144xi32, #tpu.memory_space<vmem>>, vector<16xi32>, vector<16xi1>
      tpu.vector_store %arg8[%swap3A_183], %add3A_182 masked %le3A_173 {strides = array<i32>} : memref<144xi32, #tpu.memory_space<vmem>>, vector<16xi32>, vector<16xi1>
      %all_reduce_population_count3A_185 = tpu.all_reduce %le3A_173 {dim = 0 : i64, kind = #tpu.reduction_kind<sum>} : vector<16xi1> -> vector<16xi32>
      %slice3A_186 = vector.extract_strided_slice %all_reduce_population_count3A_185 {offsets = [0], sizes = [1], strides = [1]} : vector<16xi32> to vector<1xi32>
      %squeeze3A_187 = vector.extract %slice3A_186[0] : i32 from vector<1xi32>
      %add3A_188 = arith.addi %add3A_171, %squeeze3A_187 : i32
      %le3A_189 = vector.broadcast %squeeze3A : f32 to vector<16xf32>
      %le3A_190 = arith.cmpf ole, %get3A_115, %le3A_189 : vector<16xf32>
      %add3A_191 = arith.constant 48 : i32
      %add3A_192 = vector.broadcast %add3A_191 : i32 to vector<16xi32>
      %add3A_193 = arith.addi %add3A_192, %iota3A : vector<16xi32>
      %swap3A_194 = arith.index_cast %add3A_188 : i32 to index
      %swap3A_195 = tpu.vector_load %arg9[%swap3A_194] masked %le3A_190 {strides = array<i32>} : memref<144xi32, #tpu.memory_space<vmem>>, vector<16xi32>, vector<16xi1>
      tpu.vector_store %arg9[%swap3A_194], %add3A_193 masked %le3A_190 {strides = array<i32>} : memref<144xi32, #tpu.memory_space<vmem>>, vector<16xi32>, vector<16xi1>
      %mul3A_196 = arith.constant 128 : i32
      %mul3A_197 = arith.muli %add3A_104, %mul3A_196 : i32
      %add3A_198 = vector.broadcast %mul3A_197 : i32 to vector<16xi32>
      %add3A_199 = arith.addi %add3A_198, %add3A_193 : vector<16xi32>
      %swap3A_200 = arith.index_cast %add3A_188 : i32 to index
      %swap3A_201 = tpu.vector_load %arg8[%swap3A_200] masked %le3A_190 {strides = array<i32>} : memref<144xi32, #tpu.memory_space<vmem>>, vector<16xi32>, vector<16xi1>
      tpu.vector_store %arg8[%swap3A_200], %add3A_199 masked %le3A_190 {strides = array<i32>} : memref<144xi32, #tpu.memory_space<vmem>>, vector<16xi32>, vector<16xi1>
      %all_reduce_population_count3A_202 = tpu.all_reduce %le3A_190 {dim = 0 : i64, kind = #tpu.reduction_kind<sum>} : vector<16xi1> -> vector<16xi32>
      %slice3A_203 = vector.extract_strided_slice %all_reduce_population_count3A_202 {offsets = [0], sizes = [1], strides = [1]} : vector<16xi32> to vector<1xi32>
      %squeeze3A_204 = vector.extract %slice3A_203[0] : i32 from vector<1xi32>
      %add3A_205 = arith.addi %add3A_188, %squeeze3A_204 : i32
      %le3A_206 = vector.broadcast %squeeze3A : f32 to vector<16xf32>
      %le3A_207 = arith.cmpf ole, %get3A_118, %le3A_206 : vector<16xf32>
      %add3A_208 = arith.constant 64 : i32
      %add3A_209 = vector.broadcast %add3A_208 : i32 to vector<16xi32>
      %add3A_210 = arith.addi %add3A_209, %iota3A : vector<16xi32>
      %swap3A_211 = arith.index_cast %add3A_205 : i32 to index
      %swap3A_212 = tpu.vector_load %arg9[%swap3A_211] masked %le3A_207 {strides = array<i32>} : memref<144xi32, #tpu.memory_space<vmem>>, vector<16xi32>, vector<16xi1>
      tpu.vector_store %arg9[%swap3A_211], %add3A_210 masked %le3A_207 {strides = array<i32>} : memref<144xi32, #tpu.memory_space<vmem>>, vector<16xi32>, vector<16xi1>
      %mul3A_213 = arith.constant 128 : i32
      %mul3A_214 = arith.muli %add3A_104, %mul3A_213 : i32
      %add3A_215 = vector.broadcast %mul3A_214 : i32 to vector<16xi32>
      %add3A_216 = arith.addi %add3A_215, %add3A_210 : vector<16xi32>
      %swap3A_217 = arith.index_cast %add3A_205 : i32 to index
      %swap3A_218 = tpu.vector_load %arg8[%swap3A_217] masked %le3A_207 {strides = array<i32>} : memref<144xi32, #tpu.memory_space<vmem>>, vector<16xi32>, vector<16xi1>
      tpu.vector_store %arg8[%swap3A_217], %add3A_216 masked %le3A_207 {strides = array<i32>} : memref<144xi32, #tpu.memory_space<vmem>>, vector<16xi32>, vector<16xi1>
      %all_reduce_population_count3A_219 = tpu.all_reduce %le3A_207 {dim = 0 : i64, kind = #tpu.reduction_kind<sum>} : vector<16xi1> -> vector<16xi32>
      %slice3A_220 = vector.extract_strided_slice %all_reduce_population_count3A_219 {offsets = [0], sizes = [1], strides = [1]} : vector<16xi32> to vector<1xi32>
      %squeeze3A_221 = vector.extract %slice3A_220[0] : i32 from vector<1xi32>
      %add3A_222 = arith.addi %add3A_205, %squeeze3A_221 : i32
      %le3A_223 = vector.broadcast %squeeze3A : f32 to vector<16xf32>
      %le3A_224 = arith.cmpf ole, %get3A_121, %le3A_223 : vector<16xf32>
      %add3A_225 = arith.constant 80 : i32
      %add3A_226 = vector.broadcast %add3A_225 : i32 to vector<16xi32>
      %add3A_227 = arith.addi %add3A_226, %iota3A : vector<16xi32>
      %swap3A_228 = arith.index_cast %add3A_222 : i32 to index
      %swap3A_229 = tpu.vector_load %arg9[%swap3A_228] masked %le3A_224 {strides = array<i32>} : memref<144xi32, #tpu.memory_space<vmem>>, vector<16xi32>, vector<16xi1>
      tpu.vector_store %arg9[%swap3A_228], %add3A_227 masked %le3A_224 {strides = array<i32>} : memref<144xi32, #tpu.memory_space<vmem>>, vector<16xi32>, vector<16xi1>
      %mul3A_230 = arith.constant 128 : i32
      %mul3A_231 = arith.muli %add3A_104, %mul3A_230 : i32
      %add3A_232 = vector.broadcast %mul3A_231 : i32 to vector<16xi32>
      %add3A_233 = arith.addi %add3A_232, %add3A_227 : vector<16xi32>
      %swap3A_234 = arith.index_cast %add3A_222 : i32 to index
      %swap3A_235 = tpu.vector_load %arg8[%swap3A_234] masked %le3A_224 {strides = array<i32>} : memref<144xi32, #tpu.memory_space<vmem>>, vector<16xi32>, vector<16xi1>
      tpu.vector_store %arg8[%swap3A_234], %add3A_233 masked %le3A_224 {strides = array<i32>} : memref<144xi32, #tpu.memory_space<vmem>>, vector<16xi32>, vector<16xi1>
      %all_reduce_population_count3A_236 = tpu.all_reduce %le3A_224 {dim = 0 : i64, kind = #tpu.reduction_kind<sum>} : vector<16xi1> -> vector<16xi32>
      %slice3A_237 = vector.extract_strided_slice %all_reduce_population_count3A_236 {offsets = [0], sizes = [1], strides = [1]} : vector<16xi32> to vector<1xi32>
      %squeeze3A_238 = vector.extract %slice3A_237[0] : i32 from vector<1xi32>
      %add3A_239 = arith.addi %add3A_222, %squeeze3A_238 : i32
      %le3A_240 = vector.broadcast %squeeze3A : f32 to vector<16xf32>
      %le3A_241 = arith.cmpf ole, %get3A_124, %le3A_240 : vector<16xf32>
      %add3A_242 = arith.constant 96 : i32
      %add3A_243 = vector.broadcast %add3A_242 : i32 to vector<16xi32>
      %add3A_244 = arith.addi %add3A_243, %iota3A : vector<16xi32>
      %swap3A_245 = arith.index_cast %add3A_239 : i32 to index
      %swap3A_246 = tpu.vector_load %arg9[%swap3A_245] masked %le3A_241 {strides = array<i32>} : memref<144xi32, #tpu.memory_space<vmem>>, vector<16xi32>, vector<16xi1>
      tpu.vector_store %arg9[%swap3A_245], %add3A_244 masked %le3A_241 {strides = array<i32>} : memref<144xi32, #tpu.memory_space<vmem>>, vector<16xi32>, vector<16xi1>
      %mul3A_247 = arith.constant 128 : i32
      %mul3A_248 = arith.muli %add3A_104, %mul3A_247 : i32
      %add3A_249 = vector.broadcast %mul3A_248 : i32 to vector<16xi32>
      %add3A_250 = arith.addi %add3A_249, %add3A_244 : vector<16xi32>
      %swap3A_251 = arith.index_cast %add3A_239 : i32 to index
      %swap3A_252 = tpu.vector_load %arg8[%swap3A_251] masked %le3A_241 {strides = array<i32>} : memref<144xi32, #tpu.memory_space<vmem>>, vector<16xi32>, vector<16xi1>
      tpu.vector_store %arg8[%swap3A_251], %add3A_250 masked %le3A_241 {strides = array<i32>} : memref<144xi32, #tpu.memory_space<vmem>>, vector<16xi32>, vector<16xi1>
      %all_reduce_population_count3A_253 = tpu.all_reduce %le3A_241 {dim = 0 : i64, kind = #tpu.reduction_kind<sum>} : vector<16xi1> -> vector<16xi32>
      %slice3A_254 = vector.extract_strided_slice %all_reduce_population_count3A_253 {offsets = [0], sizes = [1], strides = [1]} : vector<16xi32> to vector<1xi32>
      %squeeze3A_255 = vector.extract %slice3A_254[0] : i32 from vector<1xi32>
      %add3A_256 = arith.addi %add3A_239, %squeeze3A_255 : i32
      %le3A_257 = vector.broadcast %squeeze3A : f32 to vector<16xf32>
      %le3A_258 = arith.cmpf ole, %get3A_127, %le3A_257 : vector<16xf32>
      %add3A_259 = arith.constant 112 : i32
      %add3A_260 = vector.broadcast %add3A_259 : i32 to vector<16xi32>
      %add3A_261 = arith.addi %add3A_260, %iota3A : vector<16xi32>
      %swap3A_262 = arith.index_cast %add3A_256 : i32 to index
      %swap3A_263 = tpu.vector_load %arg9[%swap3A_262] masked %le3A_258 {strides = array<i32>} : memref<144xi32, #tpu.memory_space<vmem>>, vector<16xi32>, vector<16xi1>
      tpu.vector_store %arg9[%swap3A_262], %add3A_261 masked %le3A_258 {strides = array<i32>} : memref<144xi32, #tpu.memory_space<vmem>>, vector<16xi32>, vector<16xi1>
      %mul3A_264 = arith.constant 128 : i32
      %mul3A_265 = arith.muli %add3A_104, %mul3A_264 : i32
      %add3A_266 = vector.broadcast %mul3A_265 : i32 to vector<16xi32>
      %add3A_267 = arith.addi %add3A_266, %add3A_261 : vector<16xi32>
      %swap3A_268 = arith.index_cast %add3A_256 : i32 to index
      %swap3A_269 = tpu.vector_load %arg8[%swap3A_268] masked %le3A_258 {strides = array<i32>} : memref<144xi32, #tpu.memory_space<vmem>>, vector<16xi32>, vector<16xi1>
      tpu.vector_store %arg8[%swap3A_268], %add3A_267 masked %le3A_258 {strides = array<i32>} : memref<144xi32, #tpu.memory_space<vmem>>, vector<16xi32>, vector<16xi1>
      %all_reduce_population_count3A_270 = tpu.all_reduce %le3A_258 {dim = 0 : i64, kind = #tpu.reduction_kind<sum>} : vector<16xi1> -> vector<16xi32>
      %slice3A_271 = vector.extract_strided_slice %all_reduce_population_count3A_270 {offsets = [0], sizes = [1], strides = [1]} : vector<16xi32> to vector<1xi32>
      %squeeze3A_272 = vector.extract %slice3A_271[0] : i32 from vector<1xi32>
      %add3A_273 = arith.addi %add3A_256, %squeeze3A_272 : i32
      %add3A_274 = arith.constant 15 : i32
      %add3A_275 = arith.addi %add3A_273, %add3A_274 : i32
      %jit3A = arith.constant 16 : i32
      %div3A = arith.divsi %add3A_275, %jit3A : i32
      %sign3A = arith.constant 0 : i32
      %sign3A_276 = arith.cmpi sgt, %add3A_275, %sign3A : i32
      %sign3A_277 = arith.extui %sign3A_276 : i1 to i32
      %sign3A_278 = arith.constant 0 : i32
      %sign3A_279 = arith.cmpi slt, %add3A_275, %sign3A_278 : i32
      %sign3A_280 = arith.extui %sign3A_279 : i1 to i32
      %sign3A_281 = arith.subi %sign3A_277, %sign3A_280 : i32
      %sign3A_282 = arith.constant 0 : i32
      %sign3A_283 = arith.cmpi sgt, %jit3A, %sign3A_282 : i32
      %sign3A_284 = arith.extui %sign3A_283 : i1 to i32
      %sign3A_285 = arith.constant 0 : i32
      %sign3A_286 = arith.cmpi slt, %jit3A, %sign3A_285 : i32
      %sign3A_287 = arith.extui %sign3A_286 : i1 to i32
      %sign3A_288 = arith.subi %sign3A_284, %sign3A_287 : i32
      %ne3A = arith.cmpi ne, %sign3A_281, %sign3A_288 : i32
      %rem3A = arith.remsi %add3A_275, %jit3A : i32
      %ne3A_289 = arith.constant 0 : i32
      %ne3A_290 = arith.cmpi ne, %rem3A, %ne3A_289 : i32
      %and3A = arith.andi %ne3A, %ne3A_290 : i1
      %sub3A = arith.constant 1 : i32
      %sub3A_291 = arith.subi %div3A, %sub3A : i32
      %select_n3A = arith.select %and3A, %sub3A_291, %div3A : i32
      %while3A = arith.constant 0 : i32
      %while3A_292 = arith.constant 0 : i32
      %while3A_293 = arith.subi %select_n3A, %while3A : i32
      %while3A_294 = arith.addi %while3A, %while3A_293 : i32
      %while3A_295 = arith.constant 1 : i32
      %while3A_296 = arith.divsi %while3A_293, %while3A_295 : i32
      %while3A_297 = arith.muli %while3A_296, %while3A_295 : i32
      %while3A_298 = arith.addi %while3A, %while3A_297 : i32
      %while3A_299 = arith.constant 1 : i32
      %while3A_300 = scf.for %while3A_350 = %while3A to %while3A_298 step %while3A_299 iter_args(%while3A_351 = %while3A_292) -> (i32)  : i32 {
        %mul3A_352 = arith.constant 16 : i32
        %mul3A_353 = arith.muli %while3A_350, %mul3A_352 : i32
        %get3A_354 = arith.index_cast %mul3A_353 : i32 to index
        %get3A_355 = tpu.vector_load %arg8[%get3A_354] {strides = array<i32>} : memref<144xi32, #tpu.memory_space<vmem>>, vector<16xi32>,
        %dma_start3A_356 = arith.constant 0 : i32
        %dma_start3A_357 = arith.constant 0 : i32
        %dma_start3A_358 = tpu.memref_slice %arg2[%dma_start3A_356, %dma_start3A_357] : memref<262144x128xf32, #tpu.memory_space<hbm>> -> memref<262144x128xf32, #tpu.memory_space<hbm>>
        tpu.enqueue_indirect_dma source(%dma_start3A_358 : memref<262144x128xf32, #tpu.memory_space<hbm>>) target(%arg10 : memref<16x128xf32, #tpu.memory_space<vmem>>) offsets(%get3A_355 : vector<16xi32>) semaphore(%arg16 : memref<!tpu.dma_semaphore, #tpu.memory_space<semaphore_mem>>)
        %dma_wait3A_359 = arith.constant 0 : i32
        %dma_wait3A_360 = arith.constant 0 : i32
        %dma_wait3A_361 = tpu.memref_slice %arg2[%dma_wait3A_359, %dma_wait3A_360] : memref<262144x128xf32, #tpu.memory_space<hbm>> -> memref<262144x128xf32, #tpu.memory_space<hbm>>
        tpu.wait_indirect_dma semaphore(%arg16 : memref<!tpu.dma_semaphore, #tpu.memory_space<semaphore_mem>>) src(%dma_wait3A_361 : memref<262144x128xf32, #tpu.memory_space<hbm>>) dst(%arg10 : memref<16x128xf32, #tpu.memory_space<vmem>>)
        %mul3A_362 = arith.constant 16 : i32
        %mul3A_363 = arith.muli %while3A_350, %mul3A_362 : i32
        %sub3A_364 = arith.subi %add3A_273, %mul3A_363 : i32
        %min3A_365 = arith.constant 16 : i32
        %min3A_366 = arith.minsi %min3A_365, %sub3A_364 : i32
        %while3A_367 = arith.constant 0 : i32
        %while3A_368 = arith.subi %min3A_366, %while3A_367 : i32
        %while3A_369 = arith.addi %while3A_367, %while3A_368 : i32
        %while3A_370 = arith.constant 1 : i32
        %while3A_371 = arith.divsi %while3A_368, %while3A_370 : i32
        %while3A_372 = arith.muli %while3A_371, %while3A_370 : i32
        %while3A_373 = arith.addi %while3A_367, %while3A_372 : i32
        %while3A_374 = arith.constant 1 : i32
        %while3A_375 = scf.for %while3A_378 = %while3A_367 to %while3A_373 step %while3A_374 iter_args(%while3A_379 = %while3A_351) -> (i32)  : i32 {
          %mul3A_380 = arith.constant 16 : i32
          %mul3A_381 = arith.muli %while3A_350, %mul3A_380 : i32
          %add3A_382 = arith.addi %mul3A_381, %while3A_378 : i32
          %get3A_383 = arith.index_cast %add3A_382 : i32 to index
          %get3A_384 = tpu.vector_load %arg9[%get3A_383] {strides = array<i32>} : memref<144xi32, #tpu.memory_space<vmem>>, vector<16xi32>,
          %slice3A_385 = vector.extract_strided_slice %get3A_384 {offsets = [0], sizes = [1], strides = [1]} : vector<16xi32> to vector<1xi32>
          %squeeze3A_386 = vector.extract %slice3A_385[0] : i32 from vector<1xi32>
          %mul3A_387 = arith.constant 128 : i32
          %mul3A_388 = arith.muli %squeeze3A_386, %mul3A_387 : i32
          %get3A_389 = arith.index_cast %while3A_378 : i32 to index
          %get3A_390 = arith.constant 0 : index
          %get3A_391 = tpu.vector_load %arg10[%get3A_389, %get3A_390] {strides = array<i32>} : memref<16x128xf32, #tpu.memory_space<vmem>>, vector<16xf32>,
          %le3A_392 = vector.broadcast %squeeze3A : f32 to vector<16xf32>
          %le3A_393 = arith.cmpf ole, %get3A_391, %le3A_392 : vector<16xf32>
          %swap3A_394 = arith.index_cast %while3A_379 : i32 to index
          %swap3A_395 = tpu.vector_load %arg11[%swap3A_394] masked %le3A_393 {strides = array<i32>} : memref<16416xf32, #tpu.memory_space<vmem>>, vector<16xf32>, vector<16xi1>
          tpu.vector_store %arg11[%swap3A_394], %get3A_391 masked %le3A_393 {strides = array<i32>} : memref<16416xf32, #tpu.memory_space<vmem>>, vector<16xf32>, vector<16xi1>
          %add3A_396 = arith.constant 0 : i32
          %add3A_397 = arith.addi %mul3A_388, %add3A_396 : i32
          %add3A_398 = vector.broadcast %add3A_397 : i32 to vector<16xi32>
          %add3A_399 = arith.addi %add3A_398, %iota3A : vector<16xi32>
          %swap3A_400 = arith.index_cast %while3A_379 : i32 to index
          %swap3A_401 = tpu.vector_load %arg12[%swap3A_400] masked %le3A_393 {strides = array<i32>} : memref<16416xi32, #tpu.memory_space<vmem>>, vector<16xi32>, vector<16xi1>
          tpu.vector_store %arg12[%swap3A_400], %add3A_399 masked %le3A_393 {strides = array<i32>} : memref<16416xi32, #tpu.memory_space<vmem>>, vector<16xi32>, vector<16xi1>
          %all_reduce_population_count3A_402 = tpu.all_reduce %le3A_393 {dim = 0 : i64, kind = #tpu.reduction_kind<sum>} : vector<16xi1> -> vector<16xi32>
          %slice3A_403 = vector.extract_strided_slice %all_reduce_population_count3A_402 {offsets = [0], sizes = [1], strides = [1]} : vector<16xi32> to vector<1xi32>
          %squeeze3A_404 = vector.extract %slice3A_403[0] : i32 from vector<1xi32>
          %add3A_405 = arith.addi %while3A_379, %squeeze3A_404 : i32
          %get3A_406 = arith.index_cast %while3A_378 : i32 to index
          %get3A_407 = arith.constant 16 : index
          %get3A_408 = tpu.vector_load %arg10[%get3A_406, %get3A_407] {strides = array<i32>} : memref<16x128xf32, #tpu.memory_space<vmem>>, vector<16xf32>,
          %le3A_409 = vector.broadcast %squeeze3A : f32 to vector<16xf32>
          %le3A_410 = arith.cmpf ole, %get3A_408, %le3A_409 : vector<16xf32>
          %swap3A_411 = arith.index_cast %add3A_405 : i32 to index
          %swap3A_412 = tpu.vector_load %arg11[%swap3A_411] masked %le3A_410 {strides = array<i32>} : memref<16416xf32, #tpu.memory_space<vmem>>, vector<16xf32>, vector<16xi1>
          tpu.vector_store %arg11[%swap3A_411], %get3A_408 masked %le3A_410 {strides = array<i32>} : memref<16416xf32, #tpu.memory_space<vmem>>, vector<16xf32>, vector<16xi1>
          %add3A_413 = arith.constant 16 : i32
          %add3A_414 = arith.addi %mul3A_388, %add3A_413 : i32
          %add3A_415 = vector.broadcast %add3A_414 : i32 to vector<16xi32>
          %add3A_416 = arith.addi %add3A_415, %iota3A : vector<16xi32>
          %swap3A_417 = arith.index_cast %add3A_405 : i32 to index
          %swap3A_418 = tpu.vector_load %arg12[%swap3A_417] masked %le3A_410 {strides = array<i32>} : memref<16416xi32, #tpu.memory_space<vmem>>, vector<16xi32>, vector<16xi1>
          tpu.vector_store %arg12[%swap3A_417], %add3A_416 masked %le3A_410 {strides = array<i32>} : memref<16416xi32, #tpu.memory_space<vmem>>, vector<16xi32>, vector<16xi1>
          %all_reduce_population_count3A_419 = tpu.all_reduce %le3A_410 {dim = 0 : i64, kind = #tpu.reduction_kind<sum>} : vector<16xi1> -> vector<16xi32>
          %slice3A_420 = vector.extract_strided_slice %all_reduce_population_count3A_419 {offsets = [0], sizes = [1], strides = [1]} : vector<16xi32> to vector<1xi32>
          %squeeze3A_421 = vector.extract %slice3A_420[0] : i32 from vector<1xi32>
          %add3A_422 = arith.addi %add3A_405, %squeeze3A_421 : i32
          %get3A_423 = arith.index_cast %while3A_378 : i32 to index
          %get3A_424 = arith.constant 32 : index
          %get3A_425 = tpu.vector_load %arg10[%get3A_423, %get3A_424] {strides = array<i32>} : memref<16x128xf32, #tpu.memory_space<vmem>>, vector<16xf32>,
          %le3A_426 = vector.broadcast %squeeze3A : f32 to vector<16xf32>
          %le3A_427 = arith.cmpf ole, %get3A_425, %le3A_426 : vector<16xf32>
          %swap3A_428 = arith.index_cast %add3A_422 : i32 to index
          %swap3A_429 = tpu.vector_load %arg11[%swap3A_428] masked %le3A_427 {strides = array<i32>} : memref<16416xf32, #tpu.memory_space<vmem>>, vector<16xf32>, vector<16xi1>
          tpu.vector_store %arg11[%swap3A_428], %get3A_425 masked %le3A_427 {strides = array<i32>} : memref<16416xf32, #tpu.memory_space<vmem>>, vector<16xf32>, vector<16xi1>
          %add3A_430 = arith.constant 32 : i32
          %add3A_431 = arith.addi %mul3A_388, %add3A_430 : i32
          %add3A_432 = vector.broadcast %add3A_431 : i32 to vector<16xi32>
          %add3A_433 = arith.addi %add3A_432, %iota3A : vector<16xi32>
          %swap3A_434 = arith.index_cast %add3A_422 : i32 to index
          %swap3A_435 = tpu.vector_load %arg12[%swap3A_434] masked %le3A_427 {strides = array<i32>} : memref<16416xi32, #tpu.memory_space<vmem>>, vector<16xi32>, vector<16xi1>
          tpu.vector_store %arg12[%swap3A_434], %add3A_433 masked %le3A_427 {strides = array<i32>} : memref<16416xi32, #tpu.memory_space<vmem>>, vector<16xi32>, vector<16xi1>
          %all_reduce_population_count3A_436 = tpu.all_reduce %le3A_427 {dim = 0 : i64, kind = #tpu.reduction_kind<sum>} : vector<16xi1> -> vector<16xi32>
          %slice3A_437 = vector.extract_strided_slice %all_reduce_population_count3A_436 {offsets = [0], sizes = [1], strides = [1]} : vector<16xi32> to vector<1xi32>
          %squeeze3A_438 = vector.extract %slice3A_437[0] : i32 from vector<1xi32>
          %add3A_439 = arith.addi %add3A_422, %squeeze3A_438 : i32
          %get3A_440 = arith.index_cast %while3A_378 : i32 to index
          %get3A_441 = arith.constant 48 : index
          %get3A_442 = tpu.vector_load %arg10[%get3A_440, %get3A_441] {strides = array<i32>} : memref<16x128xf32, #tpu.memory_space<vmem>>, vector<16xf32>,
          %le3A_443 = vector.broadcast %squeeze3A : f32 to vector<16xf32>
          %le3A_444 = arith.cmpf ole, %get3A_442, %le3A_443 : vector<16xf32>
          %swap3A_445 = arith.index_cast %add3A_439 : i32 to index
          %swap3A_446 = tpu.vector_load %arg11[%swap3A_445] masked %le3A_444 {strides = array<i32>} : memref<16416xf32, #tpu.memory_space<vmem>>, vector<16xf32>, vector<16xi1>
          tpu.vector_store %arg11[%swap3A_445], %get3A_442 masked %le3A_444 {strides = array<i32>} : memref<16416xf32, #tpu.memory_space<vmem>>, vector<16xf32>, vector<16xi1>
          %add3A_447 = arith.constant 48 : i32
          %add3A_448 = arith.addi %mul3A_388, %add3A_447 : i32
          %add3A_449 = vector.broadcast %add3A_448 : i32 to vector<16xi32>
          %add3A_450 = arith.addi %add3A_449, %iota3A : vector<16xi32>
          %swap3A_451 = arith.index_cast %add3A_439 : i32 to index
          %swap3A_452 = tpu.vector_load %arg12[%swap3A_451] masked %le3A_444 {strides = array<i32>} : memref<16416xi32, #tpu.memory_space<vmem>>, vector<16xi32>, vector<16xi1>
          tpu.vector_store %arg12[%swap3A_451], %add3A_450 masked %le3A_444 {strides = array<i32>} : memref<16416xi32, #tpu.memory_space<vmem>>, vector<16xi32>, vector<16xi1>
          %all_reduce_population_count3A_453 = tpu.all_reduce %le3A_444 {dim = 0 : i64, kind = #tpu.reduction_kind<sum>} : vector<16xi1> -> vector<16xi32>
          %slice3A_454 = vector.extract_strided_slice %all_reduce_population_count3A_453 {offsets = [0], sizes = [1], strides = [1]} : vector<16xi32> to vector<1xi32>
          %squeeze3A_455 = vector.extract %slice3A_454[0] : i32 from vector<1xi32>
          %add3A_456 = arith.addi %add3A_439, %squeeze3A_455 : i32
          %get3A_457 = arith.index_cast %while3A_378 : i32 to index
          %get3A_458 = arith.constant 64 : index
          %get3A_459 = tpu.vector_load %arg10[%get3A_457, %get3A_458] {strides = array<i32>} : memref<16x128xf32, #tpu.memory_space<vmem>>, vector<16xf32>,
          %le3A_460 = vector.broadcast %squeeze3A : f32 to vector<16xf32>
          %le3A_461 = arith.cmpf ole, %get3A_459, %le3A_460 : vector<16xf32>
          %swap3A_462 = arith.index_cast %add3A_456 : i32 to index
          %swap3A_463 = tpu.vector_load %arg11[%swap3A_462] masked %le3A_461 {strides = array<i32>} : memref<16416xf32, #tpu.memory_space<vmem>>, vector<16xf32>, vector<16xi1>
          tpu.vector_store %arg11[%swap3A_462], %get3A_459 masked %le3A_461 {strides = array<i32>} : memref<16416xf32, #tpu.memory_space<vmem>>, vector<16xf32>, vector<16xi1>
          %add3A_464 = arith.constant 64 : i32
          %add3A_465 = arith.addi %mul3A_388, %add3A_464 : i32
          %add3A_466 = vector.broadcast %add3A_465 : i32 to vector<16xi32>
          %add3A_467 = arith.addi %add3A_466, %iota3A : vector<16xi32>
          %swap3A_468 = arith.index_cast %add3A_456 : i32 to index
          %swap3A_469 = tpu.vector_load %arg12[%swap3A_468] masked %le3A_461 {strides = array<i32>} : memref<16416xi32, #tpu.memory_space<vmem>>, vector<16xi32>, vector<16xi1>
          tpu.vector_store %arg12[%swap3A_468], %add3A_467 masked %le3A_461 {strides = array<i32>} : memref<16416xi32, #tpu.memory_space<vmem>>, vector<16xi32>, vector<16xi1>
          %all_reduce_population_count3A_470 = tpu.all_reduce %le3A_461 {dim = 0 : i64, kind = #tpu.reduction_kind<sum>} : vector<16xi1> -> vector<16xi32>
          %slice3A_471 = vector.extract_strided_slice %all_reduce_population_count3A_470 {offsets = [0], sizes = [1], strides = [1]} : vector<16xi32> to vector<1xi32>
          %squeeze3A_472 = vector.extract %slice3A_471[0] : i32 from vector<1xi32>
          %add3A_473 = arith.addi %add3A_456, %squeeze3A_472 : i32
          %get3A_474 = arith.index_cast %while3A_378 : i32 to index
          %get3A_475 = arith.constant 80 : index
          %get3A_476 = tpu.vector_load %arg10[%get3A_474, %get3A_475] {strides = array<i32>} : memref<16x128xf32, #tpu.memory_space<vmem>>, vector<16xf32>,
          %le3A_477 = vector.broadcast %squeeze3A : f32 to vector<16xf32>
          %le3A_478 = arith.cmpf ole, %get3A_476, %le3A_477 : vector<16xf32>
          %swap3A_479 = arith.index_cast %add3A_473 : i32 to index
          %swap3A_480 = tpu.vector_load %arg11[%swap3A_479] masked %le3A_478 {strides = array<i32>} : memref<16416xf32, #tpu.memory_space<vmem>>, vector<16xf32>, vector<16xi1>
          tpu.vector_store %arg11[%swap3A_479], %get3A_476 masked %le3A_478 {strides = array<i32>} : memref<16416xf32, #tpu.memory_space<vmem>>, vector<16xf32>, vector<16xi1>
          %add3A_481 = arith.constant 80 : i32
          %add3A_482 = arith.addi %mul3A_388, %add3A_481 : i32
          %add3A_483 = vector.broadcast %add3A_482 : i32 to vector<16xi32>
          %add3A_484 = arith.addi %add3A_483, %iota3A : vector<16xi32>
          %swap3A_485 = arith.index_cast %add3A_473 : i32 to index
          %swap3A_486 = tpu.vector_load %arg12[%swap3A_485] masked %le3A_478 {strides = array<i32>} : memref<16416xi32, #tpu.memory_space<vmem>>, vector<16xi32>, vector<16xi1>
          tpu.vector_store %arg12[%swap3A_485], %add3A_484 masked %le3A_478 {strides = array<i32>} : memref<16416xi32, #tpu.memory_space<vmem>>, vector<16xi32>, vector<16xi1>
          %all_reduce_population_count3A_487 = tpu.all_reduce %le3A_478 {dim = 0 : i64, kind = #tpu.reduction_kind<sum>} : vector<16xi1> -> vector<16xi32>
          %slice3A_488 = vector.extract_strided_slice %all_reduce_population_count3A_487 {offsets = [0], sizes = [1], strides = [1]} : vector<16xi32> to vector<1xi32>
          %squeeze3A_489 = vector.extract %slice3A_488[0] : i32 from vector<1xi32>
          %add3A_490 = arith.addi %add3A_473, %squeeze3A_489 : i32
          %get3A_491 = arith.index_cast %while3A_378 : i32 to index
          %get3A_492 = arith.constant 96 : index
          %get3A_493 = tpu.vector_load %arg10[%get3A_491, %get3A_492] {strides = array<i32>} : memref<16x128xf32, #tpu.memory_space<vmem>>, vector<16xf32>,
          %le3A_494 = vector.broadcast %squeeze3A : f32 to vector<16xf32>
          %le3A_495 = arith.cmpf ole, %get3A_493, %le3A_494 : vector<16xf32>
          %swap3A_496 = arith.index_cast %add3A_490 : i32 to index
          %swap3A_497 = tpu.vector_load %arg11[%swap3A_496] masked %le3A_495 {strides = array<i32>} : memref<16416xf32, #tpu.memory_space<vmem>>, vector<16xf32>, vector<16xi1>
          tpu.vector_store %arg11[%swap3A_496], %get3A_493 masked %le3A_495 {strides = array<i32>} : memref<16416xf32, #tpu.memory_space<vmem>>, vector<16xf32>, vector<16xi1>
          %add3A_498 = arith.constant 96 : i32
          %add3A_499 = arith.addi %mul3A_388, %add3A_498 : i32
          %add3A_500 = vector.broadcast %add3A_499 : i32 to vector<16xi32>
          %add3A_501 = arith.addi %add3A_500, %iota3A : vector<16xi32>
          %swap3A_502 = arith.index_cast %add3A_490 : i32 to index
          %swap3A_503 = tpu.vector_load %arg12[%swap3A_502] masked %le3A_495 {strides = array<i32>} : memref<16416xi32, #tpu.memory_space<vmem>>, vector<16xi32>, vector<16xi1>
          tpu.vector_store %arg12[%swap3A_502], %add3A_501 masked %le3A_495 {strides = array<i32>} : memref<16416xi32, #tpu.memory_space<vmem>>, vector<16xi32>, vector<16xi1>
          %all_reduce_population_count3A_504 = tpu.all_reduce %le3A_495 {dim = 0 : i64, kind = #tpu.reduction_kind<sum>} : vector<16xi1> -> vector<16xi32>
          %slice3A_505 = vector.extract_strided_slice %all_reduce_population_count3A_504 {offsets = [0], sizes = [1], strides = [1]} : vector<16xi32> to vector<1xi32>
          %squeeze3A_506 = vector.extract %slice3A_505[0] : i32 from vector<1xi32>
          %add3A_507 = arith.addi %add3A_490, %squeeze3A_506 : i32
          %get3A_508 = arith.index_cast %while3A_378 : i32 to index
          %get3A_509 = arith.constant 112 : index
          %get3A_510 = tpu.vector_load %arg10[%get3A_508, %get3A_509] {strides = array<i32>} : memref<16x128xf32, #tpu.memory_space<vmem>>, vector<16xf32>,
          %le3A_511 = vector.broadcast %squeeze3A : f32 to vector<16xf32>
          %le3A_512 = arith.cmpf ole, %get3A_510, %le3A_511 : vector<16xf32>
          %swap3A_513 = arith.index_cast %add3A_507 : i32 to index
          %swap3A_514 = tpu.vector_load %arg11[%swap3A_513] masked %le3A_512 {strides = array<i32>} : memref<16416xf32, #tpu.memory_space<vmem>>, vector<16xf32>, vector<16xi1>
          tpu.vector_store %arg11[%swap3A_513], %get3A_510 masked %le3A_512 {strides = array<i32>} : memref<16416xf32, #tpu.memory_space<vmem>>, vector<16xf32>, vector<16xi1>
          %add3A_515 = arith.constant 112 : i32
          %add3A_516 = arith.addi %mul3A_388, %add3A_515 : i32
          %add3A_517 = vector.broadcast %add3A_516 : i32 to vector<16xi32>
          %add3A_518 = arith.addi %add3A_517, %iota3A : vector<16xi32>
          %swap3A_519 = arith.index_cast %add3A_507 : i32 to index
          %swap3A_520 = tpu.vector_load %arg12[%swap3A_519] masked %le3A_512 {strides = array<i32>} : memref<16416xi32, #tpu.memory_space<vmem>>, vector<16xi32>, vector<16xi1>
          tpu.vector_store %arg12[%swap3A_519], %add3A_518 masked %le3A_512 {strides = array<i32>} : memref<16416xi32, #tpu.memory_space<vmem>>, vector<16xi32>, vector<16xi1>
          %all_reduce_population_count3A_521 = tpu.all_reduce %le3A_512 {dim = 0 : i64, kind = #tpu.reduction_kind<sum>} : vector<16xi1> -> vector<16xi32>
          %slice3A_522 = vector.extract_strided_slice %all_reduce_population_count3A_521 {offsets = [0], sizes = [1], strides = [1]} : vector<16xi32> to vector<1xi32>
          %squeeze3A_523 = vector.extract %slice3A_522[0] : i32 from vector<1xi32>
          %add3A_524 = arith.addi %add3A_507, %squeeze3A_523 : i32
          scf.yield %add3A_524 : i32
        }
        %while3A_376 = arith.constant 1 : i32
        %while3A_377 = scf.for %while3A_378 = %while3A_373 to %while3A_369 step %while3A_376 iter_args(%while3A_379 = %while3A_375) -> (i32)  : i32 {
          %mul3A_380 = arith.constant 16 : i32
          %mul3A_381 = arith.muli %while3A_350, %mul3A_380 : i32
          %add3A_382 = arith.addi %mul3A_381, %while3A_378 : i32
          %get3A_383 = arith.index_cast %add3A_382 : i32 to index
          %get3A_384 = tpu.vector_load %arg9[%get3A_383] {strides = array<i32>} : memref<144xi32, #tpu.memory_space<vmem>>, vector<16xi32>,
          %slice3A_385 = vector.extract_strided_slice %get3A_384 {offsets = [0], sizes = [1], strides = [1]} : vector<16xi32> to vector<1xi32>
          %squeeze3A_386 = vector.extract %slice3A_385[0] : i32 from vector<1xi32>
          %mul3A_387 = arith.constant 128 : i32
          %mul3A_388 = arith.muli %squeeze3A_386, %mul3A_387 : i32
          %get3A_389 = arith.index_cast %while3A_378 : i32 to index
          %get3A_390 = arith.constant 0 : index
          %get3A_391 = tpu.vector_load %arg10[%get3A_389, %get3A_390] {strides = array<i32>} : memref<16x128xf32, #tpu.memory_space<vmem>>, vector<16xf32>,
          %le3A_392 = vector.broadcast %squeeze3A : f32 to vector<16xf32>
          %le3A_393 = arith.cmpf ole, %get3A_391, %le3A_392 : vector<16xf32>
          %swap3A_394 = arith.index_cast %while3A_379 : i32 to index
          %swap3A_395 = tpu.vector_load %arg11[%swap3A_394] masked %le3A_393 {strides = array<i32>} : memref<16416xf32, #tpu.memory_space<vmem>>, vector<16xf32>, vector<16xi1>
          tpu.vector_store %arg11[%swap3A_394], %get3A_391 masked %le3A_393 {strides = array<i32>} : memref<16416xf32, #tpu.memory_space<vmem>>, vector<16xf32>, vector<16xi1>
          %add3A_396 = arith.constant 0 : i32
          %add3A_397 = arith.addi %mul3A_388, %add3A_396 : i32
          %add3A_398 = vector.broadcast %add3A_397 : i32 to vector<16xi32>
          %add3A_399 = arith.addi %add3A_398, %iota3A : vector<16xi32>
          %swap3A_400 = arith.index_cast %while3A_379 : i32 to index
          %swap3A_401 = tpu.vector_load %arg12[%swap3A_400] masked %le3A_393 {strides = array<i32>} : memref<16416xi32, #tpu.memory_space<vmem>>, vector<16xi32>, vector<16xi1>
          tpu.vector_store %arg12[%swap3A_400], %add3A_399 masked %le3A_393 {strides = array<i32>} : memref<16416xi32, #tpu.memory_space<vmem>>, vector<16xi32>, vector<16xi1>
          %all_reduce_population_count3A_402 = tpu.all_reduce %le3A_393 {dim = 0 : i64, kind = #tpu.reduction_kind<sum>} : vector<16xi1> -> vector<16xi32>
          %slice3A_403 = vector.extract_strided_slice %all_reduce_population_count3A_402 {offsets = [0], sizes = [1], strides = [1]} : vector<16xi32> to vector<1xi32>
          %squeeze3A_404 = vector.extract %slice3A_403[0] : i32 from vector<1xi32>
          %add3A_405 = arith.addi %while3A_379, %squeeze3A_404 : i32
          %get3A_406 = arith.index_cast %while3A_378 : i32 to index
          %get3A_407 = arith.constant 16 : index
          %get3A_408 = tpu.vector_load %arg10[%get3A_406, %get3A_407] {strides = array<i32>} : memref<16x128xf32, #tpu.memory_space<vmem>>, vector<16xf32>,
          %le3A_409 = vector.broadcast %squeeze3A : f32 to vector<16xf32>
          %le3A_410 = arith.cmpf ole, %get3A_408, %le3A_409 : vector<16xf32>
          %swap3A_411 = arith.index_cast %add3A_405 : i32 to index
          %swap3A_412 = tpu.vector_load %arg11[%swap3A_411] masked %le3A_410 {strides = array<i32>} : memref<16416xf32, #tpu.memory_space<vmem>>, vector<16xf32>, vector<16xi1>
          tpu.vector_store %arg11[%swap3A_411], %get3A_408 masked %le3A_410 {strides = array<i32>} : memref<16416xf32, #tpu.memory_space<vmem>>, vector<16xf32>, vector<16xi1>
          %add3A_413 = arith.constant 16 : i32
          %add3A_414 = arith.addi %mul3A_388, %add3A_413 : i32
          %add3A_415 = vector.broadcast %add3A_414 : i32 to vector<16xi32>
          %add3A_416 = arith.addi %add3A_415, %iota3A : vector<16xi32>
          %swap3A_417 = arith.index_cast %add3A_405 : i32 to index
          %swap3A_418 = tpu.vector_load %arg12[%swap3A_417] masked %le3A_410 {strides = array<i32>} : memref<16416xi32, #tpu.memory_space<vmem>>, vector<16xi32>, vector<16xi1>
          tpu.vector_store %arg12[%swap3A_417], %add3A_416 masked %le3A_410 {strides = array<i32>} : memref<16416xi32, #tpu.memory_space<vmem>>, vector<16xi32>, vector<16xi1>
          %all_reduce_population_count3A_419 = tpu.all_reduce %le3A_410 {dim = 0 : i64, kind = #tpu.reduction_kind<sum>} : vector<16xi1> -> vector<16xi32>
          %slice3A_420 = vector.extract_strided_slice %all_reduce_population_count3A_419 {offsets = [0], sizes = [1], strides = [1]} : vector<16xi32> to vector<1xi32>
          %squeeze3A_421 = vector.extract %slice3A_420[0] : i32 from vector<1xi32>
          %add3A_422 = arith.addi %add3A_405, %squeeze3A_421 : i32
          %get3A_423 = arith.index_cast %while3A_378 : i32 to index
          %get3A_424 = arith.constant 32 : index
          %get3A_425 = tpu.vector_load %arg10[%get3A_423, %get3A_424] {strides = array<i32>} : memref<16x128xf32, #tpu.memory_space<vmem>>, vector<16xf32>,
          %le3A_426 = vector.broadcast %squeeze3A : f32 to vector<16xf32>
          %le3A_427 = arith.cmpf ole, %get3A_425, %le3A_426 : vector<16xf32>
          %swap3A_428 = arith.index_cast %add3A_422 : i32 to index
          %swap3A_429 = tpu.vector_load %arg11[%swap3A_428] masked %le3A_427 {strides = array<i32>} : memref<16416xf32, #tpu.memory_space<vmem>>, vector<16xf32>, vector<16xi1>
          tpu.vector_store %arg11[%swap3A_428], %get3A_425 masked %le3A_427 {strides = array<i32>} : memref<16416xf32, #tpu.memory_space<vmem>>, vector<16xf32>, vector<16xi1>
          %add3A_430 = arith.constant 32 : i32
          %add3A_431 = arith.addi %mul3A_388, %add3A_430 : i32
          %add3A_432 = vector.broadcast %add3A_431 : i32 to vector<16xi32>
          %add3A_433 = arith.addi %add3A_432, %iota3A : vector<16xi32>
          %swap3A_434 = arith.index_cast %add3A_422 : i32 to index
          %swap3A_435 = tpu.vector_load %arg12[%swap3A_434] masked %le3A_427 {strides = array<i32>} : memref<16416xi32, #tpu.memory_space<vmem>>, vector<16xi32>, vector<16xi1>
          tpu.vector_store %arg12[%swap3A_434], %add3A_433 masked %le3A_427 {strides = array<i32>} : memref<16416xi32, #tpu.memory_space<vmem>>, vector<16xi32>, vector<16xi1>
          %all_reduce_population_count3A_436 = tpu.all_reduce %le3A_427 {dim = 0 : i64, kind = #tpu.reduction_kind<sum>} : vector<16xi1> -> vector<16xi32>
          %slice3A_437 = vector.extract_strided_slice %all_reduce_population_count3A_436 {offsets = [0], sizes = [1], strides = [1]} : vector<16xi32> to vector<1xi32>
          %squeeze3A_438 = vector.extract %slice3A_437[0] : i32 from vector<1xi32>
          %add3A_439 = arith.addi %add3A_422, %squeeze3A_438 : i32
          %get3A_440 = arith.index_cast %while3A_378 : i32 to index
          %get3A_441 = arith.constant 48 : index
          %get3A_442 = tpu.vector_load %arg10[%get3A_440, %get3A_441] {strides = array<i32>} : memref<16x128xf32, #tpu.memory_space<vmem>>, vector<16xf32>,
          %le3A_443 = vector.broadcast %squeeze3A : f32 to vector<16xf32>
          %le3A_444 = arith.cmpf ole, %get3A_442, %le3A_443 : vector<16xf32>
          %swap3A_445 = arith.index_cast %add3A_439 : i32 to index
          %swap3A_446 = tpu.vector_load %arg11[%swap3A_445] masked %le3A_444 {strides = array<i32>} : memref<16416xf32, #tpu.memory_space<vmem>>, vector<16xf32>, vector<16xi1>
          tpu.vector_store %arg11[%swap3A_445], %get3A_442 masked %le3A_444 {strides = array<i32>} : memref<16416xf32, #tpu.memory_space<vmem>>, vector<16xf32>, vector<16xi1>
          %add3A_447 = arith.constant 48 : i32
          %add3A_448 = arith.addi %mul3A_388, %add3A_447 : i32
          %add3A_449 = vector.broadcast %add3A_448 : i32 to vector<16xi32>
          %add3A_450 = arith.addi %add3A_449, %iota3A : vector<16xi32>
          %swap3A_451 = arith.index_cast %add3A_439 : i32 to index
          %swap3A_452 = tpu.vector_load %arg12[%swap3A_451] masked %le3A_444 {strides = array<i32>} : memref<16416xi32, #tpu.memory_space<vmem>>, vector<16xi32>, vector<16xi1>
          tpu.vector_store %arg12[%swap3A_451], %add3A_450 masked %le3A_444 {strides = array<i32>} : memref<16416xi32, #tpu.memory_space<vmem>>, vector<16xi32>, vector<16xi1>
          %all_reduce_population_count3A_453 = tpu.all_reduce %le3A_444 {dim = 0 : i64, kind = #tpu.reduction_kind<sum>} : vector<16xi1> -> vector<16xi32>
          %slice3A_454 = vector.extract_strided_slice %all_reduce_population_count3A_453 {offsets = [0], sizes = [1], strides = [1]} : vector<16xi32> to vector<1xi32>
          %squeeze3A_455 = vector.extract %slice3A_454[0] : i32 from vector<1xi32>
          %add3A_456 = arith.addi %add3A_439, %squeeze3A_455 : i32
          %get3A_457 = arith.index_cast %while3A_378 : i32 to index
          %get3A_458 = arith.constant 64 : index
          %get3A_459 = tpu.vector_load %arg10[%get3A_457, %get3A_458] {strides = array<i32>} : memref<16x128xf32, #tpu.memory_space<vmem>>, vector<16xf32>,
          %le3A_460 = vector.broadcast %squeeze3A : f32 to vector<16xf32>
          %le3A_461 = arith.cmpf ole, %get3A_459, %le3A_460 : vector<16xf32>
          %swap3A_462 = arith.index_cast %add3A_456 : i32 to index
          %swap3A_463 = tpu.vector_load %arg11[%swap3A_462] masked %le3A_461 {strides = array<i32>} : memref<16416xf32, #tpu.memory_space<vmem>>, vector<16xf32>, vector<16xi1>
          tpu.vector_store %arg11[%swap3A_462], %get3A_459 masked %le3A_461 {strides = array<i32>} : memref<16416xf32, #tpu.memory_space<vmem>>, vector<16xf32>, vector<16xi1>
          %add3A_464 = arith.constant 64 : i32
          %add3A_465 = arith.addi %mul3A_388, %add3A_464 : i32
          %add3A_466 = vector.broadcast %add3A_465 : i32 to vector<16xi32>
          %add3A_467 = arith.addi %add3A_466, %iota3A : vector<16xi32>
          %swap3A_468 = arith.index_cast %add3A_456 : i32 to index
          %swap3A_469 = tpu.vector_load %arg12[%swap3A_468] masked %le3A_461 {strides = array<i32>} : memref<16416xi32, #tpu.memory_space<vmem>>, vector<16xi32>, vector<16xi1>
          tpu.vector_store %arg12[%swap3A_468], %add3A_467 masked %le3A_461 {strides = array<i32>} : memref<16416xi32, #tpu.memory_space<vmem>>, vector<16xi32>, vector<16xi1>
          %all_reduce_population_count3A_470 = tpu.all_reduce %le3A_461 {dim = 0 : i64, kind = #tpu.reduction_kind<sum>} : vector<16xi1> -> vector<16xi32>
          %slice3A_471 = vector.extract_strided_slice %all_reduce_population_count3A_470 {offsets = [0], sizes = [1], strides = [1]} : vector<16xi32> to vector<1xi32>
          %squeeze3A_472 = vector.extract %slice3A_471[0] : i32 from vector<1xi32>
          %add3A_473 = arith.addi %add3A_456, %squeeze3A_472 : i32
          %get3A_474 = arith.index_cast %while3A_378 : i32 to index
          %get3A_475 = arith.constant 80 : index
          %get3A_476 = tpu.vector_load %arg10[%get3A_474, %get3A_475] {strides = array<i32>} : memref<16x128xf32, #tpu.memory_space<vmem>>, vector<16xf32>,
          %le3A_477 = vector.broadcast %squeeze3A : f32 to vector<16xf32>
          %le3A_478 = arith.cmpf ole, %get3A_476, %le3A_477 : vector<16xf32>
          %swap3A_479 = arith.index_cast %add3A_473 : i32 to index
          %swap3A_480 = tpu.vector_load %arg11[%swap3A_479] masked %le3A_478 {strides = array<i32>} : memref<16416xf32, #tpu.memory_space<vmem>>, vector<16xf32>, vector<16xi1>
          tpu.vector_store %arg11[%swap3A_479], %get3A_476 masked %le3A_478 {strides = array<i32>} : memref<16416xf32, #tpu.memory_space<vmem>>, vector<16xf32>, vector<16xi1>
          %add3A_481 = arith.constant 80 : i32
          %add3A_482 = arith.addi %mul3A_388, %add3A_481 : i32
          %add3A_483 = vector.broadcast %add3A_482 : i32 to vector<16xi32>
          %add3A_484 = arith.addi %add3A_483, %iota3A : vector<16xi32>
          %swap3A_485 = arith.index_cast %add3A_473 : i32 to index
          %swap3A_486 = tpu.vector_load %arg12[%swap3A_485] masked %le3A_478 {strides = array<i32>} : memref<16416xi32, #tpu.memory_space<vmem>>, vector<16xi32>, vector<16xi1>
          tpu.vector_store %arg12[%swap3A_485], %add3A_484 masked %le3A_478 {strides = array<i32>} : memref<16416xi32, #tpu.memory_space<vmem>>, vector<16xi32>, vector<16xi1>
          %all_reduce_population_count3A_487 = tpu.all_reduce %le3A_478 {dim = 0 : i64, kind = #tpu.reduction_kind<sum>} : vector<16xi1> -> vector<16xi32>
          %slice3A_488 = vector.extract_strided_slice %all_reduce_population_count3A_487 {offsets = [0], sizes = [1], strides = [1]} : vector<16xi32> to vector<1xi32>
          %squeeze3A_489 = vector.extract %slice3A_488[0] : i32 from vector<1xi32>
          %add3A_490 = arith.addi %add3A_473, %squeeze3A_489 : i32
          %get3A_491 = arith.index_cast %while3A_378 : i32 to index
          %get3A_492 = arith.constant 96 : index
          %get3A_493 = tpu.vector_load %arg10[%get3A_491, %get3A_492] {strides = array<i32>} : memref<16x128xf32, #tpu.memory_space<vmem>>, vector<16xf32>,
          %le3A_494 = vector.broadcast %squeeze3A : f32 to vector<16xf32>
          %le3A_495 = arith.cmpf ole, %get3A_493, %le3A_494 : vector<16xf32>
          %swap3A_496 = arith.index_cast %add3A_490 : i32 to index
          %swap3A_497 = tpu.vector_load %arg11[%swap3A_496] masked %le3A_495 {strides = array<i32>} : memref<16416xf32, #tpu.memory_space<vmem>>, vector<16xf32>, vector<16xi1>
          tpu.vector_store %arg11[%swap3A_496], %get3A_493 masked %le3A_495 {strides = array<i32>} : memref<16416xf32, #tpu.memory_space<vmem>>, vector<16xf32>, vector<16xi1>
          %add3A_498 = arith.constant 96 : i32
          %add3A_499 = arith.addi %mul3A_388, %add3A_498 : i32
          %add3A_500 = vector.broadcast %add3A_499 : i32 to vector<16xi32>
          %add3A_501 = arith.addi %add3A_500, %iota3A : vector<16xi32>
          %swap3A_502 = arith.index_cast %add3A_490 : i32 to index
          %swap3A_503 = tpu.vector_load %arg12[%swap3A_502] masked %le3A_495 {strides = array<i32>} : memref<16416xi32, #tpu.memory_space<vmem>>, vector<16xi32>, vector<16xi1>
          tpu.vector_store %arg12[%swap3A_502], %add3A_501 masked %le3A_495 {strides = array<i32>} : memref<16416xi32, #tpu.memory_space<vmem>>, vector<16xi32>, vector<16xi1>
          %all_reduce_population_count3A_504 = tpu.all_reduce %le3A_495 {dim = 0 : i64, kind = #tpu.reduction_kind<sum>} : vector<16xi1> -> vector<16xi32>
          %slice3A_505 = vector.extract_strided_slice %all_reduce_population_count3A_504 {offsets = [0], sizes = [1], strides = [1]} : vector<16xi32> to vector<1xi32>
          %squeeze3A_506 = vector.extract %slice3A_505[0] : i32 from vector<1xi32>
          %add3A_507 = arith.addi %add3A_490, %squeeze3A_506 : i32
          %get3A_508 = arith.index_cast %while3A_378 : i32 to index
          %get3A_509 = arith.constant 112 : index
          %get3A_510 = tpu.vector_load %arg10[%get3A_508, %get3A_509] {strides = array<i32>} : memref<16x128xf32, #tpu.memory_space<vmem>>, vector<16xf32>,
          %le3A_511 = vector.broadcast %squeeze3A : f32 to vector<16xf32>
          %le3A_512 = arith.cmpf ole, %get3A_510, %le3A_511 : vector<16xf32>
          %swap3A_513 = arith.index_cast %add3A_507 : i32 to index
          %swap3A_514 = tpu.vector_load %arg11[%swap3A_513] masked %le3A_512 {strides = array<i32>} : memref<16416xf32, #tpu.memory_space<vmem>>, vector<16xf32>, vector<16xi1>
          tpu.vector_store %arg11[%swap3A_513], %get3A_510 masked %le3A_512 {strides = array<i32>} : memref<16416xf32, #tpu.memory_space<vmem>>, vector<16xf32>, vector<16xi1>
          %add3A_515 = arith.constant 112 : i32
          %add3A_516 = arith.addi %mul3A_388, %add3A_515 : i32
          %add3A_517 = vector.broadcast %add3A_516 : i32 to vector<16xi32>
          %add3A_518 = arith.addi %add3A_517, %iota3A : vector<16xi32>
          %swap3A_519 = arith.index_cast %add3A_507 : i32 to index
          %swap3A_520 = tpu.vector_load %arg12[%swap3A_519] masked %le3A_512 {strides = array<i32>} : memref<16416xi32, #tpu.memory_space<vmem>>, vector<16xi32>, vector<16xi1>
          tpu.vector_store %arg12[%swap3A_519], %add3A_518 masked %le3A_512 {strides = array<i32>} : memref<16416xi32, #tpu.memory_space<vmem>>, vector<16xi32>, vector<16xi1>
          %all_reduce_population_count3A_521 = tpu.all_reduce %le3A_512 {dim = 0 : i64, kind = #tpu.reduction_kind<sum>} : vector<16xi1> -> vector<16xi32>
          %slice3A_522 = vector.extract_strided_slice %all_reduce_population_count3A_521 {offsets = [0], sizes = [1], strides = [1]} : vector<16xi32> to vector<1xi32>
          %squeeze3A_523 = vector.extract %slice3A_522[0] : i32 from vector<1xi32>
          %add3A_524 = arith.addi %add3A_507, %squeeze3A_523 : i32
          scf.yield %add3A_524 : i32
        }
        scf.yield %while3A_377 : i32
      }
      %while3A_301 = arith.constant 1 : i32
      %while3A_302 = scf.for %while3A_350 = %while3A_298 to %while3A_294 step %while3A_301 iter_args(%while3A_351 = %while3A_300) -> (i32)  : i32 {
        %mul3A_352 = arith.constant 16 : i32
        %mul3A_353 = arith.muli %while3A_350, %mul3A_352 : i32
        %get3A_354 = arith.index_cast %mul3A_353 : i32 to index
        %get3A_355 = tpu.vector_load %arg8[%get3A_354] {strides = array<i32>} : memref<144xi32, #tpu.memory_space<vmem>>, vector<16xi32>,
        %dma_start3A_356 = arith.constant 0 : i32
        %dma_start3A_357 = arith.constant 0 : i32
        %dma_start3A_358 = tpu.memref_slice %arg2[%dma_start3A_356, %dma_start3A_357] : memref<262144x128xf32, #tpu.memory_space<hbm>> -> memref<262144x128xf32, #tpu.memory_space<hbm>>
        tpu.enqueue_indirect_dma source(%dma_start3A_358 : memref<262144x128xf32, #tpu.memory_space<hbm>>) target(%arg10 : memref<16x128xf32, #tpu.memory_space<vmem>>) offsets(%get3A_355 : vector<16xi32>) semaphore(%arg16 : memref<!tpu.dma_semaphore, #tpu.memory_space<semaphore_mem>>)
        %dma_wait3A_359 = arith.constant 0 : i32
        %dma_wait3A_360 = arith.constant 0 : i32
        %dma_wait3A_361 = tpu.memref_slice %arg2[%dma_wait3A_359, %dma_wait3A_360] : memref<262144x128xf32, #tpu.memory_space<hbm>> -> memref<262144x128xf32, #tpu.memory_space<hbm>>
        tpu.wait_indirect_dma semaphore(%arg16 : memref<!tpu.dma_semaphore, #tpu.memory_space<semaphore_mem>>) src(%dma_wait3A_361 : memref<262144x128xf32, #tpu.memory_space<hbm>>) dst(%arg10 : memref<16x128xf32, #tpu.memory_space<vmem>>)
        %mul3A_362 = arith.constant 16 : i32
        %mul3A_363 = arith.muli %while3A_350, %mul3A_362 : i32
        %sub3A_364 = arith.subi %add3A_273, %mul3A_363 : i32
        %min3A_365 = arith.constant 16 : i32
        %min3A_366 = arith.minsi %min3A_365, %sub3A_364 : i32
        %while3A_367 = arith.constant 0 : i32
        %while3A_368 = arith.subi %min3A_366, %while3A_367 : i32
        %while3A_369 = arith.addi %while3A_367, %while3A_368 : i32
        %while3A_370 = arith.constant 1 : i32
        %while3A_371 = arith.divsi %while3A_368, %while3A_370 : i32
        %while3A_372 = arith.muli %while3A_371, %while3A_370 : i32
        %while3A_373 = arith.addi %while3A_367, %while3A_372 : i32
        %while3A_374 = arith.constant 1 : i32
        %while3A_375 = scf.for %while3A_378 = %while3A_367 to %while3A_373 step %while3A_374 iter_args(%while3A_379 = %while3A_351) -> (i32)  : i32 {
          %mul3A_380 = arith.constant 16 : i32
          %mul3A_381 = arith.muli %while3A_350, %mul3A_380 : i32
          %add3A_382 = arith.addi %mul3A_381, %while3A_378 : i32
          %get3A_383 = arith.index_cast %add3A_382 : i32 to index
          %get3A_384 = tpu.vector_load %arg9[%get3A_383] {strides = array<i32>} : memref<144xi32, #tpu.memory_space<vmem>>, vector<16xi32>,
          %slice3A_385 = vector.extract_strided_slice %get3A_384 {offsets = [0], sizes = [1], strides = [1]} : vector<16xi32> to vector<1xi32>
          %squeeze3A_386 = vector.extract %slice3A_385[0] : i32 from vector<1xi32>
          %mul3A_387 = arith.constant 128 : i32
          %mul3A_388 = arith.muli %squeeze3A_386, %mul3A_387 : i32
          %get3A_389 = arith.index_cast %while3A_378 : i32 to index
          %get3A_390 = arith.constant 0 : index
          %get3A_391 = tpu.vector_load %arg10[%get3A_389, %get3A_390] {strides = array<i32>} : memref<16x128xf32, #tpu.memory_space<vmem>>, vector<16xf32>,
          %le3A_392 = vector.broadcast %squeeze3A : f32 to vector<16xf32>
          %le3A_393 = arith.cmpf ole, %get3A_391, %le3A_392 : vector<16xf32>
          %swap3A_394 = arith.index_cast %while3A_379 : i32 to index
          %swap3A_395 = tpu.vector_load %arg11[%swap3A_394] masked %le3A_393 {strides = array<i32>} : memref<16416xf32, #tpu.memory_space<vmem>>, vector<16xf32>, vector<16xi1>
          tpu.vector_store %arg11[%swap3A_394], %get3A_391 masked %le3A_393 {strides = array<i32>} : memref<16416xf32, #tpu.memory_space<vmem>>, vector<16xf32>, vector<16xi1>
          %add3A_396 = arith.constant 0 : i32
          %add3A_397 = arith.addi %mul3A_388, %add3A_396 : i32
          %add3A_398 = vector.broadcast %add3A_397 : i32 to vector<16xi32>
          %add3A_399 = arith.addi %add3A_398, %iota3A : vector<16xi32>
          %swap3A_400 = arith.index_cast %while3A_379 : i32 to index
          %swap3A_401 = tpu.vector_load %arg12[%swap3A_400] masked %le3A_393 {strides = array<i32>} : memref<16416xi32, #tpu.memory_space<vmem>>, vector<16xi32>, vector<16xi1>
          tpu.vector_store %arg12[%swap3A_400], %add3A_399 masked %le3A_393 {strides = array<i32>} : memref<16416xi32, #tpu.memory_space<vmem>>, vector<16xi32>, vector<16xi1>
          %all_reduce_population_count3A_402 = tpu.all_reduce %le3A_393 {dim = 0 : i64, kind = #tpu.reduction_kind<sum>} : vector<16xi1> -> vector<16xi32>
          %slice3A_403 = vector.extract_strided_slice %all_reduce_population_count3A_402 {offsets = [0], sizes = [1], strides = [1]} : vector<16xi32> to vector<1xi32>
          %squeeze3A_404 = vector.extract %slice3A_403[0] : i32 from vector<1xi32>
          %add3A_405 = arith.addi %while3A_379, %squeeze3A_404 : i32
          %get3A_406 = arith.index_cast %while3A_378 : i32 to index
          %get3A_407 = arith.constant 16 : index
          %get3A_408 = tpu.vector_load %arg10[%get3A_406, %get3A_407] {strides = array<i32>} : memref<16x128xf32, #tpu.memory_space<vmem>>, vector<16xf32>,
          %le3A_409 = vector.broadcast %squeeze3A : f32 to vector<16xf32>
          %le3A_410 = arith.cmpf ole, %get3A_408, %le3A_409 : vector<16xf32>
          %swap3A_411 = arith.index_cast %add3A_405 : i32 to index
          %swap3A_412 = tpu.vector_load %arg11[%swap3A_411] masked %le3A_410 {strides = array<i32>} : memref<16416xf32, #tpu.memory_space<vmem>>, vector<16xf32>, vector<16xi1>
          tpu.vector_store %arg11[%swap3A_411], %get3A_408 masked %le3A_410 {strides = array<i32>} : memref<16416xf32, #tpu.memory_space<vmem>>, vector<16xf32>, vector<16xi1>
          %add3A_413 = arith.constant 16 : i32
          %add3A_414 = arith.addi %mul3A_388, %add3A_413 : i32
          %add3A_415 = vector.broadcast %add3A_414 : i32 to vector<16xi32>
          %add3A_416 = arith.addi %add3A_415, %iota3A : vector<16xi32>
          %swap3A_417 = arith.index_cast %add3A_405 : i32 to index
          %swap3A_418 = tpu.vector_load %arg12[%swap3A_417] masked %le3A_410 {strides = array<i32>} : memref<16416xi32, #tpu.memory_space<vmem>>, vector<16xi32>, vector<16xi1>
          tpu.vector_store %arg12[%swap3A_417], %add3A_416 masked %le3A_410 {strides = array<i32>} : memref<16416xi32, #tpu.memory_space<vmem>>, vector<16xi32>, vector<16xi1>
          %all_reduce_population_count3A_419 = tpu.all_reduce %le3A_410 {dim = 0 : i64, kind = #tpu.reduction_kind<sum>} : vector<16xi1> -> vector<16xi32>
          %slice3A_420 = vector.extract_strided_slice %all_reduce_population_count3A_419 {offsets = [0], sizes = [1], strides = [1]} : vector<16xi32> to vector<1xi32>
          %squeeze3A_421 = vector.extract %slice3A_420[0] : i32 from vector<1xi32>
          %add3A_422 = arith.addi %add3A_405, %squeeze3A_421 : i32
          %get3A_423 = arith.index_cast %while3A_378 : i32 to index
          %get3A_424 = arith.constant 32 : index
          %get3A_425 = tpu.vector_load %arg10[%get3A_423, %get3A_424] {strides = array<i32>} : memref<16x128xf32, #tpu.memory_space<vmem>>, vector<16xf32>,
          %le3A_426 = vector.broadcast %squeeze3A : f32 to vector<16xf32>
          %le3A_427 = arith.cmpf ole, %get3A_425, %le3A_426 : vector<16xf32>
          %swap3A_428 = arith.index_cast %add3A_422 : i32 to index
          %swap3A_429 = tpu.vector_load %arg11[%swap3A_428] masked %le3A_427 {strides = array<i32>} : memref<16416xf32, #tpu.memory_space<vmem>>, vector<16xf32>, vector<16xi1>
          tpu.vector_store %arg11[%swap3A_428], %get3A_425 masked %le3A_427 {strides = array<i32>} : memref<16416xf32, #tpu.memory_space<vmem>>, vector<16xf32>, vector<16xi1>
          %add3A_430 = arith.constant 32 : i32
          %add3A_431 = arith.addi %mul3A_388, %add3A_430 : i32
          %add3A_432 = vector.broadcast %add3A_431 : i32 to vector<16xi32>
          %add3A_433 = arith.addi %add3A_432, %iota3A : vector<16xi32>
          %swap3A_434 = arith.index_cast %add3A_422 : i32 to index
          %swap3A_435 = tpu.vector_load %arg12[%swap3A_434] masked %le3A_427 {strides = array<i32>} : memref<16416xi32, #tpu.memory_space<vmem>>, vector<16xi32>, vector<16xi1>
          tpu.vector_store %arg12[%swap3A_434], %add3A_433 masked %le3A_427 {strides = array<i32>} : memref<16416xi32, #tpu.memory_space<vmem>>, vector<16xi32>, vector<16xi1>
          %all_reduce_population_count3A_436 = tpu.all_reduce %le3A_427 {dim = 0 : i64, kind = #tpu.reduction_kind<sum>} : vector<16xi1> -> vector<16xi32>
          %slice3A_437 = vector.extract_strided_slice %all_reduce_population_count3A_436 {offsets = [0], sizes = [1], strides = [1]} : vector<16xi32> to vector<1xi32>
          %squeeze3A_438 = vector.extract %slice3A_437[0] : i32 from vector<1xi32>
          %add3A_439 = arith.addi %add3A_422, %squeeze3A_438 : i32
          %get3A_440 = arith.index_cast %while3A_378 : i32 to index
          %get3A_441 = arith.constant 48 : index
          %get3A_442 = tpu.vector_load %arg10[%get3A_440, %get3A_441] {strides = array<i32>} : memref<16x128xf32, #tpu.memory_space<vmem>>, vector<16xf32>,
          %le3A_443 = vector.broadcast %squeeze3A : f32 to vector<16xf32>
          %le3A_444 = arith.cmpf ole, %get3A_442, %le3A_443 : vector<16xf32>
          %swap3A_445 = arith.index_cast %add3A_439 : i32 to index
          %swap3A_446 = tpu.vector_load %arg11[%swap3A_445] masked %le3A_444 {strides = array<i32>} : memref<16416xf32, #tpu.memory_space<vmem>>, vector<16xf32>, vector<16xi1>
          tpu.vector_store %arg11[%swap3A_445], %get3A_442 masked %le3A_444 {strides = array<i32>} : memref<16416xf32, #tpu.memory_space<vmem>>, vector<16xf32>, vector<16xi1>
          %add3A_447 = arith.constant 48 : i32
          %add3A_448 = arith.addi %mul3A_388, %add3A_447 : i32
          %add3A_449 = vector.broadcast %add3A_448 : i32 to vector<16xi32>
          %add3A_450 = arith.addi %add3A_449, %iota3A : vector<16xi32>
          %swap3A_451 = arith.index_cast %add3A_439 : i32 to index
          %swap3A_452 = tpu.vector_load %arg12[%swap3A_451] masked %le3A_444 {strides = array<i32>} : memref<16416xi32, #tpu.memory_space<vmem>>, vector<16xi32>, vector<16xi1>
          tpu.vector_store %arg12[%swap3A_451], %add3A_450 masked %le3A_444 {strides = array<i32>} : memref<16416xi32, #tpu.memory_space<vmem>>, vector<16xi32>, vector<16xi1>
          %all_reduce_population_count3A_453 = tpu.all_reduce %le3A_444 {dim = 0 : i64, kind = #tpu.reduction_kind<sum>} : vector<16xi1> -> vector<16xi32>
          %slice3A_454 = vector.extract_strided_slice %all_reduce_population_count3A_453 {offsets = [0], sizes = [1], strides = [1]} : vector<16xi32> to vector<1xi32>
          %squeeze3A_455 = vector.extract %slice3A_454[0] : i32 from vector<1xi32>
          %add3A_456 = arith.addi %add3A_439, %squeeze3A_455 : i32
          %get3A_457 = arith.index_cast %while3A_378 : i32 to index
          %get3A_458 = arith.constant 64 : index
          %get3A_459 = tpu.vector_load %arg10[%get3A_457, %get3A_458] {strides = array<i32>} : memref<16x128xf32, #tpu.memory_space<vmem>>, vector<16xf32>,
          %le3A_460 = vector.broadcast %squeeze3A : f32 to vector<16xf32>
          %le3A_461 = arith.cmpf ole, %get3A_459, %le3A_460 : vector<16xf32>
          %swap3A_462 = arith.index_cast %add3A_456 : i32 to index
          %swap3A_463 = tpu.vector_load %arg11[%swap3A_462] masked %le3A_461 {strides = array<i32>} : memref<16416xf32, #tpu.memory_space<vmem>>, vector<16xf32>, vector<16xi1>
          tpu.vector_store %arg11[%swap3A_462], %get3A_459 masked %le3A_461 {strides = array<i32>} : memref<16416xf32, #tpu.memory_space<vmem>>, vector<16xf32>, vector<16xi1>
          %add3A_464 = arith.constant 64 : i32
          %add3A_465 = arith.addi %mul3A_388, %add3A_464 : i32
          %add3A_466 = vector.broadcast %add3A_465 : i32 to vector<16xi32>
          %add3A_467 = arith.addi %add3A_466, %iota3A : vector<16xi32>
          %swap3A_468 = arith.index_cast %add3A_456 : i32 to index
          %swap3A_469 = tpu.vector_load %arg12[%swap3A_468] masked %le3A_461 {strides = array<i32>} : memref<16416xi32, #tpu.memory_space<vmem>>, vector<16xi32>, vector<16xi1>
          tpu.vector_store %arg12[%swap3A_468], %add3A_467 masked %le3A_461 {strides = array<i32>} : memref<16416xi32, #tpu.memory_space<vmem>>, vector<16xi32>, vector<16xi1>
          %all_reduce_population_count3A_470 = tpu.all_reduce %le3A_461 {dim = 0 : i64, kind = #tpu.reduction_kind<sum>} : vector<16xi1> -> vector<16xi32>
          %slice3A_471 = vector.extract_strided_slice %all_reduce_population_count3A_470 {offsets = [0], sizes = [1], strides = [1]} : vector<16xi32> to vector<1xi32>
          %squeeze3A_472 = vector.extract %slice3A_471[0] : i32 from vector<1xi32>
          %add3A_473 = arith.addi %add3A_456, %squeeze3A_472 : i32
          %get3A_474 = arith.index_cast %while3A_378 : i32 to index
          %get3A_475 = arith.constant 80 : index
          %get3A_476 = tpu.vector_load %arg10[%get3A_474, %get3A_475] {strides = array<i32>} : memref<16x128xf32, #tpu.memory_space<vmem>>, vector<16xf32>,
          %le3A_477 = vector.broadcast %squeeze3A : f32 to vector<16xf32>
          %le3A_478 = arith.cmpf ole, %get3A_476, %le3A_477 : vector<16xf32>
          %swap3A_479 = arith.index_cast %add3A_473 : i32 to index
          %swap3A_480 = tpu.vector_load %arg11[%swap3A_479] masked %le3A_478 {strides = array<i32>} : memref<16416xf32, #tpu.memory_space<vmem>>, vector<16xf32>, vector<16xi1>
          tpu.vector_store %arg11[%swap3A_479], %get3A_476 masked %le3A_478 {strides = array<i32>} : memref<16416xf32, #tpu.memory_space<vmem>>, vector<16xf32>, vector<16xi1>
          %add3A_481 = arith.constant 80 : i32
          %add3A_482 = arith.addi %mul3A_388, %add3A_481 : i32
          %add3A_483 = vector.broadcast %add3A_482 : i32 to vector<16xi32>
          %add3A_484 = arith.addi %add3A_483, %iota3A : vector<16xi32>
          %swap3A_485 = arith.index_cast %add3A_473 : i32 to index
          %swap3A_486 = tpu.vector_load %arg12[%swap3A_485] masked %le3A_478 {strides = array<i32>} : memref<16416xi32, #tpu.memory_space<vmem>>, vector<16xi32>, vector<16xi1>
          tpu.vector_store %arg12[%swap3A_485], %add3A_484 masked %le3A_478 {strides = array<i32>} : memref<16416xi32, #tpu.memory_space<vmem>>, vector<16xi32>, vector<16xi1>
          %all_reduce_population_count3A_487 = tpu.all_reduce %le3A_478 {dim = 0 : i64, kind = #tpu.reduction_kind<sum>} : vector<16xi1> -> vector<16xi32>
          %slice3A_488 = vector.extract_strided_slice %all_reduce_population_count3A_487 {offsets = [0], sizes = [1], strides = [1]} : vector<16xi32> to vector<1xi32>
          %squeeze3A_489 = vector.extract %slice3A_488[0] : i32 from vector<1xi32>
          %add3A_490 = arith.addi %add3A_473, %squeeze3A_489 : i32
          %get3A_491 = arith.index_cast %while3A_378 : i32 to index
          %get3A_492 = arith.constant 96 : index
          %get3A_493 = tpu.vector_load %arg10[%get3A_491, %get3A_492] {strides = array<i32>} : memref<16x128xf32, #tpu.memory_space<vmem>>, vector<16xf32>,
          %le3A_494 = vector.broadcast %squeeze3A : f32 to vector<16xf32>
          %le3A_495 = arith.cmpf ole, %get3A_493, %le3A_494 : vector<16xf32>
          %swap3A_496 = arith.index_cast %add3A_490 : i32 to index
          %swap3A_497 = tpu.vector_load %arg11[%swap3A_496] masked %le3A_495 {strides = array<i32>} : memref<16416xf32, #tpu.memory_space<vmem>>, vector<16xf32>, vector<16xi1>
          tpu.vector_store %arg11[%swap3A_496], %get3A_493 masked %le3A_495 {strides = array<i32>} : memref<16416xf32, #tpu.memory_space<vmem>>, vector<16xf32>, vector<16xi1>
          %add3A_498 = arith.constant 96 : i32
          %add3A_499 = arith.addi %mul3A_388, %add3A_498 : i32
          %add3A_500 = vector.broadcast %add3A_499 : i32 to vector<16xi32>
          %add3A_501 = arith.addi %add3A_500, %iota3A : vector<16xi32>
          %swap3A_502 = arith.index_cast %add3A_490 : i32 to index
          %swap3A_503 = tpu.vector_load %arg12[%swap3A_502] masked %le3A_495 {strides = array<i32>} : memref<16416xi32, #tpu.memory_space<vmem>>, vector<16xi32>, vector<16xi1>
          tpu.vector_store %arg12[%swap3A_502], %add3A_501 masked %le3A_495 {strides = array<i32>} : memref<16416xi32, #tpu.memory_space<vmem>>, vector<16xi32>, vector<16xi1>
          %all_reduce_population_count3A_504 = tpu.all_reduce %le3A_495 {dim = 0 : i64, kind = #tpu.reduction_kind<sum>} : vector<16xi1> -> vector<16xi32>
          %slice3A_505 = vector.extract_strided_slice %all_reduce_population_count3A_504 {offsets = [0], sizes = [1], strides = [1]} : vector<16xi32> to vector<1xi32>
          %squeeze3A_506 = vector.extract %slice3A_505[0] : i32 from vector<1xi32>
          %add3A_507 = arith.addi %add3A_490, %squeeze3A_506 : i32
          %get3A_508 = arith.index_cast %while3A_378 : i32 to index
          %get3A_509 = arith.constant 112 : index
          %get3A_510 = tpu.vector_load %arg10[%get3A_508, %get3A_509] {strides = array<i32>} : memref<16x128xf32, #tpu.memory_space<vmem>>, vector<16xf32>,
          %le3A_511 = vector.broadcast %squeeze3A : f32 to vector<16xf32>
          %le3A_512 = arith.cmpf ole, %get3A_510, %le3A_511 : vector<16xf32>
          %swap3A_513 = arith.index_cast %add3A_507 : i32 to index
          %swap3A_514 = tpu.vector_load %arg11[%swap3A_513] masked %le3A_512 {strides = array<i32>} : memref<16416xf32, #tpu.memory_space<vmem>>, vector<16xf32>, vector<16xi1>
          tpu.vector_store %arg11[%swap3A_513], %get3A_510 masked %le3A_512 {strides = array<i32>} : memref<16416xf32, #tpu.memory_space<vmem>>, vector<16xf32>, vector<16xi1>
          %add3A_515 = arith.constant 112 : i32
          %add3A_516 = arith.addi %mul3A_388, %add3A_515 : i32
          %add3A_517 = vector.broadcast %add3A_516 : i32 to vector<16xi32>
          %add3A_518 = arith.addi %add3A_517, %iota3A : vector<16xi32>
          %swap3A_519 = arith.index_cast %add3A_507 : i32 to index
          %swap3A_520 = tpu.vector_load %arg12[%swap3A_519] masked %le3A_512 {strides = array<i32>} : memref<16416xi32, #tpu.memory_space<vmem>>, vector<16xi32>, vector<16xi1>
          tpu.vector_store %arg12[%swap3A_519], %add3A_518 masked %le3A_512 {strides = array<i32>} : memref<16416xi32, #tpu.memory_space<vmem>>, vector<16xi32>, vector<16xi1>
          %all_reduce_population_count3A_521 = tpu.all_reduce %le3A_512 {dim = 0 : i64, kind = #tpu.reduction_kind<sum>} : vector<16xi1> -> vector<16xi32>
          %slice3A_522 = vector.extract_strided_slice %all_reduce_population_count3A_521 {offsets = [0], sizes = [1], strides = [1]} : vector<16xi32> to vector<1xi32>
          %squeeze3A_523 = vector.extract %slice3A_522[0] : i32 from vector<1xi32>
          %add3A_524 = arith.addi %add3A_507, %squeeze3A_523 : i32
          scf.yield %add3A_524 : i32
        }
        %while3A_376 = arith.constant 1 : i32
        %while3A_377 = scf.for %while3A_378 = %while3A_373 to %while3A_369 step %while3A_376 iter_args(%while3A_379 = %while3A_375) -> (i32)  : i32 {
          %mul3A_380 = arith.constant 16 : i32
          %mul3A_381 = arith.muli %while3A_350, %mul3A_380 : i32
          %add3A_382 = arith.addi %mul3A_381, %while3A_378 : i32
          %get3A_383 = arith.index_cast %add3A_382 : i32 to index
          %get3A_384 = tpu.vector_load %arg9[%get3A_383] {strides = array<i32>} : memref<144xi32, #tpu.memory_space<vmem>>, vector<16xi32>,
          %slice3A_385 = vector.extract_strided_slice %get3A_384 {offsets = [0], sizes = [1], strides = [1]} : vector<16xi32> to vector<1xi32>
          %squeeze3A_386 = vector.extract %slice3A_385[0] : i32 from vector<1xi32>
          %mul3A_387 = arith.constant 128 : i32
          %mul3A_388 = arith.muli %squeeze3A_386, %mul3A_387 : i32
          %get3A_389 = arith.index_cast %while3A_378 : i32 to index
          %get3A_390 = arith.constant 0 : index
          %get3A_391 = tpu.vector_load %arg10[%get3A_389, %get3A_390] {strides = array<i32>} : memref<16x128xf32, #tpu.memory_space<vmem>>, vector<16xf32>,
          %le3A_392 = vector.broadcast %squeeze3A : f32 to vector<16xf32>
          %le3A_393 = arith.cmpf ole, %get3A_391, %le3A_392 : vector<16xf32>
          %swap3A_394 = arith.index_cast %while3A_379 : i32 to index
          %swap3A_395 = tpu.vector_load %arg11[%swap3A_394] masked %le3A_393 {strides = array<i32>} : memref<16416xf32, #tpu.memory_space<vmem>>, vector<16xf32>, vector<16xi1>
          tpu.vector_store %arg11[%swap3A_394], %get3A_391 masked %le3A_393 {strides = array<i32>} : memref<16416xf32, #tpu.memory_space<vmem>>, vector<16xf32>, vector<16xi1>
          %add3A_396 = arith.constant 0 : i32
          %add3A_397 = arith.addi %mul3A_388, %add3A_396 : i32
          %add3A_398 = vector.broadcast %add3A_397 : i32 to vector<16xi32>
          %add3A_399 = arith.addi %add3A_398, %iota3A : vector<16xi32>
          %swap3A_400 = arith.index_cast %while3A_379 : i32 to index
          %swap3A_401 = tpu.vector_load %arg12[%swap3A_400] masked %le3A_393 {strides = array<i32>} : memref<16416xi32, #tpu.memory_space<vmem>>, vector<16xi32>, vector<16xi1>
          tpu.vector_store %arg12[%swap3A_400], %add3A_399 masked %le3A_393 {strides = array<i32>} : memref<16416xi32, #tpu.memory_space<vmem>>, vector<16xi32>, vector<16xi1>
          %all_reduce_population_count3A_402 = tpu.all_reduce %le3A_393 {dim = 0 : i64, kind = #tpu.reduction_kind<sum>} : vector<16xi1> -> vector<16xi32>
          %slice3A_403 = vector.extract_strided_slice %all_reduce_population_count3A_402 {offsets = [0], sizes = [1], strides = [1]} : vector<16xi32> to vector<1xi32>
          %squeeze3A_404 = vector.extract %slice3A_403[0] : i32 from vector<1xi32>
          %add3A_405 = arith.addi %while3A_379, %squeeze3A_404 : i32
          %get3A_406 = arith.index_cast %while3A_378 : i32 to index
          %get3A_407 = arith.constant 16 : index
          %get3A_408 = tpu.vector_load %arg10[%get3A_406, %get3A_407] {strides = array<i32>} : memref<16x128xf32, #tpu.memory_space<vmem>>, vector<16xf32>,
          %le3A_409 = vector.broadcast %squeeze3A : f32 to vector<16xf32>
          %le3A_410 = arith.cmpf ole, %get3A_408, %le3A_409 : vector<16xf32>
          %swap3A_411 = arith.index_cast %add3A_405 : i32 to index
          %swap3A_412 = tpu.vector_load %arg11[%swap3A_411] masked %le3A_410 {strides = array<i32>} : memref<16416xf32, #tpu.memory_space<vmem>>, vector<16xf32>, vector<16xi1>
          tpu.vector_store %arg11[%swap3A_411], %get3A_408 masked %le3A_410 {strides = array<i32>} : memref<16416xf32, #tpu.memory_space<vmem>>, vector<16xf32>, vector<16xi1>
          %add3A_413 = arith.constant 16 : i32
          %add3A_414 = arith.addi %mul3A_388, %add3A_413 : i32
          %add3A_415 = vector.broadcast %add3A_414 : i32 to vector<16xi32>
          %add3A_416 = arith.addi %add3A_415, %iota3A : vector<16xi32>
          %swap3A_417 = arith.index_cast %add3A_405 : i32 to index
          %swap3A_418 = tpu.vector_load %arg12[%swap3A_417] masked %le3A_410 {strides = array<i32>} : memref<16416xi32, #tpu.memory_space<vmem>>, vector<16xi32>, vector<16xi1>
          tpu.vector_store %arg12[%swap3A_417], %add3A_416 masked %le3A_410 {strides = array<i32>} : memref<16416xi32, #tpu.memory_space<vmem>>, vector<16xi32>, vector<16xi1>
          %all_reduce_population_count3A_419 = tpu.all_reduce %le3A_410 {dim = 0 : i64, kind = #tpu.reduction_kind<sum>} : vector<16xi1> -> vector<16xi32>
          %slice3A_420 = vector.extract_strided_slice %all_reduce_population_count3A_419 {offsets = [0], sizes = [1], strides = [1]} : vector<16xi32> to vector<1xi32>
          %squeeze3A_421 = vector.extract %slice3A_420[0] : i32 from vector<1xi32>
          %add3A_422 = arith.addi %add3A_405, %squeeze3A_421 : i32
          %get3A_423 = arith.index_cast %while3A_378 : i32 to index
          %get3A_424 = arith.constant 32 : index
          %get3A_425 = tpu.vector_load %arg10[%get3A_423, %get3A_424] {strides = array<i32>} : memref<16x128xf32, #tpu.memory_space<vmem>>, vector<16xf32>,
          %le3A_426 = vector.broadcast %squeeze3A : f32 to vector<16xf32>
          %le3A_427 = arith.cmpf ole, %get3A_425, %le3A_426 : vector<16xf32>
          %swap3A_428 = arith.index_cast %add3A_422 : i32 to index
          %swap3A_429 = tpu.vector_load %arg11[%swap3A_428] masked %le3A_427 {strides = array<i32>} : memref<16416xf32, #tpu.memory_space<vmem>>, vector<16xf32>, vector<16xi1>
          tpu.vector_store %arg11[%swap3A_428], %get3A_425 masked %le3A_427 {strides = array<i32>} : memref<16416xf32, #tpu.memory_space<vmem>>, vector<16xf32>, vector<16xi1>
          %add3A_430 = arith.constant 32 : i32
          %add3A_431 = arith.addi %mul3A_388, %add3A_430 : i32
          %add3A_432 = vector.broadcast %add3A_431 : i32 to vector<16xi32>
          %add3A_433 = arith.addi %add3A_432, %iota3A : vector<16xi32>
          %swap3A_434 = arith.index_cast %add3A_422 : i32 to index
          %swap3A_435 = tpu.vector_load %arg12[%swap3A_434] masked %le3A_427 {strides = array<i32>} : memref<16416xi32, #tpu.memory_space<vmem>>, vector<16xi32>, vector<16xi1>
          tpu.vector_store %arg12[%swap3A_434], %add3A_433 masked %le3A_427 {strides = array<i32>} : memref<16416xi32, #tpu.memory_space<vmem>>, vector<16xi32>, vector<16xi1>
          %all_reduce_population_count3A_436 = tpu.all_reduce %le3A_427 {dim = 0 : i64, kind = #tpu.reduction_kind<sum>} : vector<16xi1> -> vector<16xi32>
          %slice3A_437 = vector.extract_strided_slice %all_reduce_population_count3A_436 {offsets = [0], sizes = [1], strides = [1]} : vector<16xi32> to vector<1xi32>
          %squeeze3A_438 = vector.extract %slice3A_437[0] : i32 from vector<1xi32>
          %add3A_439 = arith.addi %add3A_422, %squeeze3A_438 : i32
          %get3A_440 = arith.index_cast %while3A_378 : i32 to index
          %get3A_441 = arith.constant 48 : index
          %get3A_442 = tpu.vector_load %arg10[%get3A_440, %get3A_441] {strides = array<i32>} : memref<16x128xf32, #tpu.memory_space<vmem>>, vector<16xf32>,
          %le3A_443 = vector.broadcast %squeeze3A : f32 to vector<16xf32>
          %le3A_444 = arith.cmpf ole, %get3A_442, %le3A_443 : vector<16xf32>
          %swap3A_445 = arith.index_cast %add3A_439 : i32 to index
          %swap3A_446 = tpu.vector_load %arg11[%swap3A_445] masked %le3A_444 {strides = array<i32>} : memref<16416xf32, #tpu.memory_space<vmem>>, vector<16xf32>, vector<16xi1>
          tpu.vector_store %arg11[%swap3A_445], %get3A_442 masked %le3A_444 {strides = array<i32>} : memref<16416xf32, #tpu.memory_space<vmem>>, vector<16xf32>, vector<16xi1>
          %add3A_447 = arith.constant 48 : i32
          %add3A_448 = arith.addi %mul3A_388, %add3A_447 : i32
          %add3A_449 = vector.broadcast %add3A_448 : i32 to vector<16xi32>
          %add3A_450 = arith.addi %add3A_449, %iota3A : vector<16xi32>
          %swap3A_451 = arith.index_cast %add3A_439 : i32 to index
          %swap3A_452 = tpu.vector_load %arg12[%swap3A_451] masked %le3A_444 {strides = array<i32>} : memref<16416xi32, #tpu.memory_space<vmem>>, vector<16xi32>, vector<16xi1>
          tpu.vector_store %arg12[%swap3A_451], %add3A_450 masked %le3A_444 {strides = array<i32>} : memref<16416xi32, #tpu.memory_space<vmem>>, vector<16xi32>, vector<16xi1>
          %all_reduce_population_count3A_453 = tpu.all_reduce %le3A_444 {dim = 0 : i64, kind = #tpu.reduction_kind<sum>} : vector<16xi1> -> vector<16xi32>
          %slice3A_454 = vector.extract_strided_slice %all_reduce_population_count3A_453 {offsets = [0], sizes = [1], strides = [1]} : vector<16xi32> to vector<1xi32>
          %squeeze3A_455 = vector.extract %slice3A_454[0] : i32 from vector<1xi32>
          %add3A_456 = arith.addi %add3A_439, %squeeze3A_455 : i32
          %get3A_457 = arith.index_cast %while3A_378 : i32 to index
          %get3A_458 = arith.constant 64 : index
          %get3A_459 = tpu.vector_load %arg10[%get3A_457, %get3A_458] {strides = array<i32>} : memref<16x128xf32, #tpu.memory_space<vmem>>, vector<16xf32>,
          %le3A_460 = vector.broadcast %squeeze3A : f32 to vector<16xf32>
          %le3A_461 = arith.cmpf ole, %get3A_459, %le3A_460 : vector<16xf32>
          %swap3A_462 = arith.index_cast %add3A_456 : i32 to index
          %swap3A_463 = tpu.vector_load %arg11[%swap3A_462] masked %le3A_461 {strides = array<i32>} : memref<16416xf32, #tpu.memory_space<vmem>>, vector<16xf32>, vector<16xi1>
          tpu.vector_store %arg11[%swap3A_462], %get3A_459 masked %le3A_461 {strides = array<i32>} : memref<16416xf32, #tpu.memory_space<vmem>>, vector<16xf32>, vector<16xi1>
          %add3A_464 = arith.constant 64 : i32
          %add3A_465 = arith.addi %mul3A_388, %add3A_464 : i32
          %add3A_466 = vector.broadcast %add3A_465 : i32 to vector<16xi32>
          %add3A_467 = arith.addi %add3A_466, %iota3A : vector<16xi32>
          %swap3A_468 = arith.index_cast %add3A_456 : i32 to index
          %swap3A_469 = tpu.vector_load %arg12[%swap3A_468] masked %le3A_461 {strides = array<i32>} : memref<16416xi32, #tpu.memory_space<vmem>>, vector<16xi32>, vector<16xi1>
          tpu.vector_store %arg12[%swap3A_468], %add3A_467 masked %le3A_461 {strides = array<i32>} : memref<16416xi32, #tpu.memory_space<vmem>>, vector<16xi32>, vector<16xi1>
          %all_reduce_population_count3A_470 = tpu.all_reduce %le3A_461 {dim = 0 : i64, kind = #tpu.reduction_kind<sum>} : vector<16xi1> -> vector<16xi32>
          %slice3A_471 = vector.extract_strided_slice %all_reduce_population_count3A_470 {offsets = [0], sizes = [1], strides = [1]} : vector<16xi32> to vector<1xi32>
          %squeeze3A_472 = vector.extract %slice3A_471[0] : i32 from vector<1xi32>
          %add3A_473 = arith.addi %add3A_456, %squeeze3A_472 : i32
          %get3A_474 = arith.index_cast %while3A_378 : i32 to index
          %get3A_475 = arith.constant 80 : index
          %get3A_476 = tpu.vector_load %arg10[%get3A_474, %get3A_475] {strides = array<i32>} : memref<16x128xf32, #tpu.memory_space<vmem>>, vector<16xf32>,
          %le3A_477 = vector.broadcast %squeeze3A : f32 to vector<16xf32>
          %le3A_478 = arith.cmpf ole, %get3A_476, %le3A_477 : vector<16xf32>
          %swap3A_479 = arith.index_cast %add3A_473 : i32 to index
          %swap3A_480 = tpu.vector_load %arg11[%swap3A_479] masked %le3A_478 {strides = array<i32>} : memref<16416xf32, #tpu.memory_space<vmem>>, vector<16xf32>, vector<16xi1>
          tpu.vector_store %arg11[%swap3A_479], %get3A_476 masked %le3A_478 {strides = array<i32>} : memref<16416xf32, #tpu.memory_space<vmem>>, vector<16xf32>, vector<16xi1>
          %add3A_481 = arith.constant 80 : i32
          %add3A_482 = arith.addi %mul3A_388, %add3A_481 : i32
          %add3A_483 = vector.broadcast %add3A_482 : i32 to vector<16xi32>
          %add3A_484 = arith.addi %add3A_483, %iota3A : vector<16xi32>
          %swap3A_485 = arith.index_cast %add3A_473 : i32 to index
          %swap3A_486 = tpu.vector_load %arg12[%swap3A_485] masked %le3A_478 {strides = array<i32>} : memref<16416xi32, #tpu.memory_space<vmem>>, vector<16xi32>, vector<16xi1>
          tpu.vector_store %arg12[%swap3A_485], %add3A_484 masked %le3A_478 {strides = array<i32>} : memref<16416xi32, #tpu.memory_space<vmem>>, vector<16xi32>, vector<16xi1>
          %all_reduce_population_count3A_487 = tpu.all_reduce %le3A_478 {dim = 0 : i64, kind = #tpu.reduction_kind<sum>} : vector<16xi1> -> vector<16xi32>
          %slice3A_488 = vector.extract_strided_slice %all_reduce_population_count3A_487 {offsets = [0], sizes = [1], strides = [1]} : vector<16xi32> to vector<1xi32>
          %squeeze3A_489 = vector.extract %slice3A_488[0] : i32 from vector<1xi32>
          %add3A_490 = arith.addi %add3A_473, %squeeze3A_489 : i32
          %get3A_491 = arith.index_cast %while3A_378 : i32 to index
          %get3A_492 = arith.constant 96 : index
          %get3A_493 = tpu.vector_load %arg10[%get3A_491, %get3A_492] {strides = array<i32>} : memref<16x128xf32, #tpu.memory_space<vmem>>, vector<16xf32>,
          %le3A_494 = vector.broadcast %squeeze3A : f32 to vector<16xf32>
          %le3A_495 = arith.cmpf ole, %get3A_493, %le3A_494 : vector<16xf32>
          %swap3A_496 = arith.index_cast %add3A_490 : i32 to index
          %swap3A_497 = tpu.vector_load %arg11[%swap3A_496] masked %le3A_495 {strides = array<i32>} : memref<16416xf32, #tpu.memory_space<vmem>>, vector<16xf32>, vector<16xi1>
          tpu.vector_store %arg11[%swap3A_496], %get3A_493 masked %le3A_495 {strides = array<i32>} : memref<16416xf32, #tpu.memory_space<vmem>>, vector<16xf32>, vector<16xi1>
          %add3A_498 = arith.constant 96 : i32
          %add3A_499 = arith.addi %mul3A_388, %add3A_498 : i32
          %add3A_500 = vector.broadcast %add3A_499 : i32 to vector<16xi32>
          %add3A_501 = arith.addi %add3A_500, %iota3A : vector<16xi32>
          %swap3A_502 = arith.index_cast %add3A_490 : i32 to index
          %swap3A_503 = tpu.vector_load %arg12[%swap3A_502] masked %le3A_495 {strides = array<i32>} : memref<16416xi32, #tpu.memory_space<vmem>>, vector<16xi32>, vector<16xi1>
          tpu.vector_store %arg12[%swap3A_502], %add3A_501 masked %le3A_495 {strides = array<i32>} : memref<16416xi32, #tpu.memory_space<vmem>>, vector<16xi32>, vector<16xi1>
          %all_reduce_population_count3A_504 = tpu.all_reduce %le3A_495 {dim = 0 : i64, kind = #tpu.reduction_kind<sum>} : vector<16xi1> -> vector<16xi32>
          %slice3A_505 = vector.extract_strided_slice %all_reduce_population_count3A_504 {offsets = [0], sizes = [1], strides = [1]} : vector<16xi32> to vector<1xi32>
          %squeeze3A_506 = vector.extract %slice3A_505[0] : i32 from vector<1xi32>
          %add3A_507 = arith.addi %add3A_490, %squeeze3A_506 : i32
          %get3A_508 = arith.index_cast %while3A_378 : i32 to index
          %get3A_509 = arith.constant 112 : index
          %get3A_510 = tpu.vector_load %arg10[%get3A_508, %get3A_509] {strides = array<i32>} : memref<16x128xf32, #tpu.memory_space<vmem>>, vector<16xf32>,
          %le3A_511 = vector.broadcast %squeeze3A : f32 to vector<16xf32>
          %le3A_512 = arith.cmpf ole, %get3A_510, %le3A_511 : vector<16xf32>
          %swap3A_513 = arith.index_cast %add3A_507 : i32 to index
          %swap3A_514 = tpu.vector_load %arg11[%swap3A_513] masked %le3A_512 {strides = array<i32>} : memref<16416xf32, #tpu.memory_space<vmem>>, vector<16xf32>, vector<16xi1>
          tpu.vector_store %arg11[%swap3A_513], %get3A_510 masked %le3A_512 {strides = array<i32>} : memref<16416xf32, #tpu.memory_space<vmem>>, vector<16xf32>, vector<16xi1>
          %add3A_515 = arith.constant 112 : i32
          %add3A_516 = arith.addi %mul3A_388, %add3A_515 : i32
          %add3A_517 = vector.broadcast %add3A_516 : i32 to vector<16xi32>
          %add3A_518 = arith.addi %add3A_517, %iota3A : vector<16xi32>
          %swap3A_519 = arith.index_cast %add3A_507 : i32 to index
          %swap3A_520 = tpu.vector_load %arg12[%swap3A_519] masked %le3A_512 {strides = array<i32>} : memref<16416xi32, #tpu.memory_space<vmem>>, vector<16xi32>, vector<16xi1>
          tpu.vector_store %arg12[%swap3A_519], %add3A_518 masked %le3A_512 {strides = array<i32>} : memref<16416xi32, #tpu.memory_space<vmem>>, vector<16xi32>, vector<16xi1>
          %all_reduce_population_count3A_521 = tpu.all_reduce %le3A_512 {dim = 0 : i64, kind = #tpu.reduction_kind<sum>} : vector<16xi1> -> vector<16xi32>
          %slice3A_522 = vector.extract_strided_slice %all_reduce_population_count3A_521 {offsets = [0], sizes = [1], strides = [1]} : vector<16xi32> to vector<1xi32>
          %squeeze3A_523 = vector.extract %slice3A_522[0] : i32 from vector<1xi32>
          %add3A_524 = arith.addi %add3A_507, %squeeze3A_523 : i32
          scf.yield %add3A_524 : i32
        }
        scf.yield %while3A_377 : i32
      }
      %add3A_303 = arith.constant 15 : i32
      %add3A_304 = arith.addi %while3A_302, %add3A_303 : i32
      %jit3A_305 = arith.constant 16 : i32
      %div3A_306 = arith.divsi %add3A_304, %jit3A_305 : i32
      %sign3A_307 = arith.constant 0 : i32
      %sign3A_308 = arith.cmpi sgt, %add3A_304, %sign3A_307 : i32
      %sign3A_309 = arith.extui %sign3A_308 : i1 to i32
      %sign3A_310 = arith.constant 0 : i32
      %sign3A_311 = arith.cmpi slt, %add3A_304, %sign3A_310 : i32
      %sign3A_312 = arith.extui %sign3A_311 : i1 to i32
      %sign3A_313 = arith.subi %sign3A_309, %sign3A_312 : i32
      %sign3A_314 = arith.constant 0 : i32
      %sign3A_315 = arith.cmpi sgt, %jit3A_305, %sign3A_314 : i32
      %sign3A_316 = arith.extui %sign3A_315 : i1 to i32
      %sign3A_317 = arith.constant 0 : i32
      %sign3A_318 = arith.cmpi slt, %jit3A_305, %sign3A_317 : i32
      %sign3A_319 = arith.extui %sign3A_318 : i1 to i32
      %sign3A_320 = arith.subi %sign3A_316, %sign3A_319 : i32
      %ne3A_321 = arith.cmpi ne, %sign3A_313, %sign3A_320 : i32
      %rem3A_322 = arith.remsi %add3A_304, %jit3A_305 : i32
      %ne3A_323 = arith.constant 0 : i32
      %ne3A_324 = arith.cmpi ne, %rem3A_322, %ne3A_323 : i32
      %and3A_325 = arith.andi %ne3A_321, %ne3A_324 : i1
      %sub3A_326 = arith.constant 1 : i32
      %sub3A_327 = arith.subi %div3A_306, %sub3A_326 : i32
      %select_n3A_328 = arith.select %and3A_325, %sub3A_327, %div3A_306 : i32
      %broadcast_in_dim3A_329 = arith.constant 0x7F800000 : f32
      %broadcast_in_dim3A_330 = vector.broadcast %broadcast_in_dim3A_329 : f32 to vector<16xf32>
      %swap3A_331 = arith.index_cast %while3A_302 : i32 to index
      %swap3A_332 = tpu.vector_load %arg11[%swap3A_331] {strides = array<i32>} : memref<16416xf32, #tpu.memory_space<vmem>>, vector<16xf32>,
      tpu.vector_store %arg11[%swap3A_331], %broadcast_in_dim3A_330 {strides = array<i32>} : memref<16416xf32, #tpu.memory_space<vmem>>, vector<16xf32>,
      %broadcast_in_dim3A_333 = arith.constant 0x7F800000 : f32
      %broadcast_in_dim3A_334 = vector.broadcast %broadcast_in_dim3A_333 : f32 to vector<16xf32>
      %broadcast_in_dim3A_335 = arith.constant 0 : i32
      %broadcast_in_dim3A_336 = vector.broadcast %broadcast_in_dim3A_335 : i32 to vector<16xi32>
      %scan3A_337 = arith.constant 0 : i32
      %scan3A_338 = arith.constant 8 : i32
      %scan3A_339 = arith.addi %scan3A_337, %scan3A_338 : i32
      %scan3A_340 = arith.constant 1 : i32
      %scan3A_341:2 = scf.for %scan3A_350 = %scan3A_337 to %scan3A_339 step %scan3A_340 iter_args(%scan3A_351 = %broadcast_in_dim3A_334, %scan3A_352 = %broadcast_in_dim3A_336) -> (vector<16xf32>, vector<16xi32>)  : i32 {
        %broadcast_in_dim3A_353 = arith.constant 0x7F800000 : f32
        %broadcast_in_dim3A_354 = vector.broadcast %broadcast_in_dim3A_353 : f32 to vector<16xf32>
        %while3A_355 = arith.constant 0 : i32
        %while3A_356 = arith.subi %select_n3A_328, %while3A_355 : i32
        %while3A_357 = arith.addi %while3A_355, %while3A_356 : i32
        %while3A_358 = arith.constant 1 : i32
        %while3A_359 = arith.divsi %while3A_356, %while3A_358 : i32
        %while3A_360 = arith.muli %while3A_359, %while3A_358 : i32
        %while3A_361 = arith.addi %while3A_355, %while3A_360 : i32
        %while3A_362 = arith.constant 1 : i32
        %while3A_363 = scf.for %while3A_401 = %while3A_355 to %while3A_361 step %while3A_362 iter_args(%while3A_402 = %broadcast_in_dim3A_354) -> (vector<16xf32>)  : i32 {
          %mul3A_403 = arith.constant 16 : i32
          %mul3A_404 = arith.muli %while3A_401, %mul3A_403 : i32
          %get3A_405 = arith.index_cast %mul3A_404 : i32 to index
          %get3A_406 = tpu.vector_load %arg11[%get3A_405] {strides = array<i32>} : memref<16416xf32, #tpu.memory_space<vmem>>, vector<16xf32>,
          %min3A_407 = arith.minimumf %while3A_402, %get3A_406 : vector<16xf32>
          scf.yield %min3A_407 : vector<16xf32>
        }
        %while3A_364 = arith.constant 1 : i32
        %while3A_365 = scf.for %while3A_401 = %while3A_361 to %while3A_357 step %while3A_364 iter_args(%while3A_402 = %while3A_363) -> (vector<16xf32>)  : i32 {
          %mul3A_403 = arith.constant 16 : i32
          %mul3A_404 = arith.muli %while3A_401, %mul3A_403 : i32
          %get3A_405 = arith.index_cast %mul3A_404 : i32 to index
          %get3A_406 = tpu.vector_load %arg11[%get3A_405] {strides = array<i32>} : memref<16416xf32, #tpu.memory_space<vmem>>, vector<16xf32>,
          %min3A_407 = arith.minimumf %while3A_402, %get3A_406 : vector<16xf32>
          scf.yield %min3A_407 : vector<16xf32>
        }
        %reduce_min3A = arith.constant true
        %reduce_min3A_366 = vector.broadcast %reduce_min3A : i1 to vector<16xi1>
        %reduce_min3A_367 = tpu.scan <min>, %while3A_365 masked %reduce_min3A_366 : vector<16xf32>, vector<16xi1> -> vector<16xf32>
        %reduce_min3A_368 = vector.extract %reduce_min3A_367[15] : f32 from vector<16xf32>
        %while3A_369 = arith.constant 0 : i32
        %while3A_370 = arith.constant -1 : i32
        %while3A_371 = arith.subi %select_n3A_328, %while3A_369 : i32
        %while3A_372 = arith.addi %while3A_369, %while3A_371 : i32
        %while3A_373 = arith.constant 1 : i32
        %while3A_374 = arith.divsi %while3A_371, %while3A_373 : i32
        %while3A_375 = arith.muli %while3A_374, %while3A_373 : i32
        %while3A_376 = arith.addi %while3A_369, %while3A_375 : i32
        %while3A_377 = arith.constant 1 : i32
        %while3A_378 = scf.for %while3A_401 = %while3A_369 to %while3A_376 step %while3A_377 iter_args(%while3A_402 = %while3A_370) -> (i32)  : i32 {
          %mul3A_403 = arith.constant 16 : i32
          %mul3A_404 = arith.muli %while3A_401, %mul3A_403 : i32
          %get3A_405 = arith.index_cast %mul3A_404 : i32 to index
          %get3A_406 = tpu.vector_load %arg11[%get3A_405] {strides = array<i32>} : memref<16416xf32, #tpu.memory_space<vmem>>, vector<16xf32>,
          %eq3A_407 = vector.broadcast %reduce_min3A_368 : f32 to vector<16xf32>
          %eq3A_408 = arith.cmpf oeq, %get3A_406, %eq3A_407 : vector<16xf32>
          %all_reduce_population_count3A_409 = tpu.all_reduce %eq3A_408 {dim = 0 : i64, kind = #tpu.reduction_kind<sum>} : vector<16xi1> -> vector<16xi32>
          %slice3A_410 = vector.extract_strided_slice %all_reduce_population_count3A_409 {offsets = [0], sizes = [1], strides = [1]} : vector<16xi32> to vector<1xi32>
          %squeeze3A_411 = vector.extract %slice3A_410[0] : i32 from vector<1xi32>
          %all_reduce_ffs3A = tpu.all_reduce %eq3A_408 {dim = 0 : i64, kind = #tpu.reduction_kind<find_first_set>} : vector<16xi1> -> vector<16xi32>
          %slice3A_412 = vector.extract_strided_slice %all_reduce_ffs3A {offsets = [0], sizes = [1], strides = [1]} : vector<16xi32> to vector<1xi32>
          %squeeze3A_413 = vector.extract %slice3A_412[0] : i32 from vector<1xi32>
          %lt3A = arith.constant 0 : i32
          %lt3A_414 = arith.cmpi slt, %while3A_402, %lt3A : i32
          %gt3A = arith.constant 0 : i32
          %gt3A_415 = arith.cmpi sgt, %squeeze3A_411, %gt3A : i32
          %and3A_416 = arith.andi %lt3A_414, %gt3A_415 : i1
          %mul3A_417 = arith.constant 16 : i32
          %mul3A_418 = arith.muli %while3A_401, %mul3A_417 : i32
          %add3A_419 = arith.addi %mul3A_418, %squeeze3A_413 : i32
          %select_n3A_420 = arith.select %and3A_416, %add3A_419, %while3A_402 : i32
          scf.yield %select_n3A_420 : i32
        }
        %while3A_379 = arith.constant 1 : i32
        %while3A_380 = scf.for %while3A_401 = %while3A_376 to %while3A_372 step %while3A_379 iter_args(%while3A_402 = %while3A_378) -> (i32)  : i32 {
          %mul3A_403 = arith.constant 16 : i32
          %mul3A_404 = arith.muli %while3A_401, %mul3A_403 : i32
          %get3A_405 = arith.index_cast %mul3A_404 : i32 to index
          %get3A_406 = tpu.vector_load %arg11[%get3A_405] {strides = array<i32>} : memref<16416xf32, #tpu.memory_space<vmem>>, vector<16xf32>,
          %eq3A_407 = vector.broadcast %reduce_min3A_368 : f32 to vector<16xf32>
          %eq3A_408 = arith.cmpf oeq, %get3A_406, %eq3A_407 : vector<16xf32>
          %all_reduce_population_count3A_409 = tpu.all_reduce %eq3A_408 {dim = 0 : i64, kind = #tpu.reduction_kind<sum>} : vector<16xi1> -> vector<16xi32>
          %slice3A_410 = vector.extract_strided_slice %all_reduce_population_count3A_409 {offsets = [0], sizes = [1], strides = [1]} : vector<16xi32> to vector<1xi32>
          %squeeze3A_411 = vector.extract %slice3A_410[0] : i32 from vector<1xi32>
          %all_reduce_ffs3A = tpu.all_reduce %eq3A_408 {dim = 0 : i64, kind = #tpu.reduction_kind<find_first_set>} : vector<16xi1> -> vector<16xi32>
          %slice3A_412 = vector.extract_strided_slice %all_reduce_ffs3A {offsets = [0], sizes = [1], strides = [1]} : vector<16xi32> to vector<1xi32>
          %squeeze3A_413 = vector.extract %slice3A_412[0] : i32 from vector<1xi32>
          %lt3A = arith.constant 0 : i32
          %lt3A_414 = arith.cmpi slt, %while3A_402, %lt3A : i32
          %gt3A = arith.constant 0 : i32
          %gt3A_415 = arith.cmpi sgt, %squeeze3A_411, %gt3A : i32
          %and3A_416 = arith.andi %lt3A_414, %gt3A_415 : i1
          %mul3A_417 = arith.constant 16 : i32
          %mul3A_418 = arith.muli %while3A_401, %mul3A_417 : i32
          %add3A_419 = arith.addi %mul3A_418, %squeeze3A_413 : i32
          %select_n3A_420 = arith.select %and3A_416, %add3A_419, %while3A_402 : i32
          scf.yield %select_n3A_420 : i32
        }
        %get3A_381 = arith.index_cast %while3A_380 : i32 to index
        %get3A_382 = tpu.vector_load %arg12[%get3A_381] {strides = array<i32>} : memref<16416xi32, #tpu.memory_space<vmem>>, vector<16xi32>,
        %slice3A_383 = vector.extract_strided_slice %get3A_382 {offsets = [0], sizes = [1], strides = [1]} : vector<16xi32> to vector<1xi32>
        %squeeze3A_384 = vector.extract %slice3A_383[0] : i32 from vector<1xi32>
        %get3A_385 = arith.index_cast %while3A_380 : i32 to index
        %get3A_386 = tpu.vector_load %arg11[%get3A_385] {strides = array<i32>} : memref<16416xf32, #tpu.memory_space<vmem>>, vector<16xf32>,
        %eq3A = arith.constant 0 : i32
        %eq3A_387 = vector.broadcast %eq3A : i32 to vector<16xi32>
        %eq3A_388 = arith.cmpi eq, %iota3A, %eq3A_387 : vector<16xi32>
        %broadcast_in_dim3A_389 = vector.broadcast %scan3A : f32 to vector<16xf32>
        %select_n3A_390 = arith.select %eq3A_388, %broadcast_in_dim3A_389, %get3A_386 : vector<16xi1>, vector<16xf32>
        %swap3A_391 = arith.index_cast %while3A_380 : i32 to index
        %swap3A_392 = tpu.vector_load %arg11[%swap3A_391] {strides = array<i32>} : memref<16416xf32, #tpu.memory_space<vmem>>, vector<16xf32>,
        tpu.vector_store %arg11[%swap3A_391], %select_n3A_390 {strides = array<i32>} : memref<16416xf32, #tpu.memory_space<vmem>>, vector<16xf32>,
        %eq3A_393 = vector.broadcast %scan3A_350 : i32 to vector<16xi32>
        %eq3A_394 = arith.cmpi eq, %iota3A, %eq3A_393 : vector<16xi32>
        %broadcast_in_dim3A_395 = vector.broadcast %reduce_min3A_368 : f32 to vector<16xf32>
        %select_n3A_396 = arith.select %eq3A_394, %broadcast_in_dim3A_395, %scan3A_351 : vector<16xi1>, vector<16xf32>
        %eq3A_397 = vector.broadcast %scan3A_350 : i32 to vector<16xi32>
        %eq3A_398 = arith.cmpi eq, %iota3A, %eq3A_397 : vector<16xi32>
        %broadcast_in_dim3A_399 = vector.broadcast %squeeze3A_384 : i32 to vector<16xi32>
        %select_n3A_400 = arith.select %eq3A_398, %broadcast_in_dim3A_399, %scan3A_352 : vector<16xi1>, vector<16xi32>
        scf.yield %select_n3A_396, %select_n3A_400 : vector<16xf32>, vector<16xi32>
      }
      %scan3A_342 = arith.constant 8 : i32
      %swap3A_343 = arith.index_cast %scan3A_102 : i32 to index
      %swap3A_344 = arith.constant 0 : index
      %swap3A_345 = tpu.vector_load %arg13[%swap3A_343, %swap3A_344] {strides = array<i32>} : memref<64x16xf32, #tpu.memory_space<vmem>>, vector<16xf32>,
      tpu.vector_store %arg13[%swap3A_343, %swap3A_344], %scan3A_341#0 {strides = array<i32>} : memref<64x16xf32, #tpu.memory_space<vmem>>, vector<16xf32>,
      %swap3A_346 = arith.index_cast %scan3A_102 : i32 to index
      %swap3A_347 = arith.constant 0 : index
      %swap3A_348 = tpu.vector_load %arg14[%swap3A_346, %swap3A_347] {strides = array<i32>} : memref<64x16xi32, #tpu.memory_space<vmem>>, vector<16xi32>,
      tpu.vector_store %arg14[%swap3A_346, %swap3A_347], %scan3A_341#1 {strides = array<i32>} : memref<64x16xi32, #tpu.memory_space<vmem>>, vector<16xi32>,
      %scan3A_349 = arith.constant 0 : i32
      scf.yield %scan3A_349 : i32
    }
    %scan3A_85 = arith.constant 64 : i32
    %dma_start3A_86 = arith.constant 0 : i32
    %dma_start3A_87 = tpu.memref_slice %arg4[%mul3A_2, %dma_start3A_86] : memref<2048x16xf32, #tpu.memory_space<hbm>> -> memref<64x16xf32, #tpu.memory_space<hbm>>
    %dma_start3A_88 = arith.constant 0 : i32
    %dma_start3A_89 = tpu.memref_slice %arg4[%mul3A_2, %dma_start3A_88] : memref<2048x16xf32, #tpu.memory_space<hbm>> -> memref<64x16xf32, #tpu.memory_space<hbm>>
    tpu.enqueue_dma source(%arg13 : memref<64x16xf32, #tpu.memory_space<vmem>>) target(%dma_start3A_89 : memref<64x16xf32, #tpu.memory_space<hbm>>) target_semaphore(%arg15 : memref<!tpu.dma_semaphore, #tpu.memory_space<semaphore_mem>>)
    %dma_wait3A_90 = arith.constant 0 : i32
    %dma_wait3A_91 = tpu.memref_slice %arg4[%mul3A_2, %dma_wait3A_90] : memref<2048x16xf32, #tpu.memory_space<hbm>> -> memref<64x16xf32, #tpu.memory_space<hbm>>
    %dma_wait3A_92 = arith.constant 0 : i32
    %dma_wait3A_93 = tpu.memref_slice %arg4[%mul3A_2, %dma_wait3A_92] : memref<2048x16xf32, #tpu.memory_space<hbm>> -> memref<64x16xf32, #tpu.memory_space<hbm>>
    tpu.wait_dma2 semaphore(%arg15 : memref<!tpu.dma_semaphore, #tpu.memory_space<semaphore_mem>>) src(%arg13 : memref<64x16xf32, #tpu.memory_space<vmem>>) dst(%dma_wait3A_93 : memref<64x16xf32, #tpu.memory_space<hbm>>)
    %dma_start3A_94 = arith.constant 0 : i32
    %dma_start3A_95 = tpu.memref_slice %arg5[%mul3A_2, %dma_start3A_94] : memref<2048x16xi32, #tpu.memory_space<hbm>> -> memref<64x16xi32, #tpu.memory_space<hbm>>
    %dma_start3A_96 = arith.constant 0 : i32
    %dma_start3A_97 = tpu.memref_slice %arg5[%mul3A_2, %dma_start3A_96] : memref<2048x16xi32, #tpu.memory_space<hbm>> -> memref<64x16xi32, #tpu.memory_space<hbm>>
    tpu.enqueue_dma source(%arg14 : memref<64x16xi32, #tpu.memory_space<vmem>>) target(%dma_start3A_97 : memref<64x16xi32, #tpu.memory_space<hbm>>) target_semaphore(%arg15 : memref<!tpu.dma_semaphore, #tpu.memory_space<semaphore_mem>>)
    %dma_wait3A_98 = arith.constant 0 : i32
    %dma_wait3A_99 = tpu.memref_slice %arg5[%mul3A_2, %dma_wait3A_98] : memref<2048x16xi32, #tpu.memory_space<hbm>> -> memref<64x16xi32, #tpu.memory_space<hbm>>
    %dma_wait3A_100 = arith.constant 0 : i32
    %dma_wait3A_101 = tpu.memref_slice %arg5[%mul3A_2, %dma_wait3A_100] : memref<2048x16xi32, #tpu.memory_space<hbm>> -> memref<64x16xi32, #tpu.memory_space<hbm>>
    tpu.wait_dma2 semaphore(%arg15 : memref<!tpu.dma_semaphore, #tpu.memory_space<semaphore_mem>>) src(%arg14 : memref<64x16xi32, #tpu.memory_space<vmem>>) dst(%dma_wait3A_101 : memref<64x16xi32, #tpu.memory_space<hbm>>)
    return
  }
}

#map = affine_map<(d0, d1) -> (0, 0)>
module attributes {stable_mosaic.version = 14 : i64} {
  func.func @_sc_topk_body(%arg0: i32, %arg1: i32, %arg2: memref<262144x128xf32, #tpu.memory_space<hbm>>, %arg3: memref<2048x128xf32, #tpu.memory_space<hbm>>, %arg4: memref<2048x16xf32, #tpu.memory_space<hbm>>, %arg5: memref<2048x16xi32, #tpu.memory_space<hbm>>, %arg6: memref<64x128xf32, #tpu.memory_space<vmem>>, %arg7: memref<128xf32, #tpu.memory_space<vmem>>, %arg8: memref<144xi32, #tpu.memory_space<vmem>>, %arg9: memref<144xi32, #tpu.memory_space<vmem>>, %arg10: memref<16x128xf32, #tpu.memory_space<vmem>>, %arg11: memref<16416xf32, #tpu.memory_space<vmem>>, %arg12: memref<16416xi32, #tpu.memory_space<vmem>>, %arg13: memref<64x16xf32, #tpu.memory_space<vmem>>, %arg14: memref<64x16xi32, #tpu.memory_space<vmem>>, %arg15: memref<!tpu.dma_semaphore, #tpu.memory_space<semaphore_mem>>, %arg16: memref<!tpu.dma_semaphore, #tpu.memory_space<semaphore_mem>>) attributes {dimension_semantics = [#tpu.dimension_semantics<core_parallel>, #tpu.dimension_semantics<subcore_parallel>], iteration_bounds = array<i64: 2, 16>, scalar_prefetch = 0 : i64, scratch_operands = 11 : i64, tpu.core_type = #tpu.core_type<sc_vector_subcore>, window_params = [{transform_indices = #map}, {transform_indices = #map}, {transform_indices = #map}, {transform_indices = #map}]} {
    %mul3A = arith.constant 2 : i32
    %mul3A_0 = arith.muli %arg1, %mul3A : i32
    %add3A = arith.addi %mul3A_0, %arg0 : i32
    %mul3A_1 = arith.constant 64 : i32
    %mul3A_2 = arith.muli %add3A, %mul3A_1 : i32
    %iota3A = tpu.iota {dimensions = array<i32: 0>} : vector<16xi32>
    %dma_start3A = arith.constant 0 : i32
    %dma_start3A_3 = tpu.memref_slice %arg3[%mul3A_2, %dma_start3A] : memref<2048x128xf32, #tpu.memory_space<hbm>> -> memref<64x128xf32, #tpu.memory_space<hbm>>
    %dma_start3A_4 = arith.constant 0 : i32
    %dma_start3A_5 = tpu.memref_slice %arg3[%mul3A_2, %dma_start3A_4] : memref<2048x128xf32, #tpu.memory_space<hbm>> -> memref<64x128xf32, #tpu.memory_space<hbm>>
    tpu.enqueue_dma source(%dma_start3A_5 : memref<64x128xf32, #tpu.memory_space<hbm>>) target(%arg6 : memref<64x128xf32, #tpu.memory_space<vmem>>) target_semaphore(%arg15 : memref<!tpu.dma_semaphore, #tpu.memory_space<semaphore_mem>>)
    %dma_wait3A = arith.constant 0 : i32
    %dma_wait3A_6 = tpu.memref_slice %arg3[%mul3A_2, %dma_wait3A] : memref<2048x128xf32, #tpu.memory_space<hbm>> -> memref<64x128xf32, #tpu.memory_space<hbm>>
    %dma_wait3A_7 = arith.constant 0 : i32
    %dma_wait3A_8 = tpu.memref_slice %arg3[%mul3A_2, %dma_wait3A_7] : memref<2048x128xf32, #tpu.memory_space<hbm>> -> memref<64x128xf32, #tpu.memory_space<hbm>>
    tpu.wait_dma2 semaphore(%arg15 : memref<!tpu.dma_semaphore, #tpu.memory_space<semaphore_mem>>) src(%dma_wait3A_8 : memref<64x128xf32, #tpu.memory_space<hbm>>) dst(%arg6 : memref<64x128xf32, #tpu.memory_space<vmem>>)
    %broadcast_in_dim3A = arith.constant 0 : i32
    %broadcast_in_dim3A_9 = vector.broadcast %broadcast_in_dim3A : i32 to vector<16xi32>
    %swap3A = arith.constant 0 : index
    %swap3A_10 = tpu.vector_load %arg8[%swap3A] {strides = array<i32>} : memref<144xi32, #tpu.memory_space<vmem>>, vector<16xi32>,
    tpu.vector_store %arg8[%swap3A], %broadcast_in_dim3A_9 {strides = array<i32>} : memref<144xi32, #tpu.memory_space<vmem>>, vector<16xi32>,
    %broadcast_in_dim3A_11 = arith.constant 0 : i32
    %broadcast_in_dim3A_12 = vector.broadcast %broadcast_in_dim3A_11 : i32 to vector<16xi32>
    %swap3A_13 = arith.constant 0 : index
    %swap3A_14 = tpu.vector_load %arg9[%swap3A_13] {strides = array<i32>} : memref<144xi32, #tpu.memory_space<vmem>>, vector<16xi32>,
    tpu.vector_store %arg9[%swap3A_13], %broadcast_in_dim3A_12 {strides = array<i32>} : memref<144xi32, #tpu.memory_space<vmem>>, vector<16xi32>,
    %broadcast_in_dim3A_15 = arith.constant 0 : i32
    %broadcast_in_dim3A_16 = vector.broadcast %broadcast_in_dim3A_15 : i32 to vector<16xi32>
    %swap3A_17 = arith.constant 16 : index
    %swap3A_18 = tpu.vector_load %arg8[%swap3A_17] {strides = array<i32>} : memref<144xi32, #tpu.memory_space<vmem>>, vector<16xi32>,
    tpu.vector_store %arg8[%swap3A_17], %broadcast_in_dim3A_16 {strides = array<i32>} : memref<144xi32, #tpu.memory_space<vmem>>, vector<16xi32>,
    %broadcast_in_dim3A_19 = arith.constant 0 : i32
    %broadcast_in_dim3A_20 = vector.broadcast %broadcast_in_dim3A_19 : i32 to vector<16xi32>
    %swap3A_21 = arith.constant 16 : index
    %swap3A_22 = tpu.vector_load %arg9[%swap3A_21] {strides = array<i32>} : memref<144xi32, #tpu.memory_space<vmem>>, vector<16xi32>,
    tpu.vector_store %arg9[%swap3A_21], %broadcast_in_dim3A_20 {strides = array<i32>} : memref<144xi32, #tpu.memory_space<vmem>>, vector<16xi32>,
    %broadcast_in_dim3A_23 = arith.constant 0 : i32
    %broadcast_in_dim3A_24 = vector.broadcast %broadcast_in_dim3A_23 : i32 to vector<16xi32>
    %swap3A_25 = arith.constant 32 : index
    %swap3A_26 = tpu.vector_load %arg8[%swap3A_25] {strides = array<i32>} : memref<144xi32, #tpu.memory_space<vmem>>, vector<16xi32>,
    tpu.vector_store %arg8[%swap3A_25], %broadcast_in_dim3A_24 {strides = array<i32>} : memref<144xi32, #tpu.memory_space<vmem>>, vector<16xi32>,
    %broadcast_in_dim3A_27 = arith.constant 0 : i32
    %broadcast_in_dim3A_28 = vector.broadcast %broadcast_in_dim3A_27 : i32 to vector<16xi32>
    %swap3A_29 = arith.constant 32 : index
    %swap3A_30 = tpu.vector_load %arg9[%swap3A_29] {strides = array<i32>} : memref<144xi32, #tpu.memory_space<vmem>>, vector<16xi32>,
    tpu.vector_store %arg9[%swap3A_29], %broadcast_in_dim3A_28 {strides = array<i32>} : memref<144xi32, #tpu.memory_space<vmem>>, vector<16xi32>,
    %broadcast_in_dim3A_31 = arith.constant 0 : i32
    %broadcast_in_dim3A_32 = vector.broadcast %broadcast_in_dim3A_31 : i32 to vector<16xi32>
    %swap3A_33 = arith.constant 48 : index
    %swap3A_34 = tpu.vector_load %arg8[%swap3A_33] {strides = array<i32>} : memref<144xi32, #tpu.memory_space<vmem>>, vector<16xi32>,
    tpu.vector_store %arg8[%swap3A_33], %broadcast_in_dim3A_32 {strides = array<i32>} : memref<144xi32, #tpu.memory_space<vmem>>, vector<16xi32>,
    %broadcast_in_dim3A_35 = arith.constant 0 : i32
    %broadcast_in_dim3A_36 = vector.broadcast %broadcast_in_dim3A_35 : i32 to vector<16xi32>
    %swap3A_37 = arith.constant 48 : index
    %swap3A_38 = tpu.vector_load %arg9[%swap3A_37] {strides = array<i32>} : memref<144xi32, #tpu.memory_space<vmem>>, vector<16xi32>,
    tpu.vector_store %arg9[%swap3A_37], %broadcast_in_dim3A_36 {strides = array<i32>} : memref<144xi32, #tpu.memory_space<vmem>>, vector<16xi32>,
    %broadcast_in_dim3A_39 = arith.constant 0 : i32
    %broadcast_in_dim3A_40 = vector.broadcast %broadcast_in_dim3A_39 : i32 to vector<16xi32>
    %swap3A_41 = arith.constant 64 : index
    %swap3A_42 = tpu.vector_load %arg8[%swap3A_41] {strides = array<i32>} : memref<144xi32, #tpu.memory_space<vmem>>, vector<16xi32>,
    tpu.vector_store %arg8[%swap3A_41], %broadcast_in_dim3A_40 {strides = array<i32>} : memref<144xi32, #tpu.memory_space<vmem>>, vector<16xi32>,
    %broadcast_in_dim3A_43 = arith.constant 0 : i32
    %broadcast_in_dim3A_44 = vector.broadcast %broadcast_in_dim3A_43 : i32 to vector<16xi32>
    %swap3A_45 = arith.constant 64 : index
    %swap3A_46 = tpu.vector_load %arg9[%swap3A_45] {strides = array<i32>} : memref<144xi32, #tpu.memory_space<vmem>>, vector<16xi32>,
    tpu.vector_store %arg9[%swap3A_45], %broadcast_in_dim3A_44 {strides = array<i32>} : memref<144xi32, #tpu.memory_space<vmem>>, vector<16xi32>,
    %broadcast_in_dim3A_47 = arith.constant 0 : i32
    %broadcast_in_dim3A_48 = vector.broadcast %broadcast_in_dim3A_47 : i32 to vector<16xi32>
    %swap3A_49 = arith.constant 80 : index
    %swap3A_50 = tpu.vector_load %arg8[%swap3A_49] {strides = array<i32>} : memref<144xi32, #tpu.memory_space<vmem>>, vector<16xi32>,
    tpu.vector_store %arg8[%swap3A_49], %broadcast_in_dim3A_48 {strides = array<i32>} : memref<144xi32, #tpu.memory_space<vmem>>, vector<16xi32>,
    %broadcast_in_dim3A_51 = arith.constant 0 : i32
    %broadcast_in_dim3A_52 = vector.broadcast %broadcast_in_dim3A_51 : i32 to vector<16xi32>
    %swap3A_53 = arith.constant 80 : index
    %swap3A_54 = tpu.vector_load %arg9[%swap3A_53] {strides = array<i32>} : memref<144xi32, #tpu.memory_space<vmem>>, vector<16xi32>,
    tpu.vector_store %arg9[%swap3A_53], %broadcast_in_dim3A_52 {strides = array<i32>} : memref<144xi32, #tpu.memory_space<vmem>>, vector<16xi32>,
    %broadcast_in_dim3A_55 = arith.constant 0 : i32
    %broadcast_in_dim3A_56 = vector.broadcast %broadcast_in_dim3A_55 : i32 to vector<16xi32>
    %swap3A_57 = arith.constant 96 : index
    %swap3A_58 = tpu.vector_load %arg8[%swap3A_57] {strides = array<i32>} : memref<144xi32, #tpu.memory_space<vmem>>, vector<16xi32>,
    tpu.vector_store %arg8[%swap3A_57], %broadcast_in_dim3A_56 {strides = array<i32>} : memref<144xi32, #tpu.memory_space<vmem>>, vector<16xi32>,
    %broadcast_in_dim3A_59 = arith.constant 0 : i32
    %broadcast_in_dim3A_60 = vector.broadcast %broadcast_in_dim3A_59 : i32 to vector<16xi32>
    %swap3A_61 = arith.constant 96 : index
    %swap3A_62 = tpu.vector_load %arg9[%swap3A_61] {strides = array<i32>} : memref<144xi32, #tpu.memory_space<vmem>>, vector<16xi32>,
    tpu.vector_store %arg9[%swap3A_61], %broadcast_in_dim3A_60 {strides = array<i32>} : memref<144xi32, #tpu.memory_space<vmem>>, vector<16xi32>,
    %broadcast_in_dim3A_63 = arith.constant 0 : i32
    %broadcast_in_dim3A_64 = vector.broadcast %broadcast_in_dim3A_63 : i32 to vector<16xi32>
    %swap3A_65 = arith.constant 112 : index
    %swap3A_66 = tpu.vector_load %arg8[%swap3A_65] {strides = array<i32>} : memref<144xi32, #tpu.memory_space<vmem>>, vector<16xi32>,
    tpu.vector_store %arg8[%swap3A_65], %broadcast_in_dim3A_64 {strides = array<i32>} : memref<144xi32, #tpu.memory_space<vmem>>, vector<16xi32>,
    %broadcast_in_dim3A_67 = arith.constant 0 : i32
    %broadcast_in_dim3A_68 = vector.broadcast %broadcast_in_dim3A_67 : i32 to vector<16xi32>
    %swap3A_69 = arith.constant 112 : index
    %swap3A_70 = tpu.vector_load %arg9[%swap3A_69] {strides = array<i32>} : memref<144xi32, #tpu.memory_space<vmem>>, vector<16xi32>,
    tpu.vector_store %arg9[%swap3A_69], %broadcast_in_dim3A_68 {strides = array<i32>} : memref<144xi32, #tpu.memory_space<vmem>>, vector<16xi32>,
    %broadcast_in_dim3A_71 = arith.constant 0 : i32
    %broadcast_in_dim3A_72 = vector.broadcast %broadcast_in_dim3A_71 : i32 to vector<16xi32>
    %swap3A_73 = arith.constant 128 : index
    %swap3A_74 = tpu.vector_load %arg8[%swap3A_73] {strides = array<i32>} : memref<144xi32, #tpu.memory_space<vmem>>, vector<16xi32>,
    tpu.vector_store %arg8[%swap3A_73], %broadcast_in_dim3A_72 {strides = array<i32>} : memref<144xi32, #tpu.memory_space<vmem>>, vector<16xi32>,
    %broadcast_in_dim3A_75 = arith.constant 0 : i32
    %broadcast_in_dim3A_76 = vector.broadcast %broadcast_in_dim3A_75 : i32 to vector<16xi32>
    %swap3A_77 = arith.constant 128 : index
    %swap3A_78 = tpu.vector_load %arg9[%swap3A_77] {strides = array<i32>} : memref<144xi32, #tpu.memory_space<vmem>>, vector<16xi32>,
    tpu.vector_store %arg9[%swap3A_77], %broadcast_in_dim3A_76 {strides = array<i32>} : memref<144xi32, #tpu.memory_space<vmem>>, vector<16xi32>,
    %scan3A = arith.constant 0x7F800000 : f32
    %scan3A_79 = arith.constant 0 : i32
    %scan3A_80 = arith.constant 0 : i32
    %scan3A_81 = arith.constant 64 : i32
    %scan3A_82 = arith.addi %scan3A_80, %scan3A_81 : i32
    %scan3A_83 = arith.constant 1 : i32
    %scan3A_84 = scf.for %scan3A_102 = %scan3A_80 to %scan3A_82 step %scan3A_83 iter_args(%scan3A_103 = %scan3A_79) -> (i32)  : i32 {
      %add3A_104 = arith.addi %mul3A_2, %scan3A_102 : i32
      %get3A = arith.index_cast %scan3A_102 : i32 to index
      %get3A_105 = arith.constant 0 : index
      %get3A_106 = tpu.vector_load %arg6[%get3A, %get3A_105] {strides = array<i32>} : memref<64x128xf32, #tpu.memory_space<vmem>>, vector<16xf32>,
      %get3A_107 = arith.index_cast %scan3A_102 : i32 to index
      %get3A_108 = arith.constant 16 : index
      %get3A_109 = tpu.vector_load %arg6[%get3A_107, %get3A_108] {strides = array<i32>} : memref<64x128xf32, #tpu.memory_space<vmem>>, vector<16xf32>,
      %get3A_110 = arith.index_cast %scan3A_102 : i32 to index
      %get3A_111 = arith.constant 32 : index
      %get3A_112 = tpu.vector_load %arg6[%get3A_110, %get3A_111] {strides = array<i32>} : memref<64x128xf32, #tpu.memory_space<vmem>>, vector<16xf32>,
      %get3A_113 = arith.index_cast %scan3A_102 : i32 to index
      %get3A_114 = arith.constant 48 : index
      %get3A_115 = tpu.vector_load %arg6[%get3A_113, %get3A_114] {strides = array<i32>} : memref<64x128xf32, #tpu.memory_space<vmem>>, vector<16xf32>,
      %get3A_116 = arith.index_cast %scan3A_102 : i32 to index
      %get3A_117 = arith.constant 64 : index
      %get3A_118 = tpu.vector_load %arg6[%get3A_116, %get3A_117] {strides = array<i32>} : memref<64x128xf32, #tpu.memory_space<vmem>>, vector<16xf32>,
      %get3A_119 = arith.index_cast %scan3A_102 : i32 to index
      %get3A_120 = arith.constant 80 : index
      %get3A_121 = tpu.vector_load %arg6[%get3A_119, %get3A_120] {strides = array<i32>} : memref<64x128xf32, #tpu.memory_space<vmem>>, vector<16xf32>,
      %get3A_122 = arith.index_cast %scan3A_102 : i32 to index
      %get3A_123 = arith.constant 96 : index
      %get3A_124 = tpu.vector_load %arg6[%get3A_122, %get3A_123] {strides = array<i32>} : memref<64x128xf32, #tpu.memory_space<vmem>>, vector<16xf32>,
      %get3A_125 = arith.index_cast %scan3A_102 : i32 to index
      %get3A_126 = arith.constant 112 : index
      %get3A_127 = tpu.vector_load %arg6[%get3A_125, %get3A_126] {strides = array<i32>} : memref<64x128xf32, #tpu.memory_space<vmem>>, vector<16xf32>,
      %min3A = arith.minimumf %get3A_106, %get3A_109 : vector<16xf32>
      %min3A_128 = arith.minimumf %min3A, %get3A_112 : vector<16xf32>
      %min3A_129 = arith.minimumf %min3A_128, %get3A_115 : vector<16xf32>
      %min3A_130 = arith.minimumf %min3A_129, %get3A_118 : vector<16xf32>
      %min3A_131 = arith.minimumf %min3A_130, %get3A_121 : vector<16xf32>
      %min3A_132 = arith.minimumf %min3A_131, %get3A_124 : vector<16xf32>
      %min3A_133 = arith.minimumf %min3A_132, %get3A_127 : vector<16xf32>
      %sort3A = arith.constant dense<true> : vector<16xi1>
      %sort3A_134, %sort3A_135, %sort3A_136 = tpu.sort %min3A_133, %min3A_133 masked %sort3A : (vector<16xf32>, vector<16xf32>, vector<16xi1>) -> (vector<16xi1>, vector<16xf32>, vector<16xf32>)
      %slice3A = vector.extract_strided_slice %sort3A_135 {offsets = [7], sizes = [1], strides = [1]} : vector<16xf32> to vector<1xf32>
      %squeeze3A = vector.extract %slice3A[0] : f32 from vector<1xf32>
      %le3A = vector.broadcast %squeeze3A : f32 to vector<16xf32>
      %le3A_137 = arith.cmpf ole, %get3A_106, %le3A : vector<16xf32>
      %add3A_138 = arith.constant 0 : i32
      %add3A_139 = vector.broadcast %add3A_138 : i32 to vector<16xi32>
      %add3A_140 = arith.addi %add3A_139, %iota3A : vector<16xi32>
      %swap3A_141 = arith.constant 0 : i32
      %swap3A_142 = arith.index_cast %swap3A_141 : i32 to index
      %swap3A_143 = tpu.vector_load %arg9[%swap3A_142] masked %le3A_137 {strides = array<i32>} : memref<144xi32, #tpu.memory_space<vmem>>, vector<16xi32>, vector<16xi1>
      tpu.vector_store %arg9[%swap3A_142], %add3A_140 masked %le3A_137 {strides = array<i32>} : memref<144xi32, #tpu.memory_space<vmem>>, vector<16xi32>, vector<16xi1>
      %mul3A_144 = arith.constant 128 : i32
      %mul3A_145 = arith.muli %add3A_104, %mul3A_144 : i32
      %add3A_146 = vector.broadcast %mul3A_145 : i32 to vector<16xi32>
      %add3A_147 = arith.addi %add3A_146, %add3A_140 : vector<16xi32>
      %swap3A_148 = arith.constant 0 : i32
      %swap3A_149 = arith.index_cast %swap3A_148 : i32 to index
      %swap3A_150 = tpu.vector_load %arg8[%swap3A_149] masked %le3A_137 {strides = array<i32>} : memref<144xi32, #tpu.memory_space<vmem>>, vector<16xi32>, vector<16xi1>
      tpu.vector_store %arg8[%swap3A_149], %add3A_147 masked %le3A_137 {strides = array<i32>} : memref<144xi32, #tpu.memory_space<vmem>>, vector<16xi32>, vector<16xi1>
      %all_reduce_population_count3A = tpu.all_reduce %le3A_137 {dim = 0 : i64, kind = #tpu.reduction_kind<sum>} : vector<16xi1> -> vector<16xi32>
      %slice3A_151 = vector.extract_strided_slice %all_reduce_population_count3A {offsets = [0], sizes = [1], strides = [1]} : vector<16xi32> to vector<1xi32>
      %squeeze3A_152 = vector.extract %slice3A_151[0] : i32 from vector<1xi32>
      %add3A_153 = arith.constant 0 : i32
      %add3A_154 = arith.addi %add3A_153, %squeeze3A_152 : i32
      %le3A_155 = vector.broadcast %squeeze3A : f32 to vector<16xf32>
      %le3A_156 = arith.cmpf ole, %get3A_109, %le3A_155 : vector<16xf32>
      %add3A_157 = arith.constant 16 : i32
      %add3A_158 = vector.broadcast %add3A_157 : i32 to vector<16xi32>
      %add3A_159 = arith.addi %add3A_158, %iota3A : vector<16xi32>
      %swap3A_160 = arith.index_cast %add3A_154 : i32 to index
      %swap3A_161 = tpu.vector_load %arg9[%swap3A_160] masked %le3A_156 {strides = array<i32>} : memref<144xi32, #tpu.memory_space<vmem>>, vector<16xi32>, vector<16xi1>
      tpu.vector_store %arg9[%swap3A_160], %add3A_159 masked %le3A_156 {strides = array<i32>} : memref<144xi32, #tpu.memory_space<vmem>>, vector<16xi32>, vector<16xi1>
      %mul3A_162 = arith.constant 128 : i32
      %mul3A_163 = arith.muli %add3A_104, %mul3A_162 : i32
      %add3A_164 = vector.broadcast %mul3A_163 : i32 to vector<16xi32>
      %add3A_165 = arith.addi %add3A_164, %add3A_159 : vector<16xi32>
      %swap3A_166 = arith.index_cast %add3A_154 : i32 to index
      %swap3A_167 = tpu.vector_load %arg8[%swap3A_166] masked %le3A_156 {strides = array<i32>} : memref<144xi32, #tpu.memory_space<vmem>>, vector<16xi32>, vector<16xi1>
      tpu.vector_store %arg8[%swap3A_166], %add3A_165 masked %le3A_156 {strides = array<i32>} : memref<144xi32, #tpu.memory_space<vmem>>, vector<16xi32>, vector<16xi1>
      %all_reduce_population_count3A_168 = tpu.all_reduce %le3A_156 {dim = 0 : i64, kind = #tpu.reduction_kind<sum>} : vector<16xi1> -> vector<16xi32>
      %slice3A_169 = vector.extract_strided_slice %all_reduce_population_count3A_168 {offsets = [0], sizes = [1], strides = [1]} : vector<16xi32> to vector<1xi32>
      %squeeze3A_170 = vector.extract %slice3A_169[0] : i32 from vector<1xi32>
      %add3A_171 = arith.addi %add3A_154, %squeeze3A_170 : i32
      %le3A_172 = vector.broadcast %squeeze3A : f32 to vector<16xf32>
      %le3A_173 = arith.cmpf ole, %get3A_112, %le3A_172 : vector<16xf32>
      %add3A_174 = arith.constant 32 : i32
      %add3A_175 = vector.broadcast %add3A_174 : i32 to vector<16xi32>
      %add3A_176 = arith.addi %add3A_175, %iota3A : vector<16xi32>
      %swap3A_177 = arith.index_cast %add3A_171 : i32 to index
      %swap3A_178 = tpu.vector_load %arg9[%swap3A_177] masked %le3A_173 {strides = array<i32>} : memref<144xi32, #tpu.memory_space<vmem>>, vector<16xi32>, vector<16xi1>
      tpu.vector_store %arg9[%swap3A_177], %add3A_176 masked %le3A_173 {strides = array<i32>} : memref<144xi32, #tpu.memory_space<vmem>>, vector<16xi32>, vector<16xi1>
      %mul3A_179 = arith.constant 128 : i32
      %mul3A_180 = arith.muli %add3A_104, %mul3A_179 : i32
      %add3A_181 = vector.broadcast %mul3A_180 : i32 to vector<16xi32>
      %add3A_182 = arith.addi %add3A_181, %add3A_176 : vector<16xi32>
      %swap3A_183 = arith.index_cast %add3A_171 : i32 to index
      %swap3A_184 = tpu.vector_load %arg8[%swap3A_183] masked %le3A_173 {strides = array<i32>} : memref<144xi32, #tpu.memory_space<vmem>>, vector<16xi32>, vector<16xi1>
      tpu.vector_store %arg8[%swap3A_183], %add3A_182 masked %le3A_173 {strides = array<i32>} : memref<144xi32, #tpu.memory_space<vmem>>, vector<16xi32>, vector<16xi1>
      %all_reduce_population_count3A_185 = tpu.all_reduce %le3A_173 {dim = 0 : i64, kind = #tpu.reduction_kind<sum>} : vector<16xi1> -> vector<16xi32>
      %slice3A_186 = vector.extract_strided_slice %all_reduce_population_count3A_185 {offsets = [0], sizes = [1], strides = [1]} : vector<16xi32> to vector<1xi32>
      %squeeze3A_187 = vector.extract %slice3A_186[0] : i32 from vector<1xi32>
      %add3A_188 = arith.addi %add3A_171, %squeeze3A_187 : i32
      %le3A_189 = vector.broadcast %squeeze3A : f32 to vector<16xf32>
      %le3A_190 = arith.cmpf ole, %get3A_115, %le3A_189 : vector<16xf32>
      %add3A_191 = arith.constant 48 : i32
      %add3A_192 = vector.broadcast %add3A_191 : i32 to vector<16xi32>
      %add3A_193 = arith.addi %add3A_192, %iota3A : vector<16xi32>
      %swap3A_194 = arith.index_cast %add3A_188 : i32 to index
      %swap3A_195 = tpu.vector_load %arg9[%swap3A_194] masked %le3A_190 {strides = array<i32>} : memref<144xi32, #tpu.memory_space<vmem>>, vector<16xi32>, vector<16xi1>
      tpu.vector_store %arg9[%swap3A_194], %add3A_193 masked %le3A_190 {strides = array<i32>} : memref<144xi32, #tpu.memory_space<vmem>>, vector<16xi32>, vector<16xi1>
      %mul3A_196 = arith.constant 128 : i32
      %mul3A_197 = arith.muli %add3A_104, %mul3A_196 : i32
      %add3A_198 = vector.broadcast %mul3A_197 : i32 to vector<16xi32>
      %add3A_199 = arith.addi %add3A_198, %add3A_193 : vector<16xi32>
      %swap3A_200 = arith.index_cast %add3A_188 : i32 to index
      %swap3A_201 = tpu.vector_load %arg8[%swap3A_200] masked %le3A_190 {strides = array<i32>} : memref<144xi32, #tpu.memory_space<vmem>>, vector<16xi32>, vector<16xi1>
      tpu.vector_store %arg8[%swap3A_200], %add3A_199 masked %le3A_190 {strides = array<i32>} : memref<144xi32, #tpu.memory_space<vmem>>, vector<16xi32>, vector<16xi1>
      %all_reduce_population_count3A_202 = tpu.all_reduce %le3A_190 {dim = 0 : i64, kind = #tpu.reduction_kind<sum>} : vector<16xi1> -> vector<16xi32>
      %slice3A_203 = vector.extract_strided_slice %all_reduce_population_count3A_202 {offsets = [0], sizes = [1], strides = [1]} : vector<16xi32> to vector<1xi32>
      %squeeze3A_204 = vector.extract %slice3A_203[0] : i32 from vector<1xi32>
      %add3A_205 = arith.addi %add3A_188, %squeeze3A_204 : i32
      %le3A_206 = vector.broadcast %squeeze3A : f32 to vector<16xf32>
      %le3A_207 = arith.cmpf ole, %get3A_118, %le3A_206 : vector<16xf32>
      %add3A_208 = arith.constant 64 : i32
      %add3A_209 = vector.broadcast %add3A_208 : i32 to vector<16xi32>
      %add3A_210 = arith.addi %add3A_209, %iota3A : vector<16xi32>
      %swap3A_211 = arith.index_cast %add3A_205 : i32 to index
      %swap3A_212 = tpu.vector_load %arg9[%swap3A_211] masked %le3A_207 {strides = array<i32>} : memref<144xi32, #tpu.memory_space<vmem>>, vector<16xi32>, vector<16xi1>
      tpu.vector_store %arg9[%swap3A_211], %add3A_210 masked %le3A_207 {strides = array<i32>} : memref<144xi32, #tpu.memory_space<vmem>>, vector<16xi32>, vector<16xi1>
      %mul3A_213 = arith.constant 128 : i32
      %mul3A_214 = arith.muli %add3A_104, %mul3A_213 : i32
      %add3A_215 = vector.broadcast %mul3A_214 : i32 to vector<16xi32>
      %add3A_216 = arith.addi %add3A_215, %add3A_210 : vector<16xi32>
      %swap3A_217 = arith.index_cast %add3A_205 : i32 to index
      %swap3A_218 = tpu.vector_load %arg8[%swap3A_217] masked %le3A_207 {strides = array<i32>} : memref<144xi32, #tpu.memory_space<vmem>>, vector<16xi32>, vector<16xi1>
      tpu.vector_store %arg8[%swap3A_217], %add3A_216 masked %le3A_207 {strides = array<i32>} : memref<144xi32, #tpu.memory_space<vmem>>, vector<16xi32>, vector<16xi1>
      %all_reduce_population_count3A_219 = tpu.all_reduce %le3A_207 {dim = 0 : i64, kind = #tpu.reduction_kind<sum>} : vector<16xi1> -> vector<16xi32>
      %slice3A_220 = vector.extract_strided_slice %all_reduce_population_count3A_219 {offsets = [0], sizes = [1], strides = [1]} : vector<16xi32> to vector<1xi32>
      %squeeze3A_221 = vector.extract %slice3A_220[0] : i32 from vector<1xi32>
      %add3A_222 = arith.addi %add3A_205, %squeeze3A_221 : i32
      %le3A_223 = vector.broadcast %squeeze3A : f32 to vector<16xf32>
      %le3A_224 = arith.cmpf ole, %get3A_121, %le3A_223 : vector<16xf32>
      %add3A_225 = arith.constant 80 : i32
      %add3A_226 = vector.broadcast %add3A_225 : i32 to vector<16xi32>
      %add3A_227 = arith.addi %add3A_226, %iota3A : vector<16xi32>
      %swap3A_228 = arith.index_cast %add3A_222 : i32 to index
      %swap3A_229 = tpu.vector_load %arg9[%swap3A_228] masked %le3A_224 {strides = array<i32>} : memref<144xi32, #tpu.memory_space<vmem>>, vector<16xi32>, vector<16xi1>
      tpu.vector_store %arg9[%swap3A_228], %add3A_227 masked %le3A_224 {strides = array<i32>} : memref<144xi32, #tpu.memory_space<vmem>>, vector<16xi32>, vector<16xi1>
      %mul3A_230 = arith.constant 128 : i32
      %mul3A_231 = arith.muli %add3A_104, %mul3A_230 : i32
      %add3A_232 = vector.broadcast %mul3A_231 : i32 to vector<16xi32>
      %add3A_233 = arith.addi %add3A_232, %add3A_227 : vector<16xi32>
      %swap3A_234 = arith.index_cast %add3A_222 : i32 to index
      %swap3A_235 = tpu.vector_load %arg8[%swap3A_234] masked %le3A_224 {strides = array<i32>} : memref<144xi32, #tpu.memory_space<vmem>>, vector<16xi32>, vector<16xi1>
      tpu.vector_store %arg8[%swap3A_234], %add3A_233 masked %le3A_224 {strides = array<i32>} : memref<144xi32, #tpu.memory_space<vmem>>, vector<16xi32>, vector<16xi1>
      %all_reduce_population_count3A_236 = tpu.all_reduce %le3A_224 {dim = 0 : i64, kind = #tpu.reduction_kind<sum>} : vector<16xi1> -> vector<16xi32>
      %slice3A_237 = vector.extract_strided_slice %all_reduce_population_count3A_236 {offsets = [0], sizes = [1], strides = [1]} : vector<16xi32> to vector<1xi32>
      %squeeze3A_238 = vector.extract %slice3A_237[0] : i32 from vector<1xi32>
      %add3A_239 = arith.addi %add3A_222, %squeeze3A_238 : i32
      %le3A_240 = vector.broadcast %squeeze3A : f32 to vector<16xf32>
      %le3A_241 = arith.cmpf ole, %get3A_124, %le3A_240 : vector<16xf32>
      %add3A_242 = arith.constant 96 : i32
      %add3A_243 = vector.broadcast %add3A_242 : i32 to vector<16xi32>
      %add3A_244 = arith.addi %add3A_243, %iota3A : vector<16xi32>
      %swap3A_245 = arith.index_cast %add3A_239 : i32 to index
      %swap3A_246 = tpu.vector_load %arg9[%swap3A_245] masked %le3A_241 {strides = array<i32>} : memref<144xi32, #tpu.memory_space<vmem>>, vector<16xi32>, vector<16xi1>
      tpu.vector_store %arg9[%swap3A_245], %add3A_244 masked %le3A_241 {strides = array<i32>} : memref<144xi32, #tpu.memory_space<vmem>>, vector<16xi32>, vector<16xi1>
      %mul3A_247 = arith.constant 128 : i32
      %mul3A_248 = arith.muli %add3A_104, %mul3A_247 : i32
      %add3A_249 = vector.broadcast %mul3A_248 : i32 to vector<16xi32>
      %add3A_250 = arith.addi %add3A_249, %add3A_244 : vector<16xi32>
      %swap3A_251 = arith.index_cast %add3A_239 : i32 to index
      %swap3A_252 = tpu.vector_load %arg8[%swap3A_251] masked %le3A_241 {strides = array<i32>} : memref<144xi32, #tpu.memory_space<vmem>>, vector<16xi32>, vector<16xi1>
      tpu.vector_store %arg8[%swap3A_251], %add3A_250 masked %le3A_241 {strides = array<i32>} : memref<144xi32, #tpu.memory_space<vmem>>, vector<16xi32>, vector<16xi1>
      %all_reduce_population_count3A_253 = tpu.all_reduce %le3A_241 {dim = 0 : i64, kind = #tpu.reduction_kind<sum>} : vector<16xi1> -> vector<16xi32>
      %slice3A_254 = vector.extract_strided_slice %all_reduce_population_count3A_253 {offsets = [0], sizes = [1], strides = [1]} : vector<16xi32> to vector<1xi32>
      %squeeze3A_255 = vector.extract %slice3A_254[0] : i32 from vector<1xi32>
      %add3A_256 = arith.addi %add3A_239, %squeeze3A_255 : i32
      %le3A_257 = vector.broadcast %squeeze3A : f32 to vector<16xf32>
      %le3A_258 = arith.cmpf ole, %get3A_127, %le3A_257 : vector<16xf32>
      %add3A_259 = arith.constant 112 : i32
      %add3A_260 = vector.broadcast %add3A_259 : i32 to vector<16xi32>
      %add3A_261 = arith.addi %add3A_260, %iota3A : vector<16xi32>
      %swap3A_262 = arith.index_cast %add3A_256 : i32 to index
      %swap3A_263 = tpu.vector_load %arg9[%swap3A_262] masked %le3A_258 {strides = array<i32>} : memref<144xi32, #tpu.memory_space<vmem>>, vector<16xi32>, vector<16xi1>
      tpu.vector_store %arg9[%swap3A_262], %add3A_261 masked %le3A_258 {strides = array<i32>} : memref<144xi32, #tpu.memory_space<vmem>>, vector<16xi32>, vector<16xi1>
      %mul3A_264 = arith.constant 128 : i32
      %mul3A_265 = arith.muli %add3A_104, %mul3A_264 : i32
      %add3A_266 = vector.broadcast %mul3A_265 : i32 to vector<16xi32>
      %add3A_267 = arith.addi %add3A_266, %add3A_261 : vector<16xi32>
      %swap3A_268 = arith.index_cast %add3A_256 : i32 to index
      %swap3A_269 = tpu.vector_load %arg8[%swap3A_268] masked %le3A_258 {strides = array<i32>} : memref<144xi32, #tpu.memory_space<vmem>>, vector<16xi32>, vector<16xi1>
      tpu.vector_store %arg8[%swap3A_268], %add3A_267 masked %le3A_258 {strides = array<i32>} : memref<144xi32, #tpu.memory_space<vmem>>, vector<16xi32>, vector<16xi1>
      %all_reduce_population_count3A_270 = tpu.all_reduce %le3A_258 {dim = 0 : i64, kind = #tpu.reduction_kind<sum>} : vector<16xi1> -> vector<16xi32>
      %slice3A_271 = vector.extract_strided_slice %all_reduce_population_count3A_270 {offsets = [0], sizes = [1], strides = [1]} : vector<16xi32> to vector<1xi32>
      %squeeze3A_272 = vector.extract %slice3A_271[0] : i32 from vector<1xi32>
      %add3A_273 = arith.addi %add3A_256, %squeeze3A_272 : i32
      %add3A_274 = arith.constant 15 : i32
      %add3A_275 = arith.addi %add3A_273, %add3A_274 : i32
      %jit3A = arith.constant 16 : i32
      %div3A = arith.divsi %add3A_275, %jit3A : i32
      %sign3A = arith.constant 0 : i32
      %sign3A_276 = arith.cmpi sgt, %add3A_275, %sign3A : i32
      %sign3A_277 = arith.extui %sign3A_276 : i1 to i32
      %sign3A_278 = arith.constant 0 : i32
      %sign3A_279 = arith.cmpi slt, %add3A_275, %sign3A_278 : i32
      %sign3A_280 = arith.extui %sign3A_279 : i1 to i32
      %sign3A_281 = arith.subi %sign3A_277, %sign3A_280 : i32
      %sign3A_282 = arith.constant 0 : i32
      %sign3A_283 = arith.cmpi sgt, %jit3A, %sign3A_282 : i32
      %sign3A_284 = arith.extui %sign3A_283 : i1 to i32
      %sign3A_285 = arith.constant 0 : i32
      %sign3A_286 = arith.cmpi slt, %jit3A, %sign3A_285 : i32
      %sign3A_287 = arith.extui %sign3A_286 : i1 to i32
      %sign3A_288 = arith.subi %sign3A_284, %sign3A_287 : i32
      %ne3A = arith.cmpi ne, %sign3A_281, %sign3A_288 : i32
      %rem3A = arith.remsi %add3A_275, %jit3A : i32
      %ne3A_289 = arith.constant 0 : i32
      %ne3A_290 = arith.cmpi ne, %rem3A, %ne3A_289 : i32
      %and3A = arith.andi %ne3A, %ne3A_290 : i1
      %sub3A = arith.constant 1 : i32
      %sub3A_291 = arith.subi %div3A, %sub3A : i32
      %select_n3A = arith.select %and3A, %sub3A_291, %div3A : i32
      %while3A = arith.constant 0 : i32
      %while3A_292 = arith.constant 0 : i32
      %while3A_293 = arith.subi %select_n3A, %while3A : i32
      %while3A_294 = arith.addi %while3A, %while3A_293 : i32
      %while3A_295 = arith.constant 1 : i32
      %while3A_296 = arith.divsi %while3A_293, %while3A_295 : i32
      %while3A_297 = arith.muli %while3A_296, %while3A_295 : i32
      %while3A_298 = arith.addi %while3A, %while3A_297 : i32
      %while3A_299 = arith.constant 1 : i32
      %while3A_300 = scf.for %while3A_350 = %while3A to %while3A_298 step %while3A_299 iter_args(%while3A_351 = %while3A_292) -> (i32)  : i32 {
        %mul3A_352 = arith.constant 16 : i32
        %mul3A_353 = arith.muli %while3A_350, %mul3A_352 : i32
        %get3A_354 = arith.index_cast %mul3A_353 : i32 to index
        %get3A_355 = tpu.vector_load %arg8[%get3A_354] {strides = array<i32>} : memref<144xi32, #tpu.memory_space<vmem>>, vector<16xi32>,
        %dma_start3A_356 = arith.constant 0 : i32
        %dma_start3A_357 = arith.constant 0 : i32
        %dma_start3A_358 = tpu.memref_slice %arg2[%dma_start3A_356, %dma_start3A_357] : memref<262144x128xf32, #tpu.memory_space<hbm>> -> memref<262144x128xf32, #tpu.memory_space<hbm>>
        tpu.enqueue_indirect_dma source(%dma_start3A_358 : memref<262144x128xf32, #tpu.memory_space<hbm>>) target(%arg10 : memref<16x128xf32, #tpu.memory_space<vmem>>) offsets(%get3A_355 : vector<16xi32>) semaphore(%arg16 : memref<!tpu.dma_semaphore, #tpu.memory_space<semaphore_mem>>)
        %dma_wait3A_359 = arith.constant 0 : i32
        %dma_wait3A_360 = arith.constant 0 : i32
        %dma_wait3A_361 = tpu.memref_slice %arg2[%dma_wait3A_359, %dma_wait3A_360] : memref<262144x128xf32, #tpu.memory_space<hbm>> -> memref<262144x128xf32, #tpu.memory_space<hbm>>
        tpu.wait_indirect_dma semaphore(%arg16 : memref<!tpu.dma_semaphore, #tpu.memory_space<semaphore_mem>>) src(%dma_wait3A_361 : memref<262144x128xf32, #tpu.memory_space<hbm>>) dst(%arg10 : memref<16x128xf32, #tpu.memory_space<vmem>>)
        %mul3A_362 = arith.constant 16 : i32
        %mul3A_363 = arith.muli %while3A_350, %mul3A_362 : i32
        %sub3A_364 = arith.subi %add3A_273, %mul3A_363 : i32
        %min3A_365 = arith.constant 16 : i32
        %min3A_366 = arith.minsi %min3A_365, %sub3A_364 : i32
        %while3A_367 = arith.constant 0 : i32
        %while3A_368 = arith.subi %min3A_366, %while3A_367 : i32
        %while3A_369 = arith.addi %while3A_367, %while3A_368 : i32
        %while3A_370 = arith.constant 1 : i32
        %while3A_371 = arith.divsi %while3A_368, %while3A_370 : i32
        %while3A_372 = arith.muli %while3A_371, %while3A_370 : i32
        %while3A_373 = arith.addi %while3A_367, %while3A_372 : i32
        %while3A_374 = arith.constant 1 : i32
        %while3A_375 = scf.for %while3A_378 = %while3A_367 to %while3A_373 step %while3A_374 iter_args(%while3A_379 = %while3A_351) -> (i32)  : i32 {
          %mul3A_380 = arith.constant 16 : i32
          %mul3A_381 = arith.muli %while3A_350, %mul3A_380 : i32
          %add3A_382 = arith.addi %mul3A_381, %while3A_378 : i32
          %get3A_383 = arith.index_cast %add3A_382 : i32 to index
          %get3A_384 = tpu.vector_load %arg9[%get3A_383] {strides = array<i32>} : memref<144xi32, #tpu.memory_space<vmem>>, vector<16xi32>,
          %slice3A_385 = vector.extract_strided_slice %get3A_384 {offsets = [0], sizes = [1], strides = [1]} : vector<16xi32> to vector<1xi32>
          %squeeze3A_386 = vector.extract %slice3A_385[0] : i32 from vector<1xi32>
          %mul3A_387 = arith.constant 128 : i32
          %mul3A_388 = arith.muli %squeeze3A_386, %mul3A_387 : i32
          %get3A_389 = arith.index_cast %while3A_378 : i32 to index
          %get3A_390 = arith.constant 0 : index
          %get3A_391 = tpu.vector_load %arg10[%get3A_389, %get3A_390] {strides = array<i32>} : memref<16x128xf32, #tpu.memory_space<vmem>>, vector<16xf32>,
          %le3A_392 = vector.broadcast %squeeze3A : f32 to vector<16xf32>
          %le3A_393 = arith.cmpf ole, %get3A_391, %le3A_392 : vector<16xf32>
          %swap3A_394 = arith.index_cast %while3A_379 : i32 to index
          %swap3A_395 = tpu.vector_load %arg11[%swap3A_394] masked %le3A_393 {strides = array<i32>} : memref<16416xf32, #tpu.memory_space<vmem>>, vector<16xf32>, vector<16xi1>
          tpu.vector_store %arg11[%swap3A_394], %get3A_391 masked %le3A_393 {strides = array<i32>} : memref<16416xf32, #tpu.memory_space<vmem>>, vector<16xf32>, vector<16xi1>
          %add3A_396 = arith.constant 0 : i32
          %add3A_397 = arith.addi %mul3A_388, %add3A_396 : i32
          %add3A_398 = vector.broadcast %add3A_397 : i32 to vector<16xi32>
          %add3A_399 = arith.addi %add3A_398, %iota3A : vector<16xi32>
          %swap3A_400 = arith.index_cast %while3A_379 : i32 to index
          %swap3A_401 = tpu.vector_load %arg12[%swap3A_400] masked %le3A_393 {strides = array<i32>} : memref<16416xi32, #tpu.memory_space<vmem>>, vector<16xi32>, vector<16xi1>
          tpu.vector_store %arg12[%swap3A_400], %add3A_399 masked %le3A_393 {strides = array<i32>} : memref<16416xi32, #tpu.memory_space<vmem>>, vector<16xi32>, vector<16xi1>
          %all_reduce_population_count3A_402 = tpu.all_reduce %le3A_393 {dim = 0 : i64, kind = #tpu.reduction_kind<sum>} : vector<16xi1> -> vector<16xi32>
          %slice3A_403 = vector.extract_strided_slice %all_reduce_population_count3A_402 {offsets = [0], sizes = [1], strides = [1]} : vector<16xi32> to vector<1xi32>
          %squeeze3A_404 = vector.extract %slice3A_403[0] : i32 from vector<1xi32>
          %add3A_405 = arith.addi %while3A_379, %squeeze3A_404 : i32
          %get3A_406 = arith.index_cast %while3A_378 : i32 to index
          %get3A_407 = arith.constant 16 : index
          %get3A_408 = tpu.vector_load %arg10[%get3A_406, %get3A_407] {strides = array<i32>} : memref<16x128xf32, #tpu.memory_space<vmem>>, vector<16xf32>,
          %le3A_409 = vector.broadcast %squeeze3A : f32 to vector<16xf32>
          %le3A_410 = arith.cmpf ole, %get3A_408, %le3A_409 : vector<16xf32>
          %swap3A_411 = arith.index_cast %add3A_405 : i32 to index
          %swap3A_412 = tpu.vector_load %arg11[%swap3A_411] masked %le3A_410 {strides = array<i32>} : memref<16416xf32, #tpu.memory_space<vmem>>, vector<16xf32>, vector<16xi1>
          tpu.vector_store %arg11[%swap3A_411], %get3A_408 masked %le3A_410 {strides = array<i32>} : memref<16416xf32, #tpu.memory_space<vmem>>, vector<16xf32>, vector<16xi1>
          %add3A_413 = arith.constant 16 : i32
          %add3A_414 = arith.addi %mul3A_388, %add3A_413 : i32
          %add3A_415 = vector.broadcast %add3A_414 : i32 to vector<16xi32>
          %add3A_416 = arith.addi %add3A_415, %iota3A : vector<16xi32>
          %swap3A_417 = arith.index_cast %add3A_405 : i32 to index
          %swap3A_418 = tpu.vector_load %arg12[%swap3A_417] masked %le3A_410 {strides = array<i32>} : memref<16416xi32, #tpu.memory_space<vmem>>, vector<16xi32>, vector<16xi1>
          tpu.vector_store %arg12[%swap3A_417], %add3A_416 masked %le3A_410 {strides = array<i32>} : memref<16416xi32, #tpu.memory_space<vmem>>, vector<16xi32>, vector<16xi1>
          %all_reduce_population_count3A_419 = tpu.all_reduce %le3A_410 {dim = 0 : i64, kind = #tpu.reduction_kind<sum>} : vector<16xi1> -> vector<16xi32>
          %slice3A_420 = vector.extract_strided_slice %all_reduce_population_count3A_419 {offsets = [0], sizes = [1], strides = [1]} : vector<16xi32> to vector<1xi32>
          %squeeze3A_421 = vector.extract %slice3A_420[0] : i32 from vector<1xi32>
          %add3A_422 = arith.addi %add3A_405, %squeeze3A_421 : i32
          %get3A_423 = arith.index_cast %while3A_378 : i32 to index
          %get3A_424 = arith.constant 32 : index
          %get3A_425 = tpu.vector_load %arg10[%get3A_423, %get3A_424] {strides = array<i32>} : memref<16x128xf32, #tpu.memory_space<vmem>>, vector<16xf32>,
          %le3A_426 = vector.broadcast %squeeze3A : f32 to vector<16xf32>
          %le3A_427 = arith.cmpf ole, %get3A_425, %le3A_426 : vector<16xf32>
          %swap3A_428 = arith.index_cast %add3A_422 : i32 to index
          %swap3A_429 = tpu.vector_load %arg11[%swap3A_428] masked %le3A_427 {strides = array<i32>} : memref<16416xf32, #tpu.memory_space<vmem>>, vector<16xf32>, vector<16xi1>
          tpu.vector_store %arg11[%swap3A_428], %get3A_425 masked %le3A_427 {strides = array<i32>} : memref<16416xf32, #tpu.memory_space<vmem>>, vector<16xf32>, vector<16xi1>
          %add3A_430 = arith.constant 32 : i32
          %add3A_431 = arith.addi %mul3A_388, %add3A_430 : i32
          %add3A_432 = vector.broadcast %add3A_431 : i32 to vector<16xi32>
          %add3A_433 = arith.addi %add3A_432, %iota3A : vector<16xi32>
          %swap3A_434 = arith.index_cast %add3A_422 : i32 to index
          %swap3A_435 = tpu.vector_load %arg12[%swap3A_434] masked %le3A_427 {strides = array<i32>} : memref<16416xi32, #tpu.memory_space<vmem>>, vector<16xi32>, vector<16xi1>
          tpu.vector_store %arg12[%swap3A_434], %add3A_433 masked %le3A_427 {strides = array<i32>} : memref<16416xi32, #tpu.memory_space<vmem>>, vector<16xi32>, vector<16xi1>
          %all_reduce_population_count3A_436 = tpu.all_reduce %le3A_427 {dim = 0 : i64, kind = #tpu.reduction_kind<sum>} : vector<16xi1> -> vector<16xi32>
          %slice3A_437 = vector.extract_strided_slice %all_reduce_population_count3A_436 {offsets = [0], sizes = [1], strides = [1]} : vector<16xi32> to vector<1xi32>
          %squeeze3A_438 = vector.extract %slice3A_437[0] : i32 from vector<1xi32>
          %add3A_439 = arith.addi %add3A_422, %squeeze3A_438 : i32
          %get3A_440 = arith.index_cast %while3A_378 : i32 to index
          %get3A_441 = arith.constant 48 : index
          %get3A_442 = tpu.vector_load %arg10[%get3A_440, %get3A_441] {strides = array<i32>} : memref<16x128xf32, #tpu.memory_space<vmem>>, vector<16xf32>,
          %le3A_443 = vector.broadcast %squeeze3A : f32 to vector<16xf32>
          %le3A_444 = arith.cmpf ole, %get3A_442, %le3A_443 : vector<16xf32>
          %swap3A_445 = arith.index_cast %add3A_439 : i32 to index
          %swap3A_446 = tpu.vector_load %arg11[%swap3A_445] masked %le3A_444 {strides = array<i32>} : memref<16416xf32, #tpu.memory_space<vmem>>, vector<16xf32>, vector<16xi1>
          tpu.vector_store %arg11[%swap3A_445], %get3A_442 masked %le3A_444 {strides = array<i32>} : memref<16416xf32, #tpu.memory_space<vmem>>, vector<16xf32>, vector<16xi1>
          %add3A_447 = arith.constant 48 : i32
          %add3A_448 = arith.addi %mul3A_388, %add3A_447 : i32
          %add3A_449 = vector.broadcast %add3A_448 : i32 to vector<16xi32>
          %add3A_450 = arith.addi %add3A_449, %iota3A : vector<16xi32>
          %swap3A_451 = arith.index_cast %add3A_439 : i32 to index
          %swap3A_452 = tpu.vector_load %arg12[%swap3A_451] masked %le3A_444 {strides = array<i32>} : memref<16416xi32, #tpu.memory_space<vmem>>, vector<16xi32>, vector<16xi1>
          tpu.vector_store %arg12[%swap3A_451], %add3A_450 masked %le3A_444 {strides = array<i32>} : memref<16416xi32, #tpu.memory_space<vmem>>, vector<16xi32>, vector<16xi1>
          %all_reduce_population_count3A_453 = tpu.all_reduce %le3A_444 {dim = 0 : i64, kind = #tpu.reduction_kind<sum>} : vector<16xi1> -> vector<16xi32>
          %slice3A_454 = vector.extract_strided_slice %all_reduce_population_count3A_453 {offsets = [0], sizes = [1], strides = [1]} : vector<16xi32> to vector<1xi32>
          %squeeze3A_455 = vector.extract %slice3A_454[0] : i32 from vector<1xi32>
          %add3A_456 = arith.addi %add3A_439, %squeeze3A_455 : i32
          %get3A_457 = arith.index_cast %while3A_378 : i32 to index
          %get3A_458 = arith.constant 64 : index
          %get3A_459 = tpu.vector_load %arg10[%get3A_457, %get3A_458] {strides = array<i32>} : memref<16x128xf32, #tpu.memory_space<vmem>>, vector<16xf32>,
          %le3A_460 = vector.broadcast %squeeze3A : f32 to vector<16xf32>
          %le3A_461 = arith.cmpf ole, %get3A_459, %le3A_460 : vector<16xf32>
          %swap3A_462 = arith.index_cast %add3A_456 : i32 to index
          %swap3A_463 = tpu.vector_load %arg11[%swap3A_462] masked %le3A_461 {strides = array<i32>} : memref<16416xf32, #tpu.memory_space<vmem>>, vector<16xf32>, vector<16xi1>
          tpu.vector_store %arg11[%swap3A_462], %get3A_459 masked %le3A_461 {strides = array<i32>} : memref<16416xf32, #tpu.memory_space<vmem>>, vector<16xf32>, vector<16xi1>
          %add3A_464 = arith.constant 64 : i32
          %add3A_465 = arith.addi %mul3A_388, %add3A_464 : i32
          %add3A_466 = vector.broadcast %add3A_465 : i32 to vector<16xi32>
          %add3A_467 = arith.addi %add3A_466, %iota3A : vector<16xi32>
          %swap3A_468 = arith.index_cast %add3A_456 : i32 to index
          %swap3A_469 = tpu.vector_load %arg12[%swap3A_468] masked %le3A_461 {strides = array<i32>} : memref<16416xi32, #tpu.memory_space<vmem>>, vector<16xi32>, vector<16xi1>
          tpu.vector_store %arg12[%swap3A_468], %add3A_467 masked %le3A_461 {strides = array<i32>} : memref<16416xi32, #tpu.memory_space<vmem>>, vector<16xi32>, vector<16xi1>
          %all_reduce_population_count3A_470 = tpu.all_reduce %le3A_461 {dim = 0 : i64, kind = #tpu.reduction_kind<sum>} : vector<16xi1> -> vector<16xi32>
          %slice3A_471 = vector.extract_strided_slice %all_reduce_population_count3A_470 {offsets = [0], sizes = [1], strides = [1]} : vector<16xi32> to vector<1xi32>
          %squeeze3A_472 = vector.extract %slice3A_471[0] : i32 from vector<1xi32>
          %add3A_473 = arith.addi %add3A_456, %squeeze3A_472 : i32
          %get3A_474 = arith.index_cast %while3A_378 : i32 to index
          %get3A_475 = arith.constant 80 : index
          %get3A_476 = tpu.vector_load %arg10[%get3A_474, %get3A_475] {strides = array<i32>} : memref<16x128xf32, #tpu.memory_space<vmem>>, vector<16xf32>,
          %le3A_477 = vector.broadcast %squeeze3A : f32 to vector<16xf32>
          %le3A_478 = arith.cmpf ole, %get3A_476, %le3A_477 : vector<16xf32>
          %swap3A_479 = arith.index_cast %add3A_473 : i32 to index
          %swap3A_480 = tpu.vector_load %arg11[%swap3A_479] masked %le3A_478 {strides = array<i32>} : memref<16416xf32, #tpu.memory_space<vmem>>, vector<16xf32>, vector<16xi1>
          tpu.vector_store %arg11[%swap3A_479], %get3A_476 masked %le3A_478 {strides = array<i32>} : memref<16416xf32, #tpu.memory_space<vmem>>, vector<16xf32>, vector<16xi1>
          %add3A_481 = arith.constant 80 : i32
          %add3A_482 = arith.addi %mul3A_388, %add3A_481 : i32
          %add3A_483 = vector.broadcast %add3A_482 : i32 to vector<16xi32>
          %add3A_484 = arith.addi %add3A_483, %iota3A : vector<16xi32>
          %swap3A_485 = arith.index_cast %add3A_473 : i32 to index
          %swap3A_486 = tpu.vector_load %arg12[%swap3A_485] masked %le3A_478 {strides = array<i32>} : memref<16416xi32, #tpu.memory_space<vmem>>, vector<16xi32>, vector<16xi1>
          tpu.vector_store %arg12[%swap3A_485], %add3A_484 masked %le3A_478 {strides = array<i32>} : memref<16416xi32, #tpu.memory_space<vmem>>, vector<16xi32>, vector<16xi1>
          %all_reduce_population_count3A_487 = tpu.all_reduce %le3A_478 {dim = 0 : i64, kind = #tpu.reduction_kind<sum>} : vector<16xi1> -> vector<16xi32>
          %slice3A_488 = vector.extract_strided_slice %all_reduce_population_count3A_487 {offsets = [0], sizes = [1], strides = [1]} : vector<16xi32> to vector<1xi32>
          %squeeze3A_489 = vector.extract %slice3A_488[0] : i32 from vector<1xi32>
          %add3A_490 = arith.addi %add3A_473, %squeeze3A_489 : i32
          %get3A_491 = arith.index_cast %while3A_378 : i32 to index
          %get3A_492 = arith.constant 96 : index
          %get3A_493 = tpu.vector_load %arg10[%get3A_491, %get3A_492] {strides = array<i32>} : memref<16x128xf32, #tpu.memory_space<vmem>>, vector<16xf32>,
          %le3A_494 = vector.broadcast %squeeze3A : f32 to vector<16xf32>
          %le3A_495 = arith.cmpf ole, %get3A_493, %le3A_494 : vector<16xf32>
          %swap3A_496 = arith.index_cast %add3A_490 : i32 to index
          %swap3A_497 = tpu.vector_load %arg11[%swap3A_496] masked %le3A_495 {strides = array<i32>} : memref<16416xf32, #tpu.memory_space<vmem>>, vector<16xf32>, vector<16xi1>
          tpu.vector_store %arg11[%swap3A_496], %get3A_493 masked %le3A_495 {strides = array<i32>} : memref<16416xf32, #tpu.memory_space<vmem>>, vector<16xf32>, vector<16xi1>
          %add3A_498 = arith.constant 96 : i32
          %add3A_499 = arith.addi %mul3A_388, %add3A_498 : i32
          %add3A_500 = vector.broadcast %add3A_499 : i32 to vector<16xi32>
          %add3A_501 = arith.addi %add3A_500, %iota3A : vector<16xi32>
          %swap3A_502 = arith.index_cast %add3A_490 : i32 to index
          %swap3A_503 = tpu.vector_load %arg12[%swap3A_502] masked %le3A_495 {strides = array<i32>} : memref<16416xi32, #tpu.memory_space<vmem>>, vector<16xi32>, vector<16xi1>
          tpu.vector_store %arg12[%swap3A_502], %add3A_501 masked %le3A_495 {strides = array<i32>} : memref<16416xi32, #tpu.memory_space<vmem>>, vector<16xi32>, vector<16xi1>
          %all_reduce_population_count3A_504 = tpu.all_reduce %le3A_495 {dim = 0 : i64, kind = #tpu.reduction_kind<sum>} : vector<16xi1> -> vector<16xi32>
          %slice3A_505 = vector.extract_strided_slice %all_reduce_population_count3A_504 {offsets = [0], sizes = [1], strides = [1]} : vector<16xi32> to vector<1xi32>
          %squeeze3A_506 = vector.extract %slice3A_505[0] : i32 from vector<1xi32>
          %add3A_507 = arith.addi %add3A_490, %squeeze3A_506 : i32
          %get3A_508 = arith.index_cast %while3A_378 : i32 to index
          %get3A_509 = arith.constant 112 : index
          %get3A_510 = tpu.vector_load %arg10[%get3A_508, %get3A_509] {strides = array<i32>} : memref<16x128xf32, #tpu.memory_space<vmem>>, vector<16xf32>,
          %le3A_511 = vector.broadcast %squeeze3A : f32 to vector<16xf32>
          %le3A_512 = arith.cmpf ole, %get3A_510, %le3A_511 : vector<16xf32>
          %swap3A_513 = arith.index_cast %add3A_507 : i32 to index
          %swap3A_514 = tpu.vector_load %arg11[%swap3A_513] masked %le3A_512 {strides = array<i32>} : memref<16416xf32, #tpu.memory_space<vmem>>, vector<16xf32>, vector<16xi1>
          tpu.vector_store %arg11[%swap3A_513], %get3A_510 masked %le3A_512 {strides = array<i32>} : memref<16416xf32, #tpu.memory_space<vmem>>, vector<16xf32>, vector<16xi1>
          %add3A_515 = arith.constant 112 : i32
          %add3A_516 = arith.addi %mul3A_388, %add3A_515 : i32
          %add3A_517 = vector.broadcast %add3A_516 : i32 to vector<16xi32>
          %add3A_518 = arith.addi %add3A_517, %iota3A : vector<16xi32>
          %swap3A_519 = arith.index_cast %add3A_507 : i32 to index
          %swap3A_520 = tpu.vector_load %arg12[%swap3A_519] masked %le3A_512 {strides = array<i32>} : memref<16416xi32, #tpu.memory_space<vmem>>, vector<16xi32>, vector<16xi1>
          tpu.vector_store %arg12[%swap3A_519], %add3A_518 masked %le3A_512 {strides = array<i32>} : memref<16416xi32, #tpu.memory_space<vmem>>, vector<16xi32>, vector<16xi1>
          %all_reduce_population_count3A_521 = tpu.all_reduce %le3A_512 {dim = 0 : i64, kind = #tpu.reduction_kind<sum>} : vector<16xi1> -> vector<16xi32>
          %slice3A_522 = vector.extract_strided_slice %all_reduce_population_count3A_521 {offsets = [0], sizes = [1], strides = [1]} : vector<16xi32> to vector<1xi32>
          %squeeze3A_523 = vector.extract %slice3A_522[0] : i32 from vector<1xi32>
          %add3A_524 = arith.addi %add3A_507, %squeeze3A_523 : i32
          scf.yield %add3A_524 : i32
        }
        %while3A_376 = arith.constant 1 : i32
        %while3A_377 = scf.for %while3A_378 = %while3A_373 to %while3A_369 step %while3A_376 iter_args(%while3A_379 = %while3A_375) -> (i32)  : i32 {
          %mul3A_380 = arith.constant 16 : i32
          %mul3A_381 = arith.muli %while3A_350, %mul3A_380 : i32
          %add3A_382 = arith.addi %mul3A_381, %while3A_378 : i32
          %get3A_383 = arith.index_cast %add3A_382 : i32 to index
          %get3A_384 = tpu.vector_load %arg9[%get3A_383] {strides = array<i32>} : memref<144xi32, #tpu.memory_space<vmem>>, vector<16xi32>,
          %slice3A_385 = vector.extract_strided_slice %get3A_384 {offsets = [0], sizes = [1], strides = [1]} : vector<16xi32> to vector<1xi32>
          %squeeze3A_386 = vector.extract %slice3A_385[0] : i32 from vector<1xi32>
          %mul3A_387 = arith.constant 128 : i32
          %mul3A_388 = arith.muli %squeeze3A_386, %mul3A_387 : i32
          %get3A_389 = arith.index_cast %while3A_378 : i32 to index
          %get3A_390 = arith.constant 0 : index
          %get3A_391 = tpu.vector_load %arg10[%get3A_389, %get3A_390] {strides = array<i32>} : memref<16x128xf32, #tpu.memory_space<vmem>>, vector<16xf32>,
          %le3A_392 = vector.broadcast %squeeze3A : f32 to vector<16xf32>
          %le3A_393 = arith.cmpf ole, %get3A_391, %le3A_392 : vector<16xf32>
          %swap3A_394 = arith.index_cast %while3A_379 : i32 to index
          %swap3A_395 = tpu.vector_load %arg11[%swap3A_394] masked %le3A_393 {strides = array<i32>} : memref<16416xf32, #tpu.memory_space<vmem>>, vector<16xf32>, vector<16xi1>
          tpu.vector_store %arg11[%swap3A_394], %get3A_391 masked %le3A_393 {strides = array<i32>} : memref<16416xf32, #tpu.memory_space<vmem>>, vector<16xf32>, vector<16xi1>
          %add3A_396 = arith.constant 0 : i32
          %add3A_397 = arith.addi %mul3A_388, %add3A_396 : i32
          %add3A_398 = vector.broadcast %add3A_397 : i32 to vector<16xi32>
          %add3A_399 = arith.addi %add3A_398, %iota3A : vector<16xi32>
          %swap3A_400 = arith.index_cast %while3A_379 : i32 to index
          %swap3A_401 = tpu.vector_load %arg12[%swap3A_400] masked %le3A_393 {strides = array<i32>} : memref<16416xi32, #tpu.memory_space<vmem>>, vector<16xi32>, vector<16xi1>
          tpu.vector_store %arg12[%swap3A_400], %add3A_399 masked %le3A_393 {strides = array<i32>} : memref<16416xi32, #tpu.memory_space<vmem>>, vector<16xi32>, vector<16xi1>
          %all_reduce_population_count3A_402 = tpu.all_reduce %le3A_393 {dim = 0 : i64, kind = #tpu.reduction_kind<sum>} : vector<16xi1> -> vector<16xi32>
          %slice3A_403 = vector.extract_strided_slice %all_reduce_population_count3A_402 {offsets = [0], sizes = [1], strides = [1]} : vector<16xi32> to vector<1xi32>
          %squeeze3A_404 = vector.extract %slice3A_403[0] : i32 from vector<1xi32>
          %add3A_405 = arith.addi %while3A_379, %squeeze3A_404 : i32
          %get3A_406 = arith.index_cast %while3A_378 : i32 to index
          %get3A_407 = arith.constant 16 : index
          %get3A_408 = tpu.vector_load %arg10[%get3A_406, %get3A_407] {strides = array<i32>} : memref<16x128xf32, #tpu.memory_space<vmem>>, vector<16xf32>,
          %le3A_409 = vector.broadcast %squeeze3A : f32 to vector<16xf32>
          %le3A_410 = arith.cmpf ole, %get3A_408, %le3A_409 : vector<16xf32>
          %swap3A_411 = arith.index_cast %add3A_405 : i32 to index
          %swap3A_412 = tpu.vector_load %arg11[%swap3A_411] masked %le3A_410 {strides = array<i32>} : memref<16416xf32, #tpu.memory_space<vmem>>, vector<16xf32>, vector<16xi1>
          tpu.vector_store %arg11[%swap3A_411], %get3A_408 masked %le3A_410 {strides = array<i32>} : memref<16416xf32, #tpu.memory_space<vmem>>, vector<16xf32>, vector<16xi1>
          %add3A_413 = arith.constant 16 : i32
          %add3A_414 = arith.addi %mul3A_388, %add3A_413 : i32
          %add3A_415 = vector.broadcast %add3A_414 : i32 to vector<16xi32>
          %add3A_416 = arith.addi %add3A_415, %iota3A : vector<16xi32>
          %swap3A_417 = arith.index_cast %add3A_405 : i32 to index
          %swap3A_418 = tpu.vector_load %arg12[%swap3A_417] masked %le3A_410 {strides = array<i32>} : memref<16416xi32, #tpu.memory_space<vmem>>, vector<16xi32>, vector<16xi1>
          tpu.vector_store %arg12[%swap3A_417], %add3A_416 masked %le3A_410 {strides = array<i32>} : memref<16416xi32, #tpu.memory_space<vmem>>, vector<16xi32>, vector<16xi1>
          %all_reduce_population_count3A_419 = tpu.all_reduce %le3A_410 {dim = 0 : i64, kind = #tpu.reduction_kind<sum>} : vector<16xi1> -> vector<16xi32>
          %slice3A_420 = vector.extract_strided_slice %all_reduce_population_count3A_419 {offsets = [0], sizes = [1], strides = [1]} : vector<16xi32> to vector<1xi32>
          %squeeze3A_421 = vector.extract %slice3A_420[0] : i32 from vector<1xi32>
          %add3A_422 = arith.addi %add3A_405, %squeeze3A_421 : i32
          %get3A_423 = arith.index_cast %while3A_378 : i32 to index
          %get3A_424 = arith.constant 32 : index
          %get3A_425 = tpu.vector_load %arg10[%get3A_423, %get3A_424] {strides = array<i32>} : memref<16x128xf32, #tpu.memory_space<vmem>>, vector<16xf32>,
          %le3A_426 = vector.broadcast %squeeze3A : f32 to vector<16xf32>
          %le3A_427 = arith.cmpf ole, %get3A_425, %le3A_426 : vector<16xf32>
          %swap3A_428 = arith.index_cast %add3A_422 : i32 to index
          %swap3A_429 = tpu.vector_load %arg11[%swap3A_428] masked %le3A_427 {strides = array<i32>} : memref<16416xf32, #tpu.memory_space<vmem>>, vector<16xf32>, vector<16xi1>
          tpu.vector_store %arg11[%swap3A_428], %get3A_425 masked %le3A_427 {strides = array<i32>} : memref<16416xf32, #tpu.memory_space<vmem>>, vector<16xf32>, vector<16xi1>
          %add3A_430 = arith.constant 32 : i32
          %add3A_431 = arith.addi %mul3A_388, %add3A_430 : i32
          %add3A_432 = vector.broadcast %add3A_431 : i32 to vector<16xi32>
          %add3A_433 = arith.addi %add3A_432, %iota3A : vector<16xi32>
          %swap3A_434 = arith.index_cast %add3A_422 : i32 to index
          %swap3A_435 = tpu.vector_load %arg12[%swap3A_434] masked %le3A_427 {strides = array<i32>} : memref<16416xi32, #tpu.memory_space<vmem>>, vector<16xi32>, vector<16xi1>
          tpu.vector_store %arg12[%swap3A_434], %add3A_433 masked %le3A_427 {strides = array<i32>} : memref<16416xi32, #tpu.memory_space<vmem>>, vector<16xi32>, vector<16xi1>
          %all_reduce_population_count3A_436 = tpu.all_reduce %le3A_427 {dim = 0 : i64, kind = #tpu.reduction_kind<sum>} : vector<16xi1> -> vector<16xi32>
          %slice3A_437 = vector.extract_strided_slice %all_reduce_population_count3A_436 {offsets = [0], sizes = [1], strides = [1]} : vector<16xi32> to vector<1xi32>
          %squeeze3A_438 = vector.extract %slice3A_437[0] : i32 from vector<1xi32>
          %add3A_439 = arith.addi %add3A_422, %squeeze3A_438 : i32
          %get3A_440 = arith.index_cast %while3A_378 : i32 to index
          %get3A_441 = arith.constant 48 : index
          %get3A_442 = tpu.vector_load %arg10[%get3A_440, %get3A_441] {strides = array<i32>} : memref<16x128xf32, #tpu.memory_space<vmem>>, vector<16xf32>,
          %le3A_443 = vector.broadcast %squeeze3A : f32 to vector<16xf32>
          %le3A_444 = arith.cmpf ole, %get3A_442, %le3A_443 : vector<16xf32>
          %swap3A_445 = arith.index_cast %add3A_439 : i32 to index
          %swap3A_446 = tpu.vector_load %arg11[%swap3A_445] masked %le3A_444 {strides = array<i32>} : memref<16416xf32, #tpu.memory_space<vmem>>, vector<16xf32>, vector<16xi1>
          tpu.vector_store %arg11[%swap3A_445], %get3A_442 masked %le3A_444 {strides = array<i32>} : memref<16416xf32, #tpu.memory_space<vmem>>, vector<16xf32>, vector<16xi1>
          %add3A_447 = arith.constant 48 : i32
          %add3A_448 = arith.addi %mul3A_388, %add3A_447 : i32
          %add3A_449 = vector.broadcast %add3A_448 : i32 to vector<16xi32>
          %add3A_450 = arith.addi %add3A_449, %iota3A : vector<16xi32>
          %swap3A_451 = arith.index_cast %add3A_439 : i32 to index
          %swap3A_452 = tpu.vector_load %arg12[%swap3A_451] masked %le3A_444 {strides = array<i32>} : memref<16416xi32, #tpu.memory_space<vmem>>, vector<16xi32>, vector<16xi1>
          tpu.vector_store %arg12[%swap3A_451], %add3A_450 masked %le3A_444 {strides = array<i32>} : memref<16416xi32, #tpu.memory_space<vmem>>, vector<16xi32>, vector<16xi1>
          %all_reduce_population_count3A_453 = tpu.all_reduce %le3A_444 {dim = 0 : i64, kind = #tpu.reduction_kind<sum>} : vector<16xi1> -> vector<16xi32>
          %slice3A_454 = vector.extract_strided_slice %all_reduce_population_count3A_453 {offsets = [0], sizes = [1], strides = [1]} : vector<16xi32> to vector<1xi32>
          %squeeze3A_455 = vector.extract %slice3A_454[0] : i32 from vector<1xi32>
          %add3A_456 = arith.addi %add3A_439, %squeeze3A_455 : i32
          %get3A_457 = arith.index_cast %while3A_378 : i32 to index
          %get3A_458 = arith.constant 64 : index
          %get3A_459 = tpu.vector_load %arg10[%get3A_457, %get3A_458] {strides = array<i32>} : memref<16x128xf32, #tpu.memory_space<vmem>>, vector<16xf32>,
          %le3A_460 = vector.broadcast %squeeze3A : f32 to vector<16xf32>
          %le3A_461 = arith.cmpf ole, %get3A_459, %le3A_460 : vector<16xf32>
          %swap3A_462 = arith.index_cast %add3A_456 : i32 to index
          %swap3A_463 = tpu.vector_load %arg11[%swap3A_462] masked %le3A_461 {strides = array<i32>} : memref<16416xf32, #tpu.memory_space<vmem>>, vector<16xf32>, vector<16xi1>
          tpu.vector_store %arg11[%swap3A_462], %get3A_459 masked %le3A_461 {strides = array<i32>} : memref<16416xf32, #tpu.memory_space<vmem>>, vector<16xf32>, vector<16xi1>
          %add3A_464 = arith.constant 64 : i32
          %add3A_465 = arith.addi %mul3A_388, %add3A_464 : i32
          %add3A_466 = vector.broadcast %add3A_465 : i32 to vector<16xi32>
          %add3A_467 = arith.addi %add3A_466, %iota3A : vector<16xi32>
          %swap3A_468 = arith.index_cast %add3A_456 : i32 to index
          %swap3A_469 = tpu.vector_load %arg12[%swap3A_468] masked %le3A_461 {strides = array<i32>} : memref<16416xi32, #tpu.memory_space<vmem>>, vector<16xi32>, vector<16xi1>
          tpu.vector_store %arg12[%swap3A_468], %add3A_467 masked %le3A_461 {strides = array<i32>} : memref<16416xi32, #tpu.memory_space<vmem>>, vector<16xi32>, vector<16xi1>
          %all_reduce_population_count3A_470 = tpu.all_reduce %le3A_461 {dim = 0 : i64, kind = #tpu.reduction_kind<sum>} : vector<16xi1> -> vector<16xi32>
          %slice3A_471 = vector.extract_strided_slice %all_reduce_population_count3A_470 {offsets = [0], sizes = [1], strides = [1]} : vector<16xi32> to vector<1xi32>
          %squeeze3A_472 = vector.extract %slice3A_471[0] : i32 from vector<1xi32>
          %add3A_473 = arith.addi %add3A_456, %squeeze3A_472 : i32
          %get3A_474 = arith.index_cast %while3A_378 : i32 to index
          %get3A_475 = arith.constant 80 : index
          %get3A_476 = tpu.vector_load %arg10[%get3A_474, %get3A_475] {strides = array<i32>} : memref<16x128xf32, #tpu.memory_space<vmem>>, vector<16xf32>,
          %le3A_477 = vector.broadcast %squeeze3A : f32 to vector<16xf32>
          %le3A_478 = arith.cmpf ole, %get3A_476, %le3A_477 : vector<16xf32>
          %swap3A_479 = arith.index_cast %add3A_473 : i32 to index
          %swap3A_480 = tpu.vector_load %arg11[%swap3A_479] masked %le3A_478 {strides = array<i32>} : memref<16416xf32, #tpu.memory_space<vmem>>, vector<16xf32>, vector<16xi1>
          tpu.vector_store %arg11[%swap3A_479], %get3A_476 masked %le3A_478 {strides = array<i32>} : memref<16416xf32, #tpu.memory_space<vmem>>, vector<16xf32>, vector<16xi1>
          %add3A_481 = arith.constant 80 : i32
          %add3A_482 = arith.addi %mul3A_388, %add3A_481 : i32
          %add3A_483 = vector.broadcast %add3A_482 : i32 to vector<16xi32>
          %add3A_484 = arith.addi %add3A_483, %iota3A : vector<16xi32>
          %swap3A_485 = arith.index_cast %add3A_473 : i32 to index
          %swap3A_486 = tpu.vector_load %arg12[%swap3A_485] masked %le3A_478 {strides = array<i32>} : memref<16416xi32, #tpu.memory_space<vmem>>, vector<16xi32>, vector<16xi1>
          tpu.vector_store %arg12[%swap3A_485], %add3A_484 masked %le3A_478 {strides = array<i32>} : memref<16416xi32, #tpu.memory_space<vmem>>, vector<16xi32>, vector<16xi1>
          %all_reduce_population_count3A_487 = tpu.all_reduce %le3A_478 {dim = 0 : i64, kind = #tpu.reduction_kind<sum>} : vector<16xi1> -> vector<16xi32>
          %slice3A_488 = vector.extract_strided_slice %all_reduce_population_count3A_487 {offsets = [0], sizes = [1], strides = [1]} : vector<16xi32> to vector<1xi32>
          %squeeze3A_489 = vector.extract %slice3A_488[0] : i32 from vector<1xi32>
          %add3A_490 = arith.addi %add3A_473, %squeeze3A_489 : i32
          %get3A_491 = arith.index_cast %while3A_378 : i32 to index
          %get3A_492 = arith.constant 96 : index
          %get3A_493 = tpu.vector_load %arg10[%get3A_491, %get3A_492] {strides = array<i32>} : memref<16x128xf32, #tpu.memory_space<vmem>>, vector<16xf32>,
          %le3A_494 = vector.broadcast %squeeze3A : f32 to vector<16xf32>
          %le3A_495 = arith.cmpf ole, %get3A_493, %le3A_494 : vector<16xf32>
          %swap3A_496 = arith.index_cast %add3A_490 : i32 to index
          %swap3A_497 = tpu.vector_load %arg11[%swap3A_496] masked %le3A_495 {strides = array<i32>} : memref<16416xf32, #tpu.memory_space<vmem>>, vector<16xf32>, vector<16xi1>
          tpu.vector_store %arg11[%swap3A_496], %get3A_493 masked %le3A_495 {strides = array<i32>} : memref<16416xf32, #tpu.memory_space<vmem>>, vector<16xf32>, vector<16xi1>
          %add3A_498 = arith.constant 96 : i32
          %add3A_499 = arith.addi %mul3A_388, %add3A_498 : i32
          %add3A_500 = vector.broadcast %add3A_499 : i32 to vector<16xi32>
          %add3A_501 = arith.addi %add3A_500, %iota3A : vector<16xi32>
          %swap3A_502 = arith.index_cast %add3A_490 : i32 to index
          %swap3A_503 = tpu.vector_load %arg12[%swap3A_502] masked %le3A_495 {strides = array<i32>} : memref<16416xi32, #tpu.memory_space<vmem>>, vector<16xi32>, vector<16xi1>
          tpu.vector_store %arg12[%swap3A_502], %add3A_501 masked %le3A_495 {strides = array<i32>} : memref<16416xi32, #tpu.memory_space<vmem>>, vector<16xi32>, vector<16xi1>
          %all_reduce_population_count3A_504 = tpu.all_reduce %le3A_495 {dim = 0 : i64, kind = #tpu.reduction_kind<sum>} : vector<16xi1> -> vector<16xi32>
          %slice3A_505 = vector.extract_strided_slice %all_reduce_population_count3A_504 {offsets = [0], sizes = [1], strides = [1]} : vector<16xi32> to vector<1xi32>
          %squeeze3A_506 = vector.extract %slice3A_505[0] : i32 from vector<1xi32>
          %add3A_507 = arith.addi %add3A_490, %squeeze3A_506 : i32
          %get3A_508 = arith.index_cast %while3A_378 : i32 to index
          %get3A_509 = arith.constant 112 : index
          %get3A_510 = tpu.vector_load %arg10[%get3A_508, %get3A_509] {strides = array<i32>} : memref<16x128xf32, #tpu.memory_space<vmem>>, vector<16xf32>,
          %le3A_511 = vector.broadcast %squeeze3A : f32 to vector<16xf32>
          %le3A_512 = arith.cmpf ole, %get3A_510, %le3A_511 : vector<16xf32>
          %swap3A_513 = arith.index_cast %add3A_507 : i32 to index
          %swap3A_514 = tpu.vector_load %arg11[%swap3A_513] masked %le3A_512 {strides = array<i32>} : memref<16416xf32, #tpu.memory_space<vmem>>, vector<16xf32>, vector<16xi1>
          tpu.vector_store %arg11[%swap3A_513], %get3A_510 masked %le3A_512 {strides = array<i32>} : memref<16416xf32, #tpu.memory_space<vmem>>, vector<16xf32>, vector<16xi1>
          %add3A_515 = arith.constant 112 : i32
          %add3A_516 = arith.addi %mul3A_388, %add3A_515 : i32
          %add3A_517 = vector.broadcast %add3A_516 : i32 to vector<16xi32>
          %add3A_518 = arith.addi %add3A_517, %iota3A : vector<16xi32>
          %swap3A_519 = arith.index_cast %add3A_507 : i32 to index
          %swap3A_520 = tpu.vector_load %arg12[%swap3A_519] masked %le3A_512 {strides = array<i32>} : memref<16416xi32, #tpu.memory_space<vmem>>, vector<16xi32>, vector<16xi1>
          tpu.vector_store %arg12[%swap3A_519], %add3A_518 masked %le3A_512 {strides = array<i32>} : memref<16416xi32, #tpu.memory_space<vmem>>, vector<16xi32>, vector<16xi1>
          %all_reduce_population_count3A_521 = tpu.all_reduce %le3A_512 {dim = 0 : i64, kind = #tpu.reduction_kind<sum>} : vector<16xi1> -> vector<16xi32>
          %slice3A_522 = vector.extract_strided_slice %all_reduce_population_count3A_521 {offsets = [0], sizes = [1], strides = [1]} : vector<16xi32> to vector<1xi32>
          %squeeze3A_523 = vector.extract %slice3A_522[0] : i32 from vector<1xi32>
          %add3A_524 = arith.addi %add3A_507, %squeeze3A_523 : i32
          scf.yield %add3A_524 : i32
        }
        scf.yield %while3A_377 : i32
      }
      %while3A_301 = arith.constant 1 : i32
      %while3A_302 = scf.for %while3A_350 = %while3A_298 to %while3A_294 step %while3A_301 iter_args(%while3A_351 = %while3A_300) -> (i32)  : i32 {
        %mul3A_352 = arith.constant 16 : i32
        %mul3A_353 = arith.muli %while3A_350, %mul3A_352 : i32
        %get3A_354 = arith.index_cast %mul3A_353 : i32 to index
        %get3A_355 = tpu.vector_load %arg8[%get3A_354] {strides = array<i32>} : memref<144xi32, #tpu.memory_space<vmem>>, vector<16xi32>,
        %dma_start3A_356 = arith.constant 0 : i32
        %dma_start3A_357 = arith.constant 0 : i32
        %dma_start3A_358 = tpu.memref_slice %arg2[%dma_start3A_356, %dma_start3A_357] : memref<262144x128xf32, #tpu.memory_space<hbm>> -> memref<262144x128xf32, #tpu.memory_space<hbm>>
        tpu.enqueue_indirect_dma source(%dma_start3A_358 : memref<262144x128xf32, #tpu.memory_space<hbm>>) target(%arg10 : memref<16x128xf32, #tpu.memory_space<vmem>>) offsets(%get3A_355 : vector<16xi32>) semaphore(%arg16 : memref<!tpu.dma_semaphore, #tpu.memory_space<semaphore_mem>>)
        %dma_wait3A_359 = arith.constant 0 : i32
        %dma_wait3A_360 = arith.constant 0 : i32
        %dma_wait3A_361 = tpu.memref_slice %arg2[%dma_wait3A_359, %dma_wait3A_360] : memref<262144x128xf32, #tpu.memory_space<hbm>> -> memref<262144x128xf32, #tpu.memory_space<hbm>>
        tpu.wait_indirect_dma semaphore(%arg16 : memref<!tpu.dma_semaphore, #tpu.memory_space<semaphore_mem>>) src(%dma_wait3A_361 : memref<262144x128xf32, #tpu.memory_space<hbm>>) dst(%arg10 : memref<16x128xf32, #tpu.memory_space<vmem>>)
        %mul3A_362 = arith.constant 16 : i32
        %mul3A_363 = arith.muli %while3A_350, %mul3A_362 : i32
        %sub3A_364 = arith.subi %add3A_273, %mul3A_363 : i32
        %min3A_365 = arith.constant 16 : i32
        %min3A_366 = arith.minsi %min3A_365, %sub3A_364 : i32
        %while3A_367 = arith.constant 0 : i32
        %while3A_368 = arith.subi %min3A_366, %while3A_367 : i32
        %while3A_369 = arith.addi %while3A_367, %while3A_368 : i32
        %while3A_370 = arith.constant 1 : i32
        %while3A_371 = arith.divsi %while3A_368, %while3A_370 : i32
        %while3A_372 = arith.muli %while3A_371, %while3A_370 : i32
        %while3A_373 = arith.addi %while3A_367, %while3A_372 : i32
        %while3A_374 = arith.constant 1 : i32
        %while3A_375 = scf.for %while3A_378 = %while3A_367 to %while3A_373 step %while3A_374 iter_args(%while3A_379 = %while3A_351) -> (i32)  : i32 {
          %mul3A_380 = arith.constant 16 : i32
          %mul3A_381 = arith.muli %while3A_350, %mul3A_380 : i32
          %add3A_382 = arith.addi %mul3A_381, %while3A_378 : i32
          %get3A_383 = arith.index_cast %add3A_382 : i32 to index
          %get3A_384 = tpu.vector_load %arg9[%get3A_383] {strides = array<i32>} : memref<144xi32, #tpu.memory_space<vmem>>, vector<16xi32>,
          %slice3A_385 = vector.extract_strided_slice %get3A_384 {offsets = [0], sizes = [1], strides = [1]} : vector<16xi32> to vector<1xi32>
          %squeeze3A_386 = vector.extract %slice3A_385[0] : i32 from vector<1xi32>
          %mul3A_387 = arith.constant 128 : i32
          %mul3A_388 = arith.muli %squeeze3A_386, %mul3A_387 : i32
          %get3A_389 = arith.index_cast %while3A_378 : i32 to index
          %get3A_390 = arith.constant 0 : index
          %get3A_391 = tpu.vector_load %arg10[%get3A_389, %get3A_390] {strides = array<i32>} : memref<16x128xf32, #tpu.memory_space<vmem>>, vector<16xf32>,
          %le3A_392 = vector.broadcast %squeeze3A : f32 to vector<16xf32>
          %le3A_393 = arith.cmpf ole, %get3A_391, %le3A_392 : vector<16xf32>
          %swap3A_394 = arith.index_cast %while3A_379 : i32 to index
          %swap3A_395 = tpu.vector_load %arg11[%swap3A_394] masked %le3A_393 {strides = array<i32>} : memref<16416xf32, #tpu.memory_space<vmem>>, vector<16xf32>, vector<16xi1>
          tpu.vector_store %arg11[%swap3A_394], %get3A_391 masked %le3A_393 {strides = array<i32>} : memref<16416xf32, #tpu.memory_space<vmem>>, vector<16xf32>, vector<16xi1>
          %add3A_396 = arith.constant 0 : i32
          %add3A_397 = arith.addi %mul3A_388, %add3A_396 : i32
          %add3A_398 = vector.broadcast %add3A_397 : i32 to vector<16xi32>
          %add3A_399 = arith.addi %add3A_398, %iota3A : vector<16xi32>
          %swap3A_400 = arith.index_cast %while3A_379 : i32 to index
          %swap3A_401 = tpu.vector_load %arg12[%swap3A_400] masked %le3A_393 {strides = array<i32>} : memref<16416xi32, #tpu.memory_space<vmem>>, vector<16xi32>, vector<16xi1>
          tpu.vector_store %arg12[%swap3A_400], %add3A_399 masked %le3A_393 {strides = array<i32>} : memref<16416xi32, #tpu.memory_space<vmem>>, vector<16xi32>, vector<16xi1>
          %all_reduce_population_count3A_402 = tpu.all_reduce %le3A_393 {dim = 0 : i64, kind = #tpu.reduction_kind<sum>} : vector<16xi1> -> vector<16xi32>
          %slice3A_403 = vector.extract_strided_slice %all_reduce_population_count3A_402 {offsets = [0], sizes = [1], strides = [1]} : vector<16xi32> to vector<1xi32>
          %squeeze3A_404 = vector.extract %slice3A_403[0] : i32 from vector<1xi32>
          %add3A_405 = arith.addi %while3A_379, %squeeze3A_404 : i32
          %get3A_406 = arith.index_cast %while3A_378 : i32 to index
          %get3A_407 = arith.constant 16 : index
          %get3A_408 = tpu.vector_load %arg10[%get3A_406, %get3A_407] {strides = array<i32>} : memref<16x128xf32, #tpu.memory_space<vmem>>, vector<16xf32>,
          %le3A_409 = vector.broadcast %squeeze3A : f32 to vector<16xf32>
          %le3A_410 = arith.cmpf ole, %get3A_408, %le3A_409 : vector<16xf32>
          %swap3A_411 = arith.index_cast %add3A_405 : i32 to index
          %swap3A_412 = tpu.vector_load %arg11[%swap3A_411] masked %le3A_410 {strides = array<i32>} : memref<16416xf32, #tpu.memory_space<vmem>>, vector<16xf32>, vector<16xi1>
          tpu.vector_store %arg11[%swap3A_411], %get3A_408 masked %le3A_410 {strides = array<i32>} : memref<16416xf32, #tpu.memory_space<vmem>>, vector<16xf32>, vector<16xi1>
          %add3A_413 = arith.constant 16 : i32
          %add3A_414 = arith.addi %mul3A_388, %add3A_413 : i32
          %add3A_415 = vector.broadcast %add3A_414 : i32 to vector<16xi32>
          %add3A_416 = arith.addi %add3A_415, %iota3A : vector<16xi32>
          %swap3A_417 = arith.index_cast %add3A_405 : i32 to index
          %swap3A_418 = tpu.vector_load %arg12[%swap3A_417] masked %le3A_410 {strides = array<i32>} : memref<16416xi32, #tpu.memory_space<vmem>>, vector<16xi32>, vector<16xi1>
          tpu.vector_store %arg12[%swap3A_417], %add3A_416 masked %le3A_410 {strides = array<i32>} : memref<16416xi32, #tpu.memory_space<vmem>>, vector<16xi32>, vector<16xi1>
          %all_reduce_population_count3A_419 = tpu.all_reduce %le3A_410 {dim = 0 : i64, kind = #tpu.reduction_kind<sum>} : vector<16xi1> -> vector<16xi32>
          %slice3A_420 = vector.extract_strided_slice %all_reduce_population_count3A_419 {offsets = [0], sizes = [1], strides = [1]} : vector<16xi32> to vector<1xi32>
          %squeeze3A_421 = vector.extract %slice3A_420[0] : i32 from vector<1xi32>
          %add3A_422 = arith.addi %add3A_405, %squeeze3A_421 : i32
          %get3A_423 = arith.index_cast %while3A_378 : i32 to index
          %get3A_424 = arith.constant 32 : index
          %get3A_425 = tpu.vector_load %arg10[%get3A_423, %get3A_424] {strides = array<i32>} : memref<16x128xf32, #tpu.memory_space<vmem>>, vector<16xf32>,
          %le3A_426 = vector.broadcast %squeeze3A : f32 to vector<16xf32>
          %le3A_427 = arith.cmpf ole, %get3A_425, %le3A_426 : vector<16xf32>
          %swap3A_428 = arith.index_cast %add3A_422 : i32 to index
          %swap3A_429 = tpu.vector_load %arg11[%swap3A_428] masked %le3A_427 {strides = array<i32>} : memref<16416xf32, #tpu.memory_space<vmem>>, vector<16xf32>, vector<16xi1>
          tpu.vector_store %arg11[%swap3A_428], %get3A_425 masked %le3A_427 {strides = array<i32>} : memref<16416xf32, #tpu.memory_space<vmem>>, vector<16xf32>, vector<16xi1>
          %add3A_430 = arith.constant 32 : i32
          %add3A_431 = arith.addi %mul3A_388, %add3A_430 : i32
          %add3A_432 = vector.broadcast %add3A_431 : i32 to vector<16xi32>
          %add3A_433 = arith.addi %add3A_432, %iota3A : vector<16xi32>
          %swap3A_434 = arith.index_cast %add3A_422 : i32 to index
          %swap3A_435 = tpu.vector_load %arg12[%swap3A_434] masked %le3A_427 {strides = array<i32>} : memref<16416xi32, #tpu.memory_space<vmem>>, vector<16xi32>, vector<16xi1>
          tpu.vector_store %arg12[%swap3A_434], %add3A_433 masked %le3A_427 {strides = array<i32>} : memref<16416xi32, #tpu.memory_space<vmem>>, vector<16xi32>, vector<16xi1>
          %all_reduce_population_count3A_436 = tpu.all_reduce %le3A_427 {dim = 0 : i64, kind = #tpu.reduction_kind<sum>} : vector<16xi1> -> vector<16xi32>
          %slice3A_437 = vector.extract_strided_slice %all_reduce_population_count3A_436 {offsets = [0], sizes = [1], strides = [1]} : vector<16xi32> to vector<1xi32>
          %squeeze3A_438 = vector.extract %slice3A_437[0] : i32 from vector<1xi32>
          %add3A_439 = arith.addi %add3A_422, %squeeze3A_438 : i32
          %get3A_440 = arith.index_cast %while3A_378 : i32 to index
          %get3A_441 = arith.constant 48 : index
          %get3A_442 = tpu.vector_load %arg10[%get3A_440, %get3A_441] {strides = array<i32>} : memref<16x128xf32, #tpu.memory_space<vmem>>, vector<16xf32>,
          %le3A_443 = vector.broadcast %squeeze3A : f32 to vector<16xf32>
          %le3A_444 = arith.cmpf ole, %get3A_442, %le3A_443 : vector<16xf32>
          %swap3A_445 = arith.index_cast %add3A_439 : i32 to index
          %swap3A_446 = tpu.vector_load %arg11[%swap3A_445] masked %le3A_444 {strides = array<i32>} : memref<16416xf32, #tpu.memory_space<vmem>>, vector<16xf32>, vector<16xi1>
          tpu.vector_store %arg11[%swap3A_445], %get3A_442 masked %le3A_444 {strides = array<i32>} : memref<16416xf32, #tpu.memory_space<vmem>>, vector<16xf32>, vector<16xi1>
          %add3A_447 = arith.constant 48 : i32
          %add3A_448 = arith.addi %mul3A_388, %add3A_447 : i32
          %add3A_449 = vector.broadcast %add3A_448 : i32 to vector<16xi32>
          %add3A_450 = arith.addi %add3A_449, %iota3A : vector<16xi32>
          %swap3A_451 = arith.index_cast %add3A_439 : i32 to index
          %swap3A_452 = tpu.vector_load %arg12[%swap3A_451] masked %le3A_444 {strides = array<i32>} : memref<16416xi32, #tpu.memory_space<vmem>>, vector<16xi32>, vector<16xi1>
          tpu.vector_store %arg12[%swap3A_451], %add3A_450 masked %le3A_444 {strides = array<i32>} : memref<16416xi32, #tpu.memory_space<vmem>>, vector<16xi32>, vector<16xi1>
          %all_reduce_population_count3A_453 = tpu.all_reduce %le3A_444 {dim = 0 : i64, kind = #tpu.reduction_kind<sum>} : vector<16xi1> -> vector<16xi32>
          %slice3A_454 = vector.extract_strided_slice %all_reduce_population_count3A_453 {offsets = [0], sizes = [1], strides = [1]} : vector<16xi32> to vector<1xi32>
          %squeeze3A_455 = vector.extract %slice3A_454[0] : i32 from vector<1xi32>
          %add3A_456 = arith.addi %add3A_439, %squeeze3A_455 : i32
          %get3A_457 = arith.index_cast %while3A_378 : i32 to index
          %get3A_458 = arith.constant 64 : index
          %get3A_459 = tpu.vector_load %arg10[%get3A_457, %get3A_458] {strides = array<i32>} : memref<16x128xf32, #tpu.memory_space<vmem>>, vector<16xf32>,
          %le3A_460 = vector.broadcast %squeeze3A : f32 to vector<16xf32>
          %le3A_461 = arith.cmpf ole, %get3A_459, %le3A_460 : vector<16xf32>
          %swap3A_462 = arith.index_cast %add3A_456 : i32 to index
          %swap3A_463 = tpu.vector_load %arg11[%swap3A_462] masked %le3A_461 {strides = array<i32>} : memref<16416xf32, #tpu.memory_space<vmem>>, vector<16xf32>, vector<16xi1>
          tpu.vector_store %arg11[%swap3A_462], %get3A_459 masked %le3A_461 {strides = array<i32>} : memref<16416xf32, #tpu.memory_space<vmem>>, vector<16xf32>, vector<16xi1>
          %add3A_464 = arith.constant 64 : i32
          %add3A_465 = arith.addi %mul3A_388, %add3A_464 : i32
          %add3A_466 = vector.broadcast %add3A_465 : i32 to vector<16xi32>
          %add3A_467 = arith.addi %add3A_466, %iota3A : vector<16xi32>
          %swap3A_468 = arith.index_cast %add3A_456 : i32 to index
          %swap3A_469 = tpu.vector_load %arg12[%swap3A_468] masked %le3A_461 {strides = array<i32>} : memref<16416xi32, #tpu.memory_space<vmem>>, vector<16xi32>, vector<16xi1>
          tpu.vector_store %arg12[%swap3A_468], %add3A_467 masked %le3A_461 {strides = array<i32>} : memref<16416xi32, #tpu.memory_space<vmem>>, vector<16xi32>, vector<16xi1>
          %all_reduce_population_count3A_470 = tpu.all_reduce %le3A_461 {dim = 0 : i64, kind = #tpu.reduction_kind<sum>} : vector<16xi1> -> vector<16xi32>
          %slice3A_471 = vector.extract_strided_slice %all_reduce_population_count3A_470 {offsets = [0], sizes = [1], strides = [1]} : vector<16xi32> to vector<1xi32>
          %squeeze3A_472 = vector.extract %slice3A_471[0] : i32 from vector<1xi32>
          %add3A_473 = arith.addi %add3A_456, %squeeze3A_472 : i32
          %get3A_474 = arith.index_cast %while3A_378 : i32 to index
          %get3A_475 = arith.constant 80 : index
          %get3A_476 = tpu.vector_load %arg10[%get3A_474, %get3A_475] {strides = array<i32>} : memref<16x128xf32, #tpu.memory_space<vmem>>, vector<16xf32>,
          %le3A_477 = vector.broadcast %squeeze3A : f32 to vector<16xf32>
          %le3A_478 = arith.cmpf ole, %get3A_476, %le3A_477 : vector<16xf32>
          %swap3A_479 = arith.index_cast %add3A_473 : i32 to index
          %swap3A_480 = tpu.vector_load %arg11[%swap3A_479] masked %le3A_478 {strides = array<i32>} : memref<16416xf32, #tpu.memory_space<vmem>>, vector<16xf32>, vector<16xi1>
          tpu.vector_store %arg11[%swap3A_479], %get3A_476 masked %le3A_478 {strides = array<i32>} : memref<16416xf32, #tpu.memory_space<vmem>>, vector<16xf32>, vector<16xi1>
          %add3A_481 = arith.constant 80 : i32
          %add3A_482 = arith.addi %mul3A_388, %add3A_481 : i32
          %add3A_483 = vector.broadcast %add3A_482 : i32 to vector<16xi32>
          %add3A_484 = arith.addi %add3A_483, %iota3A : vector<16xi32>
          %swap3A_485 = arith.index_cast %add3A_473 : i32 to index
          %swap3A_486 = tpu.vector_load %arg12[%swap3A_485] masked %le3A_478 {strides = array<i32>} : memref<16416xi32, #tpu.memory_space<vmem>>, vector<16xi32>, vector<16xi1>
          tpu.vector_store %arg12[%swap3A_485], %add3A_484 masked %le3A_478 {strides = array<i32>} : memref<16416xi32, #tpu.memory_space<vmem>>, vector<16xi32>, vector<16xi1>
          %all_reduce_population_count3A_487 = tpu.all_reduce %le3A_478 {dim = 0 : i64, kind = #tpu.reduction_kind<sum>} : vector<16xi1> -> vector<16xi32>
          %slice3A_488 = vector.extract_strided_slice %all_reduce_population_count3A_487 {offsets = [0], sizes = [1], strides = [1]} : vector<16xi32> to vector<1xi32>
          %squeeze3A_489 = vector.extract %slice3A_488[0] : i32 from vector<1xi32>
          %add3A_490 = arith.addi %add3A_473, %squeeze3A_489 : i32
          %get3A_491 = arith.index_cast %while3A_378 : i32 to index
          %get3A_492 = arith.constant 96 : index
          %get3A_493 = tpu.vector_load %arg10[%get3A_491, %get3A_492] {strides = array<i32>} : memref<16x128xf32, #tpu.memory_space<vmem>>, vector<16xf32>,
          %le3A_494 = vector.broadcast %squeeze3A : f32 to vector<16xf32>
          %le3A_495 = arith.cmpf ole, %get3A_493, %le3A_494 : vector<16xf32>
          %swap3A_496 = arith.index_cast %add3A_490 : i32 to index
          %swap3A_497 = tpu.vector_load %arg11[%swap3A_496] masked %le3A_495 {strides = array<i32>} : memref<16416xf32, #tpu.memory_space<vmem>>, vector<16xf32>, vector<16xi1>
          tpu.vector_store %arg11[%swap3A_496], %get3A_493 masked %le3A_495 {strides = array<i32>} : memref<16416xf32, #tpu.memory_space<vmem>>, vector<16xf32>, vector<16xi1>
          %add3A_498 = arith.constant 96 : i32
          %add3A_499 = arith.addi %mul3A_388, %add3A_498 : i32
          %add3A_500 = vector.broadcast %add3A_499 : i32 to vector<16xi32>
          %add3A_501 = arith.addi %add3A_500, %iota3A : vector<16xi32>
          %swap3A_502 = arith.index_cast %add3A_490 : i32 to index
          %swap3A_503 = tpu.vector_load %arg12[%swap3A_502] masked %le3A_495 {strides = array<i32>} : memref<16416xi32, #tpu.memory_space<vmem>>, vector<16xi32>, vector<16xi1>
          tpu.vector_store %arg12[%swap3A_502], %add3A_501 masked %le3A_495 {strides = array<i32>} : memref<16416xi32, #tpu.memory_space<vmem>>, vector<16xi32>, vector<16xi1>
          %all_reduce_population_count3A_504 = tpu.all_reduce %le3A_495 {dim = 0 : i64, kind = #tpu.reduction_kind<sum>} : vector<16xi1> -> vector<16xi32>
          %slice3A_505 = vector.extract_strided_slice %all_reduce_population_count3A_504 {offsets = [0], sizes = [1], strides = [1]} : vector<16xi32> to vector<1xi32>
          %squeeze3A_506 = vector.extract %slice3A_505[0] : i32 from vector<1xi32>
          %add3A_507 = arith.addi %add3A_490, %squeeze3A_506 : i32
          %get3A_508 = arith.index_cast %while3A_378 : i32 to index
          %get3A_509 = arith.constant 112 : index
          %get3A_510 = tpu.vector_load %arg10[%get3A_508, %get3A_509] {strides = array<i32>} : memref<16x128xf32, #tpu.memory_space<vmem>>, vector<16xf32>,
          %le3A_511 = vector.broadcast %squeeze3A : f32 to vector<16xf32>
          %le3A_512 = arith.cmpf ole, %get3A_510, %le3A_511 : vector<16xf32>
          %swap3A_513 = arith.index_cast %add3A_507 : i32 to index
          %swap3A_514 = tpu.vector_load %arg11[%swap3A_513] masked %le3A_512 {strides = array<i32>} : memref<16416xf32, #tpu.memory_space<vmem>>, vector<16xf32>, vector<16xi1>
          tpu.vector_store %arg11[%swap3A_513], %get3A_510 masked %le3A_512 {strides = array<i32>} : memref<16416xf32, #tpu.memory_space<vmem>>, vector<16xf32>, vector<16xi1>
          %add3A_515 = arith.constant 112 : i32
          %add3A_516 = arith.addi %mul3A_388, %add3A_515 : i32
          %add3A_517 = vector.broadcast %add3A_516 : i32 to vector<16xi32>
          %add3A_518 = arith.addi %add3A_517, %iota3A : vector<16xi32>
          %swap3A_519 = arith.index_cast %add3A_507 : i32 to index
          %swap3A_520 = tpu.vector_load %arg12[%swap3A_519] masked %le3A_512 {strides = array<i32>} : memref<16416xi32, #tpu.memory_space<vmem>>, vector<16xi32>, vector<16xi1>
          tpu.vector_store %arg12[%swap3A_519], %add3A_518 masked %le3A_512 {strides = array<i32>} : memref<16416xi32, #tpu.memory_space<vmem>>, vector<16xi32>, vector<16xi1>
          %all_reduce_population_count3A_521 = tpu.all_reduce %le3A_512 {dim = 0 : i64, kind = #tpu.reduction_kind<sum>} : vector<16xi1> -> vector<16xi32>
          %slice3A_522 = vector.extract_strided_slice %all_reduce_population_count3A_521 {offsets = [0], sizes = [1], strides = [1]} : vector<16xi32> to vector<1xi32>
          %squeeze3A_523 = vector.extract %slice3A_522[0] : i32 from vector<1xi32>
          %add3A_524 = arith.addi %add3A_507, %squeeze3A_523 : i32
          scf.yield %add3A_524 : i32
        }
        %while3A_376 = arith.constant 1 : i32
        %while3A_377 = scf.for %while3A_378 = %while3A_373 to %while3A_369 step %while3A_376 iter_args(%while3A_379 = %while3A_375) -> (i32)  : i32 {
          %mul3A_380 = arith.constant 16 : i32
          %mul3A_381 = arith.muli %while3A_350, %mul3A_380 : i32
          %add3A_382 = arith.addi %mul3A_381, %while3A_378 : i32
          %get3A_383 = arith.index_cast %add3A_382 : i32 to index
          %get3A_384 = tpu.vector_load %arg9[%get3A_383] {strides = array<i32>} : memref<144xi32, #tpu.memory_space<vmem>>, vector<16xi32>,
          %slice3A_385 = vector.extract_strided_slice %get3A_384 {offsets = [0], sizes = [1], strides = [1]} : vector<16xi32> to vector<1xi32>
          %squeeze3A_386 = vector.extract %slice3A_385[0] : i32 from vector<1xi32>
          %mul3A_387 = arith.constant 128 : i32
          %mul3A_388 = arith.muli %squeeze3A_386, %mul3A_387 : i32
          %get3A_389 = arith.index_cast %while3A_378 : i32 to index
          %get3A_390 = arith.constant 0 : index
          %get3A_391 = tpu.vector_load %arg10[%get3A_389, %get3A_390] {strides = array<i32>} : memref<16x128xf32, #tpu.memory_space<vmem>>, vector<16xf32>,
          %le3A_392 = vector.broadcast %squeeze3A : f32 to vector<16xf32>
          %le3A_393 = arith.cmpf ole, %get3A_391, %le3A_392 : vector<16xf32>
          %swap3A_394 = arith.index_cast %while3A_379 : i32 to index
          %swap3A_395 = tpu.vector_load %arg11[%swap3A_394] masked %le3A_393 {strides = array<i32>} : memref<16416xf32, #tpu.memory_space<vmem>>, vector<16xf32>, vector<16xi1>
          tpu.vector_store %arg11[%swap3A_394], %get3A_391 masked %le3A_393 {strides = array<i32>} : memref<16416xf32, #tpu.memory_space<vmem>>, vector<16xf32>, vector<16xi1>
          %add3A_396 = arith.constant 0 : i32
          %add3A_397 = arith.addi %mul3A_388, %add3A_396 : i32
          %add3A_398 = vector.broadcast %add3A_397 : i32 to vector<16xi32>
          %add3A_399 = arith.addi %add3A_398, %iota3A : vector<16xi32>
          %swap3A_400 = arith.index_cast %while3A_379 : i32 to index
          %swap3A_401 = tpu.vector_load %arg12[%swap3A_400] masked %le3A_393 {strides = array<i32>} : memref<16416xi32, #tpu.memory_space<vmem>>, vector<16xi32>, vector<16xi1>
          tpu.vector_store %arg12[%swap3A_400], %add3A_399 masked %le3A_393 {strides = array<i32>} : memref<16416xi32, #tpu.memory_space<vmem>>, vector<16xi32>, vector<16xi1>
          %all_reduce_population_count3A_402 = tpu.all_reduce %le3A_393 {dim = 0 : i64, kind = #tpu.reduction_kind<sum>} : vector<16xi1> -> vector<16xi32>
          %slice3A_403 = vector.extract_strided_slice %all_reduce_population_count3A_402 {offsets = [0], sizes = [1], strides = [1]} : vector<16xi32> to vector<1xi32>
          %squeeze3A_404 = vector.extract %slice3A_403[0] : i32 from vector<1xi32>
          %add3A_405 = arith.addi %while3A_379, %squeeze3A_404 : i32
          %get3A_406 = arith.index_cast %while3A_378 : i32 to index
          %get3A_407 = arith.constant 16 : index
          %get3A_408 = tpu.vector_load %arg10[%get3A_406, %get3A_407] {strides = array<i32>} : memref<16x128xf32, #tpu.memory_space<vmem>>, vector<16xf32>,
          %le3A_409 = vector.broadcast %squeeze3A : f32 to vector<16xf32>
          %le3A_410 = arith.cmpf ole, %get3A_408, %le3A_409 : vector<16xf32>
          %swap3A_411 = arith.index_cast %add3A_405 : i32 to index
          %swap3A_412 = tpu.vector_load %arg11[%swap3A_411] masked %le3A_410 {strides = array<i32>} : memref<16416xf32, #tpu.memory_space<vmem>>, vector<16xf32>, vector<16xi1>
          tpu.vector_store %arg11[%swap3A_411], %get3A_408 masked %le3A_410 {strides = array<i32>} : memref<16416xf32, #tpu.memory_space<vmem>>, vector<16xf32>, vector<16xi1>
          %add3A_413 = arith.constant 16 : i32
          %add3A_414 = arith.addi %mul3A_388, %add3A_413 : i32
          %add3A_415 = vector.broadcast %add3A_414 : i32 to vector<16xi32>
          %add3A_416 = arith.addi %add3A_415, %iota3A : vector<16xi32>
          %swap3A_417 = arith.index_cast %add3A_405 : i32 to index
          %swap3A_418 = tpu.vector_load %arg12[%swap3A_417] masked %le3A_410 {strides = array<i32>} : memref<16416xi32, #tpu.memory_space<vmem>>, vector<16xi32>, vector<16xi1>
          tpu.vector_store %arg12[%swap3A_417], %add3A_416 masked %le3A_410 {strides = array<i32>} : memref<16416xi32, #tpu.memory_space<vmem>>, vector<16xi32>, vector<16xi1>
          %all_reduce_population_count3A_419 = tpu.all_reduce %le3A_410 {dim = 0 : i64, kind = #tpu.reduction_kind<sum>} : vector<16xi1> -> vector<16xi32>
          %slice3A_420 = vector.extract_strided_slice %all_reduce_population_count3A_419 {offsets = [0], sizes = [1], strides = [1]} : vector<16xi32> to vector<1xi32>
          %squeeze3A_421 = vector.extract %slice3A_420[0] : i32 from vector<1xi32>
          %add3A_422 = arith.addi %add3A_405, %squeeze3A_421 : i32
          %get3A_423 = arith.index_cast %while3A_378 : i32 to index
          %get3A_424 = arith.constant 32 : index
          %get3A_425 = tpu.vector_load %arg10[%get3A_423, %get3A_424] {strides = array<i32>} : memref<16x128xf32, #tpu.memory_space<vmem>>, vector<16xf32>,
          %le3A_426 = vector.broadcast %squeeze3A : f32 to vector<16xf32>
          %le3A_427 = arith.cmpf ole, %get3A_425, %le3A_426 : vector<16xf32>
          %swap3A_428 = arith.index_cast %add3A_422 : i32 to index
          %swap3A_429 = tpu.vector_load %arg11[%swap3A_428] masked %le3A_427 {strides = array<i32>} : memref<16416xf32, #tpu.memory_space<vmem>>, vector<16xf32>, vector<16xi1>
          tpu.vector_store %arg11[%swap3A_428], %get3A_425 masked %le3A_427 {strides = array<i32>} : memref<16416xf32, #tpu.memory_space<vmem>>, vector<16xf32>, vector<16xi1>
          %add3A_430 = arith.constant 32 : i32
          %add3A_431 = arith.addi %mul3A_388, %add3A_430 : i32
          %add3A_432 = vector.broadcast %add3A_431 : i32 to vector<16xi32>
          %add3A_433 = arith.addi %add3A_432, %iota3A : vector<16xi32>
          %swap3A_434 = arith.index_cast %add3A_422 : i32 to index
          %swap3A_435 = tpu.vector_load %arg12[%swap3A_434] masked %le3A_427 {strides = array<i32>} : memref<16416xi32, #tpu.memory_space<vmem>>, vector<16xi32>, vector<16xi1>
          tpu.vector_store %arg12[%swap3A_434], %add3A_433 masked %le3A_427 {strides = array<i32>} : memref<16416xi32, #tpu.memory_space<vmem>>, vector<16xi32>, vector<16xi1>
          %all_reduce_population_count3A_436 = tpu.all_reduce %le3A_427 {dim = 0 : i64, kind = #tpu.reduction_kind<sum>} : vector<16xi1> -> vector<16xi32>
          %slice3A_437 = vector.extract_strided_slice %all_reduce_population_count3A_436 {offsets = [0], sizes = [1], strides = [1]} : vector<16xi32> to vector<1xi32>
          %squeeze3A_438 = vector.extract %slice3A_437[0] : i32 from vector<1xi32>
          %add3A_439 = arith.addi %add3A_422, %squeeze3A_438 : i32
          %get3A_440 = arith.index_cast %while3A_378 : i32 to index
          %get3A_441 = arith.constant 48 : index
          %get3A_442 = tpu.vector_load %arg10[%get3A_440, %get3A_441] {strides = array<i32>} : memref<16x128xf32, #tpu.memory_space<vmem>>, vector<16xf32>,
          %le3A_443 = vector.broadcast %squeeze3A : f32 to vector<16xf32>
          %le3A_444 = arith.cmpf ole, %get3A_442, %le3A_443 : vector<16xf32>
          %swap3A_445 = arith.index_cast %add3A_439 : i32 to index
          %swap3A_446 = tpu.vector_load %arg11[%swap3A_445] masked %le3A_444 {strides = array<i32>} : memref<16416xf32, #tpu.memory_space<vmem>>, vector<16xf32>, vector<16xi1>
          tpu.vector_store %arg11[%swap3A_445], %get3A_442 masked %le3A_444 {strides = array<i32>} : memref<16416xf32, #tpu.memory_space<vmem>>, vector<16xf32>, vector<16xi1>
          %add3A_447 = arith.constant 48 : i32
          %add3A_448 = arith.addi %mul3A_388, %add3A_447 : i32
          %add3A_449 = vector.broadcast %add3A_448 : i32 to vector<16xi32>
          %add3A_450 = arith.addi %add3A_449, %iota3A : vector<16xi32>
          %swap3A_451 = arith.index_cast %add3A_439 : i32 to index
          %swap3A_452 = tpu.vector_load %arg12[%swap3A_451] masked %le3A_444 {strides = array<i32>} : memref<16416xi32, #tpu.memory_space<vmem>>, vector<16xi32>, vector<16xi1>
          tpu.vector_store %arg12[%swap3A_451], %add3A_450 masked %le3A_444 {strides = array<i32>} : memref<16416xi32, #tpu.memory_space<vmem>>, vector<16xi32>, vector<16xi1>
          %all_reduce_population_count3A_453 = tpu.all_reduce %le3A_444 {dim = 0 : i64, kind = #tpu.reduction_kind<sum>} : vector<16xi1> -> vector<16xi32>
          %slice3A_454 = vector.extract_strided_slice %all_reduce_population_count3A_453 {offsets = [0], sizes = [1], strides = [1]} : vector<16xi32> to vector<1xi32>
          %squeeze3A_455 = vector.extract %slice3A_454[0] : i32 from vector<1xi32>
          %add3A_456 = arith.addi %add3A_439, %squeeze3A_455 : i32
          %get3A_457 = arith.index_cast %while3A_378 : i32 to index
          %get3A_458 = arith.constant 64 : index
          %get3A_459 = tpu.vector_load %arg10[%get3A_457, %get3A_458] {strides = array<i32>} : memref<16x128xf32, #tpu.memory_space<vmem>>, vector<16xf32>,
          %le3A_460 = vector.broadcast %squeeze3A : f32 to vector<16xf32>
          %le3A_461 = arith.cmpf ole, %get3A_459, %le3A_460 : vector<16xf32>
          %swap3A_462 = arith.index_cast %add3A_456 : i32 to index
          %swap3A_463 = tpu.vector_load %arg11[%swap3A_462] masked %le3A_461 {strides = array<i32>} : memref<16416xf32, #tpu.memory_space<vmem>>, vector<16xf32>, vector<16xi1>
          tpu.vector_store %arg11[%swap3A_462], %get3A_459 masked %le3A_461 {strides = array<i32>} : memref<16416xf32, #tpu.memory_space<vmem>>, vector<16xf32>, vector<16xi1>
          %add3A_464 = arith.constant 64 : i32
          %add3A_465 = arith.addi %mul3A_388, %add3A_464 : i32
          %add3A_466 = vector.broadcast %add3A_465 : i32 to vector<16xi32>
          %add3A_467 = arith.addi %add3A_466, %iota3A : vector<16xi32>
          %swap3A_468 = arith.index_cast %add3A_456 : i32 to index
          %swap3A_469 = tpu.vector_load %arg12[%swap3A_468] masked %le3A_461 {strides = array<i32>} : memref<16416xi32, #tpu.memory_space<vmem>>, vector<16xi32>, vector<16xi1>
          tpu.vector_store %arg12[%swap3A_468], %add3A_467 masked %le3A_461 {strides = array<i32>} : memref<16416xi32, #tpu.memory_space<vmem>>, vector<16xi32>, vector<16xi1>
          %all_reduce_population_count3A_470 = tpu.all_reduce %le3A_461 {dim = 0 : i64, kind = #tpu.reduction_kind<sum>} : vector<16xi1> -> vector<16xi32>
          %slice3A_471 = vector.extract_strided_slice %all_reduce_population_count3A_470 {offsets = [0], sizes = [1], strides = [1]} : vector<16xi32> to vector<1xi32>
          %squeeze3A_472 = vector.extract %slice3A_471[0] : i32 from vector<1xi32>
          %add3A_473 = arith.addi %add3A_456, %squeeze3A_472 : i32
          %get3A_474 = arith.index_cast %while3A_378 : i32 to index
          %get3A_475 = arith.constant 80 : index
          %get3A_476 = tpu.vector_load %arg10[%get3A_474, %get3A_475] {strides = array<i32>} : memref<16x128xf32, #tpu.memory_space<vmem>>, vector<16xf32>,
          %le3A_477 = vector.broadcast %squeeze3A : f32 to vector<16xf32>
          %le3A_478 = arith.cmpf ole, %get3A_476, %le3A_477 : vector<16xf32>
          %swap3A_479 = arith.index_cast %add3A_473 : i32 to index
          %swap3A_480 = tpu.vector_load %arg11[%swap3A_479] masked %le3A_478 {strides = array<i32>} : memref<16416xf32, #tpu.memory_space<vmem>>, vector<16xf32>, vector<16xi1>
          tpu.vector_store %arg11[%swap3A_479], %get3A_476 masked %le3A_478 {strides = array<i32>} : memref<16416xf32, #tpu.memory_space<vmem>>, vector<16xf32>, vector<16xi1>
          %add3A_481 = arith.constant 80 : i32
          %add3A_482 = arith.addi %mul3A_388, %add3A_481 : i32
          %add3A_483 = vector.broadcast %add3A_482 : i32 to vector<16xi32>
          %add3A_484 = arith.addi %add3A_483, %iota3A : vector<16xi32>
          %swap3A_485 = arith.index_cast %add3A_473 : i32 to index
          %swap3A_486 = tpu.vector_load %arg12[%swap3A_485] masked %le3A_478 {strides = array<i32>} : memref<16416xi32, #tpu.memory_space<vmem>>, vector<16xi32>, vector<16xi1>
          tpu.vector_store %arg12[%swap3A_485], %add3A_484 masked %le3A_478 {strides = array<i32>} : memref<16416xi32, #tpu.memory_space<vmem>>, vector<16xi32>, vector<16xi1>
          %all_reduce_population_count3A_487 = tpu.all_reduce %le3A_478 {dim = 0 : i64, kind = #tpu.reduction_kind<sum>} : vector<16xi1> -> vector<16xi32>
          %slice3A_488 = vector.extract_strided_slice %all_reduce_population_count3A_487 {offsets = [0], sizes = [1], strides = [1]} : vector<16xi32> to vector<1xi32>
          %squeeze3A_489 = vector.extract %slice3A_488[0] : i32 from vector<1xi32>
          %add3A_490 = arith.addi %add3A_473, %squeeze3A_489 : i32
          %get3A_491 = arith.index_cast %while3A_378 : i32 to index
          %get3A_492 = arith.constant 96 : index
          %get3A_493 = tpu.vector_load %arg10[%get3A_491, %get3A_492] {strides = array<i32>} : memref<16x128xf32, #tpu.memory_space<vmem>>, vector<16xf32>,
          %le3A_494 = vector.broadcast %squeeze3A : f32 to vector<16xf32>
          %le3A_495 = arith.cmpf ole, %get3A_493, %le3A_494 : vector<16xf32>
          %swap3A_496 = arith.index_cast %add3A_490 : i32 to index
          %swap3A_497 = tpu.vector_load %arg11[%swap3A_496] masked %le3A_495 {strides = array<i32>} : memref<16416xf32, #tpu.memory_space<vmem>>, vector<16xf32>, vector<16xi1>
          tpu.vector_store %arg11[%swap3A_496], %get3A_493 masked %le3A_495 {strides = array<i32>} : memref<16416xf32, #tpu.memory_space<vmem>>, vector<16xf32>, vector<16xi1>
          %add3A_498 = arith.constant 96 : i32
          %add3A_499 = arith.addi %mul3A_388, %add3A_498 : i32
          %add3A_500 = vector.broadcast %add3A_499 : i32 to vector<16xi32>
          %add3A_501 = arith.addi %add3A_500, %iota3A : vector<16xi32>
          %swap3A_502 = arith.index_cast %add3A_490 : i32 to index
          %swap3A_503 = tpu.vector_load %arg12[%swap3A_502] masked %le3A_495 {strides = array<i32>} : memref<16416xi32, #tpu.memory_space<vmem>>, vector<16xi32>, vector<16xi1>
          tpu.vector_store %arg12[%swap3A_502], %add3A_501 masked %le3A_495 {strides = array<i32>} : memref<16416xi32, #tpu.memory_space<vmem>>, vector<16xi32>, vector<16xi1>
          %all_reduce_population_count3A_504 = tpu.all_reduce %le3A_495 {dim = 0 : i64, kind = #tpu.reduction_kind<sum>} : vector<16xi1> -> vector<16xi32>
          %slice3A_505 = vector.extract_strided_slice %all_reduce_population_count3A_504 {offsets = [0], sizes = [1], strides = [1]} : vector<16xi32> to vector<1xi32>
          %squeeze3A_506 = vector.extract %slice3A_505[0] : i32 from vector<1xi32>
          %add3A_507 = arith.addi %add3A_490, %squeeze3A_506 : i32
          %get3A_508 = arith.index_cast %while3A_378 : i32 to index
          %get3A_509 = arith.constant 112 : index
          %get3A_510 = tpu.vector_load %arg10[%get3A_508, %get3A_509] {strides = array<i32>} : memref<16x128xf32, #tpu.memory_space<vmem>>, vector<16xf32>,
          %le3A_511 = vector.broadcast %squeeze3A : f32 to vector<16xf32>
          %le3A_512 = arith.cmpf ole, %get3A_510, %le3A_511 : vector<16xf32>
          %swap3A_513 = arith.index_cast %add3A_507 : i32 to index
          %swap3A_514 = tpu.vector_load %arg11[%swap3A_513] masked %le3A_512 {strides = array<i32>} : memref<16416xf32, #tpu.memory_space<vmem>>, vector<16xf32>, vector<16xi1>
          tpu.vector_store %arg11[%swap3A_513], %get3A_510 masked %le3A_512 {strides = array<i32>} : memref<16416xf32, #tpu.memory_space<vmem>>, vector<16xf32>, vector<16xi1>
          %add3A_515 = arith.constant 112 : i32
          %add3A_516 = arith.addi %mul3A_388, %add3A_515 : i32
          %add3A_517 = vector.broadcast %add3A_516 : i32 to vector<16xi32>
          %add3A_518 = arith.addi %add3A_517, %iota3A : vector<16xi32>
          %swap3A_519 = arith.index_cast %add3A_507 : i32 to index
          %swap3A_520 = tpu.vector_load %arg12[%swap3A_519] masked %le3A_512 {strides = array<i32>} : memref<16416xi32, #tpu.memory_space<vmem>>, vector<16xi32>, vector<16xi1>
          tpu.vector_store %arg12[%swap3A_519], %add3A_518 masked %le3A_512 {strides = array<i32>} : memref<16416xi32, #tpu.memory_space<vmem>>, vector<16xi32>, vector<16xi1>
          %all_reduce_population_count3A_521 = tpu.all_reduce %le3A_512 {dim = 0 : i64, kind = #tpu.reduction_kind<sum>} : vector<16xi1> -> vector<16xi32>
          %slice3A_522 = vector.extract_strided_slice %all_reduce_population_count3A_521 {offsets = [0], sizes = [1], strides = [1]} : vector<16xi32> to vector<1xi32>
          %squeeze3A_523 = vector.extract %slice3A_522[0] : i32 from vector<1xi32>
          %add3A_524 = arith.addi %add3A_507, %squeeze3A_523 : i32
          scf.yield %add3A_524 : i32
        }
        scf.yield %while3A_377 : i32
      }
      %add3A_303 = arith.constant 15 : i32
      %add3A_304 = arith.addi %while3A_302, %add3A_303 : i32
      %jit3A_305 = arith.constant 16 : i32
      %div3A_306 = arith.divsi %add3A_304, %jit3A_305 : i32
      %sign3A_307 = arith.constant 0 : i32
      %sign3A_308 = arith.cmpi sgt, %add3A_304, %sign3A_307 : i32
      %sign3A_309 = arith.extui %sign3A_308 : i1 to i32
      %sign3A_310 = arith.constant 0 : i32
      %sign3A_311 = arith.cmpi slt, %add3A_304, %sign3A_310 : i32
      %sign3A_312 = arith.extui %sign3A_311 : i1 to i32
      %sign3A_313 = arith.subi %sign3A_309, %sign3A_312 : i32
      %sign3A_314 = arith.constant 0 : i32
      %sign3A_315 = arith.cmpi sgt, %jit3A_305, %sign3A_314 : i32
      %sign3A_316 = arith.extui %sign3A_315 : i1 to i32
      %sign3A_317 = arith.constant 0 : i32
      %sign3A_318 = arith.cmpi slt, %jit3A_305, %sign3A_317 : i32
      %sign3A_319 = arith.extui %sign3A_318 : i1 to i32
      %sign3A_320 = arith.subi %sign3A_316, %sign3A_319 : i32
      %ne3A_321 = arith.cmpi ne, %sign3A_313, %sign3A_320 : i32
      %rem3A_322 = arith.remsi %add3A_304, %jit3A_305 : i32
      %ne3A_323 = arith.constant 0 : i32
      %ne3A_324 = arith.cmpi ne, %rem3A_322, %ne3A_323 : i32
      %and3A_325 = arith.andi %ne3A_321, %ne3A_324 : i1
      %sub3A_326 = arith.constant 1 : i32
      %sub3A_327 = arith.subi %div3A_306, %sub3A_326 : i32
      %select_n3A_328 = arith.select %and3A_325, %sub3A_327, %div3A_306 : i32
      %broadcast_in_dim3A_329 = arith.constant 0x7F800000 : f32
      %broadcast_in_dim3A_330 = vector.broadcast %broadcast_in_dim3A_329 : f32 to vector<16xf32>
      %swap3A_331 = arith.index_cast %while3A_302 : i32 to index
      %swap3A_332 = tpu.vector_load %arg11[%swap3A_331] {strides = array<i32>} : memref<16416xf32, #tpu.memory_space<vmem>>, vector<16xf32>,
      tpu.vector_store %arg11[%swap3A_331], %broadcast_in_dim3A_330 {strides = array<i32>} : memref<16416xf32, #tpu.memory_space<vmem>>, vector<16xf32>,
      %broadcast_in_dim3A_333 = arith.constant 0x7F800000 : f32
      %broadcast_in_dim3A_334 = vector.broadcast %broadcast_in_dim3A_333 : f32 to vector<16xf32>
      %broadcast_in_dim3A_335 = arith.constant 0 : i32
      %broadcast_in_dim3A_336 = vector.broadcast %broadcast_in_dim3A_335 : i32 to vector<16xi32>
      %scan3A_337 = arith.constant 0 : i32
      %scan3A_338 = arith.constant 8 : i32
      %scan3A_339 = arith.addi %scan3A_337, %scan3A_338 : i32
      %scan3A_340 = arith.constant 1 : i32
      %scan3A_341:2 = scf.for %scan3A_350 = %scan3A_337 to %scan3A_339 step %scan3A_340 iter_args(%scan3A_351 = %broadcast_in_dim3A_334, %scan3A_352 = %broadcast_in_dim3A_336) -> (vector<16xf32>, vector<16xi32>)  : i32 {
        %broadcast_in_dim3A_353 = arith.constant 0x7F800000 : f32
        %broadcast_in_dim3A_354 = vector.broadcast %broadcast_in_dim3A_353 : f32 to vector<16xf32>
        %while3A_355 = arith.constant 0 : i32
        %while3A_356 = arith.subi %select_n3A_328, %while3A_355 : i32
        %while3A_357 = arith.addi %while3A_355, %while3A_356 : i32
        %while3A_358 = arith.constant 1 : i32
        %while3A_359 = arith.divsi %while3A_356, %while3A_358 : i32
        %while3A_360 = arith.muli %while3A_359, %while3A_358 : i32
        %while3A_361 = arith.addi %while3A_355, %while3A_360 : i32
        %while3A_362 = arith.constant 1 : i32
        %while3A_363 = scf.for %while3A_401 = %while3A_355 to %while3A_361 step %while3A_362 iter_args(%while3A_402 = %broadcast_in_dim3A_354) -> (vector<16xf32>)  : i32 {
          %mul3A_403 = arith.constant 16 : i32
          %mul3A_404 = arith.muli %while3A_401, %mul3A_403 : i32
          %get3A_405 = arith.index_cast %mul3A_404 : i32 to index
          %get3A_406 = tpu.vector_load %arg11[%get3A_405] {strides = array<i32>} : memref<16416xf32, #tpu.memory_space<vmem>>, vector<16xf32>,
          %min3A_407 = arith.minimumf %while3A_402, %get3A_406 : vector<16xf32>
          scf.yield %min3A_407 : vector<16xf32>
        }
        %while3A_364 = arith.constant 1 : i32
        %while3A_365 = scf.for %while3A_401 = %while3A_361 to %while3A_357 step %while3A_364 iter_args(%while3A_402 = %while3A_363) -> (vector<16xf32>)  : i32 {
          %mul3A_403 = arith.constant 16 : i32
          %mul3A_404 = arith.muli %while3A_401, %mul3A_403 : i32
          %get3A_405 = arith.index_cast %mul3A_404 : i32 to index
          %get3A_406 = tpu.vector_load %arg11[%get3A_405] {strides = array<i32>} : memref<16416xf32, #tpu.memory_space<vmem>>, vector<16xf32>,
          %min3A_407 = arith.minimumf %while3A_402, %get3A_406 : vector<16xf32>
          scf.yield %min3A_407 : vector<16xf32>
        }
        %reduce_min3A = arith.constant true
        %reduce_min3A_366 = vector.broadcast %reduce_min3A : i1 to vector<16xi1>
        %reduce_min3A_367 = tpu.scan <min>, %while3A_365 masked %reduce_min3A_366 : vector<16xf32>, vector<16xi1> -> vector<16xf32>
        %reduce_min3A_368 = vector.extract %reduce_min3A_367[15] : f32 from vector<16xf32>
        %while3A_369 = arith.constant 0 : i32
        %while3A_370 = arith.constant -1 : i32
        %while3A_371 = arith.subi %select_n3A_328, %while3A_369 : i32
        %while3A_372 = arith.addi %while3A_369, %while3A_371 : i32
        %while3A_373 = arith.constant 1 : i32
        %while3A_374 = arith.divsi %while3A_371, %while3A_373 : i32
        %while3A_375 = arith.muli %while3A_374, %while3A_373 : i32
        %while3A_376 = arith.addi %while3A_369, %while3A_375 : i32
        %while3A_377 = arith.constant 1 : i32
        %while3A_378 = scf.for %while3A_401 = %while3A_369 to %while3A_376 step %while3A_377 iter_args(%while3A_402 = %while3A_370) -> (i32)  : i32 {
          %mul3A_403 = arith.constant 16 : i32
          %mul3A_404 = arith.muli %while3A_401, %mul3A_403 : i32
          %get3A_405 = arith.index_cast %mul3A_404 : i32 to index
          %get3A_406 = tpu.vector_load %arg11[%get3A_405] {strides = array<i32>} : memref<16416xf32, #tpu.memory_space<vmem>>, vector<16xf32>,
          %eq3A_407 = vector.broadcast %reduce_min3A_368 : f32 to vector<16xf32>
          %eq3A_408 = arith.cmpf oeq, %get3A_406, %eq3A_407 : vector<16xf32>
          %all_reduce_population_count3A_409 = tpu.all_reduce %eq3A_408 {dim = 0 : i64, kind = #tpu.reduction_kind<sum>} : vector<16xi1> -> vector<16xi32>
          %slice3A_410 = vector.extract_strided_slice %all_reduce_population_count3A_409 {offsets = [0], sizes = [1], strides = [1]} : vector<16xi32> to vector<1xi32>
          %squeeze3A_411 = vector.extract %slice3A_410[0] : i32 from vector<1xi32>
          %all_reduce_ffs3A = tpu.all_reduce %eq3A_408 {dim = 0 : i64, kind = #tpu.reduction_kind<find_first_set>} : vector<16xi1> -> vector<16xi32>
          %slice3A_412 = vector.extract_strided_slice %all_reduce_ffs3A {offsets = [0], sizes = [1], strides = [1]} : vector<16xi32> to vector<1xi32>
          %squeeze3A_413 = vector.extract %slice3A_412[0] : i32 from vector<1xi32>
          %lt3A = arith.constant 0 : i32
          %lt3A_414 = arith.cmpi slt, %while3A_402, %lt3A : i32
          %gt3A = arith.constant 0 : i32
          %gt3A_415 = arith.cmpi sgt, %squeeze3A_411, %gt3A : i32
          %and3A_416 = arith.andi %lt3A_414, %gt3A_415 : i1
          %mul3A_417 = arith.constant 16 : i32
          %mul3A_418 = arith.muli %while3A_401, %mul3A_417 : i32
          %add3A_419 = arith.addi %mul3A_418, %squeeze3A_413 : i32
          %select_n3A_420 = arith.select %and3A_416, %add3A_419, %while3A_402 : i32
          scf.yield %select_n3A_420 : i32
        }
        %while3A_379 = arith.constant 1 : i32
        %while3A_380 = scf.for %while3A_401 = %while3A_376 to %while3A_372 step %while3A_379 iter_args(%while3A_402 = %while3A_378) -> (i32)  : i32 {
          %mul3A_403 = arith.constant 16 : i32
          %mul3A_404 = arith.muli %while3A_401, %mul3A_403 : i32
          %get3A_405 = arith.index_cast %mul3A_404 : i32 to index
          %get3A_406 = tpu.vector_load %arg11[%get3A_405] {strides = array<i32>} : memref<16416xf32, #tpu.memory_space<vmem>>, vector<16xf32>,
          %eq3A_407 = vector.broadcast %reduce_min3A_368 : f32 to vector<16xf32>
          %eq3A_408 = arith.cmpf oeq, %get3A_406, %eq3A_407 : vector<16xf32>
          %all_reduce_population_count3A_409 = tpu.all_reduce %eq3A_408 {dim = 0 : i64, kind = #tpu.reduction_kind<sum>} : vector<16xi1> -> vector<16xi32>
          %slice3A_410 = vector.extract_strided_slice %all_reduce_population_count3A_409 {offsets = [0], sizes = [1], strides = [1]} : vector<16xi32> to vector<1xi32>
          %squeeze3A_411 = vector.extract %slice3A_410[0] : i32 from vector<1xi32>
          %all_reduce_ffs3A = tpu.all_reduce %eq3A_408 {dim = 0 : i64, kind = #tpu.reduction_kind<find_first_set>} : vector<16xi1> -> vector<16xi32>
          %slice3A_412 = vector.extract_strided_slice %all_reduce_ffs3A {offsets = [0], sizes = [1], strides = [1]} : vector<16xi32> to vector<1xi32>
          %squeeze3A_413 = vector.extract %slice3A_412[0] : i32 from vector<1xi32>
          %lt3A = arith.constant 0 : i32
          %lt3A_414 = arith.cmpi slt, %while3A_402, %lt3A : i32
          %gt3A = arith.constant 0 : i32
          %gt3A_415 = arith.cmpi sgt, %squeeze3A_411, %gt3A : i32
          %and3A_416 = arith.andi %lt3A_414, %gt3A_415 : i1
          %mul3A_417 = arith.constant 16 : i32
          %mul3A_418 = arith.muli %while3A_401, %mul3A_417 : i32
          %add3A_419 = arith.addi %mul3A_418, %squeeze3A_413 : i32
          %select_n3A_420 = arith.select %and3A_416, %add3A_419, %while3A_402 : i32
          scf.yield %select_n3A_420 : i32
        }
        %get3A_381 = arith.index_cast %while3A_380 : i32 to index
        %get3A_382 = tpu.vector_load %arg12[%get3A_381] {strides = array<i32>} : memref<16416xi32, #tpu.memory_space<vmem>>, vector<16xi32>,
        %slice3A_383 = vector.extract_strided_slice %get3A_382 {offsets = [0], sizes = [1], strides = [1]} : vector<16xi32> to vector<1xi32>
        %squeeze3A_384 = vector.extract %slice3A_383[0] : i32 from vector<1xi32>
        %get3A_385 = arith.index_cast %while3A_380 : i32 to index
        %get3A_386 = tpu.vector_load %arg11[%get3A_385] {strides = array<i32>} : memref<16416xf32, #tpu.memory_space<vmem>>, vector<16xf32>,
        %eq3A = arith.constant 0 : i32
        %eq3A_387 = vector.broadcast %eq3A : i32 to vector<16xi32>
        %eq3A_388 = arith.cmpi eq, %iota3A, %eq3A_387 : vector<16xi32>
        %broadcast_in_dim3A_389 = vector.broadcast %scan3A : f32 to vector<16xf32>
        %select_n3A_390 = arith.select %eq3A_388, %broadcast_in_dim3A_389, %get3A_386 : vector<16xi1>, vector<16xf32>
        %swap3A_391 = arith.index_cast %while3A_380 : i32 to index
        %swap3A_392 = tpu.vector_load %arg11[%swap3A_391] {strides = array<i32>} : memref<16416xf32, #tpu.memory_space<vmem>>, vector<16xf32>,
        tpu.vector_store %arg11[%swap3A_391], %select_n3A_390 {strides = array<i32>} : memref<16416xf32, #tpu.memory_space<vmem>>, vector<16xf32>,
        %eq3A_393 = vector.broadcast %scan3A_350 : i32 to vector<16xi32>
        %eq3A_394 = arith.cmpi eq, %iota3A, %eq3A_393 : vector<16xi32>
        %broadcast_in_dim3A_395 = vector.broadcast %reduce_min3A_368 : f32 to vector<16xf32>
        %select_n3A_396 = arith.select %eq3A_394, %broadcast_in_dim3A_395, %scan3A_351 : vector<16xi1>, vector<16xf32>
        %eq3A_397 = vector.broadcast %scan3A_350 : i32 to vector<16xi32>
        %eq3A_398 = arith.cmpi eq, %iota3A, %eq3A_397 : vector<16xi32>
        %broadcast_in_dim3A_399 = vector.broadcast %squeeze3A_384 : i32 to vector<16xi32>
        %select_n3A_400 = arith.select %eq3A_398, %broadcast_in_dim3A_399, %scan3A_352 : vector<16xi1>, vector<16xi32>
        scf.yield %select_n3A_396, %select_n3A_400 : vector<16xf32>, vector<16xi32>
      }
      %scan3A_342 = arith.constant 8 : i32
      %swap3A_343 = arith.index_cast %scan3A_102 : i32 to index
      %swap3A_344 = arith.constant 0 : index
      %swap3A_345 = tpu.vector_load %arg13[%swap3A_343, %swap3A_344] {strides = array<i32>} : memref<64x16xf32, #tpu.memory_space<vmem>>, vector<16xf32>,
      tpu.vector_store %arg13[%swap3A_343, %swap3A_344], %scan3A_341#0 {strides = array<i32>} : memref<64x16xf32, #tpu.memory_space<vmem>>, vector<16xf32>,
      %swap3A_346 = arith.index_cast %scan3A_102 : i32 to index
      %swap3A_347 = arith.constant 0 : index
      %swap3A_348 = tpu.vector_load %arg14[%swap3A_346, %swap3A_347] {strides = array<i32>} : memref<64x16xi32, #tpu.memory_space<vmem>>, vector<16xi32>,
      tpu.vector_store %arg14[%swap3A_346, %swap3A_347], %scan3A_341#1 {strides = array<i32>} : memref<64x16xi32, #tpu.memory_space<vmem>>, vector<16xi32>,
      %scan3A_349 = arith.constant 0 : i32
      scf.yield %scan3A_349 : i32
    }
    %scan3A_85 = arith.constant 64 : i32
    %dma_start3A_86 = arith.constant 0 : i32
    %dma_start3A_87 = tpu.memref_slice %arg4[%mul3A_2, %dma_start3A_86] : memref<2048x16xf32, #tpu.memory_space<hbm>> -> memref<64x16xf32, #tpu.memory_space<hbm>>
    %dma_start3A_88 = arith.constant 0 : i32
    %dma_start3A_89 = tpu.memref_slice %arg4[%mul3A_2, %dma_start3A_88] : memref<2048x16xf32, #tpu.memory_space<hbm>> -> memref<64x16xf32, #tpu.memory_space<hbm>>
    tpu.enqueue_dma source(%arg13 : memref<64x16xf32, #tpu.memory_space<vmem>>) target(%dma_start3A_89 : memref<64x16xf32, #tpu.memory_space<hbm>>) target_semaphore(%arg15 : memref<!tpu.dma_semaphore, #tpu.memory_space<semaphore_mem>>)
    %dma_wait3A_90 = arith.constant 0 : i32
    %dma_wait3A_91 = tpu.memref_slice %arg4[%mul3A_2, %dma_wait3A_90] : memref<2048x16xf32, #tpu.memory_space<hbm>> -> memref<64x16xf32, #tpu.memory_space<hbm>>
    %dma_wait3A_92 = arith.constant 0 : i32
    %dma_wait3A_93 = tpu.memref_slice %arg4[%mul3A_2, %dma_wait3A_92] : memref<2048x16xf32, #tpu.memory_space<hbm>> -> memref<64x16xf32, #tpu.memory_space<hbm>>
    tpu.wait_dma2 semaphore(%arg15 : memref<!tpu.dma_semaphore, #tpu.memory_space<semaphore_mem>>) src(%arg13 : memref<64x16xf32, #tpu.memory_space<vmem>>) dst(%dma_wait3A_93 : memref<64x16xf32, #tpu.memory_space<hbm>>)
    %dma_start3A_94 = arith.constant 0 : i32
    %dma_start3A_95 = tpu.memref_slice %arg5[%mul3A_2, %dma_start3A_94] : memref<2048x16xi32, #tpu.memory_space<hbm>> -> memref<64x16xi32, #tpu.memory_space<hbm>>
    %dma_start3A_96 = arith.constant 0 : i32
    %dma_start3A_97 = tpu.memref_slice %arg5[%mul3A_2, %dma_start3A_96] : memref<2048x16xi32, #tpu.memory_space<hbm>> -> memref<64x16xi32, #tpu.memory_space<hbm>>
    tpu.enqueue_dma source(%arg14 : memref<64x16xi32, #tpu.memory_space<vmem>>) target(%dma_start3A_97 : memref<64x16xi32, #tpu.memory_space<hbm>>) target_semaphore(%arg15 : memref<!tpu.dma_semaphore, #tpu.memory_space<semaphore_mem>>)
    %dma_wait3A_98 = arith.constant 0 : i32
    %dma_wait3A_99 = tpu.memref_slice %arg5[%mul3A_2, %dma_wait3A_98] : memref<2048x16xi32, #tpu.memory_space<hbm>> -> memref<64x16xi32, #tpu.memory_space<hbm>>
    %dma_wait3A_100 = arith.constant 0 : i32
    %dma_wait3A_101 = tpu.memref_slice %arg5[%mul3A_2, %dma_wait3A_100] : memref<2048x16xi32, #tpu.memory_space<hbm>> -> memref<64x16xi32, #tpu.memory_space<hbm>>
    tpu.wait_dma2 semaphore(%arg15 : memref<!tpu.dma_semaphore, #tpu.memory_space<semaphore_mem>>) src(%arg14 : memref<64x16xi32, #tpu.memory_space<vmem>>) dst(%dma_wait3A_101 : memref<64x16xi32, #tpu.memory_space<hbm>>)
    return
  }
}

module attributes {stable_mosaic.version = 14 : i64} {
  func.func @_dist_body(%arg0: i32, %arg1: memref<128x9xf32, #tpu.memory_space<vmem>>, %arg2: memref<128x3xf32, #tpu.memory_space<vmem>>, %arg3: memref<16384x9xbf16, #tpu.memory_space<vmem>>, %arg4: memref<16384x3xf32, #tpu.memory_space<vmem>>, %arg5: memref<1x16384xf32, #tpu.memory_space<vmem>>, %arg6: memref<128x16384xf32, #tpu.memory_space<vmem>>, %arg7: memref<128x128xf32, #tpu.memory_space<vmem>>) attributes {dimension_semantics = [#tpu.dimension_semantics<arbitrary>], iteration_bounds = array<i64: 16>, scalar_prefetch = 0 : i64, scratch_operands = 0 : i64, tpu.core_type = #tpu.core_type<tc>, window_params = [{transform_indices = @transform_0, window_bounds = array<i64: 128, 9>}, {transform_indices = @transform_1, window_bounds = array<i64: 128, 3>}, {pipeline_mode = #tpu.pipeline_mode<synchronous>, transform_indices = @transform_2, window_bounds = array<i64: 16384, 9>}, {pipeline_mode = #tpu.pipeline_mode<synchronous>, transform_indices = @transform_3, window_bounds = array<i64: 16384, 3>}, {pipeline_mode = #tpu.pipeline_mode<synchronous>, transform_indices = @transform_4, window_bounds = array<i64: 1, 16384>}, {transform_indices = @transform_5, window_bounds = array<i64: 128, 16384>}, {transform_indices = @transform_6, window_bounds = array<i64: 128, 128>}]} {
    %get3A = arith.constant 0 : index
    %get3A_0 = arith.constant 0 : index
    %get3A_1 = vector.load %arg1[%get3A, %get3A_0] : memref<128x9xf32, #tpu.memory_space<vmem>>, vector<128x9xf32>
    %convert_element_type3A = arith.truncf %get3A_1 : vector<128x9xf32> to vector<128x9xbf16>
    %get3A_2 = arith.constant 0 : index
    %get3A_3 = arith.constant 0 : index
    %get3A_4 = vector.load %arg3[%get3A_2, %get3A_3] : memref<16384x9xbf16, #tpu.memory_space<vmem>>, vector<16384x9xbf16>
    %dot_general3A = arith.constant dense<0.000000e+00> : vector<128x16384xf32>
    %dot_general3A_5 = tpu.matmul %convert_element_type3A, %get3A_4, %dot_general3A {dimension_numbers = #tpu.dot_dimension_numbers<[1], [1], [0], [0], [0, 0, 1, 0], [], []>, transpose_lhs_hint = false} : vector<128x9xbf16>, vector<16384x9xbf16>, vector<128x16384xf32> -> vector<128x16384xf32>
    %get3A_6 = arith.constant 0 : index
    %get3A_7 = arith.constant 0 : index
    %get3A_8 = vector.load %arg2[%get3A_6, %get3A_7] : memref<128x3xf32, #tpu.memory_space<vmem>>, vector<128x3xf32>
    %convert_element_type3A_9 = arith.truncf %get3A_8 : vector<128x3xf32> to vector<128x3xbf16>
    %get3A_10 = arith.constant 0 : index
    %get3A_11 = arith.constant 0 : index
    %get3A_12 = vector.load %arg4[%get3A_10, %get3A_11] : memref<16384x3xf32, #tpu.memory_space<vmem>>, vector<16384x3xf32>
    %convert_element_type3A_13 = arith.truncf %get3A_12 : vector<16384x3xf32> to vector<16384x3xbf16>
    %dot_general3A_14 = arith.constant dense<0.000000e+00> : vector<128x16384xf32>
    %dot_general3A_15 = tpu.matmul %convert_element_type3A_9, %convert_element_type3A_13, %dot_general3A_14 {dimension_numbers = #tpu.dot_dimension_numbers<[1], [1], [0], [0], [0, 0, 1, 0], [], []>, transpose_lhs_hint = false} : vector<128x3xbf16>, vector<16384x3xbf16>, vector<128x16384xf32> -> vector<128x16384xf32>
    %mul3A = arith.constant -2.000000e+00 : f32
    %mul3A_16 = vector.broadcast %mul3A : f32 to vector<128x16384xf32>
    %mul3A_17 = arith.mulf %mul3A_16, %dot_general3A_15 : vector<128x16384xf32>
    %add3A = arith.addf %dot_general3A_5, %mul3A_17 : vector<128x16384xf32>
    %get3A_18 = arith.constant 0 : index
    %get3A_19 = arith.constant 0 : index
    %get3A_20 = vector.load %arg5[%get3A_18, %get3A_19] : memref<1x16384xf32, #tpu.memory_space<vmem>>, vector<1x16384xf32>
    %add3A_21 = vector.broadcast %get3A_20 : vector<1x16384xf32> to vector<128x16384xf32>
    %add3A_22 = arith.addf %add3A, %add3A_21 : vector<128x16384xf32>
    %swap3A = arith.constant 0 : index
    %swap3A_23 = arith.constant 0 : index
    %swap3A_24 = vector.load %arg6[%swap3A, %swap3A_23] : memref<128x16384xf32, #tpu.memory_space<vmem>>, vector<128x16384xf32>
    tpu.vector_store %arg6[%swap3A, %swap3A_23], %add3A_22 {strides = array<i32>} : memref<128x16384xf32, #tpu.memory_space<vmem>>, vector<128x16384xf32>,
    %reshape3A = vector.shape_cast %add3A_22 : vector<128x16384xf32> to vector<128x128x128xf32>
    %reduce_min3A = arith.constant dense<0x7F800000> : vector<128x128xf32>
    %reduce_min3A_25 = vector.multi_reduction <minimumf>, %reshape3A, %reduce_min3A [2] : vector<128x128x128xf32> to vector<128x128xf32>
    %swap3A_26 = arith.constant 0 : index
    %swap3A_27 = arith.constant 0 : index
    %swap3A_28 = vector.load %arg7[%swap3A_26, %swap3A_27] : memref<128x128xf32, #tpu.memory_space<vmem>>, vector<128x128xf32>
    tpu.vector_store %arg7[%swap3A_26, %swap3A_27], %reduce_min3A_25 {strides = array<i32>} : memref<128x128xf32, #tpu.memory_space<vmem>>, vector<128x128xf32>,
    return
  }
  func.func @transform_0(%arg0: i32) -> (i32, i32) {
    %c0_i32 = arith.constant 0 : i32
    %c0_i32_0 = arith.constant 0 : i32
    return %arg0, %c0_i32 : i32, i32
  }
  func.func @transform_1(%arg0: i32) -> (i32, i32) {
    %c0_i32 = arith.constant 0 : i32
    %c0_i32_0 = arith.constant 0 : i32
    return %arg0, %c0_i32 : i32, i32
  }
  func.func @transform_2(%arg0: i32) -> (i32, i32) {
    %c0_i32 = arith.constant 0 : i32
    %c0_i32_0 = arith.constant 0 : i32
    %c0_i32_1 = arith.constant 0 : i32
    return %c0_i32, %c0_i32_0 : i32, i32
  }
  func.func @transform_3(%arg0: i32) -> (i32, i32) {
    %c0_i32 = arith.constant 0 : i32
    %c0_i32_0 = arith.constant 0 : i32
    %c0_i32_1 = arith.constant 0 : i32
    return %c0_i32, %c0_i32_0 : i32, i32
  }
  func.func @transform_4(%arg0: i32) -> (i32, i32) {
    %c0_i32 = arith.constant 0 : i32
    %c0_i32_0 = arith.constant 0 : i32
    %c0_i32_1 = arith.constant 0 : i32
    return %c0_i32, %c0_i32_0 : i32, i32
  }
  func.func @transform_5(%arg0: i32) -> (i32, i32) {
    %c0_i32 = arith.constant 0 : i32
    %c0_i32_0 = arith.constant 0 : i32
    return %arg0, %c0_i32 : i32, i32
  }
  func.func @transform_6(%arg0: i32) -> (i32, i32) {
    %c0_i32 = arith.constant 0 : i32
    %c0_i32_0 = arith.constant 0 : i32
    return %arg0, %c0_i32 : i32, i32
  }
}

</mosaic_0001>

<sc_bundles>
// kernel: kernel.6.cloned.1.call-start
scs
__scs_entry_jumppad:
0x0: {  	(pc) =	sbr.rel $0x88, $3  }
0x1: {  	(tag) =	ssettag $0x0;
	lr =	simm.s32 $0x1  }
0x2: {  	[smem:$0x3F9D] =	sst lr;
	_ =	strace $0xD0000000  }
0x3: {  	_ = 	snop  }
0x4: {  	_ = 	snop  }
0x5: {  	_ = 	snop  }
0x6: {  	_ = 	snop  }
0x7: {  	_ = 	snop  }
__scs_overlays_trampoline_lowered:
0x8: {  	[smem:$0x3FAC] =	sst s0  }
0x9: {  	[smem:$0x3FAD] =	sst s1  }
0xa: {  	[smem:$0x3FAE] =	sst s2  }
0xb: {  	[smem:$0x3FAF] =	sst s3  }
0xc: {  	[smem:$0x3FB0] =	sst s4  }
0xd: {  	[smem:$0x3FB1] =	sst s5  }
0xe: {  	[smem:$0x3FB2] =	sst s6  }
0xf: {  	[smem:$0x3FB3] =	sst s7  }
0x10: {  	[smem:$0x3FB4] =	sst s8  }
0x11: {  	[smem:$0x3FB5] =	sst s9;
	s0 =	simm.s32 @!p0 $0x0  }
0x12: {  	s1 =	sld [smem:$0x3F9B];
	s0 =	simm.s32 @p0 $0x1  }
0x13: {  	[smem:$0x3FB6] =	sst s0;
	s0 =	simm.s32 @!p1 $0x0  }
0x14: {  	s2 =	sld [smem:$0x3F9A];
	s0 =	simm.s32 @p1 $0x1  }
0x15: {  	[smem:$0x3FB7] =	sst s0;
	s0 =	simm.s32 @!p2 $0x0  }
0x16: {  	s3 =	sld [smem:$0x3FDB];
	s0 =	simm.s32 @p2 $0x1  }
0x17: {  	s4 =	simm.s32 $0x1BF5;
	[smem:$0x3FB9] =	sst s0  }
0x18: {  	s0 =	sld [smem:$0x3F9C];
	_ =	swait.ge [sflag:s4], $0x0  }
0x19: {  	s7 =	sld [smem:$0x3F9D]  }
0x1a: {  	s8 =	sadd.s32 $0xFFFFE003, lr  }
0x1b: {  	s9 =	sadd.s32 $0xFFFFFEF7, lr;
	s5 =	simm.s32 $0xFFFFFFFF;
	p2 =	slt.u32 s8, $0xFFFFF086  }
0x1c: {  	p1 =	slt.u32 s9, $0xF7A;
	s5 =	simm.s32 @!p2 $0x0  }
0x1d: {  	s5 =	simm.s32 @p1 $0x1;
	p0 =	seq.s32 s7, s2  }
0x1e: {  	s7 =	smul.u32 @!p0 $0xF7A, s2;
	p2 =	seq.s32 @!p0 s5, $0x0  }
0x1f: {  	s9 =	smul.u32 $0xF7A, s1;
	s8 =	simm.s32 @!p0 $0x1BF5;
	p2 =	por !p2, p0  }
0x20: {  	[sflag:s8] =	ssyncset.s32 @!p0 $0xFFFFF086;
	s6 =	sadd.s32 @!p0 s3, s7;
	s7 =	simm.s32 @!p0 $0x108  }
0x21: {  	s3 =	sadd.s32 s3, s9;
	s6 =	sadd.s32 @!p0 $0x88, s6;
	s7 =	simm.s32 @p2 $0x1082  }
0x22: {  	[simem:s7], [sflag:s8] =	dma.local @!p0 [hbm:s6], $0xF7A  }
0x23: {  	s9 =	sor.u32 $0xD0000000, s2;
	s6 =	simm.s32 $0x108;
	_ =	swait.ge @!p0 [sflag:s8], $0x0  }
0x24: {  	s3 =	sadd.s32 $0x88, s3;
	s6 =	simm.s32 @!p1 $0x1082;
	[sflag:s4] =	ssyncset.s32 $0xFFFFF086  }
0x25: {  	[simem:s6], [sflag:s4] =	dma.local [hbm:s3], $0xF7A  }
0x26: {  	[smem:$0x3F9D] =	sst s1;
	(tag) =	ssettag s2;
	_ =	strace s9  }
0x27: {  	s1 =	sld [smem:$0x3FAD]  }
0x28: {  	s2 =	sld [smem:$0x3FAE]  }
0x29: {  	s4 =	sld [smem:$0x3FB0]  }
0x2a: {  	p0 =	seq.s32 s5, $0x0;
	s5 =	sld [smem:$0x3FB1]  }
0x2b: {  	s6 =	sld [smem:$0x3FB2]  }
0x2c: {  	s7 =	sld [smem:$0x3FB3]  }
0x2d: {  	s3 =	simm.s32 $0x108;
	s8 =	sld [smem:$0x3FB4]  }
0x2e: {  	s3 =	simm.s32 @!p0 $0x1082;
	s9 =	sld [smem:$0x3FB5]  }
0x2f: {  	lr =	sadd.s32 s0, s3;
	s0 =	sld [smem:$0x3FAC]  }
0x30: {  	s3 =	sld [smem:$0x3FAF]  }
0x31: {  	[smem:$0x3FB8] =	sst s10  }
0x32: {  	s10 =	sld [smem:$0x3FB6];
	_ =	sdelay $0x3  }
0x33: {  	p0 =	seq.s32 s10, $0x1;
	s10 =	sld [smem:$0x3FB8];
	_ =	sdelay $0x3  }
0x34: {  	[smem:$0x3FB8] =	sst s10  }
0x35: {  	s10 =	sld [smem:$0x3FB7];
	_ =	sdelay $0x3  }
0x36: {  	p1 =	seq.s32 s10, $0x1;
	s10 =	sld [smem:$0x3FB8];
	_ =	sdelay $0x3  }
0x37: {  	[smem:$0x3FB8] =	sst s10  }
0x38: {  	s10 =	sld [smem:$0x3FB9]  }
0x39: {  	_ = 	snop;
	(pc) =	sbr.ind lr, $3  }
0x3a: {  	_ = 	snop  }
0x3b: {  	_ = 	snop  }
0x3c: {  	p2 =	seq.s32 s10, $0x1;
	s10 =	sld [smem:$0x3FB8]  }
0x3d: {  	_ =	shalt  }
0x3e: {  	_ =	shalt  }
0x3f: {  	_ =	shalt  }
0x40: {  	_ =	shalt  }
0x41: {  	_ =	shalt  }
0x42: {  	_ =	shalt  }
0x43: {  	_ =	shalt  }
0x44: {  	_ =	shalt  }
0x45: {  	_ =	shalt  }
0x46: {  	_ =	shalt  }
0x47: {  	_ =	shalt  }
0x48: {  	_ =	shalt  }
0x49: {  	_ =	shalt  }
0x4a: {  	_ =	shalt  }
0x4b: {  	_ =	shalt  }
0x4c: {  	_ =	shalt  }
0x4d: {  	_ =	shalt  }
0x4e: {  	_ =	shalt  }
0x4f: {  	_ =	shalt  }
0x50: {  	_ =	shalt  }
0x51: {  	_ =	shalt  }
0x52: {  	_ =	shalt  }
0x53: {  	_ =	shalt  }
0x54: {  	_ =	shalt  }
0x55: {  	_ =	shalt  }
0x56: {  	_ =	shalt  }
0x57: {  	_ =	shalt  }
0x58: {  	_ =	shalt  }
0x59: {  	_ =	shalt  }
0x5a: {  	_ =	shalt  }
0x5b: {  	_ =	shalt  }
0x5c: {  	_ =	shalt  }
0x5d: {  	_ =	shalt  }
0x5e: {  	_ =	shalt  }
0x5f: {  	_ =	shalt  }
0x60: {  	_ =	shalt  }
0x61: {  	_ =	shalt  }
0x62: {  	_ =	shalt  }
0x63: {  	_ =	shalt  }
0x64: {  	_ =	shalt  }
0x65: {  	_ =	shalt  }
0x66: {  	_ =	shalt  }
0x67: {  	_ =	shalt  }
0x68: {  	_ =	shalt  }
0x69: {  	_ =	shalt  }
0x6a: {  	_ =	shalt  }
0x6b: {  	_ =	shalt  }
0x6c: {  	_ =	shalt  }
0x6d: {  	_ =	shalt  }
0x6e: {  	_ =	shalt  }
0x6f: {  	_ =	shalt  }
0x70: {  	_ =	shalt  }
0x71: {  	_ =	shalt  }
0x72: {  	_ =	shalt  }
0x73: {  	_ =	shalt  }
0x74: {  	_ =	shalt  }
0x75: {  	_ =	shalt  }
0x76: {  	_ =	shalt  }
0x77: {  	_ =	shalt  }
0x78: {  	_ =	shalt  }
0x79: {  	_ =	shalt  }
0x7a: {  	_ =	shalt  }
0x7b: {  	_ =	shalt  }
0x7c: {  	_ =	shalt  }
0x7d: {  	_ =	shalt  }
0x7e: {  	_ =	shalt  }
0x7f: {  	_ =	shalt  }
0x80: {  	_ =	shalt  }
0x81: {  	_ =	shalt  }
0x82: {  	_ =	shalt  }
0x83: {  	_ =	shalt  }
0x84: {  	_ =	shalt  }
0x85: {  	_ =	shalt  }
0x86: {  	_ =	shalt  }
0x87: {  	_ =	shalt  }
.Lfunc_end0:
.L_simem_size_0:
called_computation_lowered:
.L_overlay_start_0:
0x88: {  	s2 =	sld [smem:$0x3FD9]  }
0x89: {  	s3 =	sld [smem:$0x3FFE];
	_ =	sdelay $0x1  }
0x8a: {  	s1 =	srdreg.scid  }
0x8b: {  	s0 =	sand.u32 $0x1, s1  }
0x8c: {  	s16 =	sshll.u32 s0, $0xA;
	s2 =	sadd.s32 s3, s2  }
0x8d: {  	s2 =	sadd.s32 s2, s16  }
0x8e: {  	[smem:$0x3FC4] =	sst s2  }
0x8f: {  	_ = 	snop  }
0x90: {  	(tm) =	ssettm $0x1  }
0x91: {  	s17 =	sld [smem:$0x3FFB];
	_ =	sdelay $0x3  }
0x92: {  	_ =	strace s17  }
0x93: {  	s2 =	sld [smem:$0x3FFC];
	_ =	sdelay $0x3  }
0x94: {  	_ =	strace s2  }
0x95: {  	s2 =	sld [smem:$0x3FFD];
	_ =	sdelay $0x3  }
0x96: {  	_ =	strace s2  }
0x97: {  	_ =	strace $0x8FFFFFFF  }
0x98: {  	s18 =	sld [smem:$0x3FDB];
	_ =	sdelay $0x1  }
0x99: {  	s19 =	simm.s32 $_scs_section_size  }
0x9a: {  	s4 =	simm.s32 $_size__tile_overlayer_lowered;
	s5 =	simm.s32 $_tile_overlayer_lowered  }
0x9b: {  	s22 =	simm.s32 $0x1BFF;
	s21 =	sshll.u32 s5, $0x1;
	s2 =	sadd.s32 s19, s18  }
0x9c: {  	s6 =	simm.s32 $0x0;
	s20 =	sshll.u32 s4, $0x1;
	s4 =	sadd.s32 s21, s2  }
0x9d: {  	[timem:s6], [sflag:s22] =	dma.local [hbm:s4], s20  }
0x9e: {  	_ =	swait.ge [sflag:s22], s20  }
0x9f: {  	s3 =	ssub.s32 $0x0, s20;
	[sflag:s22] =	ssyncset.done $0x0  }
0xa0: {  	[sflag:s22] =	ssyncadd.s32 s3;
	_ =	sdelay $0x1  }
0xa1: {  	s23 =	simm.s32 $0x1B8B  }
0xa2: {  	_ =	swait.ge [sflag:s23], $0x1  }
0xa3: {  	[sflag:s23] =	ssyncset.done $0x0  }
0xa4: {  	s25 =	simm.s32 $0x1B8E;
	s24 =	sld [smem:$0x3FFE];
	[sflag:s23] =	ssyncadd.s32 $0xFFFFFFFF  }
0xa5: {  	s26 =	simm.s32 $execute0_lowered;
	[smem:$0x3FD2] =	sst s25  }
0xa6: {  	s4 =	sshll.u32 s26, $0x1;
	_ =	strace $0x80000046;
	[dreg:$0x1] =	wrdreg $0xFFFFFFFF  }
0xa7: {  	s28 =	simm.s32 $_size_execute0_lowered;
	s2 =	sadd.s32 s2, s4;
	[dreg:$0x0] =	wrdreg $0x0  }
0xa8: {  	s4 =	sshll.u32 s28, $0x1;
	[dreg:$0x2] =	wrdreg s2  }
0xa9: {  	[dreg:$0x3] =	wrdreg s4  }
0xaa: {  	[dreg:$0x4] =	wrdreg $0xC0  }
0xab: {  	_ =	task [dreg:s6], $0x5FFFF  }
0xac: {  	[dreg:$0x1] =	wrdreg $0xFFFFFFFF  }
0xad: {  	[dreg:$0x0] =	wrdreg $0x60  }
0xae: {  	[dreg:$0x2] =	wrdreg s24  }
0xaf: {  	[dreg:$0x3] =	wrdreg $0x9  }
0xb0: {  	_ =	task.clear_ibuf [dreg:s6], $0x4FFFF;
	_ =	strace $0x90000046  }
0xb1: {  	s29 =	simm.s32 $0x9;
	_ =	strace $0x80000048  }
0xb2: {  	_ =	swait.ge [sflag:s29], $0x1  }
0xb3: {  	[sflag:s29] =	ssyncadd.s32 $0xFFFFFFFF  }
0xb4: {  	_ =	strace $0x90000048  }
0xb5: {  	_ =	sfence  }
0xb6: {  	s30 =	sld [smem:$0x0];
	_ =	sdelay $0x2  }
0xb7: {  	s31 =	sshll.u32 s1, $0xD;
	s1 =	sshrl.u32 s1, $0x2  }
0xb8: {  	s3 =	sand.u32 $0x4000, s31;
	s1 =	sadd.s32 s1, s30  }
0xb9: {  	s0 =	sor.u32 s3, s0;
	s1 =	sshll.u32 s1, $0x11  }
0xba: {  	s0 =	sor.u32 s1, s0  }
0xbb: {  	s0 =	sadd.s32 $0x8F2B, s0  }
0xbc: {  	[sflag:s0] =	ssyncadd.remote.s32 $0x1  }
0xbd: {  	_ =	sfence.sel $0xFFFF  }
0xbe: {  	[dreg:$0x0] =	wrdreg $0xFFFFFFFF;
	(pc) =	sbr.abs _section_cstart, $3  }
0xbf: {  	[dreg:$0x1] =	wrdreg $0xFFFFFFFF  }
0xc0: {  	_ =	task.clear_ibuf [dreg:s6], $0x2FFFF;
	_ =	strace $0x9FFFFFFF  }
0xc1: {  	(tm) =	ssettm $0x7FFFFFFF  }
tec
execute0_lowered:
.L_overlay_start_1:
0x0: {  	(tag) =	ssettag $0x1  }
0x1: {  	s1 =	simm.s32 $0x0  }
0x2: {  	[smem:$0x7FF] =	sst s1  }
0x3: {  	s0 =	rddreg [dreg:$0x0];
	v0 =	vimm.f32 $+Inf;
	s2 =	srdreg.scid;
	_ =	strace $0x80000047  }
0x4: {  	s3 =	stileid.u32;
	s2 =	sand.u32 $0x1, s2;
	(xrf0) =	vmin.scan.msk.f32 $0xffff, v0  }
0x5: {  	s9 =	simm.s32 $0x1;
	s3 =	sshll.u32 s3, $0x7;
	s4 =	sshll.u32 s2, $0x6  }
0x6: {  	s10 =	simm.s32 $0x2000;
	s11 =	simm.s32 $0x2200;
	s3 =	sor.u32 s4, s3  }
.Ltmp0:
0x7: {  	s12 =	simm.s32 $0x2;
	s5 =	sshll.u32 s3, $0x4;
	(pc) =	sbr.rel .LBB2_1-.Ltmp0, $4  }
0x8: {  	v1 =	vlaneseq.u32;
	v2 =	vimm.s32 $0x0;
	s2 =	ssub.s32 $0x2, s2;
	s4 =	sadd.s32 $0x564E00, s0;
	s0 =	sadd.s32 s5, s0  }
0x9: {  	vm0 =	vmmov $0xffff;
	s15 =	simm.s32 $0x0;
	v3 =	vor.u32 $0x10, v1;
	v4 =	vor.u32 $0x20, v1;
	s29 =	sshrl.u32 s2, $0x1;
	s30 =	sadd.s32 $0x44E00, s0  }
0xa: {  	v5 =	vor.u32 $0x30, v1;
	v6 =	vor.u32 $0x40, v1;
	v7 =	vor.u32 $0x50, v1;
	s2 =	ssub.s32 s2, s29;
	s31 =	sadd.s32 $0x54E00, s0;
	[dreg:$0x2] =	wrdreg s30;
	v0, _, _ =	vpop (xrf0)  }
0xb: {  	v8 =	vor.u32 $0x60, v1;
	v9 =	vor.u32 $0x70, v1;
	s8 =	smax.u32 s2, $0x1;
	s7 =	sadd.s32 $0x4CE00, s0;
	[dreg:$0x3] =	wrdreg s31;
	v0 =	vbroadcast v0, $0xF  }
.LBB2_30:
0xc: {  	s0 =	rddreg [dreg:$0x3];
	s2 =	simm.s32 $0xAB00  }
0xd: {  	[hbm4b:s0+s1] =	stream.linear.scatter [tilespmem:s2], [sflag:$0x1], $0x2000, $0x38;
	[tilespmem:$0xEB00] =	vst v63  }
0xe: {  	s15 =	sadd.s32 $0x1, s15;
	_ =	swait.ge [sflag:s9], $0x2000  }
0xf: {  	p0 =	sne.s32 s15, s8;
	[sflag:s9] =	ssyncset.done $0x0  }
.Ltmp1:
0x10: {  	s31 =	simm.s32 $0xCB00;
	[sflag:s9] =	ssyncadd.s32 $0xFFFFE000;
	(pc) =	sbr.rel @!p0 .LBB2_31-.Ltmp1, $4  }
0x11: {  	[hbm4b:s7+s1] =	stream.linear.scatter [tilespmem:s31], [sflag:$0x1], $0x2000, $0x38;
	[tilespmem:$0xEB00] =	vst v63  }
0x12: {  	_ =	swait.ge [sflag:s9], $0x2000  }
0x13: {  	[sflag:s9] =	ssyncset.done $0x0  }
0x14: {  	[sflag:s9] =	ssyncadd.s32 $0xFFFFE000  }
.LBB2_1:
0x15: {  	s0 =	rddreg [dreg:$0x2]  }
0x16: {  	[tilespmem:s1], [sflag:$0x1] =	stream.linear.gather [hbm4b:s0+s1], $0x2000, $0x38;
	[tilespmem:$0xEB00] =	vst v63  }
0x17: {  	_ =	swait.ge [sflag:s9], $0x2000  }
0x18: {  	[sflag:s9] =	ssyncset.done $0x0  }
0x19: {  	[sflag:s9] =	ssyncadd.s32 $0xFFFFE000  }
0x1a: {  	[tilespmem:$0x2000] =	vst v2  }
0x1b: {  	[tilespmem:$0x2100] =	vst v2  }
0x1c: {  	[tilespmem:$0x2010] =	vst v2  }
0x1d: {  	[tilespmem:$0x2110] =	vst v2  }
0x1e: {  	[tilespmem:$0x2020] =	vst v2  }
0x1f: {  	[tilespmem:$0x2120] =	vst v2  }
0x20: {  	[tilespmem:$0x2030] =	vst v2  }
0x21: {  	[tilespmem:$0x2130] =	vst v2  }
0x22: {  	[tilespmem:$0x2040] =	vst v2  }
0x23: {  	[tilespmem:$0x2140] =	vst v2  }
0x24: {  	[tilespmem:$0x2050] =	vst v2  }
0x25: {  	[tilespmem:$0x2150] =	vst v2  }
0x26: {  	[tilespmem:$0x2060] =	vst v2  }
.Ltmp2:
0x27: {  	[tilespmem:$0x2160] =	vst v2;
	(pc) =	sbr.rel .LBB2_2-.Ltmp2, $4  }
0x28: {  	[tilespmem:$0x2070] =	vst v2  }
0x29: {  	[tilespmem:$0x2170] =	vst v2  }
0x2a: {  	[tilespmem:$0x2080] =	vst v2  }
0x2b: {  	s16 =	simm.s32 $0x0;
	[tilespmem:$0x2180] =	vst v2  }
.LBB2_29:
0x2c: {  	s16 =	sadd.s32 $0x1, s16  }
0x2d: {  	p0 =	sne.s32 s16, $0x40  }
.Ltmp3:
0x2e: {  	_ = 	snop;
	(pc) =	sbr.rel @!p0 .LBB2_30-.Ltmp3, $3  }
0x2f: {  	_ =	sdelay $0x1  }
0x30: {  	[tilespmem:s17+$0xAB00] =	vst v11  }
0x31: {  	[tilespmem:s17+$0xCB00] =	vst v10  }
.LBB2_2:
0x32: {  	s17 =	sshll.u32 s16, $0x7  }
0x33: {  	v11 =	vld [tilespmem:s17+$0x0]  }
0x34: {  	v12 =	vld [tilespmem:s17+$0x10]  }
0x35: {  	v13 =	vld [tilespmem:s17+$0x20]  }
0x36: {  	v14 =	vld [tilespmem:s17+$0x30]  }
0x37: {  	v15 =	vld [tilespmem:s17+$0x40]  }
0x38: {  	v16 =	vld [tilespmem:s17+$0x50]  }
0x39: {  	v17 =	vld [tilespmem:s17+$0x60];
	v10 =	vmin.f32 v11, v12  }
0x3a: {  	v18 =	vld [tilespmem:s17+$0x70];
	v10 =	vmin.f32 v10, v13  }
0x3b: {  	v10 =	vmin.f32 v10, v14  }
0x3c: {  	v10 =	vmin.f32 v10, v15  }
0x3d: {  	v10 =	vmin.f32 v10, v16  }
0x3e: {  	v10 =	vmin.f32 v10, v17  }
0x3f: {  	v10 =	vmin.f32 v10, v18  }
0x40: {  	(xrf1) =	vsort.ascd.msk.f32 $0xffff, v10, v10;
	_ =	sdelay $0xd  }
0x41: {  	v10, _, _ =	vpop (xrf1)  }
0x42: {  	v10 =	vbroadcast v10, $0x7;
	_ =	sdelay $0x1  }
0x43: {  	vm8 =	vle.f32 v11, v10  }
0x44: {  	vm7 =	vle.f32 v12, v10;
	v11 =	vmpcnt.ones.xlane vm8  }
0x45: {  	vm6 =	vle.f32 v13, v10;
	v12 =	vmpcnt.ones.xlane vm7  }
0x46: {  	vm5 =	vle.f32 v14, v10;
	(v2sf) =	vpush v11, $0x0;
	v11 =	vmpcnt.ones.xlane vm6  }
0x47: {  	vm4 =	vle.f32 v15, v10;
	v61 =	vmpcnt.ones.xlane vm5;
	(v2sf) =	vpush v12, $0x0  }
0x48: {  	vm3 =	vle.f32 v16, v10;
	(v2sf) =	vpush v11, $0x0;
	v11 =	vmpcnt.ones.xlane vm4  }
0x49: {  	vm2 =	vle.f32 v17, v10;
	v62 =	vmpcnt.ones.xlane vm3;
	(v2sf) =	vpush v61, $0x0  }
0x4a: {  	vm1 =	vle.f32 v18, v10;
	(v2sf) =	vpush v11, $0x0;
	v11 =	vmpcnt.ones.xlane vm2  }
0x4b: {  	v63 =	vmpcnt.ones.xlane vm1;
	(v2sf) =	vpush v62, $0x0  }
0x4c: {  	(v2sf) =	vpush v11, $0x0  }
0x4d: {  	(v2sf) =	vpush v63, $0x0;
	_ =	sdelay $0x7  }
0x4e: {  	s0 =	spop (v2sf)  }
0x4f: {  	s2 =	sadd.s32 s3, s16;
	s19 =	simm.s32 $0x2100;
	s18 =	spop (v2sf)  }
0x50: {  	s2 =	sshll.u32 s2, $0x7;
	s20 =	spop (v2sf);
	s18 =	sadd.s32 s0, s18  }
0x51: {  	[tilespmem:s19+$0x0] =	vst.msk vm8, v1;
	v11 =	vor.u32 s2, v1;
	s21 =	spop (v2sf);
	s22 =	sadd.s32 s18, s20  }
0x52: {  	[tilespmem:s10+$0x0] =	vst.msk vm8, v11;
	s24 =	spop (v2sf);
	s21 =	sadd.s32 s22, s21  }
0x53: {  	v11 =	vor.u32 s2, v3;
	[tilespmem:s0+$0x2100] =	vst.msk vm7, v3;
	s25 =	spop (v2sf);
	s23 =	sadd.s32 s21, s24  }
0x54: {  	[tilespmem:s0+$0x2000] =	vst.msk vm7, v11;
	s26 =	spop (v2sf);
	s0 =	sadd.s32 s23, s25  }
0x55: {  	v11 =	vor.u32 s2, v4;
	[tilespmem:s18+$0x2100] =	vst.msk vm6, v4;
	s28 =	sadd.s32 s0, s26;
	s29 =	spop (v2sf)  }
0x56: {  	[tilespmem:s18+$0x2000] =	vst.msk vm6, v11;
	s20 =	sadd.s32 s28, s29  }
0x57: {  	v11 =	vor.u32 s2, v5;
	[tilespmem:s22+$0x2100] =	vst.msk vm5, v5;
	s30 =	sadd.s32 $0xF, s20  }
0x58: {  	[tilespmem:s22+$0x2000] =	vst.msk vm5, v11;
	s24 =	sand.u32 $0xF, s30  }
0x59: {  	v11 =	vor.u32 s2, v6;
	[tilespmem:s21+$0x2100] =	vst.msk vm4, v6;
	s31 =	sshra.s32 s30, $0x1F;
	p1 =	slt.s32 s30, $0x1;
	p0 =	sne.s32 s24, $0x0  }
0x5a: {  	[tilespmem:s21+$0x2000] =	vst.msk vm4, v11;
	s21 =	sshrl.u32 s31, $0x1C;
	p0 =	por !p1, !p0  }
0x5b: {  	s22 =	simm.s32 $0x1;
	s21 =	sadd.s32 s21, s30;
	p0 =	por !p0, !p0  }
0x5c: {  	s21 =	sshra.s32 s21, $0x4;
	s22 =	simm.s32 @!p0 $0x0  }
0x5d: {  	s21 =	ssub.s32 s21, s22  }
0x5e: {  	v11 =	vor.u32 s2, v7;
	[tilespmem:s23+$0x2100] =	vst.msk vm3, v7;
	p0 =	slt.s32 s21, $0x1  }
.Ltmp4:
0x5f: {  	[tilespmem:s23+$0x2000] =	vst.msk vm3, v11;
	(pc) =	sbr.rel @!p0 .LBB2_3-.Ltmp4, $4  }
0x60: {  	v11 =	vor.u32 s2, v8;
	[tilespmem:s0+$0x2100] =	vst.msk vm2, v8  }
0x61: {  	[tilespmem:s0+$0x2000] =	vst.msk vm2, v11  }
0x62: {  	s18 =	simm.s32 $0x0;
	v11 =	vor.u32 s2, v9;
	[tilespmem:s28+$0x2100] =	vst.msk vm1, v9  }
0x63: {  	s25 =	simm.s32 $0x0;
	s23 =	simm.s32 $0x0;
	[tilespmem:s28+$0x2000] =	vst.msk vm1, v11;
	s22 =	smov.u32 s20  }
.LBB2_10:
0x64: {  	s0 =	sadd.s32 $0xF, s25  }
0x65: {  	s2 =	sand.u32 $0xF, s0  }
0x66: {  	s31 =	sshra.s32 s0, $0x1F;
	p1 =	slt.s32 s0, $0x1;
	p0 =	sne.s32 s2, $0x0  }
0x67: {  	s2 =	sshrl.u32 s31, $0x1C;
	p0 =	por !p1, !p0  }
0x68: {  	s0 =	sadd.s32 s2, s0;
	s2 =	simm.s32 $0x1;
	p0 =	por !p0, !p0  }
0x69: {  	s0 =	sshra.s32 s0, $0x4;
	s2 =	simm.s32 @!p0 $0x0  }
.Ltmp5:
0x6a: {  	s19 =	ssub.s32 s0, s2;
	(pc) =	sbr.rel .LBB2_11-.Ltmp5, $4  }
0x6b: {  	p0 =	slt.s32 s19, $0x1  }
0x6c: {  	s0 =	simm.s32 @!p0 $0x0  }
0x6d: {  	v11 =	vimm.f32 $+Inf;
	s0 =	simm.s32 @p0 $0x1  }
0x6e: {  	v10 =	vimm.s32 $0x0;
	[tilespmem:s25+$0x2A00] =	vst v11;
	[smem:$0x7FD] =	sst s0  }
.LBB2_12:
0x6f: {  	_ = 	snop  }
0x70: {  	s20 =	simm.s32 $0xFFFFFFFF;
	v12 =	vmov v0  }
.LBB2_28:
0x71: {  	v13 =	vld [tilespmem:s20+$0x2A00];
	_ =	sdelay $0x3  }
0x72: {  	vm1 =	veq.s32 v1, $0x0  }
0x73: {  	v13 =	vsel vm1, $0x7F800000, v13  }
0x74: {  	v14 =	vmov s18;
	s18 =	sadd.s32 $0x1, s18;
	[tilespmem:s20+$0x2A00] =	vst v13  }
0x75: {  	p0 =	sne.s32 s18, $0x8;
	v13 =	vld.msk [tilespmem:s20+$0x6A80 ss:$0x0], $0xffff  }
.Ltmp6:
0x76: {  	_ = 	snop;
	(pc) =	sbr.rel @!p0 .LBB2_29-.Ltmp6, $3  }
0x77: {  	_ =	sdelay $0x1  }
0x78: {  	vm1 =	veq.s32 v14, v1  }
0x79: {  	v11 =	vsel vm1, v12, v11;
	v10 =	vsel vm1, v13, v10  }
.LBB2_11:
0x7a: {  	s2 =	sld [smem:$0x7FD];
	_ =	sdelay $0x2  }
0x7b: {  	p0 =	seq.s32 s2, $0x1  }
.Ltmp7:
0x7c: {  	_ = 	snop;
	(pc) =	sbr.rel @p0 .LBB2_12-.Ltmp7, $2  }
0x7d: {  	_ =	sdelay $0x2  }
0x7e: {  	s0 =	simm.s32 $0x2A00  }
0x7f: {  	p1 =	sne.s32 s19, $0x1  }
.Ltmp8:
0x80: {  	_ = 	snop;
	(pc) =	sbr.rel @!p1 .LBB2_15-.Ltmp8, $2  }
0x81: {  	_ =	sdelay $0x2  }
0x82: {  	s2 =	sadd.s32 $0xFFFFFFFF, s19;
	v13 =	vld [tilespmem:s0+$0x0];
	v12 =	vimm.f32 $+Inf  }
.LBB2_14:
0x83: {  	p1 =	sne.s32 s2, $0x1  }
.Ltmp9:
0x84: {  	_ = 	snop;
	(pc) =	sbr.rel @p1 .LBB2_14-.Ltmp9, $3  }
0x85: {  	_ =	sdelay $0x1  }
0x86: {  	s2 =	sadd.s32 $0xFFFFFFFF, s2;
	s0 =	sadd.s32 $0x10, s0;
	v12 =	vmin.f32 v12, v13  }
0x87: {  	v13 =	vld [tilespmem:s0+$0x0]  }
.LBB2_15:
0x88: {  	_ =	sdelay $0x3  }
0x89: {  	v12 =	vmin.f32 v12, v13  }
0x8a: {  	(xrf0) =	vmin.scan.msk.f32 $0xffff, v12;
	_ =	sdelay $0x2  }
0x8b: {  	s0 =	simm.s32 $0x2A00  }
0x8c: {  	p5 =	sne.s32 s19, $0x1;
	v13 =	vld [tilespmem:s0+$0x0]  }
.Ltmp10:
0x8d: {  	_ = 	snop;
	(pc) =	sbr.rel @!p5 .LBB2_16-.Ltmp10, $4  }
0x8e: {  	v12, _, _ =	vpop (xrf0)  }
0x8f: {  	s20 =	simm.s32 $0xFFFFFFFF;
	s21 =	simm.s32 $0x0;
	v12 =	vbroadcast v12, $0xF  }
0x90: {  	s2 =	simm.s32 $0x2A10;
	p1 =	por $0x0, $0x0;
	p2 =	por $0x0, $0x0  }
0x91: {  	p3 =	por $0x0, $0x0;
	p4 =	por $0x0, $0x0;
	s0 =	sadd.s32 $0xFFFFFFFF, s19;
	vm1 =	veq.f32 v13, v12  }
0x92: {  	v13 =	vld [tilespmem:s2+$0x0];
	p5 =	sne.s32 s0, $0x1  }
.Ltmp11:
0x93: {  	_ = 	snop;
	(pc) =	sbr.rel @!p5 .LBB2_18-.Ltmp11, $4  }
0x94: {  	v14 =	vmpcnt.ones.xlane vm1  }
0x95: {  	v15 =	vmctz.xlane vm1  }
0x96: {  	(v2sf) =	vpush v14, $0x0  }
0x97: {  	s0 =	sadd.s32 $0xFFFFFFFF, s0;
	s2 =	simm.s32 $0x2A20;
	p1 =	por $0x1, $0x1;
	(v2sf) =	vpush v15, $0x0;
	vm1 =	veq.f32 v13, v12  }
0x98: {  	v14 =	vmpcnt.ones.xlane vm1  }
0x99: {  	v15 =	vmctz.xlane vm1  }
0x9a: {  	(v2sf) =	vpush v14, $0x0  }
0x9b: {  	(v2sf) =	vpush v15, $0x0;
	_ =	sdelay $0x8  }
0x9c: {  	v13 =	vld [tilespmem:s2+$0x0];
	p5 =	sne.s32 s0, $0x1  }
.Ltmp12:
0x9d: {  	_ = 	snop;
	(pc) =	sbr.rel @!p5 .LBB2_20-.Ltmp12, $2  }
0x9e: {  	_ =	sdelay $0x2  }
0x9f: {  	s0 =	sadd.s32 $0xFFFFFFFF, s0;
	s2 =	simm.s32 $0x2A30;
	p2 =	por $0x1, $0x1;
	vm1 =	veq.f32 v13, v12  }
0xa0: {  	v14 =	vmpcnt.ones.xlane vm1  }
0xa1: {  	v15 =	vmctz.xlane vm1  }
0xa2: {  	(v2sf) =	vpush v14, $0x0  }
0xa3: {  	(v2sf) =	vpush v15, $0x0;
	_ =	sdelay $0x2  }
0xa4: {  	v13 =	vld [tilespmem:s2+$0x0];
	p5 =	sne.s32 s0, $0x1  }
.Ltmp13:
0xa5: {  	_ = 	snop;
	(pc) =	sbr.rel @!p5 .LBB2_22-.Ltmp13, $3  }
0xa6: {  	_ =	sdelay $0x1  }
0xa7: {  	s2 =	sadd.s32 $0xFFFFFFFF, s0  }
0xa8: {  	s0 =	simm.s32 $0x2A40;
	s22 =	spop (v2sf);
	p3 =	por $0x1, $0x1;
	vm1 =	veq.f32 v13, v12  }
0xa9: {  	v14 =	vmpcnt.ones.xlane vm1  }
0xaa: {  	v15 =	vmctz.xlane vm1  }
0xab: {  	(v2sf) =	vpush v14, $0x0  }
0xac: {  	(v2sf) =	vpush v15, $0x0;
	_ =	sdelay $0x2  }
0xad: {  	v13 =	vld [tilespmem:s0+$0x0];
	p5 =	sne.s32 s2, $0x1  }
.Ltmp14:
0xae: {  	p4 =	sgt.s32 s22, $0x0;
	(pc) =	sbr.rel @!p5 .LBB2_24-.Ltmp14, $4  }
0xaf: {  	s31 =	spop (v2sf);
	s5 =	simm.s32 $0xFFFFFFFF;
	p6 =	por $0x1, $0x1  }
0xb0: {  	s24 =	sadd.s32 $0xFFFFFFFF, s2;
	s25 =	simm.s32 $0x2A50;
	s0 =	sadd.s32 $0x0, s31  }
0xb1: {  	s2 =	simm.s32 $0x0;
	s5 =	smov.u32 @p4 s0;
	s0 =	simm.s32 $0xFFFFFFFF  }
0xb2: {  	s23 =	spop (v2sf);
	p4 =	por $0x1, $0x1;
	s0 =	smov.u32 @p6 s5;
	vm1 =	veq.f32 v13, v12  }
.LBB2_25:
0xb3: {  	p6 =	sgt.s32 s23, $0x0;
	s5 =	spop (v2sf)  }
0xb4: {  	v13 =	vld [tilespmem:s25+$0x0];
	v14 =	vmpcnt.ones.xlane vm1;
	s2 =	sadd.s32 $0x10, s2;
	p5 =	sne.s32 s24, $0x1;
	s24 =	sadd.s32 $0xFFFFFFFF, s24  }
.Ltmp15:
0xb5: {  	v15 =	vmctz.xlane vm1;
	s6 =	smov.u32 s0;
	s5 =	sadd.s32 s2, s5;
	(pc) =	sbr.rel @p5 .LBB2_25-.Ltmp15, $3  }
0xb6: {  	p0 =	slt.s32 s0, $0x0;
	(v2sf) =	vpush v14, $0x0;
	s6 =	smov.u32 @p6 s5  }
0xb7: {  	(v2sf) =	vpush v15, $0x0;
	s0 =	smov.u32 @p0 s6;
	_ =	sdelay $0x1  }
0xb8: {  	s25 =	sadd.s32 $0x10, s25;
	vm1 =	veq.f32 v13, v12;
	s23 =	spop (v2sf)  }
0xb9: {  	_ = 	snop  }
.LBB2_27:
0xba: {  	v13 =	vmpcnt.ones.xlane vm1;
	_ =	sdelay $0x1  }
0xbb: {  	v14 =	vmctz.xlane vm1;
	(v2sf) =	vpush v13, $0x0  }
0xbc: {  	s2 =	sadd.s32 @p4 $0x10, s2;
	s5 =	simm.s32 $0x0  }
0xbd: {  	p0 =	sgt.s32 @p3 s23, $0x0;
	s6 =	spop @p3 (v2sf);
	s5 =	smov.u32 @p4 s2;
	(v2sf) =	vpush v14, $0x0  }
0xbe: {  	p4 =	slt.s32 @p3 s0, $0x0;
	p0 =	por !p0, !p3;
	s2 =	sadd.s32 @p3 s5, s6  }
0xbf: {  	s6 =	spop @p2 (v2sf);
	s2 =	smov.u32 @p0 s0;
	p0 =	por !p4, !p3  }
0xc0: {  	s22 =	smov.u32 @p2 s6;
	s2 =	smov.u32 @p0 s0;
	s0 =	simm.s32 $0xFFFFFFFF  }
0xc1: {  	s0 =	smov.u32 @p3 s2;
	s2 =	sadd.s32 @p3 $0x10, s5;
	s5 =	simm.s32 $0x0  }
0xc2: {  	s6 =	spop @p2 (v2sf);
	p0 =	sgt.s32 @p2 s22, $0x0;
	s5 =	smov.u32 @p3 s2  }
0xc3: {  	p0 =	por !p0, !p2;
	p3 =	slt.s32 @p2 s0, $0x0;
	s2 =	sadd.s32 @p2 s5, s6  }
0xc4: {  	s2 =	smov.u32 @p0 s0;
	p0 =	por !p3, !p2;
	s6 =	spop @p1 (v2sf)  }
0xc5: {  	s2 =	smov.u32 @p0 s0;
	s0 =	smov.u32 @p1 s6;
	s6 =	simm.s32 $0xFFFFFFFF  }
0xc6: {  	s6 =	smov.u32 @p2 s2;
	s2 =	sadd.s32 @p2 $0x10, s5;
	s5 =	simm.s32 $0x0  }
0xc7: {  	p0 =	sgt.s32 @p1 s0, $0x0;
	s0 =	spop @p1 (v2sf);
	s5 =	smov.u32 @p2 s2  }
0xc8: {  	p2 =	slt.s32 @p1 s6, $0x0;
	p0 =	por !p0, !p1;
	s0 =	sadd.s32 @p1 s5, s0  }
0xc9: {  	s0 =	smov.u32 @p0 s6;
	p0 =	por !p2, !p1  }
0xca: {  	s0 =	smov.u32 @p0 s6;
	s30 =	spop (v2sf)  }
.Ltmp16:
0xcb: {  	s20 =	smov.u32 @p1 s0;
	s0 =	sadd.s32 @p1 $0x10, s5;
	(pc) =	sbr.rel .LBB2_28-.Ltmp16, $4  }
0xcc: {  	s31 =	spop (v2sf);
	s21 =	smov.u32 @p1 s0  }
0xcd: {  	p0 =	sgt.s32 s30, $0x0;
	s2 =	smov.u32 s20;
	s0 =	sadd.s32 s21, s31  }
0xce: {  	p1 =	slt.s32 s20, $0x0;
	s2 =	smov.u32 @p0 s0  }
0xcf: {  	s20 =	smov.u32 @p1 s2  }
.LBB2_16:
.Ltmp17:
0xd0: {  	(pc) =	sbr.rel .LBB2_27-.Ltmp17, $2  }
0xd1: {  	_ =	sdelay $0x2  }
0xd2: {  	s2 =	simm.s32 $0x0;
	s0 =	simm.s32 $0xFFFFFFFF  }
.LBB2_18:
.Ltmp18:
0xd3: {  	(pc) =	sbr.rel .LBB2_27-.Ltmp18, $2  }
0xd4: {  	_ =	sdelay $0x2  }
0xd5: {  	s2 =	simm.s32 $0x0;
	s0 =	simm.s32 $0xFFFFFFFF  }
.LBB2_20:
.Ltmp19:
0xd6: {  	(pc) =	sbr.rel .LBB2_27-.Ltmp19, $2  }
0xd7: {  	_ =	sdelay $0x2  }
0xd8: {  	s2 =	simm.s32 $0x0;
	s0 =	simm.s32 $0xFFFFFFFF  }
.LBB2_22:
.Ltmp20:
0xd9: {  	(pc) =	sbr.rel .LBB2_27-.Ltmp20, $2  }
0xda: {  	_ =	sdelay $0x3  }
0xdb: {  	s23 =	smov.u32 s22;
	s2 =	simm.s32 $0x0;
	s0 =	simm.s32 $0xFFFFFFFF  }
.LBB2_24:
.Ltmp21:
0xdc: {  	(pc) =	sbr.rel .LBB2_27-.Ltmp21, $2  }
0xdd: {  	_ =	sdelay $0x2  }
0xde: {  	s2 =	simm.s32 $0x0  }
.LBB2_5:
0xdf: {  	_ = 	snop  }
.LBB2_8:
0xe0: {  	s2 =	sadd.s32 @p0 s2, s0;
	s26 =	spop (v2sf)  }
0xe1: {  	s0 =	sshll.u32 s26, $0x7;
	s25 =	smov.u32 @p0 s2  }
0xe2: {  	[tilespmem:s25+$0x2A00] =	vst.msk vm1, v11;
	v11 =	vor.u32 s0, v1  }
0xe3: {  	[tilespmem:s25+$0x6A80] =	vst.msk vm1, v11  }
0xe4: {  	v11 =	vld [tilespmem:s24+$0xFFFFFFD0];
	_ =	sdelay $0x4  }
0xe5: {  	vm1 =	vle.f32 v11, v10  }
0xe6: {  	v12 =	vmpcnt.ones.xlane vm1;
	_ =	sdelay $0x1  }
0xe7: {  	(v2sf) =	vpush v12, $0x0;
	_ =	sdelay $0x6  }
0xe8: {  	s28 =	spop (v2sf)  }
0xe9: {  	s5 =	sor.u32 $0x10, s0;
	s2 =	sadd.s32 s25, s28  }
0xea: {  	[tilespmem:s2+$0x2A00] =	vst.msk vm1, v11;
	v11 =	vor.u32 s5, v1  }
0xeb: {  	[tilespmem:s2+$0x6A80] =	vst.msk vm1, v11  }
0xec: {  	v11 =	vld [tilespmem:s24+$0xFFFFFFE0];
	_ =	sdelay $0x3  }
0xed: {  	s29 =	spop (v2sf)  }
0xee: {  	s6 =	sor.u32 $0x20, s0;
	vm1 =	vle.f32 v11, v10;
	s2 =	sadd.s32 s2, s29  }
0xef: {  	v58 =	vmpcnt.ones.xlane vm1;
	[tilespmem:s2+$0x2A00] =	vst.msk vm1, v11;
	v11 =	vor.u32 s6, v1  }
0xf0: {  	[tilespmem:s2+$0x6A80] =	vst.msk vm1, v11  }
0xf1: {  	(v2sf) =	vpush v58, $0x0;
	v11 =	vld [tilespmem:s24+$0xFFFFFFF0];
	_ =	sdelay $0x4  }
0xf2: {  	vm1 =	vle.f32 v11, v10  }
0xf3: {  	v59 =	vmpcnt.ones.xlane vm1;
	_ =	sdelay $0x1  }
0xf4: {  	(v2sf) =	vpush v59, $0x0;
	_ =	sdelay $0x6  }
0xf5: {  	s30 =	spop (v2sf)  }
0xf6: {  	s31 =	sor.u32 $0x30, s0;
	s2 =	sadd.s32 s2, s30  }
0xf7: {  	[tilespmem:s2+$0x2A00] =	vst.msk vm1, v11;
	v11 =	vor.u32 s31, v1  }
0xf8: {  	[tilespmem:s2+$0x6A80] =	vst.msk vm1, v11  }
0xf9: {  	v11 =	vld [tilespmem:s24+$0x0];
	_ =	sdelay $0x3  }
0xfa: {  	s13 =	spop (v2sf)  }
0xfb: {  	s14 =	sor.u32 $0x40, s0;
	vm1 =	vle.f32 v11, v10;
	s2 =	sadd.s32 s2, s13  }
0xfc: {  	v60 =	vmpcnt.ones.xlane vm1;
	[tilespmem:s2+$0x2A00] =	vst.msk vm1, v11;
	v11 =	vor.u32 s14, v1  }
0xfd: {  	[tilespmem:s2+$0x6A80] =	vst.msk vm1, v11  }
0xfe: {  	(v2sf) =	vpush v60, $0x0;
	v11 =	vld [tilespmem:s24+$0x10];
	_ =	sdelay $0x4  }
0xff: {  	vm1 =	vle.f32 v11, v10  }
0x100: {  	v61 =	vmpcnt.ones.xlane vm1;
	_ =	sdelay $0x1  }
0x101: {  	(v2sf) =	vpush v61, $0x0;
	_ =	sdelay $0x6  }
0x102: {  	s25 =	spop (v2sf)  }
0x103: {  	s26 =	sor.u32 $0x50, s0;
	s2 =	sadd.s32 s2, s25  }
0x104: {  	[tilespmem:s2+$0x2A00] =	vst.msk vm1, v11;
	v11 =	vor.u32 s26, v1  }
0x105: {  	[tilespmem:s2+$0x6A80] =	vst.msk vm1, v11  }
0x106: {  	v11 =	vld [tilespmem:s24+$0x20];
	_ =	sdelay $0x3  }
0x107: {  	s28 =	spop (v2sf)  }
0x108: {  	s29 =	sor.u32 $0x60, s0;
	vm1 =	vle.f32 v11, v10;
	s2 =	sadd.s32 s2, s28  }
0x109: {  	[tilespmem:s2+$0x2A00] =	vst.msk vm1, v11;
	v11 =	vor.u32 s29, v1  }
0x10a: {  	[tilespmem:s2+$0x6A80] =	vst.msk vm1, v11  }
0x10b: {  	v11 =	vld [tilespmem:s24+$0x30];
	_ =	sdelay $0x3  }
0x10c: {  	v62 =	vmpcnt.ones.xlane vm1  }
0x10d: {  	vm1 =	vle.f32 v11, v10  }
0x10e: {  	(v2sf) =	vpush v62, $0x0;
	v63 =	vmpcnt.ones.xlane vm1;
	_ =	sdelay $0x1  }
0x10f: {  	(v2sf) =	vpush v63, $0x0;
	_ =	sdelay $0xc  }
0x110: {  	s30 =	spop (v2sf)  }
0x111: {  	s0 =	sor.u32 $0x70, s0;
	s2 =	sadd.s32 s2, s30  }
0x112: {  	[tilespmem:s2+$0x2A00] =	vst.msk vm1, v11;
	v11 =	vor.u32 s0, v1;
	s31 =	spop (v2sf)  }
0x113: {  	[tilespmem:s2+$0x6A80] =	vst.msk vm1, v11;
	s25 =	sadd.s32 s2, s31  }
.LBB2_9:
0x114: {  	s23 =	sadd.s32 $0x1, s23  }
0x115: {  	p0 =	sne.s32 s23, s21  }
.Ltmp22:
0x116: {  	_ = 	snop;
	(pc) =	sbr.rel @!p0 .LBB2_10-.Ltmp22, $2  }
0x117: {  	_ =	sdelay $0x2  }
0x118: {  	s22 =	sadd.s32 $0xFFFFFFF0, s22;
	s19 =	sadd.s32 $0x10, s19  }
.LBB2_3:
0x119: {  	s0 =	sshll.u32 s23, $0x4  }
0x11a: {  	v11 =	vld [tilespmem:s0+$0x2000];
	_ =	sdelay $0x4  }
0x11b: {  	s0 =	ssub.s32 s20, s0  }
0x11c: {  	p0 =	slt.s32 s0, $0x1  }
.Ltmp23:
0x11d: {  	_ = 	snop;
	(pc) =	sbr.rel @p0 .LBB2_9-.Ltmp23, $4  }
0x11e: {  	[tilespmem:s11], [sflag:$0x2] =	stream.indirect_vreg.gather [hbm4b:s4+s1], $0x80, v11, vm0, $0xb8;
	[tilespmem:$0xEB00] =	vst v63  }
0x11f: {  	_ =	swait.ge [sflag:s12], $0x800  }
0x120: {  	[sflag:s12] =	ssyncset.done $0x0  }
0x121: {  	[sflag:s12] =	ssyncadd.s32 $0xFFFFF800  }
0x122: {  	v12 =	vld [tilespmem:s19+$0x0];
	_ =	sdelay $0x4  }
0x123: {  	(v2sf) =	vpush v12, $0x0;
	_ =	sdelay $0x4  }
0x124: {  	s24 =	simm.s32 $0x2240  }
0x125: {  	p0 =	sgt.s32 s22, $0x1;
	s0 =	smov.u32 s22;
	v11 =	vld [tilespmem:s24+$0xFFFFFFC0]  }
0x126: {  	s0 =	simm.s32 @!p0 $0x1  }
0x127: {  	s0 =	smin.u32 s0, $0x10  }
0x128: {  	p1 =	sne.s32 s0, $0x1  }
.Ltmp24:
0x129: {  	_ = 	snop;
	(pc) =	sbr.rel @!p1 .LBB2_5-.Ltmp24, $3  }
0x12a: {  	vm1 =	vle.f32 v11, v10  }
0x12b: {  	v13 =	vmpcnt.ones.xlane vm1;
	_ =	sdelay $0x1  }
0x12c: {  	p0 =	por $0x0, $0x0;
	s0 =	sadd.s32 $0xFFFFFFFF, s0;
	(v2sf) =	vpush v13, $0x0  }
0x12d: {  	_ =	sdelay $0x5  }
0x12e: {  	s2 =	spop (v2sf)  }
0x12f: {  	s26 =	sshll.u32 s2, $0x7  }
0x130: {  	[tilespmem:s25+$0x2A00] =	vst.msk vm1, v11;
	v11 =	vor.u32 s26, v1  }
0x131: {  	[tilespmem:s25+$0x6A80] =	vst.msk vm1, v11  }
0x132: {  	v11 =	vld [tilespmem:s24+$0xFFFFFFD0];
	_ =	sdelay $0x3  }
0x133: {  	s5 =	spop (v2sf)  }
0x134: {  	s28 =	sor.u32 $0x10, s26;
	vm1 =	vle.f32 v11, v10;
	s2 =	sadd.s32 s25, s5  }
0x135: {  	v12 =	vmpcnt.ones.xlane vm1;
	[tilespmem:s2+$0x2A00] =	vst.msk vm1, v11;
	v11 =	vor.u32 s28, v1  }
0x136: {  	[tilespmem:s2+$0x6A80] =	vst.msk vm1, v11  }
0x137: {  	(v2sf) =	vpush v12, $0x0;
	v11 =	vld [tilespmem:s24+$0xFFFFFFE0];
	_ =	sdelay $0x4  }
0x138: {  	vm1 =	vle.f32 v11, v10  }
0x139: {  	v57 =	vmpcnt.ones.xlane vm1;
	_ =	sdelay $0x1  }
0x13a: {  	(v2sf) =	vpush v57, $0x0;
	_ =	sdelay $0x6  }
0x13b: {  	s28 =	spop (v2sf)  }
0x13c: {  	s29 =	sor.u32 $0x20, s26;
	s2 =	sadd.s32 s2, s28  }
0x13d: {  	[tilespmem:s2+$0x2A00] =	vst.msk vm1, v11;
	v11 =	vor.u32 s29, v1  }
0x13e: {  	[tilespmem:s2+$0x6A80] =	vst.msk vm1, v11  }
0x13f: {  	v11 =	vld [tilespmem:s24+$0xFFFFFFF0];
	_ =	sdelay $0x3  }
0x140: {  	s28 =	spop (v2sf)  }
0x141: {  	s6 =	sor.u32 $0x30, s26;
	vm1 =	vle.f32 v11, v10;
	s2 =	sadd.s32 s2, s28  }
0x142: {  	v58 =	vmpcnt.ones.xlane vm1;
	[tilespmem:s2+$0x2A00] =	vst.msk vm1, v11;
	v11 =	vor.u32 s6, v1  }
0x143: {  	[tilespmem:s2+$0x6A80] =	vst.msk vm1, v11  }
0x144: {  	(v2sf) =	vpush v58, $0x0;
	v11 =	vld [tilespmem:s24+$0x0];
	_ =	sdelay $0x4  }
0x145: {  	vm1 =	vle.f32 v11, v10  }
0x146: {  	v59 =	vmpcnt.ones.xlane vm1;
	_ =	sdelay $0x1  }
0x147: {  	(v2sf) =	vpush v59, $0x0;
	_ =	sdelay $0x6  }
0x148: {  	s28 =	spop (v2sf)  }
0x149: {  	s13 =	sor.u32 $0x40, s26;
	s2 =	sadd.s32 s2, s28  }
0x14a: {  	[tilespmem:s2+$0x2A00] =	vst.msk vm1, v11;
	v11 =	vor.u32 s13, v1  }
0x14b: {  	[tilespmem:s2+$0x6A80] =	vst.msk vm1, v11  }
0x14c: {  	v11 =	vld [tilespmem:s24+$0x10];
	_ =	sdelay $0x3  }
0x14d: {  	s28 =	spop (v2sf)  }
0x14e: {  	s14 =	sor.u32 $0x50, s26;
	vm1 =	vle.f32 v11, v10;
	s2 =	sadd.s32 s2, s28  }
0x14f: {  	v60 =	vmpcnt.ones.xlane vm1;
	[tilespmem:s2+$0x2A00] =	vst.msk vm1, v11;
	v11 =	vor.u32 s14, v1  }
0x150: {  	[tilespmem:s2+$0x6A80] =	vst.msk vm1, v11  }
0x151: {  	(v2sf) =	vpush v60, $0x0;
	v11 =	vld [tilespmem:s24+$0x20];
	_ =	sdelay $0x4  }
0x152: {  	vm1 =	vle.f32 v11, v10  }
0x153: {  	v61 =	vmpcnt.ones.xlane vm1;
	_ =	sdelay $0x1  }
0x154: {  	(v2sf) =	vpush v61, $0x0;
	_ =	sdelay $0x6  }
0x155: {  	s28 =	spop (v2sf)  }
0x156: {  	s30 =	sor.u32 $0x60, s26;
	s2 =	sadd.s32 s2, s28  }
0x157: {  	[tilespmem:s2+$0x2A00] =	vst.msk vm1, v11;
	v11 =	vor.u32 s30, v1  }
0x158: {  	[tilespmem:s2+$0x6A80] =	vst.msk vm1, v11  }
0x159: {  	v11 =	vld [tilespmem:s24+$0x30];
	_ =	sdelay $0x3  }
0x15a: {  	s31 =	spop (v2sf)  }
0x15b: {  	s26 =	sor.u32 $0x70, s26;
	vm1 =	vle.f32 v11, v10;
	s2 =	sadd.s32 s2, s31  }
0x15c: {  	[tilespmem:s2+$0x2A00] =	vst.msk vm1, v11;
	v11 =	vor.u32 s26, v1  }
0x15d: {  	s26 =	sadd.s32 $0x1, s19;
	[tilespmem:s2+$0x6A80] =	vst.msk vm1, v11  }
0x15e: {  	v63 =	vld [tilespmem:s26+$0x0];
	_ =	sdelay $0x1  }
0x15f: {  	v62 =	vmpcnt.ones.xlane vm1;
	_ =	sdelay $0x1  }
0x160: {  	(v2sf) =	vpush v62, $0x0  }
0x161: {  	(v2sf) =	vpush v63, $0x0;
	_ =	sdelay $0x2  }
0x162: {  	s24 =	simm.s32 $0x22C0  }
0x163: {  	v11 =	vld [tilespmem:s24+$0xFFFFFFC0];
	_ =	sdelay $0x4  }
0x164: {  	p1 =	sne.s32 s0, $0x1;
	vm1 =	vle.f32 v11, v10  }
.Ltmp25:
0x165: {  	v13 =	vmpcnt.ones.xlane vm1;
	(pc) =	sbr.rel @!p1 .LBB2_8-.Ltmp25, $3  }
0x166: {  	_ = 	snop  }
0x167: {  	(v2sf) =	vpush v13, $0x0;
	_ =	sdelay $0x1  }
0x168: {  	p0 =	por $0x1, $0x1;
	s28 =	sadd.s32 $0xFFFFFFFF, s0;
	s0 =	spop (v2sf)  }
.LBB2_7:
0x169: {  	p1 =	sne.s32 s28, $0x1;
	s28 =	sadd.s32 $0xFFFFFFFF, s28;
	s13 =	sadd.s32 s2, s0  }
0x16a: {  	_ =	sdelay $0x2  }
0x16b: {  	s0 =	spop (v2sf)  }
0x16c: {  	s29 =	sshll.u32 s0, $0x7  }
0x16d: {  	[tilespmem:s13+$0x2A00] =	vst.msk vm1, v11;
	v11 =	vor.u32 s29, v1;
	s14 =	sor.u32 $0x10, s29;
	s5 =	sor.u32 $0x20, s29;
	s2 =	sor.u32 $0x30, s29  }
0x16e: {  	s0 =	sor.u32 $0x40, s29;
	s31 =	sor.u32 $0x50, s29;
	s30 =	sor.u32 $0x60, s29;
	[tilespmem:s13+$0x6A80] =	vst.msk vm1, v11  }
0x16f: {  	s29 =	sor.u32 $0x70, s29;
	v11 =	vld [tilespmem:s24+$0xFFFFFFD0];
	_ =	sdelay $0x3  }
0x170: {  	s6 =	spop (v2sf)  }
0x171: {  	s6 =	sadd.s32 s13, s6;
	vm1 =	vle.f32 v11, v10  }
0x172: {  	[tilespmem:s6+$0x2A00] =	vst.msk vm1, v11;
	v11 =	vor.u32 s14, v1;
	v12 =	vmpcnt.ones.xlane vm1  }
0x173: {  	[tilespmem:s6+$0x6A80] =	vst.msk vm1, v11  }
0x174: {  	v11 =	vld [tilespmem:s24+$0xFFFFFFE0];
	(v2sf) =	vpush v12, $0x0;
	_ =	sdelay $0x4  }
0x175: {  	vm1 =	vle.f32 v11, v10  }
0x176: {  	v12 =	vmpcnt.ones.xlane vm1;
	_ =	sdelay $0x1  }
0x177: {  	(v2sf) =	vpush v12, $0x0;
	_ =	sdelay $0x6  }
0x178: {  	s13 =	spop (v2sf)  }
0x179: {  	s6 =	sadd.s32 s6, s13  }
0x17a: {  	[tilespmem:s6+$0x2A00] =	vst.msk vm1, v11;
	v11 =	vor.u32 s5, v1  }
0x17b: {  	[tilespmem:s6+$0x6A80] =	vst.msk vm1, v11  }
0x17c: {  	v11 =	vld [tilespmem:s24+$0xFFFFFFF0];
	_ =	sdelay $0x3  }
0x17d: {  	s5 =	spop (v2sf)  }
0x17e: {  	s5 =	sadd.s32 s6, s5;
	vm1 =	vle.f32 v11, v10  }
0x17f: {  	[tilespmem:s5+$0x2A00] =	vst.msk vm1, v11;
	v11 =	vor.u32 s2, v1;
	v12 =	vmpcnt.ones.xlane vm1  }
0x180: {  	[tilespmem:s5+$0x6A80] =	vst.msk vm1, v11  }
0x181: {  	v11 =	vld [tilespmem:s24+$0x0];
	(v2sf) =	vpush v12, $0x0;
	_ =	sdelay $0x4  }
0x182: {  	vm1 =	vle.f32 v11, v10  }
0x183: {  	v12 =	vmpcnt.ones.xlane vm1;
	_ =	sdelay $0x1  }
0x184: {  	(v2sf) =	vpush v12, $0x0;
	_ =	sdelay $0x6  }
0x185: {  	s2 =	spop (v2sf)  }
0x186: {  	s2 =	sadd.s32 s5, s2  }
0x187: {  	[tilespmem:s2+$0x2A00] =	vst.msk vm1, v11;
	v11 =	vor.u32 s0, v1  }
0x188: {  	[tilespmem:s2+$0x6A80] =	vst.msk vm1, v11  }
0x189: {  	v11 =	vld [tilespmem:s24+$0x10];
	_ =	sdelay $0x3  }
0x18a: {  	s0 =	spop (v2sf)  }
0x18b: {  	s0 =	sadd.s32 s2, s0;
	vm1 =	vle.f32 v11, v10  }
0x18c: {  	[tilespmem:s0+$0x2A00] =	vst.msk vm1, v11;
	v11 =	vor.u32 s31, v1;
	v12 =	vmpcnt.ones.xlane vm1  }
0x18d: {  	[tilespmem:s0+$0x6A80] =	vst.msk vm1, v11  }
0x18e: {  	v11 =	vld [tilespmem:s24+$0x20];
	(v2sf) =	vpush v12, $0x0;
	_ =	sdelay $0x4  }
0x18f: {  	vm1 =	vle.f32 v11, v10  }
0x190: {  	v12 =	vmpcnt.ones.xlane vm1;
	_ =	sdelay $0x1  }
0x191: {  	(v2sf) =	vpush v12, $0x0;
	_ =	sdelay $0x6  }
0x192: {  	s2 =	spop (v2sf)  }
0x193: {  	s0 =	sadd.s32 s0, s2  }
0x194: {  	[tilespmem:s0+$0x2A00] =	vst.msk vm1, v11;
	v11 =	vor.u32 s30, v1  }
0x195: {  	[tilespmem:s0+$0x6A80] =	vst.msk vm1, v11  }
0x196: {  	v11 =	vld [tilespmem:s24+$0x30];
	_ =	sdelay $0x3  }
0x197: {  	s2 =	spop (v2sf)  }
0x198: {  	s2 =	sadd.s32 s0, s2;
	vm1 =	vle.f32 v11, v10  }
0x199: {  	[tilespmem:s2+$0x2A00] =	vst.msk vm1, v11;
	v11 =	vor.u32 s29, v1;
	v12 =	vmpcnt.ones.xlane vm1  }
0x19a: {  	s26 =	sadd.s32 $0x1, s26;
	[tilespmem:s2+$0x6A80] =	vst.msk vm1, v11  }
0x19b: {  	v13 =	vld [tilespmem:s26+$0x0];
	(v2sf) =	vpush v12, $0x0;
	_ =	sdelay $0x3  }
0x19c: {  	s24 =	sadd.s32 $0x80, s24  }
0x19d: {  	v11 =	vld [tilespmem:s24+$0xFFFFFFC0];
	(v2sf) =	vpush v13, $0x0;
	_ =	sdelay $0x4  }
0x19e: {  	vm1 =	vle.f32 v11, v10  }
.Ltmp26:
0x19f: {  	v12 =	vmpcnt.ones.xlane vm1;
	(pc) =	sbr.rel @p1 .LBB2_7-.Ltmp26, $3  }
0x1a0: {  	_ = 	snop  }
0x1a1: {  	(v2sf) =	vpush v12, $0x0;
	_ =	sdelay $0x1  }
0x1a2: {  	s0 =	spop (v2sf)  }
.Ltmp27:
0x1a3: {  	_ = 	snop;
	(pc) =	sbr.rel .LBB2_8-.Ltmp27, $1  }
0x1a4: {  	_ =	sdelay $0x3  }
.LBB2_31:
0x1a5: {  	_ =	sfence.sel $0x180000  }
0x1a6: {  	[bflag:$0x0] =	sbarrier.arrive $0xFFFF  }
0x1a7: {  	_ =	strace $0x90000047  }
0x1a8: {  	s0 =	stileid.u32;
	[bflag:$0x2] =	sbarrier.arrive $0xFFFF  }
0x1a9: {  	p0 =	sne.s32 s0, $0x0;
	s0 =	rddreg [dreg:$0x1]  }
0x1aa: {  	s0 =	sadd.s32 @!p0 $0x100000, s0  }
0x1ab: {  	[sflag:s0] =	ssyncadd.tile.s32 @!p0 $0x1;
	_ =	shalt  }
.Lfunc_end2:
_tile_overlayer_lowered:
.L_overlay_start_2:
0x1ac: {  	(tag) =	ssettag $0x2  }
0x1ad: {  	s0 =	rddreg [dreg:$0x0];
	s2 =	stileid.u32  }
0x1ae: {  	s1 =	rddreg [dreg:$0x1];
	p0 =	sne.s32 s2, $0x0  }
0x1af: {  	s3 =	rddreg [dreg:$0x2];
	[bflag:$0x3] =	sbarrier.arrive $0xFFFF;
	s2 =	simm.s32 @!p0 $0x1C03  }
0x1b0: {  	[timem:s3], [sflag:s2] =	dma.local @!p0 [hbm:s0], s1  }
0x1b1: {  	s0 =	simm.s32 @!p0 $0x3  }
0x1b2: {  	_ =	swait.ge @!p0 [sflag:s0], s1  }
0x1b3: {  	s1 =	ssub.s32 @!p0 $0x0, s1;
	[sflag:s0] =	ssyncset.done @!p0 $0x0  }
0x1b4: {  	[sflag:s0] =	ssyncadd.s32 @!p0 s1  }
0x1b5: {  	[bflag:$0x3] =	sbarrier.arrive $0xFFFF  }
0x1b6: {  	_ =	shalt  }

// kernel: kernel.9.cloned.1.call-start
scs
__scs_entry_jumppad:
0x0: {  	(pc) =	sbr.rel $0x88, $3  }
0x1: {  	(tag) =	ssettag $0x0;
	lr =	simm.s32 $0x1  }
0x2: {  	[smem:$0x3F9D] =	sst lr;
	_ =	strace $0xD0000000  }
0x3: {  	_ = 	snop  }
0x4: {  	_ = 	snop  }
0x5: {  	_ = 	snop  }
0x6: {  	_ = 	snop  }
0x7: {  	_ = 	snop  }
__scs_overlays_trampoline_lowered:
0x8: {  	[smem:$0x3FAC] =	sst s0  }
0x9: {  	[smem:$0x3FAD] =	sst s1  }
0xa: {  	[smem:$0x3FAE] =	sst s2  }
0xb: {  	[smem:$0x3FAF] =	sst s3  }
0xc: {  	[smem:$0x3FB0] =	sst s4  }
0xd: {  	[smem:$0x3FB1] =	sst s5  }
0xe: {  	[smem:$0x3FB2] =	sst s6  }
0xf: {  	[smem:$0x3FB3] =	sst s7  }
0x10: {  	[smem:$0x3FB4] =	sst s8  }
0x11: {  	[smem:$0x3FB5] =	sst s9;
	s0 =	simm.s32 @!p0 $0x0  }
0x12: {  	s1 =	sld [smem:$0x3F9B];
	s0 =	simm.s32 @p0 $0x1  }
0x13: {  	[smem:$0x3FB6] =	sst s0;
	s0 =	simm.s32 @!p1 $0x0  }
0x14: {  	s2 =	sld [smem:$0x3F9A];
	s0 =	simm.s32 @p1 $0x1  }
0x15: {  	[smem:$0x3FB7] =	sst s0;
	s0 =	simm.s32 @!p2 $0x0  }
0x16: {  	s3 =	sld [smem:$0x3FDB];
	s0 =	simm.s32 @p2 $0x1  }
0x17: {  	s4 =	simm.s32 $0x1BF5;
	[smem:$0x3FB9] =	sst s0  }
0x18: {  	s0 =	sld [smem:$0x3F9C];
	_ =	swait.ge [sflag:s4], $0x0  }
0x19: {  	s7 =	sld [smem:$0x3F9D]  }
0x1a: {  	s8 =	sadd.s32 $0xFFFFE003, lr  }
0x1b: {  	s9 =	sadd.s32 $0xFFFFFEF7, lr;
	s5 =	simm.s32 $0xFFFFFFFF;
	p2 =	slt.u32 s8, $0xFFFFF086  }
0x1c: {  	p1 =	slt.u32 s9, $0xF7A;
	s5 =	simm.s32 @!p2 $0x0  }
0x1d: {  	s5 =	simm.s32 @p1 $0x1;
	p0 =	seq.s32 s7, s2  }
0x1e: {  	s7 =	smul.u32 @!p0 $0xF7A, s2;
	p2 =	seq.s32 @!p0 s5, $0x0  }
0x1f: {  	s9 =	smul.u32 $0xF7A, s1;
	s8 =	simm.s32 @!p0 $0x1BF5;
	p2 =	por !p2, p0  }
0x20: {  	[sflag:s8] =	ssyncset.s32 @!p0 $0xFFFFF086;
	s6 =	sadd.s32 @!p0 s3, s7;
	s7 =	simm.s32 @!p0 $0x108  }
0x21: {  	s3 =	sadd.s32 s3, s9;
	s6 =	sadd.s32 @!p0 $0x88, s6;
	s7 =	simm.s32 @p2 $0x1082  }
0x22: {  	[simem:s7], [sflag:s8] =	dma.local @!p0 [hbm:s6], $0xF7A  }
0x23: {  	s9 =	sor.u32 $0xD0000000, s2;
	s6 =	simm.s32 $0x108;
	_ =	swait.ge @!p0 [sflag:s8], $0x0  }
0x24: {  	s3 =	sadd.s32 $0x88, s3;
	s6 =	simm.s32 @!p1 $0x1082;
	[sflag:s4] =	ssyncset.s32 $0xFFFFF086  }
0x25: {  	[simem:s6], [sflag:s4] =	dma.local [hbm:s3], $0xF7A  }
0x26: {  	[smem:$0x3F9D] =	sst s1;
	(tag) =	ssettag s2;
	_ =	strace s9  }
0x27: {  	s1 =	sld [smem:$0x3FAD]  }
0x28: {  	s2 =	sld [smem:$0x3FAE]  }
0x29: {  	s4 =	sld [smem:$0x3FB0]  }
0x2a: {  	p0 =	seq.s32 s5, $0x0;
	s5 =	sld [smem:$0x3FB1]  }
0x2b: {  	s6 =	sld [smem:$0x3FB2]  }
0x2c: {  	s7 =	sld [smem:$0x3FB3]  }
0x2d: {  	s3 =	simm.s32 $0x108;
	s8 =	sld [smem:$0x3FB4]  }
0x2e: {  	s3 =	simm.s32 @!p0 $0x1082;
	s9 =	sld [smem:$0x3FB5]  }
0x2f: {  	lr =	sadd.s32 s0, s3;
	s0 =	sld [smem:$0x3FAC]  }
0x30: {  	s3 =	sld [smem:$0x3FAF]  }
0x31: {  	[smem:$0x3FB8] =	sst s10  }
0x32: {  	s10 =	sld [smem:$0x3FB6];
	_ =	sdelay $0x3  }
0x33: {  	p0 =	seq.s32 s10, $0x1;
	s10 =	sld [smem:$0x3FB8];
	_ =	sdelay $0x3  }
0x34: {  	[smem:$0x3FB8] =	sst s10  }
0x35: {  	s10 =	sld [smem:$0x3FB7];
	_ =	sdelay $0x3  }
0x36: {  	p1 =	seq.s32 s10, $0x1;
	s10 =	sld [smem:$0x3FB8];
	_ =	sdelay $0x3  }
0x37: {  	[smem:$0x3FB8] =	sst s10  }
0x38: {  	s10 =	sld [smem:$0x3FB9]  }
0x39: {  	_ = 	snop;
	(pc) =	sbr.ind lr, $3  }
0x3a: {  	_ = 	snop  }
0x3b: {  	_ = 	snop  }
0x3c: {  	p2 =	seq.s32 s10, $0x1;
	s10 =	sld [smem:$0x3FB8]  }
0x3d: {  	_ =	shalt  }
0x3e: {  	_ =	shalt  }
0x3f: {  	_ =	shalt  }
0x40: {  	_ =	shalt  }
0x41: {  	_ =	shalt  }
0x42: {  	_ =	shalt  }
0x43: {  	_ =	shalt  }
0x44: {  	_ =	shalt  }
0x45: {  	_ =	shalt  }
0x46: {  	_ =	shalt  }
0x47: {  	_ =	shalt  }
0x48: {  	_ =	shalt  }
0x49: {  	_ =	shalt  }
0x4a: {  	_ =	shalt  }
0x4b: {  	_ =	shalt  }
0x4c: {  	_ =	shalt  }
0x4d: {  	_ =	shalt  }
0x4e: {  	_ =	shalt  }
0x4f: {  	_ =	shalt  }
0x50: {  	_ =	shalt  }
0x51: {  	_ =	shalt  }
0x52: {  	_ =	shalt  }
0x53: {  	_ =	shalt  }
0x54: {  	_ =	shalt  }
0x55: {  	_ =	shalt  }
0x56: {  	_ =	shalt  }
0x57: {  	_ =	shalt  }
0x58: {  	_ =	shalt  }
0x59: {  	_ =	shalt  }
0x5a: {  	_ =	shalt  }
0x5b: {  	_ =	shalt  }
0x5c: {  	_ =	shalt  }
0x5d: {  	_ =	shalt  }
0x5e: {  	_ =	shalt  }
0x5f: {  	_ =	shalt  }
0x60: {  	_ =	shalt  }
0x61: {  	_ =	shalt  }
0x62: {  	_ =	shalt  }
0x63: {  	_ =	shalt  }
0x64: {  	_ =	shalt  }
0x65: {  	_ =	shalt  }
0x66: {  	_ =	shalt  }
0x67: {  	_ =	shalt  }
0x68: {  	_ =	shalt  }
0x69: {  	_ =	shalt  }
0x6a: {  	_ =	shalt  }
0x6b: {  	_ =	shalt  }
0x6c: {  	_ =	shalt  }
0x6d: {  	_ =	shalt  }
0x6e: {  	_ =	shalt  }
0x6f: {  	_ =	shalt  }
0x70: {  	_ =	shalt  }
0x71: {  	_ =	shalt  }
0x72: {  	_ =	shalt  }
0x73: {  	_ =	shalt  }
0x74: {  	_ =	shalt  }
0x75: {  	_ =	shalt  }
0x76: {  	_ =	shalt  }
0x77: {  	_ =	shalt  }
0x78: {  	_ =	shalt  }
0x79: {  	_ =	shalt  }
0x7a: {  	_ =	shalt  }
0x7b: {  	_ =	shalt  }
0x7c: {  	_ =	shalt  }
0x7d: {  	_ =	shalt  }
0x7e: {  	_ =	shalt  }
0x7f: {  	_ =	shalt  }
0x80: {  	_ =	shalt  }
0x81: {  	_ =	shalt  }
0x82: {  	_ =	shalt  }
0x83: {  	_ =	shalt  }
0x84: {  	_ =	shalt  }
0x85: {  	_ =	shalt  }
0x86: {  	_ =	shalt  }
0x87: {  	_ =	shalt  }
.Lfunc_end0:
.L_simem_size_0:
called_computation.1_lowered:
.L_overlay_start_0:
0x88: {  	s2 =	sld [smem:$0x3FD9]  }
0x89: {  	s3 =	sld [smem:$0x3FFE];
	_ =	sdelay $0x1  }
0x8a: {  	s1 =	srdreg.scid  }
0x8b: {  	s0 =	sand.u32 $0x1, s1  }
0x8c: {  	s17 =	sshll.u32 s0, $0xA;
	s2 =	sadd.s32 s3, s2  }
0x8d: {  	s2 =	sadd.s32 s2, s17  }
0x8e: {  	[smem:$0x3FC4] =	sst s2  }
0x8f: {  	_ = 	snop  }
0x90: {  	(tm) =	ssettm $0x1  }
0x91: {  	s18 =	sld [smem:$0x3FFB];
	_ =	sdelay $0x3  }
0x92: {  	_ =	strace s18  }
0x93: {  	s2 =	sld [smem:$0x3FFC];
	_ =	sdelay $0x3  }
0x94: {  	_ =	strace s2  }
0x95: {  	s2 =	sld [smem:$0x3FFD];
	_ =	sdelay $0x3  }
0x96: {  	_ =	strace s2  }
0x97: {  	_ =	strace $0x8FFFFFFF  }
0x98: {  	s19 =	sld [smem:$0x3FDB];
	_ =	sdelay $0x1  }
0x99: {  	s20 =	simm.s32 $_scs_section_size  }
0x9a: {  	s4 =	simm.s32 $_size__tile_overlayer_lowered;
	s5 =	simm.s32 $_tile_overlayer_lowered  }
0x9b: {  	s6 =	simm.s32 $0x1BFF;
	s21 =	sshll.u32 s5, $0x1;
	s3 =	sadd.s32 s20, s19  }
0x9c: {  	s22 =	simm.s32 $0x0;
	s4 =	sshll.u32 s4, $0x1;
	s5 =	sadd.s32 s21, s3  }
0x9d: {  	[timem:s22], [sflag:s6] =	dma.local [hbm:s5], s4  }
0x9e: {  	_ =	swait.ge [sflag:s6], s4  }
0x9f: {  	s4 =	ssub.s32 $0x0, s4;
	[sflag:s6] =	ssyncset.done $0x0  }
0xa0: {  	[sflag:s6] =	ssyncadd.s32 s4;
	_ =	sdelay $0x1  }
0xa1: {  	s23 =	simm.s32 $0x1B8B  }
0xa2: {  	_ =	swait.ge [sflag:s23], $0x1  }
0xa3: {  	[sflag:s23] =	ssyncset.done $0x0  }
0xa4: {  	[sflag:s23] =	ssyncadd.s32 $0xFFFFFFFF  }
0xa5: {  	s4 =	sld [smem:$0x0]  }
0xa6: {  	s5 =	sand.u32 $0xFFFFFFFE, s1  }
0xa7: {  	p0 =	sne.s32 s1, s5  }
0xa8: {  	s5 =	sshll.u32 @p0 s5, $0xE  }
0xa9: {  	s5 =	sadd.s32 @p0 $0x11B8D, s5;
	s6 =	sshll.u32 @p0 s4, $0x11  }
0xaa: {  	s5 =	sor.u32 @p0 s6, s5  }
0xab: {  	[sflag:s5] =	ssyncadd.remote.s32 @p0 $0x1;
	_ =	sdelay $0x1  }
0xac: {  	s5 =	simm.s32 @p0 $0x1B8D  }
0xad: {  	_ =	swait.eq @p0 [sflag:s5], $0x1  }
0xae: {  	[sflag:s5] =	ssyncadd.s32 @p0 $0xFFFFFFFF  }
0xaf: {  	s6 =	sshll.u32 @!p0 s1, $0xE  }
0xb0: {  	s6 =	sor.u32 @!p0 $0x4000, s6;
	s5 =	simm.s32 @!p0 $0x1B8D  }
0xb1: {  	s4 =	sshll.u32 @!p0 s4, $0x11;
	s6 =	sadd.s32 @!p0 $0x11B8D, s6;
	_ =	swait.eq @!p0 [sflag:s5], $0x1  }
0xb2: {  	s4 =	sor.u32 @!p0 s4, s6;
	[sflag:s5] =	ssyncadd.s32 @!p0 $0xFFFFFFFF  }
0xb3: {  	s25 =	simm.s32 $0x1B8E;
	s24 =	sld [smem:$0x3FFE];
	[sflag:s4] =	ssyncadd.remote.s32 @!p0 $0x1  }
0xb4: {  	s26 =	simm.s32 $execute0_lowered;
	[smem:$0x3FD2] =	sst s25  }
0xb5: {  	s5 =	sshll.u32 s26, $0x1;
	_ =	strace $0x80000049;
	[dreg:$0x1] =	wrdreg $0xFFFFFFFF  }
0xb6: {  	s28 =	simm.s32 $_size_execute0_lowered;
	s3 =	sadd.s32 s3, s5;
	[dreg:$0x0] =	wrdreg $0x0  }
0xb7: {  	s5 =	sshll.u32 s28, $0x1;
	[dreg:$0x2] =	wrdreg s3  }
0xb8: {  	[dreg:$0x3] =	wrdreg s5  }
0xb9: {  	[dreg:$0x4] =	wrdreg $0xC0  }
0xba: {  	_ =	task [dreg:s22], $0x5FFFF  }
0xbb: {  	[dreg:$0x1] =	wrdreg $0xFFFFFFFF  }
0xbc: {  	[dreg:$0x0] =	wrdreg $0x60  }
0xbd: {  	[dreg:$0x2] =	wrdreg s24  }
0xbe: {  	[dreg:$0x3] =	wrdreg $0xA  }
0xbf: {  	_ =	task.clear_ibuf [dreg:s22], $0x4FFFF;
	_ =	strace $0x90000049  }
0xc0: {  	s29 =	simm.s32 $0xA;
	_ =	strace $0x8000004B  }
0xc1: {  	_ =	swait.ge [sflag:s29], $0x1  }
0xc2: {  	[sflag:s29] =	ssyncadd.s32 $0xFFFFFFFF  }
0xc3: {  	_ =	strace $0x9000004B  }
0xc4: {  	_ =	sfence  }
0xc5: {  	s30 =	sld [smem:$0x0];
	_ =	sdelay $0x2  }
0xc6: {  	s31 =	sshll.u32 s1, $0xD;
	s1 =	sshrl.u32 s1, $0x2  }
0xc7: {  	s4 =	sand.u32 $0x4000, s31;
	s1 =	sadd.s32 s1, s30  }
0xc8: {  	s0 =	sor.u32 s4, s0;
	s1 =	sshll.u32 s1, $0x11  }
0xc9: {  	s0 =	sor.u32 s1, s0  }
0xca: {  	s0 =	sadd.s32 $0x8F2B, s0  }
0xcb: {  	[sflag:s0] =	ssyncadd.remote.s32 $0x1  }
0xcc: {  	_ =	sfence.sel $0xFFFF  }
0xcd: {  	[dreg:$0x0] =	wrdreg $0xFFFFFFFF;
	(pc) =	sbr.abs _section_cstart, $3  }
0xce: {  	[dreg:$0x1] =	wrdreg $0xFFFFFFFF  }
0xcf: {  	_ =	task.clear_ibuf [dreg:s22], $0x2FFFF;
	_ =	strace $0x9FFFFFFF  }
0xd0: {  	(tm) =	ssettm $0x7FFFFFFF  }
0xd1: {  	_ =	shalt  }
tec
execute0_lowered:
.L_overlay_start_1:
0x0: {  	(tag) =	ssettag $0x1  }
0x1: {  	s1 =	simm.s32 $0x0  }
0x2: {  	[smem:$0x7FF] =	sst s1  }
0x3: {  	s0 =	rddreg [dreg:$0x0];
	v0 =	vimm.f32 $+Inf;
	s2 =	srdreg.scid;
	_ =	strace $0x8000004A  }
0x4: {  	s3 =	stileid.u32;
	s2 =	sand.u32 $0x1, s2;
	(xrf0) =	vmin.scan.msk.f32 $0xffff, v0  }
0x5: {  	s9 =	simm.s32 $0x1;
	s3 =	sshll.u32 s3, $0x7;
	s4 =	sshll.u32 s2, $0x6  }
0x6: {  	s10 =	simm.s32 $0x2000;
	s11 =	simm.s32 $0x2200;
	s3 =	sor.u32 s4, s3  }
.Ltmp0:
0x7: {  	s12 =	simm.s32 $0x2;
	s5 =	sshll.u32 s3, $0x4;
	(pc) =	sbr.rel .LBB2_1-.Ltmp0, $4  }
0x8: {  	v1 =	vlaneseq.u32;
	v2 =	vimm.s32 $0x0;
	s2 =	ssub.s32 $0x2, s2;
	s4 =	sadd.s32 $0x964E00, s0;
	s0 =	sadd.s32 s5, s0  }
0x9: {  	vm0 =	vmmov $0xffff;
	s15 =	simm.s32 $0x0;
	v3 =	vor.u32 $0x10, v1;
	v4 =	vor.u32 $0x20, v1;
	s29 =	sshrl.u32 s2, $0x1;
	s30 =	sadd.s32 $0x3600, s0  }
0xa: {  	v5 =	vor.u32 $0x30, v1;
	v6 =	vor.u32 $0x40, v1;
	v7 =	vor.u32 $0x50, v1;
	s2 =	ssub.s32 s2, s29;
	s31 =	sadd.s32 $0x13600, s0;
	[dreg:$0x2] =	wrdreg s30;
	v0, _, _ =	vpop (xrf0)  }
0xb: {  	v8 =	vor.u32 $0x60, v1;
	v9 =	vor.u32 $0x70, v1;
	s8 =	smax.u32 s2, $0x1;
	s7 =	sadd.s32 $0xB600, s0;
	[dreg:$0x3] =	wrdreg s31;
	v0 =	vbroadcast v0, $0xF  }
.LBB2_30:
0xc: {  	s0 =	rddreg [dreg:$0x3];
	s2 =	simm.s32 $0xAB00  }
0xd: {  	[hbm4b:s0+s1] =	stream.linear.scatter [tilespmem:s2], [sflag:$0x1], $0x2000, $0x38;
	[tilespmem:$0xEB00] =	vst v63  }
0xe: {  	s15 =	sadd.s32 $0x1, s15;
	_ =	swait.ge [sflag:s9], $0x2000  }
0xf: {  	p0 =	sne.s32 s15, s8;
	[sflag:s9] =	ssyncset.done $0x0  }
.Ltmp1:
0x10: {  	s31 =	simm.s32 $0xCB00;
	[sflag:s9] =	ssyncadd.s32 $0xFFFFE000;
	(pc) =	sbr.rel @!p0 .LBB2_31-.Ltmp1, $4  }
0x11: {  	[hbm4b:s7+s1] =	stream.linear.scatter [tilespmem:s31], [sflag:$0x1], $0x2000, $0x38;
	[tilespmem:$0xEB00] =	vst v63  }
0x12: {  	_ =	swait.ge [sflag:s9], $0x2000  }
0x13: {  	[sflag:s9] =	ssyncset.done $0x0  }
0x14: {  	[sflag:s9] =	ssyncadd.s32 $0xFFFFE000  }
.LBB2_1:
0x15: {  	s0 =	rddreg [dreg:$0x2]  }
0x16: {  	[tilespmem:s1], [sflag:$0x1] =	stream.linear.gather [hbm4b:s0+s1], $0x2000, $0x38;
	[tilespmem:$0xEB00] =	vst v63  }
0x17: {  	_ =	swait.ge [sflag:s9], $0x2000  }
0x18: {  	[sflag:s9] =	ssyncset.done $0x0  }
0x19: {  	[sflag:s9] =	ssyncadd.s32 $0xFFFFE000  }
0x1a: {  	[tilespmem:$0x2000] =	vst v2  }
0x1b: {  	[tilespmem:$0x2100] =	vst v2  }
0x1c: {  	[tilespmem:$0x2010] =	vst v2  }
0x1d: {  	[tilespmem:$0x2110] =	vst v2  }
0x1e: {  	[tilespmem:$0x2020] =	vst v2  }
0x1f: {  	[tilespmem:$0x2120] =	vst v2  }
0x20: {  	[tilespmem:$0x2030] =	vst v2  }
0x21: {  	[tilespmem:$0x2130] =	vst v2  }
0x22: {  	[tilespmem:$0x2040] =	vst v2  }
0x23: {  	[tilespmem:$0x2140] =	vst v2  }
0x24: {  	[tilespmem:$0x2050] =	vst v2  }
0x25: {  	[tilespmem:$0x2150] =	vst v2  }
0x26: {  	[tilespmem:$0x2060] =	vst v2  }
.Ltmp2:
0x27: {  	[tilespmem:$0x2160] =	vst v2;
	(pc) =	sbr.rel .LBB2_2-.Ltmp2, $4  }
0x28: {  	[tilespmem:$0x2070] =	vst v2  }
0x29: {  	[tilespmem:$0x2170] =	vst v2  }
0x2a: {  	[tilespmem:$0x2080] =	vst v2  }
0x2b: {  	s16 =	simm.s32 $0x0;
	[tilespmem:$0x2180] =	vst v2  }
.LBB2_29:
0x2c: {  	s16 =	sadd.s32 $0x1, s16  }
0x2d: {  	p0 =	sne.s32 s16, $0x40  }
.Ltmp3:
0x2e: {  	_ = 	snop;
	(pc) =	sbr.rel @!p0 .LBB2_30-.Ltmp3, $3  }
0x2f: {  	_ =	sdelay $0x1  }
0x30: {  	[tilespmem:s17+$0xAB00] =	vst v11  }
0x31: {  	[tilespmem:s17+$0xCB00] =	vst v10  }
.LBB2_2:
0x32: {  	s17 =	sshll.u32 s16, $0x7  }
0x33: {  	v11 =	vld [tilespmem:s17+$0x0]  }
0x34: {  	v12 =	vld [tilespmem:s17+$0x10]  }
0x35: {  	v13 =	vld [tilespmem:s17+$0x20]  }
0x36: {  	v14 =	vld [tilespmem:s17+$0x30]  }
0x37: {  	v15 =	vld [tilespmem:s17+$0x40]  }
0x38: {  	v16 =	vld [tilespmem:s17+$0x50]  }
0x39: {  	v17 =	vld [tilespmem:s17+$0x60];
	v10 =	vmin.f32 v11, v12  }
0x3a: {  	v18 =	vld [tilespmem:s17+$0x70];
	v10 =	vmin.f32 v10, v13  }
0x3b: {  	v10 =	vmin.f32 v10, v14  }
0x3c: {  	v10 =	vmin.f32 v10, v15  }
0x3d: {  	v10 =	vmin.f32 v10, v16  }
0x3e: {  	v10 =	vmin.f32 v10, v17  }
0x3f: {  	v10 =	vmin.f32 v10, v18  }
0x40: {  	(xrf1) =	vsort.ascd.msk.f32 $0xffff, v10, v10;
	_ =	sdelay $0xd  }
0x41: {  	v10, _, _ =	vpop (xrf1)  }
0x42: {  	v10 =	vbroadcast v10, $0x7;
	_ =	sdelay $0x1  }
0x43: {  	vm8 =	vle.f32 v11, v10  }
0x44: {  	vm7 =	vle.f32 v12, v10;
	v11 =	vmpcnt.ones.xlane vm8  }
0x45: {  	vm6 =	vle.f32 v13, v10;
	v12 =	vmpcnt.ones.xlane vm7  }
0x46: {  	vm5 =	vle.f32 v14, v10;
	(v2sf) =	vpush v11, $0x0;
	v11 =	vmpcnt.ones.xlane vm6  }
0x47: {  	vm4 =	vle.f32 v15, v10;
	v61 =	vmpcnt.ones.xlane vm5;
	(v2sf) =	vpush v12, $0x0  }
0x48: {  	vm3 =	vle.f32 v16, v10;
	(v2sf) =	vpush v11, $0x0;
	v11 =	vmpcnt.ones.xlane vm4  }
0x49: {  	vm2 =	vle.f32 v17, v10;
	v62 =	vmpcnt.ones.xlane vm3;
	(v2sf) =	vpush v61, $0x0  }
0x4a: {  	vm1 =	vle.f32 v18, v10;
	(v2sf) =	vpush v11, $0x0;
	v11 =	vmpcnt.ones.xlane vm2  }
0x4b: {  	v63 =	vmpcnt.ones.xlane vm1;
	(v2sf) =	vpush v62, $0x0  }
0x4c: {  	(v2sf) =	vpush v11, $0x0  }
0x4d: {  	(v2sf) =	vpush v63, $0x0;
	_ =	sdelay $0x7  }
0x4e: {  	s0 =	spop (v2sf)  }
0x4f: {  	s2 =	sadd.s32 s3, s16;
	s19 =	simm.s32 $0x2100;
	s18 =	spop (v2sf)  }
0x50: {  	s2 =	sshll.u32 s2, $0x7;
	s20 =	spop (v2sf);
	s18 =	sadd.s32 s0, s18  }
0x51: {  	[tilespmem:s19+$0x0] =	vst.msk vm8, v1;
	v11 =	vor.u32 s2, v1;
	s21 =	spop (v2sf);
	s22 =	sadd.s32 s18, s20  }
0x52: {  	[tilespmem:s10+$0x0] =	vst.msk vm8, v11;
	s24 =	spop (v2sf);
	s21 =	sadd.s32 s22, s21  }
0x53: {  	v11 =	vor.u32 s2, v3;
	[tilespmem:s0+$0x2100] =	vst.msk vm7, v3;
	s25 =	spop (v2sf);
	s23 =	sadd.s32 s21, s24  }
0x54: {  	[tilespmem:s0+$0x2000] =	vst.msk vm7, v11;
	s26 =	spop (v2sf);
	s0 =	sadd.s32 s23, s25  }
0x55: {  	v11 =	vor.u32 s2, v4;
	[tilespmem:s18+$0x2100] =	vst.msk vm6, v4;
	s28 =	sadd.s32 s0, s26;
	s29 =	spop (v2sf)  }
0x56: {  	[tilespmem:s18+$0x2000] =	vst.msk vm6, v11;
	s20 =	sadd.s32 s28, s29  }
0x57: {  	v11 =	vor.u32 s2, v5;
	[tilespmem:s22+$0x2100] =	vst.msk vm5, v5;
	s30 =	sadd.s32 $0xF, s20  }
0x58: {  	[tilespmem:s22+$0x2000] =	vst.msk vm5, v11;
	s24 =	sand.u32 $0xF, s30  }
0x59: {  	v11 =	vor.u32 s2, v6;
	[tilespmem:s21+$0x2100] =	vst.msk vm4, v6;
	s31 =	sshra.s32 s30, $0x1F;
	p1 =	slt.s32 s30, $0x1;
	p0 =	sne.s32 s24, $0x0  }
0x5a: {  	[tilespmem:s21+$0x2000] =	vst.msk vm4, v11;
	s21 =	sshrl.u32 s31, $0x1C;
	p0 =	por !p1, !p0  }
0x5b: {  	s22 =	simm.s32 $0x1;
	s21 =	sadd.s32 s21, s30;
	p0 =	por !p0, !p0  }
0x5c: {  	s21 =	sshra.s32 s21, $0x4;
	s22 =	simm.s32 @!p0 $0x0  }
0x5d: {  	s21 =	ssub.s32 s21, s22  }
0x5e: {  	v11 =	vor.u32 s2, v7;
	[tilespmem:s23+$0x2100] =	vst.msk vm3, v7;
	p0 =	slt.s32 s21, $0x1  }
.Ltmp4:
0x5f: {  	[tilespmem:s23+$0x2000] =	vst.msk vm3, v11;
	(pc) =	sbr.rel @!p0 .LBB2_3-.Ltmp4, $4  }
0x60: {  	v11 =	vor.u32 s2, v8;
	[tilespmem:s0+$0x2100] =	vst.msk vm2, v8  }
0x61: {  	[tilespmem:s0+$0x2000] =	vst.msk vm2, v11  }
0x62: {  	s18 =	simm.s32 $0x0;
	v11 =	vor.u32 s2, v9;
	[tilespmem:s28+$0x2100] =	vst.msk vm1, v9  }
0x63: {  	s25 =	simm.s32 $0x0;
	s23 =	simm.s32 $0x0;
	[tilespmem:s28+$0x2000] =	vst.msk vm1, v11;
	s22 =	smov.u32 s20  }
.LBB2_10:
0x64: {  	s0 =	sadd.s32 $0xF, s25  }
0x65: {  	s2 =	sand.u32 $0xF, s0  }
0x66: {  	s31 =	sshra.s32 s0, $0x1F;
	p1 =	slt.s32 s0, $0x1;
	p0 =	sne.s32 s2, $0x0  }
0x67: {  	s2 =	sshrl.u32 s31, $0x1C;
	p0 =	por !p1, !p0  }
0x68: {  	s0 =	sadd.s32 s2, s0;
	s2 =	simm.s32 $0x1;
	p0 =	por !p0, !p0  }
0x69: {  	s0 =	sshra.s32 s0, $0x4;
	s2 =	simm.s32 @!p0 $0x0  }
.Ltmp5:
0x6a: {  	s19 =	ssub.s32 s0, s2;
	(pc) =	sbr.rel .LBB2_11-.Ltmp5, $4  }
0x6b: {  	p0 =	slt.s32 s19, $0x1  }
0x6c: {  	s0 =	simm.s32 @!p0 $0x0  }
0x6d: {  	v11 =	vimm.f32 $+Inf;
	s0 =	simm.s32 @p0 $0x1  }
0x6e: {  	v10 =	vimm.s32 $0x0;
	[tilespmem:s25+$0x2A00] =	vst v11;
	[smem:$0x7FD] =	sst s0  }
.LBB2_12:
0x6f: {  	_ = 	snop  }
0x70: {  	s20 =	simm.s32 $0xFFFFFFFF;
	v12 =	vmov v0  }
.LBB2_28:
0x71: {  	v13 =	vld [tilespmem:s20+$0x2A00];
	_ =	sdelay $0x3  }
0x72: {  	vm1 =	veq.s32 v1, $0x0  }
0x73: {  	v13 =	vsel vm1, $0x7F800000, v13  }
0x74: {  	v14 =	vmov s18;
	s18 =	sadd.s32 $0x1, s18;
	[tilespmem:s20+$0x2A00] =	vst v13  }
0x75: {  	p0 =	sne.s32 s18, $0x8;
	v13 =	vld.msk [tilespmem:s20+$0x6A80 ss:$0x0], $0xffff  }
.Ltmp6:
0x76: {  	_ = 	snop;
	(pc) =	sbr.rel @!p0 .LBB2_29-.Ltmp6, $3  }
0x77: {  	_ =	sdelay $0x1  }
0x78: {  	vm1 =	veq.s32 v14, v1  }
0x79: {  	v11 =	vsel vm1, v12, v11;
	v10 =	vsel vm1, v13, v10  }
.LBB2_11:
0x7a: {  	s2 =	sld [smem:$0x7FD];
	_ =	sdelay $0x2  }
0x7b: {  	p0 =	seq.s32 s2, $0x1  }
.Ltmp7:
0x7c: {  	_ = 	snop;
	(pc) =	sbr.rel @p0 .LBB2_12-.Ltmp7, $2  }
0x7d: {  	_ =	sdelay $0x2  }
0x7e: {  	s0 =	simm.s32 $0x2A00  }
0x7f: {  	p1 =	sne.s32 s19, $0x1  }
.Ltmp8:
0x80: {  	_ = 	snop;
	(pc) =	sbr.rel @!p1 .LBB2_15-.Ltmp8, $2  }
0x81: {  	_ =	sdelay $0x2  }
0x82: {  	s2 =	sadd.s32 $0xFFFFFFFF, s19;
	v13 =	vld [tilespmem:s0+$0x0];
	v12 =	vimm.f32 $+Inf  }
.LBB2_14:
0x83: {  	p1 =	sne.s32 s2, $0x1  }
.Ltmp9:
0x84: {  	_ = 	snop;
	(pc) =	sbr.rel @p1 .LBB2_14-.Ltmp9, $3  }
0x85: {  	_ =	sdelay $0x1  }
0x86: {  	s2 =	sadd.s32 $0xFFFFFFFF, s2;
	s0 =	sadd.s32 $0x10, s0;
	v12 =	vmin.f32 v12, v13  }
0x87: {  	v13 =	vld [tilespmem:s0+$0x0]  }
.LBB2_15:
0x88: {  	_ =	sdelay $0x3  }
0x89: {  	v12 =	vmin.f32 v12, v13  }
0x8a: {  	(xrf0) =	vmin.scan.msk.f32 $0xffff, v12;
	_ =	sdelay $0x2  }
0x8b: {  	s0 =	simm.s32 $0x2A00  }
0x8c: {  	p5 =	sne.s32 s19, $0x1;
	v13 =	vld [tilespmem:s0+$0x0]  }
.Ltmp10:
0x8d: {  	_ = 	snop;
	(pc) =	sbr.rel @!p5 .LBB2_16-.Ltmp10, $4  }
0x8e: {  	v12, _, _ =	vpop (xrf0)  }
0x8f: {  	s20 =	simm.s32 $0xFFFFFFFF;
	s21 =	simm.s32 $0x0;
	v12 =	vbroadcast v12, $0xF  }
0x90: {  	s2 =	simm.s32 $0x2A10;
	p1 =	por $0x0, $0x0;
	p2 =	por $0x0, $0x0  }
0x91: {  	p3 =	por $0x0, $0x0;
	p4 =	por $0x0, $0x0;
	s0 =	sadd.s32 $0xFFFFFFFF, s19;
	vm1 =	veq.f32 v13, v12  }
0x92: {  	v13 =	vld [tilespmem:s2+$0x0];
	p5 =	sne.s32 s0, $0x1  }
.Ltmp11:
0x93: {  	_ = 	snop;
	(pc) =	sbr.rel @!p5 .LBB2_18-.Ltmp11, $4  }
0x94: {  	v14 =	vmpcnt.ones.xlane vm1  }
0x95: {  	v15 =	vmctz.xlane vm1  }
0x96: {  	(v2sf) =	vpush v14, $0x0  }
0x97: {  	s0 =	sadd.s32 $0xFFFFFFFF, s0;
	s2 =	simm.s32 $0x2A20;
	p1 =	por $0x1, $0x1;
	(v2sf) =	vpush v15, $0x0;
	vm1 =	veq.f32 v13, v12  }
0x98: {  	v14 =	vmpcnt.ones.xlane vm1  }
0x99: {  	v15 =	vmctz.xlane vm1  }
0x9a: {  	(v2sf) =	vpush v14, $0x0  }
0x9b: {  	(v2sf) =	vpush v15, $0x0;
	_ =	sdelay $0x8  }
0x9c: {  	v13 =	vld [tilespmem:s2+$0x0];
	p5 =	sne.s32 s0, $0x1  }
.Ltmp12:
0x9d: {  	_ = 	snop;
	(pc) =	sbr.rel @!p5 .LBB2_20-.Ltmp12, $2  }
0x9e: {  	_ =	sdelay $0x2  }
0x9f: {  	s0 =	sadd.s32 $0xFFFFFFFF, s0;
	s2 =	simm.s32 $0x2A30;
	p2 =	por $0x1, $0x1;
	vm1 =	veq.f32 v13, v12  }
0xa0: {  	v14 =	vmpcnt.ones.xlane vm1  }
0xa1: {  	v15 =	vmctz.xlane vm1  }
0xa2: {  	(v2sf) =	vpush v14, $0x0  }
0xa3: {  	(v2sf) =	vpush v15, $0x0;
	_ =	sdelay $0x2  }
0xa4: {  	v13 =	vld [tilespmem:s2+$0x0];
	p5 =	sne.s32 s0, $0x1  }
.Ltmp13:
0xa5: {  	_ = 	snop;
	(pc) =	sbr.rel @!p5 .LBB2_22-.Ltmp13, $3  }
0xa6: {  	_ =	sdelay $0x1  }
0xa7: {  	s2 =	sadd.s32 $0xFFFFFFFF, s0  }
0xa8: {  	s0 =	simm.s32 $0x2A40;
	s22 =	spop (v2sf);
	p3 =	por $0x1, $0x1;
	vm1 =	veq.f32 v13, v12  }
0xa9: {  	v14 =	vmpcnt.ones.xlane vm1  }
0xaa: {  	v15 =	vmctz.xlane vm1  }
0xab: {  	(v2sf) =	vpush v14, $0x0  }
0xac: {  	(v2sf) =	vpush v15, $0x0;
	_ =	sdelay $0x2  }
0xad: {  	v13 =	vld [tilespmem:s0+$0x0];
	p5 =	sne.s32 s2, $0x1  }
.Ltmp14:
0xae: {  	p4 =	sgt.s32 s22, $0x0;
	(pc) =	sbr.rel @!p5 .LBB2_24-.Ltmp14, $4  }
0xaf: {  	s31 =	spop (v2sf);
	s5 =	simm.s32 $0xFFFFFFFF;
	p6 =	por $0x1, $0x1  }
0xb0: {  	s24 =	sadd.s32 $0xFFFFFFFF, s2;
	s25 =	simm.s32 $0x2A50;
	s0 =	sadd.s32 $0x0, s31  }
0xb1: {  	s2 =	simm.s32 $0x0;
	s5 =	smov.u32 @p4 s0;
	s0 =	simm.s32 $0xFFFFFFFF  }
0xb2: {  	s23 =	spop (v2sf);
	p4 =	por $0x1, $0x1;
	s0 =	smov.u32 @p6 s5;
	vm1 =	veq.f32 v13, v12  }
.LBB2_25:
0xb3: {  	p6 =	sgt.s32 s23, $0x0;
	s5 =	spop (v2sf)  }
0xb4: {  	v13 =	vld [tilespmem:s25+$0x0];
	v14 =	vmpcnt.ones.xlane vm1;
	s2 =	sadd.s32 $0x10, s2;
	p5 =	sne.s32 s24, $0x1;
	s24 =	sadd.s32 $0xFFFFFFFF, s24  }
.Ltmp15:
0xb5: {  	v15 =	vmctz.xlane vm1;
	s6 =	smov.u32 s0;
	s5 =	sadd.s32 s2, s5;
	(pc) =	sbr.rel @p5 .LBB2_25-.Ltmp15, $3  }
0xb6: {  	p0 =	slt.s32 s0, $0x0;
	(v2sf) =	vpush v14, $0x0;
	s6 =	smov.u32 @p6 s5  }
0xb7: {  	(v2sf) =	vpush v15, $0x0;
	s0 =	smov.u32 @p0 s6;
	_ =	sdelay $0x1  }
0xb8: {  	s25 =	sadd.s32 $0x10, s25;
	vm1 =	veq.f32 v13, v12;
	s23 =	spop (v2sf)  }
0xb9: {  	_ = 	snop  }
.LBB2_27:
0xba: {  	v13 =	vmpcnt.ones.xlane vm1;
	_ =	sdelay $0x1  }
0xbb: {  	v14 =	vmctz.xlane vm1;
	(v2sf) =	vpush v13, $0x0  }
0xbc: {  	s2 =	sadd.s32 @p4 $0x10, s2;
	s5 =	simm.s32 $0x0  }
0xbd: {  	p0 =	sgt.s32 @p3 s23, $0x0;
	s6 =	spop @p3 (v2sf);
	s5 =	smov.u32 @p4 s2;
	(v2sf) =	vpush v14, $0x0  }
0xbe: {  	p4 =	slt.s32 @p3 s0, $0x0;
	p0 =	por !p0, !p3;
	s2 =	sadd.s32 @p3 s5, s6  }
0xbf: {  	s6 =	spop @p2 (v2sf);
	s2 =	smov.u32 @p0 s0;
	p0 =	por !p4, !p3  }
0xc0: {  	s22 =	smov.u32 @p2 s6;
	s2 =	smov.u32 @p0 s0;
	s0 =	simm.s32 $0xFFFFFFFF  }
0xc1: {  	s0 =	smov.u32 @p3 s2;
	s2 =	sadd.s32 @p3 $0x10, s5;
	s5 =	simm.s32 $0x0  }
0xc2: {  	s6 =	spop @p2 (v2sf);
	p0 =	sgt.s32 @p2 s22, $0x0;
	s5 =	smov.u32 @p3 s2  }
0xc3: {  	p0 =	por !p0, !p2;
	p3 =	slt.s32 @p2 s0, $0x0;
	s2 =	sadd.s32 @p2 s5, s6  }
0xc4: {  	s2 =	smov.u32 @p0 s0;
	p0 =	por !p3, !p2;
	s6 =	spop @p1 (v2sf)  }
0xc5: {  	s2 =	smov.u32 @p0 s0;
	s0 =	smov.u32 @p1 s6;
	s6 =	simm.s32 $0xFFFFFFFF  }
0xc6: {  	s6 =	smov.u32 @p2 s2;
	s2 =	sadd.s32 @p2 $0x10, s5;
	s5 =	simm.s32 $0x0  }
0xc7: {  	p0 =	sgt.s32 @p1 s0, $0x0;
	s0 =	spop @p1 (v2sf);
	s5 =	smov.u32 @p2 s2  }
0xc8: {  	p2 =	slt.s32 @p1 s6, $0x0;
	p0 =	por !p0, !p1;
	s0 =	sadd.s32 @p1 s5, s0  }
0xc9: {  	s0 =	smov.u32 @p0 s6;
	p0 =	por !p2, !p1  }
0xca: {  	s0 =	smov.u32 @p0 s6;
	s30 =	spop (v2sf)  }
.Ltmp16:
0xcb: {  	s20 =	smov.u32 @p1 s0;
	s0 =	sadd.s32 @p1 $0x10, s5;
	(pc) =	sbr.rel .LBB2_28-.Ltmp16, $4  }
0xcc: {  	s31 =	spop (v2sf);
	s21 =	smov.u32 @p1 s0  }
0xcd: {  	p0 =	sgt.s32 s30, $0x0;
	s2 =	smov.u32 s20;
	s0 =	sadd.s32 s21, s31  }
0xce: {  	p1 =	slt.s32 s20, $0x0;
	s2 =	smov.u32 @p0 s0  }
0xcf: {  	s20 =	smov.u32 @p1 s2  }
.LBB2_16:
.Ltmp17:
0xd0: {  	(pc) =	sbr.rel .LBB2_27-.Ltmp17, $2  }
0xd1: {  	_ =	sdelay $0x2  }
0xd2: {  	s2 =	simm.s32 $0x0;
	s0 =	simm.s32 $0xFFFFFFFF  }
.LBB2_18:
.Ltmp18:
0xd3: {  	(pc) =	sbr.rel .LBB2_27-.Ltmp18, $2  }
0xd4: {  	_ =	sdelay $0x2  }
0xd5: {  	s2 =	simm.s32 $0x0;
	s0 =	simm.s32 $0xFFFFFFFF  }
.LBB2_20:
.Ltmp19:
0xd6: {  	(pc) =	sbr.rel .LBB2_27-.Ltmp19, $2  }
0xd7: {  	_ =	sdelay $0x2  }
0xd8: {  	s2 =	simm.s32 $0x0;
	s0 =	simm.s32 $0xFFFFFFFF  }
.LBB2_22:
.Ltmp20:
0xd9: {  	(pc) =	sbr.rel .LBB2_27-.Ltmp20, $2  }
0xda: {  	_ =	sdelay $0x3  }
0xdb: {  	s23 =	smov.u32 s22;
	s2 =	simm.s32 $0x0;
	s0 =	simm.s32 $0xFFFFFFFF  }
.LBB2_24:
.Ltmp21:
0xdc: {  	(pc) =	sbr.rel .LBB2_27-.Ltmp21, $2  }
0xdd: {  	_ =	sdelay $0x2  }
0xde: {  	s2 =	simm.s32 $0x0  }
.LBB2_5:
0xdf: {  	_ = 	snop  }
.LBB2_8:
0xe0: {  	s2 =	sadd.s32 @p0 s2, s0;
	s26 =	spop (v2sf)  }
0xe1: {  	s0 =	sshll.u32 s26, $0x7;
	s25 =	smov.u32 @p0 s2  }
0xe2: {  	[tilespmem:s25+$0x2A00] =	vst.msk vm1, v11;
	v11 =	vor.u32 s0, v1  }
0xe3: {  	[tilespmem:s25+$0x6A80] =	vst.msk vm1, v11  }
0xe4: {  	v11 =	vld [tilespmem:s24+$0xFFFFFFD0];
	_ =	sdelay $0x4  }
0xe5: {  	vm1 =	vle.f32 v11, v10  }
0xe6: {  	v12 =	vmpcnt.ones.xlane vm1;
	_ =	sdelay $0x1  }
0xe7: {  	(v2sf) =	vpush v12, $0x0;
	_ =	sdelay $0x6  }
0xe8: {  	s28 =	spop (v2sf)  }
0xe9: {  	s5 =	sor.u32 $0x10, s0;
	s2 =	sadd.s32 s25, s28  }
0xea: {  	[tilespmem:s2+$0x2A00] =	vst.msk vm1, v11;
	v11 =	vor.u32 s5, v1  }
0xeb: {  	[tilespmem:s2+$0x6A80] =	vst.msk vm1, v11  }
0xec: {  	v11 =	vld [tilespmem:s24+$0xFFFFFFE0];
	_ =	sdelay $0x3  }
0xed: {  	s29 =	spop (v2sf)  }
0xee: {  	s6 =	sor.u32 $0x20, s0;
	vm1 =	vle.f32 v11, v10;
	s2 =	sadd.s32 s2, s29  }
0xef: {  	v58 =	vmpcnt.ones.xlane vm1;
	[tilespmem:s2+$0x2A00] =	vst.msk vm1, v11;
	v11 =	vor.u32 s6, v1  }
0xf0: {  	[tilespmem:s2+$0x6A80] =	vst.msk vm1, v11  }
0xf1: {  	(v2sf) =	vpush v58, $0x0;
	v11 =	vld [tilespmem:s24+$0xFFFFFFF0];
	_ =	sdelay $0x4  }
0xf2: {  	vm1 =	vle.f32 v11, v10  }
0xf3: {  	v59 =	vmpcnt.ones.xlane vm1;
	_ =	sdelay $0x1  }
0xf4: {  	(v2sf) =	vpush v59, $0x0;
	_ =	sdelay $0x6  }
0xf5: {  	s30 =	spop (v2sf)  }
0xf6: {  	s31 =	sor.u32 $0x30, s0;
	s2 =	sadd.s32 s2, s30  }
0xf7: {  	[tilespmem:s2+$0x2A00] =	vst.msk vm1, v11;
	v11 =	vor.u32 s31, v1  }
0xf8: {  	[tilespmem:s2+$0x6A80] =	vst.msk vm1, v11  }
0xf9: {  	v11 =	vld [tilespmem:s24+$0x0];
	_ =	sdelay $0x3  }
0xfa: {  	s13 =	spop (v2sf)  }
0xfb: {  	s14 =	sor.u32 $0x40, s0;
	vm1 =	vle.f32 v11, v10;
	s2 =	sadd.s32 s2, s13  }
0xfc: {  	v60 =	vmpcnt.ones.xlane vm1;
	[tilespmem:s2+$0x2A00] =	vst.msk vm1, v11;
	v11 =	vor.u32 s14, v1  }
0xfd: {  	[tilespmem:s2+$0x6A80] =	vst.msk vm1, v11  }
0xfe: {  	(v2sf) =	vpush v60, $0x0;
	v11 =	vld [tilespmem:s24+$0x10];
	_ =	sdelay $0x4  }
0xff: {  	vm1 =	vle.f32 v11, v10  }
0x100: {  	v61 =	vmpcnt.ones.xlane vm1;
	_ =	sdelay $0x1  }
0x101: {  	(v2sf) =	vpush v61, $0x0;
	_ =	sdelay $0x6  }
0x102: {  	s25 =	spop (v2sf)  }
0x103: {  	s26 =	sor.u32 $0x50, s0;
	s2 =	sadd.s32 s2, s25  }
0x104: {  	[tilespmem:s2+$0x2A00] =	vst.msk vm1, v11;
	v11 =	vor.u32 s26, v1  }
0x105: {  	[tilespmem:s2+$0x6A80] =	vst.msk vm1, v11  }
0x106: {  	v11 =	vld [tilespmem:s24+$0x20];
	_ =	sdelay $0x3  }
0x107: {  	s28 =	spop (v2sf)  }
0x108: {  	s29 =	sor.u32 $0x60, s0;
	vm1 =	vle.f32 v11, v10;
	s2 =	sadd.s32 s2, s28  }
0x109: {  	[tilespmem:s2+$0x2A00] =	vst.msk vm1, v11;
	v11 =	vor.u32 s29, v1  }
0x10a: {  	[tilespmem:s2+$0x6A80] =	vst.msk vm1, v11  }
0x10b: {  	v11 =	vld [tilespmem:s24+$0x30];
	_ =	sdelay $0x3  }
0x10c: {  	v62 =	vmpcnt.ones.xlane vm1  }
0x10d: {  	vm1 =	vle.f32 v11, v10  }
0x10e: {  	(v2sf) =	vpush v62, $0x0;
	v63 =	vmpcnt.ones.xlane vm1;
	_ =	sdelay $0x1  }
0x10f: {  	(v2sf) =	vpush v63, $0x0;
	_ =	sdelay $0xc  }
0x110: {  	s30 =	spop (v2sf)  }
0x111: {  	s0 =	sor.u32 $0x70, s0;
	s2 =	sadd.s32 s2, s30  }
0x112: {  	[tilespmem:s2+$0x2A00] =	vst.msk vm1, v11;
	v11 =	vor.u32 s0, v1;
	s31 =	spop (v2sf)  }
0x113: {  	[tilespmem:s2+$0x6A80] =	vst.msk vm1, v11;
	s25 =	sadd.s32 s2, s31  }
.LBB2_9:
0x114: {  	s23 =	sadd.s32 $0x1, s23  }
0x115: {  	p0 =	sne.s32 s23, s21  }
.Ltmp22:
0x116: {  	_ = 	snop;
	(pc) =	sbr.rel @!p0 .LBB2_10-.Ltmp22, $2  }
0x117: {  	_ =	sdelay $0x2  }
0x118: {  	s22 =	sadd.s32 $0xFFFFFFF0, s22;
	s19 =	sadd.s32 $0x10, s19  }
.LBB2_3:
0x119: {  	s0 =	sshll.u32 s23, $0x4  }
0x11a: {  	v11 =	vld [tilespmem:s0+$0x2000];
	_ =	sdelay $0x4  }
0x11b: {  	s0 =	ssub.s32 s20, s0  }
0x11c: {  	p0 =	slt.s32 s0, $0x1  }
.Ltmp23:
0x11d: {  	_ = 	snop;
	(pc) =	sbr.rel @p0 .LBB2_9-.Ltmp23, $4  }
0x11e: {  	[tilespmem:s11], [sflag:$0x2] =	stream.indirect_vreg.gather [hbm4b:s4+s1], $0x80, v11, vm0, $0xb8;
	[tilespmem:$0xEB00] =	vst v63  }
0x11f: {  	_ =	swait.ge [sflag:s12], $0x800  }
0x120: {  	[sflag:s12] =	ssyncset.done $0x0  }
0x121: {  	[sflag:s12] =	ssyncadd.s32 $0xFFFFF800  }
0x122: {  	v12 =	vld [tilespmem:s19+$0x0];
	_ =	sdelay $0x4  }
0x123: {  	(v2sf) =	vpush v12, $0x0;
	_ =	sdelay $0x4  }
0x124: {  	s24 =	simm.s32 $0x2240  }
0x125: {  	p0 =	sgt.s32 s22, $0x1;
	s0 =	smov.u32 s22;
	v11 =	vld [tilespmem:s24+$0xFFFFFFC0]  }
0x126: {  	s0 =	simm.s32 @!p0 $0x1  }
0x127: {  	s0 =	smin.u32 s0, $0x10  }
0x128: {  	p1 =	sne.s32 s0, $0x1  }
.Ltmp24:
0x129: {  	_ = 	snop;
	(pc) =	sbr.rel @!p1 .LBB2_5-.Ltmp24, $3  }
0x12a: {  	vm1 =	vle.f32 v11, v10  }
0x12b: {  	v13 =	vmpcnt.ones.xlane vm1;
	_ =	sdelay $0x1  }
0x12c: {  	p0 =	por $0x0, $0x0;
	s0 =	sadd.s32 $0xFFFFFFFF, s0;
	(v2sf) =	vpush v13, $0x0  }
0x12d: {  	_ =	sdelay $0x5  }
0x12e: {  	s2 =	spop (v2sf)  }
0x12f: {  	s26 =	sshll.u32 s2, $0x7  }
0x130: {  	[tilespmem:s25+$0x2A00] =	vst.msk vm1, v11;
	v11 =	vor.u32 s26, v1  }
0x131: {  	[tilespmem:s25+$0x6A80] =	vst.msk vm1, v11  }
0x132: {  	v11 =	vld [tilespmem:s24+$0xFFFFFFD0];
	_ =	sdelay $0x3  }
0x133: {  	s5 =	spop (v2sf)  }
0x134: {  	s28 =	sor.u32 $0x10, s26;
	vm1 =	vle.f32 v11, v10;
	s2 =	sadd.s32 s25, s5  }
0x135: {  	v12 =	vmpcnt.ones.xlane vm1;
	[tilespmem:s2+$0x2A00] =	vst.msk vm1, v11;
	v11 =	vor.u32 s28, v1  }
0x136: {  	[tilespmem:s2+$0x6A80] =	vst.msk vm1, v11  }
0x137: {  	(v2sf) =	vpush v12, $0x0;
	v11 =	vld [tilespmem:s24+$0xFFFFFFE0];
	_ =	sdelay $0x4  }
0x138: {  	vm1 =	vle.f32 v11, v10  }
0x139: {  	v57 =	vmpcnt.ones.xlane vm1;
	_ =	sdelay $0x1  }
0x13a: {  	(v2sf) =	vpush v57, $0x0;
	_ =	sdelay $0x6  }
0x13b: {  	s28 =	spop (v2sf)  }
0x13c: {  	s29 =	sor.u32 $0x20, s26;
	s2 =	sadd.s32 s2, s28  }
0x13d: {  	[tilespmem:s2+$0x2A00] =	vst.msk vm1, v11;
	v11 =	vor.u32 s29, v1  }
0x13e: {  	[tilespmem:s2+$0x6A80] =	vst.msk vm1, v11  }
0x13f: {  	v11 =	vld [tilespmem:s24+$0xFFFFFFF0];
	_ =	sdelay $0x3  }
0x140: {  	s28 =	spop (v2sf)  }
0x141: {  	s6 =	sor.u32 $0x30, s26;
	vm1 =	vle.f32 v11, v10;
	s2 =	sadd.s32 s2, s28  }
0x142: {  	v58 =	vmpcnt.ones.xlane vm1;
	[tilespmem:s2+$0x2A00] =	vst.msk vm1, v11;
	v11 =	vor.u32 s6, v1  }
0x143: {  	[tilespmem:s2+$0x6A80] =	vst.msk vm1, v11  }
0x144: {  	(v2sf) =	vpush v58, $0x0;
	v11 =	vld [tilespmem:s24+$0x0];
	_ =	sdelay $0x4  }
0x145: {  	vm1 =	vle.f32 v11, v10  }
0x146: {  	v59 =	vmpcnt.ones.xlane vm1;
	_ =	sdelay $0x1  }
0x147: {  	(v2sf) =	vpush v59, $0x0;
	_ =	sdelay $0x6  }
0x148: {  	s28 =	spop (v2sf)  }
0x149: {  	s13 =	sor.u32 $0x40, s26;
	s2 =	sadd.s32 s2, s28  }
0x14a: {  	[tilespmem:s2+$0x2A00] =	vst.msk vm1, v11;
	v11 =	vor.u32 s13, v1  }
0x14b: {  	[tilespmem:s2+$0x6A80] =	vst.msk vm1, v11  }
0x14c: {  	v11 =	vld [tilespmem:s24+$0x10];
	_ =	sdelay $0x3  }
0x14d: {  	s28 =	spop (v2sf)  }
0x14e: {  	s14 =	sor.u32 $0x50, s26;
	vm1 =	vle.f32 v11, v10;
	s2 =	sadd.s32 s2, s28  }
0x14f: {  	v60 =	vmpcnt.ones.xlane vm1;
	[tilespmem:s2+$0x2A00] =	vst.msk vm1, v11;
	v11 =	vor.u32 s14, v1  }
0x150: {  	[tilespmem:s2+$0x6A80] =	vst.msk vm1, v11  }
0x151: {  	(v2sf) =	vpush v60, $0x0;
	v11 =	vld [tilespmem:s24+$0x20];
	_ =	sdelay $0x4  }
0x152: {  	vm1 =	vle.f32 v11, v10  }
0x153: {  	v61 =	vmpcnt.ones.xlane vm1;
	_ =	sdelay $0x1  }
0x154: {  	(v2sf) =	vpush v61, $0x0;
	_ =	sdelay $0x6  }
0x155: {  	s28 =	spop (v2sf)  }
0x156: {  	s30 =	sor.u32 $0x60, s26;
	s2 =	sadd.s32 s2, s28  }
0x157: {  	[tilespmem:s2+$0x2A00] =	vst.msk vm1, v11;
	v11 =	vor.u32 s30, v1  }
0x158: {  	[tilespmem:s2+$0x6A80] =	vst.msk vm1, v11  }
0x159: {  	v11 =	vld [tilespmem:s24+$0x30];
	_ =	sdelay $0x3  }
0x15a: {  	s31 =	spop (v2sf)  }
0x15b: {  	s26 =	sor.u32 $0x70, s26;
	vm1 =	vle.f32 v11, v10;
	s2 =	sadd.s32 s2, s31  }
0x15c: {  	[tilespmem:s2+$0x2A00] =	vst.msk vm1, v11;
	v11 =	vor.u32 s26, v1  }
0x15d: {  	s26 =	sadd.s32 $0x1, s19;
	[tilespmem:s2+$0x6A80] =	vst.msk vm1, v11  }
0x15e: {  	v63 =	vld [tilespmem:s26+$0x0];
	_ =	sdelay $0x1  }
0x15f: {  	v62 =	vmpcnt.ones.xlane vm1;
	_ =	sdelay $0x1  }
0x160: {  	(v2sf) =	vpush v62, $0x0  }
0x161: {  	(v2sf) =	vpush v63, $0x0;
	_ =	sdelay $0x2  }
0x162: {  	s24 =	simm.s32 $0x22C0  }
0x163: {  	v11 =	vld [tilespmem:s24+$0xFFFFFFC0];
	_ =	sdelay $0x4  }
0x164: {  	p1 =	sne.s32 s0, $0x1;
	vm1 =	vle.f32 v11, v10  }
.Ltmp25:
0x165: {  	v13 =	vmpcnt.ones.xlane vm1;
	(pc) =	sbr.rel @!p1 .LBB2_8-.Ltmp25, $3  }
0x166: {  	_ = 	snop  }
0x167: {  	(v2sf) =	vpush v13, $0x0;
	_ =	sdelay $0x1  }
0x168: {  	p0 =	por $0x1, $0x1;
	s28 =	sadd.s32 $0xFFFFFFFF, s0;
	s0 =	spop (v2sf)  }
.LBB2_7:
0x169: {  	p1 =	sne.s32 s28, $0x1;
	s28 =	sadd.s32 $0xFFFFFFFF, s28;
	s13 =	sadd.s32 s2, s0  }
0x16a: {  	_ =	sdelay $0x2  }
0x16b: {  	s0 =	spop (v2sf)  }
0x16c: {  	s29 =	sshll.u32 s0, $0x7  }
0x16d: {  	[tilespmem:s13+$0x2A00] =	vst.msk vm1, v11;
	v11 =	vor.u32 s29, v1;
	s14 =	sor.u32 $0x10, s29;
	s5 =	sor.u32 $0x20, s29;
	s2 =	sor.u32 $0x30, s29  }
0x16e: {  	s0 =	sor.u32 $0x40, s29;
	s31 =	sor.u32 $0x50, s29;
	s30 =	sor.u32 $0x60, s29;
	[tilespmem:s13+$0x6A80] =	vst.msk vm1, v11  }
0x16f: {  	s29 =	sor.u32 $0x70, s29;
	v11 =	vld [tilespmem:s24+$0xFFFFFFD0];
	_ =	sdelay $0x3  }
0x170: {  	s6 =	spop (v2sf)  }
0x171: {  	s6 =	sadd.s32 s13, s6;
	vm1 =	vle.f32 v11, v10  }
0x172: {  	[tilespmem:s6+$0x2A00] =	vst.msk vm1, v11;
	v11 =	vor.u32 s14, v1;
	v12 =	vmpcnt.ones.xlane vm1  }
0x173: {  	[tilespmem:s6+$0x6A80] =	vst.msk vm1, v11  }
0x174: {  	v11 =	vld [tilespmem:s24+$0xFFFFFFE0];
	(v2sf) =	vpush v12, $0x0;
	_ =	sdelay $0x4  }
0x175: {  	vm1 =	vle.f32 v11, v10  }
0x176: {  	v12 =	vmpcnt.ones.xlane vm1;
	_ =	sdelay $0x1  }
0x177: {  	(v2sf) =	vpush v12, $0x0;
	_ =	sdelay $0x6  }
0x178: {  	s13 =	spop (v2sf)  }
0x179: {  	s6 =	sadd.s32 s6, s13  }
0x17a: {  	[tilespmem:s6+$0x2A00] =	vst.msk vm1, v11;
	v11 =	vor.u32 s5, v1  }
0x17b: {  	[tilespmem:s6+$0x6A80] =	vst.msk vm1, v11  }
0x17c: {  	v11 =	vld [tilespmem:s24+$0xFFFFFFF0];
	_ =	sdelay $0x3  }
0x17d: {  	s5 =	spop (v2sf)  }
0x17e: {  	s5 =	sadd.s32 s6, s5;
	vm1 =	vle.f32 v11, v10  }
0x17f: {  	[tilespmem:s5+$0x2A00] =	vst.msk vm1, v11;
	v11 =	vor.u32 s2, v1;
	v12 =	vmpcnt.ones.xlane vm1  }
0x180: {  	[tilespmem:s5+$0x6A80] =	vst.msk vm1, v11  }
0x181: {  	v11 =	vld [tilespmem:s24+$0x0];
	(v2sf) =	vpush v12, $0x0;
	_ =	sdelay $0x4  }
0x182: {  	vm1 =	vle.f32 v11, v10  }
0x183: {  	v12 =	vmpcnt.ones.xlane vm1;
	_ =	sdelay $0x1  }
0x184: {  	(v2sf) =	vpush v12, $0x0;
	_ =	sdelay $0x6  }
0x185: {  	s2 =	spop (v2sf)  }
0x186: {  	s2 =	sadd.s32 s5, s2  }
0x187: {  	[tilespmem:s2+$0x2A00] =	vst.msk vm1, v11;
	v11 =	vor.u32 s0, v1  }
0x188: {  	[tilespmem:s2+$0x6A80] =	vst.msk vm1, v11  }
0x189: {  	v11 =	vld [tilespmem:s24+$0x10];
	_ =	sdelay $0x3  }
0x18a: {  	s0 =	spop (v2sf)  }
0x18b: {  	s0 =	sadd.s32 s2, s0;
	vm1 =	vle.f32 v11, v10  }
0x18c: {  	[tilespmem:s0+$0x2A00] =	vst.msk vm1, v11;
	v11 =	vor.u32 s31, v1;
	v12 =	vmpcnt.ones.xlane vm1  }
0x18d: {  	[tilespmem:s0+$0x6A80] =	vst.msk vm1, v11  }
0x18e: {  	v11 =	vld [tilespmem:s24+$0x20];
	(v2sf) =	vpush v12, $0x0;
	_ =	sdelay $0x4  }
0x18f: {  	vm1 =	vle.f32 v11, v10  }
0x190: {  	v12 =	vmpcnt.ones.xlane vm1;
	_ =	sdelay $0x1  }
0x191: {  	(v2sf) =	vpush v12, $0x0;
	_ =	sdelay $0x6  }
0x192: {  	s2 =	spop (v2sf)  }
0x193: {  	s0 =	sadd.s32 s0, s2  }
0x194: {  	[tilespmem:s0+$0x2A00] =	vst.msk vm1, v11;
	v11 =	vor.u32 s30, v1  }
0x195: {  	[tilespmem:s0+$0x6A80] =	vst.msk vm1, v11  }
0x196: {  	v11 =	vld [tilespmem:s24+$0x30];
	_ =	sdelay $0x3  }
0x197: {  	s2 =	spop (v2sf)  }
0x198: {  	s2 =	sadd.s32 s0, s2;
	vm1 =	vle.f32 v11, v10  }
0x199: {  	[tilespmem:s2+$0x2A00] =	vst.msk vm1, v11;
	v11 =	vor.u32 s29, v1;
	v12 =	vmpcnt.ones.xlane vm1  }
0x19a: {  	s26 =	sadd.s32 $0x1, s26;
	[tilespmem:s2+$0x6A80] =	vst.msk vm1, v11  }
0x19b: {  	v13 =	vld [tilespmem:s26+$0x0];
	(v2sf) =	vpush v12, $0x0;
	_ =	sdelay $0x3  }
0x19c: {  	s24 =	sadd.s32 $0x80, s24  }
0x19d: {  	v11 =	vld [tilespmem:s24+$0xFFFFFFC0];
	(v2sf) =	vpush v13, $0x0;
	_ =	sdelay $0x4  }
0x19e: {  	vm1 =	vle.f32 v11, v10  }
.Ltmp26:
0x19f: {  	v12 =	vmpcnt.ones.xlane vm1;
	(pc) =	sbr.rel @p1 .LBB2_7-.Ltmp26, $3  }
0x1a0: {  	_ = 	snop  }
0x1a1: {  	(v2sf) =	vpush v12, $0x0;
	_ =	sdelay $0x1  }
0x1a2: {  	s0 =	spop (v2sf)  }
.Ltmp27:
0x1a3: {  	_ = 	snop;
	(pc) =	sbr.rel .LBB2_8-.Ltmp27, $1  }
0x1a4: {  	_ =	sdelay $0x3  }
.LBB2_31:
0x1a5: {  	_ =	sfence.sel $0x180000  }
0x1a6: {  	[bflag:$0x0] =	sbarrier.arrive $0xFFFF  }
0x1a7: {  	_ =	strace $0x9000004A  }
0x1a8: {  	s0 =	stileid.u32;
	[bflag:$0x2] =	sbarrier.arrive $0xFFFF  }
0x1a9: {  	p0 =	sne.s32 s0, $0x0;
	s0 =	rddreg [dreg:$0x1]  }
0x1aa: {  	s0 =	sadd.s32 @!p0 $0x100000, s0  }
0x1ab: {  	[sflag:s0] =	ssyncadd.tile.s32 @!p0 $0x1;
	_ =	shalt  }
.Lfunc_end2:
_tile_overlayer_lowered:
.L_overlay_start_2:
0x1ac: {  	(tag) =	ssettag $0x2  }
0x1ad: {  	s0 =	rddreg [dreg:$0x0];
	s2 =	stileid.u32  }
0x1ae: {  	s1 =	rddreg [dreg:$0x1];
	p0 =	sne.s32 s2, $0x0  }
0x1af: {  	s3 =	rddreg [dreg:$0x2];
	[bflag:$0x3] =	sbarrier.arrive $0xFFFF;
	s2 =	simm.s32 @!p0 $0x1C03  }
0x1b0: {  	[timem:s3], [sflag:s2] =	dma.local @!p0 [hbm:s0], s1  }
0x1b1: {  	s0 =	simm.s32 @!p0 $0x3  }
0x1b2: {  	_ =	swait.ge @!p0 [sflag:s0], s1  }
0x1b3: {  	s1 =	ssub.s32 @!p0 $0x0, s1;
	[sflag:s0] =	ssyncset.done @!p0 $0x0  }
0x1b4: {  	[sflag:s0] =	ssyncadd.s32 @!p0 s1  }
0x1b5: {  	[bflag:$0x3] =	sbarrier.arrive $0xFFFF  }
0x1b6: {  	_ =	shalt  }

</sc_bundles>
